<compile_context>
chip_gen: v7x
topology: tpu7x:2x2x1
jax: 0.10.2.dev20260603
libtpu: 0.0.44.dev20260713+nightly
codegen_flags: <defaults>
</compile_context>

<pallas_src>
import functools

import jax
import jax.numpy as jnp
from jax import lax
from jax.experimental import pallas as pl
from jax.experimental.pallas import tpu as pltpu
from jax.experimental.pallas import tpu_sc as plsc

N_NODES = 10000
N_EDGES = 160000
IN_F = 128
HID_F = 16
EDIM_F = 4
NGRAPH = 64

NC = 2
NS = 16
CH = 128
NCHUNK = 40
C0 = 52
C1 = 28
NBUF = 2
EDGES_PER_TILE = CH * NCHUNK
E_PAD = NC * NS * EDGES_PER_TILE
NCH_ROWS = E_PAD // CH
N_PAD = 10240
ROWS_PER_TILE = N_PAD // NS
YW = (HID_F + 1) * HID_F
YWB = 288
EW = 32

BLK_E = 8192



def _edge_mlp_body(ea_ref, w11_ref, b11_ref, w21_ref, b21_ref, o1_ref, o2_ref):
    j = pl.program_id(0)
    ea = ea_ref[...]
    rows = lax.broadcasted_iota(jnp.int32, (BLK_E, HID_F), 0) + j * BLK_E
    mask = rows < N_EDGES

    def mlp(w_ref, b_ref):
        e = jnp.dot(ea, w_ref[...], preferred_element_type=jnp.float32)
        e = jnp.maximum(e + b_ref[...], 0.0)
        return jnp.where(mask, e, 0.0)

    cw = jnp.where(
        (lax.broadcasted_iota(jnp.int32, (BLK_E, HID_F), 1) == 0) & mask,
        1.0, 0.0)
    o1_ref[:, 0:HID_F] = mlp(w11_ref, b11_ref)
    o1_ref[:, HID_F:EW] = cw
    o2_ref[:, 0:HID_F] = mlp(w21_ref, b21_ref)
    o2_ref[:, HID_F:EW] = cw


def _edge_mlp(ea_pad, w11, b11, w21, b21):
    grid = E_PAD // BLK_E
    return pl.pallas_call(
        _edge_mlp_body,
        grid=(grid,),
        in_specs=[
            pl.BlockSpec((BLK_E, EDIM_F), lambda j: (j, 0)),
            pl.BlockSpec((EDIM_F, HID_F), lambda j: (0, 0)),
            pl.BlockSpec((1, HID_F), lambda j: (0, 0)),
            pl.BlockSpec((EDIM_F, HID_F), lambda j: (0, 0)),
            pl.BlockSpec((1, HID_F), lambda j: (0, 0)),
        ],
        out_specs=[
            pl.BlockSpec((BLK_E, EW), lambda j: (j, 0)),
            pl.BlockSpec((BLK_E, EW), lambda j: (j, 0)),
        ],
        out_shape=[
            jax.ShapeDtypeStruct((E_PAD, EW), jnp.float32),
            jax.ShapeDtypeStruct((E_PAD, EW), jnp.float32),
        ],
    )(ea_pad, w11, b11, w21, b21)


def _matmul_body(a_ref, b_ref, o_ref):
    o_ref[...] = jnp.dot(a_ref[...], b_ref[...],
                         preferred_element_type=jnp.float32
                         ).astype(o_ref.dtype)


def _matmul(a, b, out_dtype=jnp.float32):
    m, k = a.shape
    _, n = b.shape
    return pl.pallas_call(
        _matmul_body,
        out_shape=jax.ShapeDtypeStruct((m, n), out_dtype),
    )(a, b)


def _combine1_body(acc_ref, x_ref, root_ref, bias_ref, bnw_ref, bnb_ref,
                   w2p_ref, h1_ref, y2_ref):
    s = acc_ref[0, 0:N_NODES, 0:HID_F] + acc_ref[1, 0:N_NODES, 0:HID_F]
    cnt = (acc_ref[0, 0:N_NODES, HID_F:HID_F + 1]
           + acc_ref[1, 0:N_NODES, HID_F:HID_F + 1])
    aggr = s / jnp.maximum(cnt, 1.0)
    h = aggr + jnp.dot(x_ref[...], root_ref[...],
                       preferred_element_type=jnp.float32) + bias_ref[...]
    mu = jnp.mean(h, axis=0, keepdims=True)
    var = jnp.mean((h - mu) ** 2, axis=0, keepdims=True)
    hn = (h - mu) / jnp.sqrt(var + 1e-5) * bnw_ref[...] + bnb_ref[...]
    h1 = jnp.maximum(hn, 0.0)
    h1_ref[...] = h1
    y2_ref[...] = jnp.dot(h1, w2p_ref[...], preferred_element_type=jnp.float32
                          ).astype(y2_ref.dtype)


def _combine1(acc, x, root, bias, bnw, bnb, w2p):
    return pl.pallas_call(
        _combine1_body,
        out_shape=[
            jax.ShapeDtypeStruct((N_NODES, HID_F), jnp.float32),
            jax.ShapeDtypeStruct((N_NODES, YW), jnp.float32),
        ],
    )(acc, x, root, bias, bnw, bnb, w2p)


def _combine2_body(acc_ref, h1_ref, root_ref, bias_ref, bnw_ref, bnb_ref,
                   batch_ref, r1w_ref, r1b_ref, r2w_ref, r2b_ref, o_ref):
    s = acc_ref[0, 0:N_NODES, 0:HID_F] + acc_ref[1, 0:N_NODES, 0:HID_F]
    cnt = (acc_ref[0, 0:N_NODES, HID_F:HID_F + 1]
           + acc_ref[1, 0:N_NODES, HID_F:HID_F + 1])
    aggr = s / jnp.maximum(cnt, 1.0)
    h = aggr + jnp.dot(h1_ref[...], root_ref[...],
                       preferred_element_type=jnp.float32) + bias_ref[...]
    mu = jnp.mean(h, axis=0, keepdims=True)
    var = jnp.mean((h - mu) ** 2, axis=0, keepdims=True)
    hn = (h - mu) / jnp.sqrt(var + 1e-5) * bnw_ref[...] + bnb_ref[...]
    h2 = jnp.maximum(hn, 0.0)
    oh = (lax.broadcasted_iota(jnp.int32, (NGRAPH, N_NODES), 0)
          == batch_ref[...]).astype(jnp.float32)
    gs = jnp.dot(oh, h2, preferred_element_type=jnp.float32)
    gc = jnp.sum(oh, axis=1, keepdims=True)
    g = gs / jnp.maximum(gc, 1.0)
    hr = jnp.maximum(
        jnp.dot(g, r1w_ref[...], preferred_element_type=jnp.float32)
        + r1b_ref[...], 0.0)
    o_ref[...] = (jnp.dot(hr, r2w_ref[...], preferred_element_type=jnp.float32)
                  + r2b_ref[...])


def _combine2(acc, h1, root, bias, bnw, bnb, batch2d, r1w, r1b, r2w, r2b):
    return pl.pallas_call(
        _combine2_body,
        out_shape=jax.ShapeDtypeStruct((NGRAPH, 1), jnp.float32),
    )(acc, h1, root, bias, bnw, bnb, batch2d, r1w, r1b, r2w, r2b)



def _sc_body(y_bf16, y_hbm, e_hbm, src_hbm, dst_hbm, out_hbm,
             src_v, dst_v, ybuf, ebuf, obuf, acc,
             semy0, semy1, seme0, seme1):
    cid = lax.axis_index("c")
    sid = lax.axis_index("s")
    nch = jnp.where(cid == 0, C0, C1)
    base_chunk = cid * (NS * C0) + sid * nch
    row0 = sid * ROWS_PER_TILE
    semy = (semy0, semy1)
    seme = (seme0, seme1)

    stage = jnp.minimum(base_chunk, NCH_ROWS - C0)
    off = base_chunk - stage
    pltpu.sync_copy(src_hbm.at[pl.ds(stage, C0)], src_v)
    pltpu.sync_copy(dst_hbm.at[pl.ds(stage, C0)], dst_v)

    def zrow(i, carry):
        obuf[i, 0:16] = jnp.zeros((16,), jnp.float32)
        obuf[i, 16:32] = jnp.zeros((16,), jnp.float32)
        return carry

    lax.fori_loop(0, CH, zrow, 0)
    for k in range(ROWS_PER_TILE // CH):
        pltpu.sync_copy(obuf, acc.at[pl.ds(row0 + k * CH, CH)])
    plsc.subcore_barrier()

    dnums = lax.GatherDimensionNumbers(
        offset_dims=(), collapsed_slice_dims=(0,), start_index_map=(0,))

    def bcast_lane(vec, lane):
        idx = jnp.full((16, 1), lane, jnp.int32)
        return lax.gather(vec, idx, dnums, (1,),
                          mode=lax.GatherScatterMode.PROMISE_IN_BOUNDS)

    def issue(j, b):
        pltpu.async_copy(y_hbm.at[src_v.at[off + j]], ybuf.at[b], semy[b])
        pltpu.async_copy(e_hbm.at[pl.ds((base_chunk + j) * CH, CH)],
                         ebuf.at[b], seme[b])

    for b in range(NBUF):
        issue(jnp.minimum(b, nch - 1), b)

    def chunkn(jn, carry):
        for b in range(NBUF):
            j = jn * NBUF + b
            pltpu.make_async_copy(y_hbm.at[src_v.at[0]], ybuf.at[b],
                                  semy[b]).wait()
            pltpu.make_async_copy(e_hbm.at[pl.ds(0, CH)], ebuf.at[b],
                                  seme[b]).wait()

            def edge(c, carry2):
                e_lo = ebuf[b, c, 0:16]
                e_hi = ebuf[b, c, 16:32]
                if y_bf16:
                    vb = ybuf[b, c, 8 * 32:8 * 32 + 32]
                    ba, _ = plsc.unpack(vb,
                                        format=plsc.PackFormat.INTERLEAVED)
                    parts = [bcast_lane(e_hi, 0) * ba, None, None, None]
                    for k in range(8):
                        v = ybuf[b, c, k * 32:(k + 1) * 32]
                        ya, yb = plsc.unpack(
                            v, format=plsc.PackFormat.INTERLEAVED)
                        ta = bcast_lane(e_lo, 2 * k) * ya
                        tb = bcast_lane(e_lo, 2 * k + 1) * yb
                        ia = (2 * k) % 4
                        ib = (2 * k + 1) % 4
                        parts[ia] = (ta if parts[ia] is None
                                     else parts[ia] + ta)
                        parts[ib] = (tb if parts[ib] is None
                                     else parts[ib] + tb)
                else:
                    parts = [bcast_lane(e_hi, 0) * ybuf[b, c, 256:272],
                             None, None, None]
                    for h in range(HID_F):
                        t = bcast_lane(e_lo, h) * ybuf[b, c,
                                                       h * 16:(h + 1) * 16]
                        i = h % 4
                        parts[i] = t if parts[i] is None else parts[i] + t
                m = (parts[0] + parts[1]) + (parts[2] + parts[3])
                obuf[c, 0:16] = m
                obuf[c, 16:32] = e_hi
                return carry2

            lax.fori_loop(0, CH, edge, 0)
            pltpu.sync_copy(obuf, acc.at[dst_v.at[off + j]], add=True)
            issue(jnp.minimum(j + NBUF, nch - 1), b)
        return carry

    lax.fori_loop(0, nch // NBUF, chunkn, 0)
    for b in range(NBUF):
        pltpu.make_async_copy(y_hbm.at[src_v.at[0]], ybuf.at[b],
                              semy[b]).wait()
        pltpu.make_async_copy(e_hbm.at[pl.ds(0, CH)], ebuf.at[b],
                              seme[b]).wait()
    plsc.subcore_barrier()
    pltpu.sync_copy(acc.at[pl.ds(row0, ROWS_PER_TILE)],
                    out_hbm.at[cid, pl.ds(row0, ROWS_PER_TILE)])


def _sc_aggregate(y, eext, src_2d, dst_2d):
    y_bf16 = y.dtype == jnp.bfloat16
    mesh = plsc.VectorSubcoreMesh(core_axis_name="c", subcore_axis_name="s",
                                  num_cores=NC, num_subcores=NS)
    f = functools.partial(
        pl.kernel,
        out_type=jax.ShapeDtypeStruct((NC, N_PAD, EW), jnp.float32),
        mesh=mesh,
        scratch_types=[
            pltpu.VMEM((C0, CH), jnp.int32),
            pltpu.VMEM((C0, CH), jnp.int32),
            pltpu.VMEM((NBUF, CH) + ((YWB,) if y_bf16 else (YW,)),
                       y.dtype),
            pltpu.VMEM((NBUF, CH, EW), jnp.float32),
            pltpu.VMEM((CH, EW), jnp.float32),
            pltpu.VMEM_SHARED((N_PAD, EW), jnp.float32),
        ] + [pltpu.SemaphoreType.DMA] * (2 * NBUF),
        compiler_params=pltpu.CompilerParams(use_tc_tiling_on_sc=False,
                                             needs_layout_passes=False),
    )(functools.partial(_sc_body, y_bf16))
    return f(y, eext, src_2d, dst_2d)



def kernel(x, edge_index, batch, edge_attr,
           nn1_W1, nn1_b1, nn1_W2, nn1_b2, root1, bias1, bn1_w, bn1_b,
           nn2_W1, nn2_b1, nn2_W2, nn2_b2, root2, bias2, bn2_w, bn2_b,
           r1_W, r1_b, r2_W, r2_b):
    f32 = jnp.float32
    pad = E_PAD - N_EDGES
    src_p = jnp.concatenate([edge_index[0], jnp.zeros((pad,), jnp.int32)])
    dst_p = jnp.concatenate([edge_index[1], jnp.zeros((pad,), jnp.int32)])
    ea_p = jnp.concatenate([edge_attr, jnp.zeros((pad, EDIM_F), f32)], axis=0)

    perm = []
    for k in range(9):
        for i in range(HID_F):
            perm.extend([32 * k + i, 32 * k + HID_F + i])
    perm = jnp.array(perm, jnp.int32)

    def build_w2p(W2, b2, in_c, permute):
        w = jnp.concatenate(
            [W2.reshape(HID_F, in_c, HID_F).transpose(1, 0, 2)
             .reshape(in_c, HID_F * HID_F),
             b2.reshape(in_c, HID_F)] +
            ([jnp.zeros((in_c, YWB - YW), jnp.float32)] if permute else []),
            axis=1)
        return w[:, perm] if permute else w

    w2p1 = build_w2p(nn1_W2, nn1_b2, IN_F, False)
    w2p2 = build_w2p(nn2_W2, nn2_b2, HID_F, False)

    src_2d = src_p.reshape(E_PAD // CH, CH)
    dst_2d = dst_p.reshape(E_PAD // CH, CH)

    e1e, e2e = _edge_mlp(ea_p, nn1_W1, nn1_b1.reshape(1, -1),
                         nn2_W1, nn2_b1.reshape(1, -1))
    y1 = _matmul(x, w2p1)
    acc1 = _sc_aggregate(y1, e1e, src_2d, dst_2d)
    h1, y2 = _combine1(acc1, x, root1, bias1.reshape(1, -1),
                       bn1_w.reshape(1, -1), bn1_b.reshape(1, -1), w2p2)
    acc2 = _sc_aggregate(y2, e2e, src_2d, dst_2d)
    return _combine2(acc2, h1, root2, bias2.reshape(1, -1),
                     bn2_w.reshape(1, -1), bn2_b.reshape(1, -1),
                     batch.reshape(1, -1), r1_W, r1_b.reshape(1, -1),
                     r2_W, r2_b.reshape(1, -1))

# --- scband reference (transcript-rebuilt; emitter-appended) ---
"""Pipeline reference for scband-graph-mp-4690104287811 (READ-ONLY COPY).

The authoritative reference and input builder live on the scoring server;
editing this copy changes nothing except your own understanding.
"""

import jax, jax.numpy as jnp
import numpy as np

N = 10000
E = 160000
IN = 128
HID = 16
EDIM = 4
NG = 64


def setup_inputs(seed: int = 0) -> dict:
    key = jax.random.key(seed)
    ks = jax.random.split(key, 24)
    inp = {}
    inp["x"] = jax.random.normal(ks[0], (N, IN), jnp.float32)
    inp["edge_index"] = jax.random.randint(ks[1], (2, E), 0, N, dtype=jnp.int32)
    inp["batch"] = jnp.sort(jax.random.randint(ks[2], (N,), 0, NG, dtype=jnp.int32))
    inp["edge_attr"] = jax.random.normal(ks[3], (E, EDIM), jnp.float32)
    # conv1 params: edge MLP Linear(EDIM,HID) -> ReLU -> Linear(HID, IN*HID); root [IN,HID]; bias [HID]
    inp["nn1_W1"] = jax.random.normal(ks[4], (EDIM, HID), jnp.float32) * 0.3
    inp["nn1_b1"] = jax.random.normal(ks[5], (HID,), jnp.float32) * 0.05
    inp["nn1_W2"] = jax.random.normal(ks[6], (HID, IN * HID), jnp.float32) * 0.05
    inp["nn1_b2"] = jax.random.normal(ks[7], (IN * HID,), jnp.float32) * 0.02
    inp["root1"] = jax.random.normal(ks[8], (IN, HID), jnp.float32) * 0.05
    inp["bias1"] = jax.random.normal(ks[9], (HID,), jnp.float32) * 0.02
    inp["bn1_w"] = jnp.ones((HID,), jnp.float32)
    inp["bn1_b"] = jnp.zeros((HID,), jnp.float32)
    # conv2 params: edge MLP Linear(EDIM,HID) -> ReLU -> Linear(HID, HID*HID); root [HID,HID]; bias [HID]
    inp["nn2_W1"] = jax.random.normal(ks[10], (EDIM, HID), jnp.float32) * 0.3
    inp["nn2_b1"] = jax.random.normal(ks[11], (HID,), jnp.float32) * 0.05
    inp["nn2_W2"] = jax.random.normal(ks[12], (HID, HID * HID), jnp.float32) * 0.05
    inp["nn2_b2"] = jax.random.normal(ks[13], (HID * HID,), jnp.float32) * 0.02
    inp["root2"] = jax.random.normal(ks[14], (HID, HID), jnp.float32) * 0.1
    inp["bias2"] = jax.random.normal(ks[15], (HID,), jnp.float32) * 0.02
    inp["bn2_w"] = jnp.ones((HID,), jnp.float32)
    inp["bn2_b"] = jnp.zeros((HID,), jnp.float32)
    # readout: Linear(HID, HID//2) -> ReLU -> Linear(HID//2, 1)
    inp["r1_W"] = jax.random.normal(ks[16], (HID, HID // 2), jnp.float32) * 0.2
    inp["r1_b"] = jax.random.normal(ks[17], (HID // 2,), jnp.float32) * 0.05
    inp["r2_W"] = jax.random.normal(ks[18], (HID // 2, 1), jnp.float32) * 0.2
    inp["r2_b"] = jax.random.normal(ks[19], (1,), jnp.float32) * 0.05
    return inp


def reference(x, edge_index, batch, edge_attr,
              nn1_W1, nn1_b1, nn1_W2, nn1_b2, root1, bias1, bn1_w, bn1_b,
              nn2_W1, nn2_b1, nn2_W2, nn2_b2, root2, bias2, bn2_w, bn2_b,
              r1_W, r1_b, r2_W, r2_b):
    src = edge_index[0]
    dst = edge_index[1]

    def nnconv(h_in, W1, b1, W2, b2, root, bias, in_c, out_c):
        # edge MLP: e = relu(edge_attr @ W1 + b1); We = e @ W2 + b2, reshaped [E, in_c, out_c]
        e = jnp.maximum(edge_attr @ W1 + b1, 0.0)
        xs = h_in[src]  # gather source-node features: [E, in_c]
        W2r = W2.reshape(W2.shape[0], in_c, out_c)
        b2r = b2.reshape(in_c, out_c)
        # msg = x_src . (e @ W2 + b2), factored to avoid materializing [E, in_c*out_c]
        t = jnp.einsum('ei,hio->eho', xs, W2r)  # [E, hid_mlp, out_c]
        msg = jnp.einsum('eh,eho->eo', e, t) + xs @ b2r
        s = jax.ops.segment_sum(msg, dst, num_segments=h_in.shape[0])
        cnt = jax.ops.segment_sum(jnp.ones((msg.shape[0],), h_in.dtype), dst, num_segments=h_in.shape[0])
        aggr = s / jnp.maximum(cnt, 1.0)[:, None]
        return aggr + h_in @ root + bias

    def bn(h, w, b):
        mu = jnp.mean(h, axis=0)
        var = jnp.var(h, axis=0)
        return (h - mu) / jnp.sqrt(var + 1e-5) * w + b

    h1 = jnp.maximum(bn(nnconv(x, nn1_W1, nn1_b1, nn1_W2, nn1_b2, root1, bias1, IN, HID), bn1_w, bn1_b), 0.0)
    h2 = jnp.maximum(bn(nnconv(h1, nn2_W1, nn2_b1, nn2_W2, nn2_b2, root2, bias2, HID, HID), bn2_w, bn2_b), 0.0)
    gs = jax.ops.segment_sum(h2, batch, num_segments=NG)
    gc = jax.ops.segment_sum(jnp.ones((h2.shape[0],), h2.dtype), batch, num_segments=NG)
    g = gs / jnp.maximum(gc, 1.0)[:, None]
    hr = jnp.maximum(g @ r1_W + r1_b, 0.0)
    return hr @ r2_W + r2_b

if __name__ == "__main__":
    import jax
    _d = setup_inputs()
    print(jax.jit(kernel)(*tuple(_d.values())))

</pallas_src>

<mosaic_0001>
#map = affine_map<(d0, d1) -> (0, 0)>
#map1 = affine_map<(d0, d1) -> (0, 0, 0)>
module attributes {stable_mosaic.version = 14 : i64} {
  func.func @_sc_body(%arg0: i32, %arg1: i32, %arg2: memref<10000x272xf32, #tpu.memory_space<hbm>>, %arg3: memref<163840x32xf32, #tpu.memory_space<hbm>>, %arg4: memref<1280x128xi32, #tpu.memory_space<hbm>>, %arg5: memref<1280x128xi32, #tpu.memory_space<hbm>>, %arg6: memref<2x10240x32xf32, #tpu.memory_space<hbm>>, %arg7: memref<52x128xi32, #tpu.memory_space<vmem>>, %arg8: memref<52x128xi32, #tpu.memory_space<vmem>>, %arg9: memref<2x128x272xf32, #tpu.memory_space<vmem>>, %arg10: memref<2x128x32xf32, #tpu.memory_space<vmem>>, %arg11: memref<128x32xf32, #tpu.memory_space<vmem>>, %arg12: memref<10240x32xf32, #tpu.memory_space<vmem_shared>>, %arg13: memref<!tpu.dma_semaphore, #tpu.memory_space<semaphore_mem>>, %arg14: memref<!tpu.dma_semaphore, #tpu.memory_space<semaphore_mem>>, %arg15: memref<!tpu.dma_semaphore, #tpu.memory_space<semaphore_mem>>, %arg16: memref<!tpu.dma_semaphore, #tpu.memory_space<semaphore_mem>>) attributes {dimension_semantics = [#tpu.dimension_semantics<core_parallel>, #tpu.dimension_semantics<subcore_parallel>], iteration_bounds = array<i64: 2, 16>, scalar_prefetch = 0 : i64, scratch_operands = 10 : i64, tpu.core_type = #tpu.core_type<sc_vector_subcore>, window_params = [{transform_indices = #map}, {transform_indices = #map}, {transform_indices = #map}, {transform_indices = #map}, {transform_indices = #map1}]} {
    %eq3A = arith.constant 0 : i32
    %eq3A_0 = arith.cmpi eq, %arg0, %eq3A : i32
    %jit3A = arith.constant 52 : i32
    %jit3A_1 = arith.constant 28 : i32
    %select_n3A = arith.select %eq3A_0, %jit3A, %jit3A_1 : i32
    %mul3A = arith.constant 832 : i32
    %mul3A_2 = arith.muli %arg0, %mul3A : i32
    %mul3A_3 = arith.muli %arg1, %select_n3A : i32
    %add3A = arith.addi %mul3A_2, %mul3A_3 : i32
    %mul3A_4 = arith.constant 640 : i32
    %mul3A_5 = arith.muli %arg1, %mul3A_4 : i32
    %min3A = arith.constant 1228 : i32
    %min3A_6 = arith.minsi %add3A, %min3A : i32
    %sub3A = arith.subi %add3A, %min3A_6 : i32
    "tpu.region"() ({
      %run_scoped3A = tpu.sem_alloc : memref<!tpu.dma_semaphore, #tpu.memory_space<semaphore_mem>>
      %dma_start3A_167 = arith.constant 0 : i32
      %dma_start3A_168 = tpu.memref_slice %arg4[%min3A_6, %dma_start3A_167] : memref<1280x128xi32, #tpu.memory_space<hbm>> -> memref<52x128xi32, #tpu.memory_space<hbm>>
      %dma_start3A_169 = arith.constant 0 : i32
      %dma_start3A_170 = tpu.memref_slice %arg4[%min3A_6, %dma_start3A_169] : memref<1280x128xi32, #tpu.memory_space<hbm>> -> memref<52x128xi32, #tpu.memory_space<hbm>>
      tpu.enqueue_dma source(%dma_start3A_170 : memref<52x128xi32, #tpu.memory_space<hbm>>) target(%arg7 : memref<52x128xi32, #tpu.memory_space<vmem>>) target_semaphore(%run_scoped3A : memref<!tpu.dma_semaphore, #tpu.memory_space<semaphore_mem>>)
      %dma_wait3A_171 = arith.constant 0 : i32
      %dma_wait3A_172 = tpu.memref_slice %arg4[%min3A_6, %dma_wait3A_171] : memref<1280x128xi32, #tpu.memory_space<hbm>> -> memref<52x128xi32, #tpu.memory_space<hbm>>
      %dma_wait3A_173 = arith.constant 0 : i32
      %dma_wait3A_174 = tpu.memref_slice %arg4[%min3A_6, %dma_wait3A_173] : memref<1280x128xi32, #tpu.memory_space<hbm>> -> memref<52x128xi32, #tpu.memory_space<hbm>>
      tpu.wait_dma2 semaphore(%run_scoped3A : memref<!tpu.dma_semaphore, #tpu.memory_space<semaphore_mem>>) src(%dma_wait3A_174 : memref<52x128xi32, #tpu.memory_space<hbm>>) dst(%arg7 : memref<52x128xi32, #tpu.memory_space<vmem>>)
      tpu.yield
    }) : () -> ()
    "tpu.region"() ({
      %run_scoped3A = tpu.sem_alloc : memref<!tpu.dma_semaphore, #tpu.memory_space<semaphore_mem>>
      %dma_start3A_167 = arith.constant 0 : i32
      %dma_start3A_168 = tpu.memref_slice %arg5[%min3A_6, %dma_start3A_167] : memref<1280x128xi32, #tpu.memory_space<hbm>> -> memref<52x128xi32, #tpu.memory_space<hbm>>
      %dma_start3A_169 = arith.constant 0 : i32
      %dma_start3A_170 = tpu.memref_slice %arg5[%min3A_6, %dma_start3A_169] : memref<1280x128xi32, #tpu.memory_space<hbm>> -> memref<52x128xi32, #tpu.memory_space<hbm>>
      tpu.enqueue_dma source(%dma_start3A_170 : memref<52x128xi32, #tpu.memory_space<hbm>>) target(%arg8 : memref<52x128xi32, #tpu.memory_space<vmem>>) target_semaphore(%run_scoped3A : memref<!tpu.dma_semaphore, #tpu.memory_space<semaphore_mem>>)
      %dma_wait3A_171 = arith.constant 0 : i32
      %dma_wait3A_172 = tpu.memref_slice %arg5[%min3A_6, %dma_wait3A_171] : memref<1280x128xi32, #tpu.memory_space<hbm>> -> memref<52x128xi32, #tpu.memory_space<hbm>>
      %dma_wait3A_173 = arith.constant 0 : i32
      %dma_wait3A_174 = tpu.memref_slice %arg5[%min3A_6, %dma_wait3A_173] : memref<1280x128xi32, #tpu.memory_space<hbm>> -> memref<52x128xi32, #tpu.memory_space<hbm>>
      tpu.wait_dma2 semaphore(%run_scoped3A : memref<!tpu.dma_semaphore, #tpu.memory_space<semaphore_mem>>) src(%dma_wait3A_174 : memref<52x128xi32, #tpu.memory_space<hbm>>) dst(%arg8 : memref<52x128xi32, #tpu.memory_space<vmem>>)
      tpu.yield
    }) : () -> ()
    %scan3A = arith.constant 0 : i32
    %scan3A_7 = arith.constant 0 : i32
    %scan3A_8 = arith.constant 128 : i32
    %scan3A_9 = arith.addi %scan3A_7, %scan3A_8 : i32
    %scan3A_10 = arith.constant 1 : i32
    scf.for %scan3A_167 = %scan3A_7 to %scan3A_9 step %scan3A_10  : i32 {
      %broadcast_in_dim3A = arith.constant 0.000000e+00 : f32
      %broadcast_in_dim3A_168 = vector.broadcast %broadcast_in_dim3A : f32 to vector<16xf32>
      %swap3A = arith.index_cast %scan3A_167 : i32 to index
      %swap3A_169 = arith.constant 0 : index
      %swap3A_170 = tpu.vector_load %arg11[%swap3A, %swap3A_169] {strides = array<i32>} : memref<128x32xf32, #tpu.memory_space<vmem>>, vector<16xf32>,
      tpu.vector_store %arg11[%swap3A, %swap3A_169], %broadcast_in_dim3A_168 {strides = array<i32>} : memref<128x32xf32, #tpu.memory_space<vmem>>, vector<16xf32>,
      %broadcast_in_dim3A_171 = arith.constant 0.000000e+00 : f32
      %broadcast_in_dim3A_172 = vector.broadcast %broadcast_in_dim3A_171 : f32 to vector<16xf32>
      %swap3A_173 = arith.index_cast %scan3A_167 : i32 to index
      %swap3A_174 = arith.constant 16 : index
      %swap3A_175 = tpu.vector_load %arg11[%swap3A_173, %swap3A_174] {strides = array<i32>} : memref<128x32xf32, #tpu.memory_space<vmem>>, vector<16xf32>,
      tpu.vector_store %arg11[%swap3A_173, %swap3A_174], %broadcast_in_dim3A_172 {strides = array<i32>} : memref<128x32xf32, #tpu.memory_space<vmem>>, vector<16xf32>,
    }
    %scan3A_11 = arith.constant 128 : i32
    %add3A_12 = arith.constant 0 : i32
    %add3A_13 = arith.addi %mul3A_5, %add3A_12 : i32
    "tpu.region"() ({
      %run_scoped3A = tpu.sem_alloc : memref<!tpu.dma_semaphore, #tpu.memory_space<semaphore_mem>>
      %dma_start3A_167 = arith.constant 0 : i32
      %dma_start3A_168 = tpu.memref_slice %arg12[%add3A_13, %dma_start3A_167] : memref<10240x32xf32, #tpu.memory_space<vmem_shared>> -> memref<128x32xf32, #tpu.memory_space<vmem_shared>>
      %dma_start3A_169 = arith.constant 0 : i32
      %dma_start3A_170 = tpu.memref_slice %arg12[%add3A_13, %dma_start3A_169] : memref<10240x32xf32, #tpu.memory_space<vmem_shared>> -> memref<128x32xf32, #tpu.memory_space<vmem_shared>>
      tpu.enqueue_dma source(%arg11 : memref<128x32xf32, #tpu.memory_space<vmem>>) target(%dma_start3A_170 : memref<128x32xf32, #tpu.memory_space<vmem_shared>>) target_semaphore(%run_scoped3A : memref<!tpu.dma_semaphore, #tpu.memory_space<semaphore_mem>>)
      %dma_wait3A_171 = arith.constant 0 : i32
      %dma_wait3A_172 = tpu.memref_slice %arg12[%add3A_13, %dma_wait3A_171] : memref<10240x32xf32, #tpu.memory_space<vmem_shared>> -> memref<128x32xf32, #tpu.memory_space<vmem_shared>>
      %dma_wait3A_173 = arith.constant 0 : i32
      %dma_wait3A_174 = tpu.memref_slice %arg12[%add3A_13, %dma_wait3A_173] : memref<10240x32xf32, #tpu.memory_space<vmem_shared>> -> memref<128x32xf32, #tpu.memory_space<vmem_shared>>
      tpu.wait_dma2 semaphore(%run_scoped3A : memref<!tpu.dma_semaphore, #tpu.memory_space<semaphore_mem>>) src(%arg11 : memref<128x32xf32, #tpu.memory_space<vmem>>) dst(%dma_wait3A_174 : memref<128x32xf32, #tpu.memory_space<vmem_shared>>)
      tpu.yield
    }) : () -> ()
    %add3A_14 = arith.constant 128 : i32
    %add3A_15 = arith.addi %mul3A_5, %add3A_14 : i32
    "tpu.region"() ({
      %run_scoped3A = tpu.sem_alloc : memref<!tpu.dma_semaphore, #tpu.memory_space<semaphore_mem>>
      %dma_start3A_167 = arith.constant 0 : i32
      %dma_start3A_168 = tpu.memref_slice %arg12[%add3A_15, %dma_start3A_167] : memref<10240x32xf32, #tpu.memory_space<vmem_shared>> -> memref<128x32xf32, #tpu.memory_space<vmem_shared>>
      %dma_start3A_169 = arith.constant 0 : i32
      %dma_start3A_170 = tpu.memref_slice %arg12[%add3A_15, %dma_start3A_169] : memref<10240x32xf32, #tpu.memory_space<vmem_shared>> -> memref<128x32xf32, #tpu.memory_space<vmem_shared>>
      tpu.enqueue_dma source(%arg11 : memref<128x32xf32, #tpu.memory_space<vmem>>) target(%dma_start3A_170 : memref<128x32xf32, #tpu.memory_space<vmem_shared>>) target_semaphore(%run_scoped3A : memref<!tpu.dma_semaphore, #tpu.memory_space<semaphore_mem>>)
      %dma_wait3A_171 = arith.constant 0 : i32
      %dma_wait3A_172 = tpu.memref_slice %arg12[%add3A_15, %dma_wait3A_171] : memref<10240x32xf32, #tpu.memory_space<vmem_shared>> -> memref<128x32xf32, #tpu.memory_space<vmem_shared>>
      %dma_wait3A_173 = arith.constant 0 : i32
      %dma_wait3A_174 = tpu.memref_slice %arg12[%add3A_15, %dma_wait3A_173] : memref<10240x32xf32, #tpu.memory_space<vmem_shared>> -> memref<128x32xf32, #tpu.memory_space<vmem_shared>>
      tpu.wait_dma2 semaphore(%run_scoped3A : memref<!tpu.dma_semaphore, #tpu.memory_space<semaphore_mem>>) src(%arg11 : memref<128x32xf32, #tpu.memory_space<vmem>>) dst(%dma_wait3A_174 : memref<128x32xf32, #tpu.memory_space<vmem_shared>>)
      tpu.yield
    }) : () -> ()
    %add3A_16 = arith.constant 256 : i32
    %add3A_17 = arith.addi %mul3A_5, %add3A_16 : i32
    "tpu.region"() ({
      %run_scoped3A = tpu.sem_alloc : memref<!tpu.dma_semaphore, #tpu.memory_space<semaphore_mem>>
      %dma_start3A_167 = arith.constant 0 : i32
      %dma_start3A_168 = tpu.memref_slice %arg12[%add3A_17, %dma_start3A_167] : memref<10240x32xf32, #tpu.memory_space<vmem_shared>> -> memref<128x32xf32, #tpu.memory_space<vmem_shared>>
      %dma_start3A_169 = arith.constant 0 : i32
      %dma_start3A_170 = tpu.memref_slice %arg12[%add3A_17, %dma_start3A_169] : memref<10240x32xf32, #tpu.memory_space<vmem_shared>> -> memref<128x32xf32, #tpu.memory_space<vmem_shared>>
      tpu.enqueue_dma source(%arg11 : memref<128x32xf32, #tpu.memory_space<vmem>>) target(%dma_start3A_170 : memref<128x32xf32, #tpu.memory_space<vmem_shared>>) target_semaphore(%run_scoped3A : memref<!tpu.dma_semaphore, #tpu.memory_space<semaphore_mem>>)
      %dma_wait3A_171 = arith.constant 0 : i32
      %dma_wait3A_172 = tpu.memref_slice %arg12[%add3A_17, %dma_wait3A_171] : memref<10240x32xf32, #tpu.memory_space<vmem_shared>> -> memref<128x32xf32, #tpu.memory_space<vmem_shared>>
      %dma_wait3A_173 = arith.constant 0 : i32
      %dma_wait3A_174 = tpu.memref_slice %arg12[%add3A_17, %dma_wait3A_173] : memref<10240x32xf32, #tpu.memory_space<vmem_shared>> -> memref<128x32xf32, #tpu.memory_space<vmem_shared>>
      tpu.wait_dma2 semaphore(%run_scoped3A : memref<!tpu.dma_semaphore, #tpu.memory_space<semaphore_mem>>) src(%arg11 : memref<128x32xf32, #tpu.memory_space<vmem>>) dst(%dma_wait3A_174 : memref<128x32xf32, #tpu.memory_space<vmem_shared>>)
      tpu.yield
    }) : () -> ()
    %add3A_18 = arith.constant 384 : i32
    %add3A_19 = arith.addi %mul3A_5, %add3A_18 : i32
    "tpu.region"() ({
      %run_scoped3A = tpu.sem_alloc : memref<!tpu.dma_semaphore, #tpu.memory_space<semaphore_mem>>
      %dma_start3A_167 = arith.constant 0 : i32
      %dma_start3A_168 = tpu.memref_slice %arg12[%add3A_19, %dma_start3A_167] : memref<10240x32xf32, #tpu.memory_space<vmem_shared>> -> memref<128x32xf32, #tpu.memory_space<vmem_shared>>
      %dma_start3A_169 = arith.constant 0 : i32
      %dma_start3A_170 = tpu.memref_slice %arg12[%add3A_19, %dma_start3A_169] : memref<10240x32xf32, #tpu.memory_space<vmem_shared>> -> memref<128x32xf32, #tpu.memory_space<vmem_shared>>
      tpu.enqueue_dma source(%arg11 : memref<128x32xf32, #tpu.memory_space<vmem>>) target(%dma_start3A_170 : memref<128x32xf32, #tpu.memory_space<vmem_shared>>) target_semaphore(%run_scoped3A : memref<!tpu.dma_semaphore, #tpu.memory_space<semaphore_mem>>)
      %dma_wait3A_171 = arith.constant 0 : i32
      %dma_wait3A_172 = tpu.memref_slice %arg12[%add3A_19, %dma_wait3A_171] : memref<10240x32xf32, #tpu.memory_space<vmem_shared>> -> memref<128x32xf32, #tpu.memory_space<vmem_shared>>
      %dma_wait3A_173 = arith.constant 0 : i32
      %dma_wait3A_174 = tpu.memref_slice %arg12[%add3A_19, %dma_wait3A_173] : memref<10240x32xf32, #tpu.memory_space<vmem_shared>> -> memref<128x32xf32, #tpu.memory_space<vmem_shared>>
      tpu.wait_dma2 semaphore(%run_scoped3A : memref<!tpu.dma_semaphore, #tpu.memory_space<semaphore_mem>>) src(%arg11 : memref<128x32xf32, #tpu.memory_space<vmem>>) dst(%dma_wait3A_174 : memref<128x32xf32, #tpu.memory_space<vmem_shared>>)
      tpu.yield
    }) : () -> ()
    %add3A_20 = arith.constant 512 : i32
    %add3A_21 = arith.addi %mul3A_5, %add3A_20 : i32
    "tpu.region"() ({
      %run_scoped3A = tpu.sem_alloc : memref<!tpu.dma_semaphore, #tpu.memory_space<semaphore_mem>>
      %dma_start3A_167 = arith.constant 0 : i32
      %dma_start3A_168 = tpu.memref_slice %arg12[%add3A_21, %dma_start3A_167] : memref<10240x32xf32, #tpu.memory_space<vmem_shared>> -> memref<128x32xf32, #tpu.memory_space<vmem_shared>>
      %dma_start3A_169 = arith.constant 0 : i32
      %dma_start3A_170 = tpu.memref_slice %arg12[%add3A_21, %dma_start3A_169] : memref<10240x32xf32, #tpu.memory_space<vmem_shared>> -> memref<128x32xf32, #tpu.memory_space<vmem_shared>>
      tpu.enqueue_dma source(%arg11 : memref<128x32xf32, #tpu.memory_space<vmem>>) target(%dma_start3A_170 : memref<128x32xf32, #tpu.memory_space<vmem_shared>>) target_semaphore(%run_scoped3A : memref<!tpu.dma_semaphore, #tpu.memory_space<semaphore_mem>>)
      %dma_wait3A_171 = arith.constant 0 : i32
      %dma_wait3A_172 = tpu.memref_slice %arg12[%add3A_21, %dma_wait3A_171] : memref<10240x32xf32, #tpu.memory_space<vmem_shared>> -> memref<128x32xf32, #tpu.memory_space<vmem_shared>>
      %dma_wait3A_173 = arith.constant 0 : i32
      %dma_wait3A_174 = tpu.memref_slice %arg12[%add3A_21, %dma_wait3A_173] : memref<10240x32xf32, #tpu.memory_space<vmem_shared>> -> memref<128x32xf32, #tpu.memory_space<vmem_shared>>
      tpu.wait_dma2 semaphore(%run_scoped3A : memref<!tpu.dma_semaphore, #tpu.memory_space<semaphore_mem>>) src(%arg11 : memref<128x32xf32, #tpu.memory_space<vmem>>) dst(%dma_wait3A_174 : memref<128x32xf32, #tpu.memory_space<vmem_shared>>)
      tpu.yield
    }) : () -> ()
    %barrier3A = arith.constant 0 : index
    tpu.barrier barrier_id(%barrier3A)
    %sub3A_22 = arith.constant 1 : i32
    %sub3A_23 = arith.subi %select_n3A, %sub3A_22 : i32
    %min3A_24 = arith.constant 0 : i32
    %min3A_25 = arith.minsi %min3A_24, %sub3A_23 : i32
    %add3A_26 = arith.addi %sub3A, %min3A_25 : i32
    %dma_start3A = arith.constant 0 : i32
    %dma_start3A_27 = arith.constant 0 : i32
    %dma_start3A_28 = arith.constant 0 : i32
    %dma_start3A_29 = tpu.memref_slice %arg9[%dma_start3A, %dma_start3A_27, %dma_start3A_28] : memref<2x128x272xf32, #tpu.memory_space<vmem>> -> memref<1x128x272xf32, #tpu.memory_space<vmem>>
    %dma_start3A_30 = tpu.memref_squeeze %dma_start3A_29 : memref<1x128x272xf32, #tpu.memory_space<vmem>> -> memref<128x272xf32, #tpu.memory_space<vmem>>
    %dma_start3A_31 = arith.constant 0 : i32
    %dma_start3A_32 = tpu.memref_slice %arg7[%add3A_26, %dma_start3A_31] : memref<52x128xi32, #tpu.memory_space<vmem>> -> memref<1x128xi32, #tpu.memory_space<vmem>>
    %dma_start3A_33 = tpu.memref_squeeze %dma_start3A_32 : memref<1x128xi32, #tpu.memory_space<vmem>> -> memref<128xi32, #tpu.memory_space<vmem>>
    %dma_start3A_34 = arith.constant 0 : i32
    %dma_start3A_35 = arith.constant 0 : i32
    %dma_start3A_36 = tpu.memref_slice %arg2[%dma_start3A_34, %dma_start3A_35] : memref<10000x272xf32, #tpu.memory_space<hbm>> -> memref<10000x272xf32, #tpu.memory_space<hbm>>
    tpu.enqueue_indirect_dma source(%dma_start3A_36 : memref<10000x272xf32, #tpu.memory_space<hbm>>) target(%dma_start3A_30 : memref<128x272xf32, #tpu.memory_space<vmem>>) offsets(%dma_start3A_33 : memref<128xi32, #tpu.memory_space<vmem>>) semaphore(%arg13 : memref<!tpu.dma_semaphore, #tpu.memory_space<semaphore_mem>>)
    %add3A_37 = arith.addi %add3A, %min3A_25 : i32
    %mul3A_38 = arith.constant 128 : i32
    %mul3A_39 = arith.muli %add3A_37, %mul3A_38 : i32
    %dma_start3A_40 = arith.constant 0 : i32
    %dma_start3A_41 = arith.constant 0 : i32
    %dma_start3A_42 = arith.constant 0 : i32
    %dma_start3A_43 = tpu.memref_slice %arg10[%dma_start3A_40, %dma_start3A_41, %dma_start3A_42] : memref<2x128x32xf32, #tpu.memory_space<vmem>> -> memref<1x128x32xf32, #tpu.memory_space<vmem>>
    %dma_start3A_44 = tpu.memref_squeeze %dma_start3A_43 : memref<1x128x32xf32, #tpu.memory_space<vmem>> -> memref<128x32xf32, #tpu.memory_space<vmem>>
    %dma_start3A_45 = arith.constant 0 : i32
    %dma_start3A_46 = tpu.memref_slice %arg3[%mul3A_39, %dma_start3A_45] : memref<163840x32xf32, #tpu.memory_space<hbm>> -> memref<128x32xf32, #tpu.memory_space<hbm>>
    %dma_start3A_47 = arith.constant 0 : i32
    %dma_start3A_48 = arith.constant 0 : i32
    %dma_start3A_49 = tpu.memref_slice %arg10[%dma_start3A_40, %dma_start3A_47, %dma_start3A_48] : memref<2x128x32xf32, #tpu.memory_space<vmem>> -> memref<1x128x32xf32, #tpu.memory_space<vmem>>
    %dma_start3A_50 = tpu.memref_squeeze %dma_start3A_49 : memref<1x128x32xf32, #tpu.memory_space<vmem>> -> memref<128x32xf32, #tpu.memory_space<vmem>>
    %dma_start3A_51 = arith.constant 0 : i32
    %dma_start3A_52 = tpu.memref_slice %arg3[%mul3A_39, %dma_start3A_51] : memref<163840x32xf32, #tpu.memory_space<hbm>> -> memref<128x32xf32, #tpu.memory_space<hbm>>
    tpu.enqueue_dma source(%dma_start3A_52 : memref<128x32xf32, #tpu.memory_space<hbm>>) target(%dma_start3A_50 : memref<128x32xf32, #tpu.memory_space<vmem>>) target_semaphore(%arg15 : memref<!tpu.dma_semaphore, #tpu.memory_space<semaphore_mem>>)
    %sub3A_53 = arith.constant 1 : i32
    %sub3A_54 = arith.subi %select_n3A, %sub3A_53 : i32
    %min3A_55 = arith.constant 1 : i32
    %min3A_56 = arith.minsi %min3A_55, %sub3A_54 : i32
    %add3A_57 = arith.addi %sub3A, %min3A_56 : i32
    %dma_start3A_58 = arith.constant 1 : i32
    %dma_start3A_59 = arith.constant 0 : i32
    %dma_start3A_60 = arith.constant 0 : i32
    %dma_start3A_61 = tpu.memref_slice %arg9[%dma_start3A_58, %dma_start3A_59, %dma_start3A_60] : memref<2x128x272xf32, #tpu.memory_space<vmem>> -> memref<1x128x272xf32, #tpu.memory_space<vmem>>
    %dma_start3A_62 = tpu.memref_squeeze %dma_start3A_61 : memref<1x128x272xf32, #tpu.memory_space<vmem>> -> memref<128x272xf32, #tpu.memory_space<vmem>>
    %dma_start3A_63 = arith.constant 0 : i32
    %dma_start3A_64 = tpu.memref_slice %arg7[%add3A_57, %dma_start3A_63] : memref<52x128xi32, #tpu.memory_space<vmem>> -> memref<1x128xi32, #tpu.memory_space<vmem>>
    %dma_start3A_65 = tpu.memref_squeeze %dma_start3A_64 : memref<1x128xi32, #tpu.memory_space<vmem>> -> memref<128xi32, #tpu.memory_space<vmem>>
    %dma_start3A_66 = arith.constant 0 : i32
    %dma_start3A_67 = arith.constant 0 : i32
    %dma_start3A_68 = tpu.memref_slice %arg2[%dma_start3A_66, %dma_start3A_67] : memref<10000x272xf32, #tpu.memory_space<hbm>> -> memref<10000x272xf32, #tpu.memory_space<hbm>>
    tpu.enqueue_indirect_dma source(%dma_start3A_68 : memref<10000x272xf32, #tpu.memory_space<hbm>>) target(%dma_start3A_62 : memref<128x272xf32, #tpu.memory_space<vmem>>) offsets(%dma_start3A_65 : memref<128xi32, #tpu.memory_space<vmem>>) semaphore(%arg14 : memref<!tpu.dma_semaphore, #tpu.memory_space<semaphore_mem>>)
    %add3A_69 = arith.addi %add3A, %min3A_56 : i32
    %mul3A_70 = arith.constant 128 : i32
    %mul3A_71 = arith.muli %add3A_69, %mul3A_70 : i32
    %dma_start3A_72 = arith.constant 1 : i32
    %dma_start3A_73 = arith.constant 0 : i32
    %dma_start3A_74 = arith.constant 0 : i32
    %dma_start3A_75 = tpu.memref_slice %arg10[%dma_start3A_72, %dma_start3A_73, %dma_start3A_74] : memref<2x128x32xf32, #tpu.memory_space<vmem>> -> memref<1x128x32xf32, #tpu.memory_space<vmem>>
    %dma_start3A_76 = tpu.memref_squeeze %dma_start3A_75 : memref<1x128x32xf32, #tpu.memory_space<vmem>> -> memref<128x32xf32, #tpu.memory_space<vmem>>
    %dma_start3A_77 = arith.constant 0 : i32
    %dma_start3A_78 = tpu.memref_slice %arg3[%mul3A_71, %dma_start3A_77] : memref<163840x32xf32, #tpu.memory_space<hbm>> -> memref<128x32xf32, #tpu.memory_space<hbm>>
    %dma_start3A_79 = arith.constant 0 : i32
    %dma_start3A_80 = arith.constant 0 : i32
    %dma_start3A_81 = tpu.memref_slice %arg10[%dma_start3A_72, %dma_start3A_79, %dma_start3A_80] : memref<2x128x32xf32, #tpu.memory_space<vmem>> -> memref<1x128x32xf32, #tpu.memory_space<vmem>>
    %dma_start3A_82 = tpu.memref_squeeze %dma_start3A_81 : memref<1x128x32xf32, #tpu.memory_space<vmem>> -> memref<128x32xf32, #tpu.memory_space<vmem>>
    %dma_start3A_83 = arith.constant 0 : i32
    %dma_start3A_84 = tpu.memref_slice %arg3[%mul3A_71, %dma_start3A_83] : memref<163840x32xf32, #tpu.memory_space<hbm>> -> memref<128x32xf32, #tpu.memory_space<hbm>>
    tpu.enqueue_dma source(%dma_start3A_84 : memref<128x32xf32, #tpu.memory_space<hbm>>) target(%dma_start3A_82 : memref<128x32xf32, #tpu.memory_space<vmem>>) target_semaphore(%arg16 : memref<!tpu.dma_semaphore, #tpu.memory_space<semaphore_mem>>)
    %jit3A_85 = arith.constant 2 : i32
    %div3A = arith.divsi %select_n3A, %jit3A_85 : i32
    %sign3A = arith.constant 0 : i32
    %sign3A_86 = arith.cmpi sgt, %select_n3A, %sign3A : i32
    %sign3A_87 = arith.extui %sign3A_86 : i1 to i32
    %sign3A_88 = arith.constant 0 : i32
    %sign3A_89 = arith.cmpi slt, %select_n3A, %sign3A_88 : i32
    %sign3A_90 = arith.extui %sign3A_89 : i1 to i32
    %sign3A_91 = arith.subi %sign3A_87, %sign3A_90 : i32
    %sign3A_92 = arith.constant 0 : i32
    %sign3A_93 = arith.cmpi sgt, %jit3A_85, %sign3A_92 : i32
    %sign3A_94 = arith.extui %sign3A_93 : i1 to i32
    %sign3A_95 = arith.constant 0 : i32
    %sign3A_96 = arith.cmpi slt, %jit3A_85, %sign3A_95 : i32
    %sign3A_97 = arith.extui %sign3A_96 : i1 to i32
    %sign3A_98 = arith.subi %sign3A_94, %sign3A_97 : i32
    %ne3A = arith.cmpi ne, %sign3A_91, %sign3A_98 : i32
    %rem3A = arith.remsi %select_n3A, %jit3A_85 : i32
    %ne3A_99 = arith.constant 0 : i32
    %ne3A_100 = arith.cmpi ne, %rem3A, %ne3A_99 : i32
    %and3A = arith.andi %ne3A, %ne3A_100 : i1
    %sub3A_101 = arith.constant 1 : i32
    %sub3A_102 = arith.subi %div3A, %sub3A_101 : i32
    %select_n3A_103 = arith.select %and3A, %sub3A_102, %div3A : i32
    %while3A = arith.constant 0 : i32
    %while3A_104 = arith.constant 0 : i32
    %while3A_105 = arith.subi %select_n3A_103, %while3A_104 : i32
    %while3A_106 = arith.addi %while3A_104, %while3A_105 : i32
    %while3A_107 = arith.constant 1 : i32
    %while3A_108 = arith.divsi %while3A_105, %while3A_107 : i32
    %while3A_109 = arith.muli %while3A_108, %while3A_107 : i32
    %while3A_110 = arith.addi %while3A_104, %while3A_109 : i32
    %while3A_111 = arith.constant 1 : i32
    scf.for %while3A_167 = %while3A_104 to %while3A_110 step %while3A_111  : i32 {
      %mul3A_168 = arith.constant 2 : i32
      %mul3A_169 = arith.muli %while3A_167, %mul3A_168 : i32
      %add3A_170 = arith.constant 0 : i32
      %add3A_171 = arith.addi %mul3A_169, %add3A_170 : i32
      %dma_wait3A_172 = arith.constant 0 : i32
      %dma_wait3A_173 = arith.constant 0 : i32
      %dma_wait3A_174 = arith.constant 0 : i32
      %dma_wait3A_175 = arith.constant 0 : i32
      %dma_wait3A_176 = tpu.memref_slice %arg9[%dma_wait3A_173, %dma_wait3A_174, %dma_wait3A_175] : memref<2x128x272xf32, #tpu.memory_space<vmem>> -> memref<1x128x272xf32, #tpu.memory_space<vmem>>
      %dma_wait3A_177 = tpu.memref_squeeze %dma_wait3A_176 : memref<1x128x272xf32, #tpu.memory_space<vmem>> -> memref<128x272xf32, #tpu.memory_space<vmem>>
      %dma_wait3A_178 = arith.constant 0 : i32
      %dma_wait3A_179 = tpu.memref_slice %arg7[%dma_wait3A_172, %dma_wait3A_178] : memref<52x128xi32, #tpu.memory_space<vmem>> -> memref<1x128xi32, #tpu.memory_space<vmem>>
      %dma_wait3A_180 = tpu.memref_squeeze %dma_wait3A_179 : memref<1x128xi32, #tpu.memory_space<vmem>> -> memref<128xi32, #tpu.memory_space<vmem>>
      %dma_wait3A_181 = arith.constant 0 : i32
      %dma_wait3A_182 = arith.constant 0 : i32
      %dma_wait3A_183 = tpu.memref_slice %arg2[%dma_wait3A_181, %dma_wait3A_182] : memref<10000x272xf32, #tpu.memory_space<hbm>> -> memref<10000x272xf32, #tpu.memory_space<hbm>>
      tpu.wait_indirect_dma semaphore(%arg13 : memref<!tpu.dma_semaphore, #tpu.memory_space<semaphore_mem>>) src(%dma_wait3A_183 : memref<10000x272xf32, #tpu.memory_space<hbm>>) dst(%dma_wait3A_177 : memref<128x272xf32, #tpu.memory_space<vmem>>)
      %dma_wait3A_184 = arith.constant 0 : i32
      %dma_wait3A_185 = arith.constant 0 : i32
      %dma_wait3A_186 = arith.constant 0 : i32
      %dma_wait3A_187 = tpu.memref_slice %arg10[%dma_wait3A_184, %dma_wait3A_185, %dma_wait3A_186] : memref<2x128x32xf32, #tpu.memory_space<vmem>> -> memref<1x128x32xf32, #tpu.memory_space<vmem>>
      %dma_wait3A_188 = tpu.memref_squeeze %dma_wait3A_187 : memref<1x128x32xf32, #tpu.memory_space<vmem>> -> memref<128x32xf32, #tpu.memory_space<vmem>>
      %dma_wait3A_189 = arith.constant 0 : i32
      %dma_wait3A_190 = arith.constant 0 : i32
      %dma_wait3A_191 = tpu.memref_slice %arg3[%dma_wait3A_189, %dma_wait3A_190] : memref<163840x32xf32, #tpu.memory_space<hbm>> -> memref<128x32xf32, #tpu.memory_space<hbm>>
      %dma_wait3A_192 = arith.constant 0 : i32
      %dma_wait3A_193 = arith.constant 0 : i32
      %dma_wait3A_194 = tpu.memref_slice %arg10[%dma_wait3A_184, %dma_wait3A_192, %dma_wait3A_193] : memref<2x128x32xf32, #tpu.memory_space<vmem>> -> memref<1x128x32xf32, #tpu.memory_space<vmem>>
      %dma_wait3A_195 = tpu.memref_squeeze %dma_wait3A_194 : memref<1x128x32xf32, #tpu.memory_space<vmem>> -> memref<128x32xf32, #tpu.memory_space<vmem>>
      %dma_wait3A_196 = arith.constant 0 : i32
      %dma_wait3A_197 = arith.constant 0 : i32
      %dma_wait3A_198 = tpu.memref_slice %arg3[%dma_wait3A_196, %dma_wait3A_197] : memref<163840x32xf32, #tpu.memory_space<hbm>> -> memref<128x32xf32, #tpu.memory_space<hbm>>
      tpu.wait_dma2 semaphore(%arg15 : memref<!tpu.dma_semaphore, #tpu.memory_space<semaphore_mem>>) src(%dma_wait3A_198 : memref<128x32xf32, #tpu.memory_space<hbm>>) dst(%dma_wait3A_195 : memref<128x32xf32, #tpu.memory_space<vmem>>)
      %scan3A_199 = arith.constant 0 : i32
      %scan3A_200 = arith.constant 0 : i32
      %scan3A_201 = arith.constant 128 : i32
      %scan3A_202 = arith.addi %scan3A_200, %scan3A_201 : i32
      %scan3A_203 = arith.constant 1 : i32
      scf.for %scan3A_310 = %scan3A_200 to %scan3A_202 step %scan3A_203  : i32 {
        %get3A = arith.constant 0 : i32
        %get3A_311 = arith.index_cast %get3A : i32 to index
        %get3A_312 = arith.index_cast %scan3A_310 : i32 to index
        %get3A_313 = arith.constant 0 : index
        %get3A_314 = tpu.vector_load %arg10[%get3A_311, %get3A_312, %get3A_313] {strides = array<i32>} : memref<2x128x32xf32, #tpu.memory_space<vmem>>, vector<16xf32>,
        %get3A_315 = arith.constant 0 : i32
        %get3A_316 = arith.index_cast %get3A_315 : i32 to index
        %get3A_317 = arith.index_cast %scan3A_310 : i32 to index
        %get3A_318 = arith.constant 16 : index
        %get3A_319 = tpu.vector_load %arg10[%get3A_316, %get3A_317, %get3A_318] {strides = array<i32>} : memref<2x128x32xf32, #tpu.memory_space<vmem>>, vector<16xf32>,
        %broadcast_in_dim3A = arith.constant 0 : i32
        %broadcast_in_dim3A_320 = vector.broadcast %broadcast_in_dim3A : i32 to vector<16x1xi32>
        %gather3A = vector.shape_cast %broadcast_in_dim3A_320 : vector<16x1xi32> to vector<16xi32>
        %gather3A_321 = tpu.dynamic_gather %get3A_319[%gather3A] in [0] : vector<16xf32>, vector<16xi32> -> vector<16xf32>
        %get3A_322 = arith.constant 0 : i32
        %get3A_323 = arith.index_cast %get3A_322 : i32 to index
        %get3A_324 = arith.index_cast %scan3A_310 : i32 to index
        %get3A_325 = arith.constant 256 : index
        %get3A_326 = tpu.vector_load %arg9[%get3A_323, %get3A_324, %get3A_325] {strides = array<i32>} : memref<2x128x272xf32, #tpu.memory_space<vmem>>, vector<16xf32>,
        %mul3A_327 = arith.mulf %gather3A_321, %get3A_326 : vector<16xf32>
        %broadcast_in_dim3A_328 = arith.constant 0 : i32
        %broadcast_in_dim3A_329 = vector.broadcast %broadcast_in_dim3A_328 : i32 to vector<16x1xi32>
        %gather3A_330 = vector.shape_cast %broadcast_in_dim3A_329 : vector<16x1xi32> to vector<16xi32>
        %gather3A_331 = tpu.dynamic_gather %get3A_314[%gather3A_330] in [0] : vector<16xf32>, vector<16xi32> -> vector<16xf32>
        %get3A_332 = arith.constant 0 : i32
        %get3A_333 = arith.index_cast %get3A_332 : i32 to index
        %get3A_334 = arith.index_cast %scan3A_310 : i32 to index
        %get3A_335 = arith.constant 0 : index
        %get3A_336 = tpu.vector_load %arg9[%get3A_333, %get3A_334, %get3A_335] {strides = array<i32>} : memref<2x128x272xf32, #tpu.memory_space<vmem>>, vector<16xf32>,
        %mul3A_337 = arith.mulf %gather3A_331, %get3A_336 : vector<16xf32>
        %add3A_338 = arith.addf %mul3A_327, %mul3A_337 : vector<16xf32>
        %broadcast_in_dim3A_339 = arith.constant 1 : i32
        %broadcast_in_dim3A_340 = vector.broadcast %broadcast_in_dim3A_339 : i32 to vector<16x1xi32>
        %gather3A_341 = vector.shape_cast %broadcast_in_dim3A_340 : vector<16x1xi32> to vector<16xi32>
        %gather3A_342 = tpu.dynamic_gather %get3A_314[%gather3A_341] in [0] : vector<16xf32>, vector<16xi32> -> vector<16xf32>
        %get3A_343 = arith.constant 0 : i32
        %get3A_344 = arith.index_cast %get3A_343 : i32 to index
        %get3A_345 = arith.index_cast %scan3A_310 : i32 to index
        %get3A_346 = arith.constant 16 : index
        %get3A_347 = tpu.vector_load %arg9[%get3A_344, %get3A_345, %get3A_346] {strides = array<i32>} : memref<2x128x272xf32, #tpu.memory_space<vmem>>, vector<16xf32>,
        %mul3A_348 = arith.mulf %gather3A_342, %get3A_347 : vector<16xf32>
        %broadcast_in_dim3A_349 = arith.constant 2 : i32
        %broadcast_in_dim3A_350 = vector.broadcast %broadcast_in_dim3A_349 : i32 to vector<16x1xi32>
        %gather3A_351 = vector.shape_cast %broadcast_in_dim3A_350 : vector<16x1xi32> to vector<16xi32>
        %gather3A_352 = tpu.dynamic_gather %get3A_314[%gather3A_351] in [0] : vector<16xf32>, vector<16xi32> -> vector<16xf32>
        %get3A_353 = arith.constant 0 : i32
        %get3A_354 = arith.index_cast %get3A_353 : i32 to index
        %get3A_355 = arith.index_cast %scan3A_310 : i32 to index
        %get3A_356 = arith.constant 32 : index
        %get3A_357 = tpu.vector_load %arg9[%get3A_354, %get3A_355, %get3A_356] {strides = array<i32>} : memref<2x128x272xf32, #tpu.memory_space<vmem>>, vector<16xf32>,
        %mul3A_358 = arith.mulf %gather3A_352, %get3A_357 : vector<16xf32>
        %broadcast_in_dim3A_359 = arith.constant 3 : i32
        %broadcast_in_dim3A_360 = vector.broadcast %broadcast_in_dim3A_359 : i32 to vector<16x1xi32>
        %gather3A_361 = vector.shape_cast %broadcast_in_dim3A_360 : vector<16x1xi32> to vector<16xi32>
        %gather3A_362 = tpu.dynamic_gather %get3A_314[%gather3A_361] in [0] : vector<16xf32>, vector<16xi32> -> vector<16xf32>
        %get3A_363 = arith.constant 0 : i32
        %get3A_364 = arith.index_cast %get3A_363 : i32 to index
        %get3A_365 = arith.index_cast %scan3A_310 : i32 to index
        %get3A_366 = arith.constant 48 : index
        %get3A_367 = tpu.vector_load %arg9[%get3A_364, %get3A_365, %get3A_366] {strides = array<i32>} : memref<2x128x272xf32, #tpu.memory_space<vmem>>, vector<16xf32>,
        %mul3A_368 = arith.mulf %gather3A_362, %get3A_367 : vector<16xf32>
        %broadcast_in_dim3A_369 = arith.constant 4 : i32
        %broadcast_in_dim3A_370 = vector.broadcast %broadcast_in_dim3A_369 : i32 to vector<16x1xi32>
        %gather3A_371 = vector.shape_cast %broadcast_in_dim3A_370 : vector<16x1xi32> to vector<16xi32>
        %gather3A_372 = tpu.dynamic_gather %get3A_314[%gather3A_371] in [0] : vector<16xf32>, vector<16xi32> -> vector<16xf32>
        %get3A_373 = arith.constant 0 : i32
        %get3A_374 = arith.index_cast %get3A_373 : i32 to index
        %get3A_375 = arith.index_cast %scan3A_310 : i32 to index
        %get3A_376 = arith.constant 64 : index
        %get3A_377 = tpu.vector_load %arg9[%get3A_374, %get3A_375, %get3A_376] {strides = array<i32>} : memref<2x128x272xf32, #tpu.memory_space<vmem>>, vector<16xf32>,
        %mul3A_378 = arith.mulf %gather3A_372, %get3A_377 : vector<16xf32>
        %add3A_379 = arith.addf %add3A_338, %mul3A_378 : vector<16xf32>
        %broadcast_in_dim3A_380 = arith.constant 5 : i32
        %broadcast_in_dim3A_381 = vector.broadcast %broadcast_in_dim3A_380 : i32 to vector<16x1xi32>
        %gather3A_382 = vector.shape_cast %broadcast_in_dim3A_381 : vector<16x1xi32> to vector<16xi32>
        %gather3A_383 = tpu.dynamic_gather %get3A_314[%gather3A_382] in [0] : vector<16xf32>, vector<16xi32> -> vector<16xf32>
        %get3A_384 = arith.constant 0 : i32
        %get3A_385 = arith.index_cast %get3A_384 : i32 to index
        %get3A_386 = arith.index_cast %scan3A_310 : i32 to index
        %get3A_387 = arith.constant 80 : index
        %get3A_388 = tpu.vector_load %arg9[%get3A_385, %get3A_386, %get3A_387] {strides = array<i32>} : memref<2x128x272xf32, #tpu.memory_space<vmem>>, vector<16xf32>,
        %mul3A_389 = arith.mulf %gather3A_383, %get3A_388 : vector<16xf32>
        %add3A_390 = arith.addf %mul3A_348, %mul3A_389 : vector<16xf32>
        %broadcast_in_dim3A_391 = arith.constant 6 : i32
        %broadcast_in_dim3A_392 = vector.broadcast %broadcast_in_dim3A_391 : i32 to vector<16x1xi32>
        %gather3A_393 = vector.shape_cast %broadcast_in_dim3A_392 : vector<16x1xi32> to vector<16xi32>
        %gather3A_394 = tpu.dynamic_gather %get3A_314[%gather3A_393] in [0] : vector<16xf32>, vector<16xi32> -> vector<16xf32>
        %get3A_395 = arith.constant 0 : i32
        %get3A_396 = arith.index_cast %get3A_395 : i32 to index
        %get3A_397 = arith.index_cast %scan3A_310 : i32 to index
        %get3A_398 = arith.constant 96 : index
        %get3A_399 = tpu.vector_load %arg9[%get3A_396, %get3A_397, %get3A_398] {strides = array<i32>} : memref<2x128x272xf32, #tpu.memory_space<vmem>>, vector<16xf32>,
        %mul3A_400 = arith.mulf %gather3A_394, %get3A_399 : vector<16xf32>
        %add3A_401 = arith.addf %mul3A_358, %mul3A_400 : vector<16xf32>
        %broadcast_in_dim3A_402 = arith.constant 7 : i32
        %broadcast_in_dim3A_403 = vector.broadcast %broadcast_in_dim3A_402 : i32 to vector<16x1xi32>
        %gather3A_404 = vector.shape_cast %broadcast_in_dim3A_403 : vector<16x1xi32> to vector<16xi32>
        %gather3A_405 = tpu.dynamic_gather %get3A_314[%gather3A_404] in [0] : vector<16xf32>, vector<16xi32> -> vector<16xf32>
        %get3A_406 = arith.constant 0 : i32
        %get3A_407 = arith.index_cast %get3A_406 : i32 to index
        %get3A_408 = arith.index_cast %scan3A_310 : i32 to index
        %get3A_409 = arith.constant 112 : index
        %get3A_410 = tpu.vector_load %arg9[%get3A_407, %get3A_408, %get3A_409] {strides = array<i32>} : memref<2x128x272xf32, #tpu.memory_space<vmem>>, vector<16xf32>,
        %mul3A_411 = arith.mulf %gather3A_405, %get3A_410 : vector<16xf32>
        %add3A_412 = arith.addf %mul3A_368, %mul3A_411 : vector<16xf32>
        %broadcast_in_dim3A_413 = arith.constant 8 : i32
        %broadcast_in_dim3A_414 = vector.broadcast %broadcast_in_dim3A_413 : i32 to vector<16x1xi32>
        %gather3A_415 = vector.shape_cast %broadcast_in_dim3A_414 : vector<16x1xi32> to vector<16xi32>
        %gather3A_416 = tpu.dynamic_gather %get3A_314[%gather3A_415] in [0] : vector<16xf32>, vector<16xi32> -> vector<16xf32>
        %get3A_417 = arith.constant 0 : i32
        %get3A_418 = arith.index_cast %get3A_417 : i32 to index
        %get3A_419 = arith.index_cast %scan3A_310 : i32 to index
        %get3A_420 = arith.constant 128 : index
        %get3A_421 = tpu.vector_load %arg9[%get3A_418, %get3A_419, %get3A_420] {strides = array<i32>} : memref<2x128x272xf32, #tpu.memory_space<vmem>>, vector<16xf32>,
        %mul3A_422 = arith.mulf %gather3A_416, %get3A_421 : vector<16xf32>
        %add3A_423 = arith.addf %add3A_379, %mul3A_422 : vector<16xf32>
        %broadcast_in_dim3A_424 = arith.constant 9 : i32
        %broadcast_in_dim3A_425 = vector.broadcast %broadcast_in_dim3A_424 : i32 to vector<16x1xi32>
        %gather3A_426 = vector.shape_cast %broadcast_in_dim3A_425 : vector<16x1xi32> to vector<16xi32>
        %gather3A_427 = tpu.dynamic_gather %get3A_314[%gather3A_426] in [0] : vector<16xf32>, vector<16xi32> -> vector<16xf32>
        %get3A_428 = arith.constant 0 : i32
        %get3A_429 = arith.index_cast %get3A_428 : i32 to index
        %get3A_430 = arith.index_cast %scan3A_310 : i32 to index
        %get3A_431 = arith.constant 144 : index
        %get3A_432 = tpu.vector_load %arg9[%get3A_429, %get3A_430, %get3A_431] {strides = array<i32>} : memref<2x128x272xf32, #tpu.memory_space<vmem>>, vector<16xf32>,
        %mul3A_433 = arith.mulf %gather3A_427, %get3A_432 : vector<16xf32>
        %add3A_434 = arith.addf %add3A_390, %mul3A_433 : vector<16xf32>
        %broadcast_in_dim3A_435 = arith.constant 10 : i32
        %broadcast_in_dim3A_436 = vector.broadcast %broadcast_in_dim3A_435 : i32 to vector<16x1xi32>
        %gather3A_437 = vector.shape_cast %broadcast_in_dim3A_436 : vector<16x1xi32> to vector<16xi32>
        %gather3A_438 = tpu.dynamic_gather %get3A_314[%gather3A_437] in [0] : vector<16xf32>, vector<16xi32> -> vector<16xf32>
        %get3A_439 = arith.constant 0 : i32
        %get3A_440 = arith.index_cast %get3A_439 : i32 to index
        %get3A_441 = arith.index_cast %scan3A_310 : i32 to index
        %get3A_442 = arith.constant 160 : index
        %get3A_443 = tpu.vector_load %arg9[%get3A_440, %get3A_441, %get3A_442] {strides = array<i32>} : memref<2x128x272xf32, #tpu.memory_space<vmem>>, vector<16xf32>,
        %mul3A_444 = arith.mulf %gather3A_438, %get3A_443 : vector<16xf32>
        %add3A_445 = arith.addf %add3A_401, %mul3A_444 : vector<16xf32>
        %broadcast_in_dim3A_446 = arith.constant 11 : i32
        %broadcast_in_dim3A_447 = vector.broadcast %broadcast_in_dim3A_446 : i32 to vector<16x1xi32>
        %gather3A_448 = vector.shape_cast %broadcast_in_dim3A_447 : vector<16x1xi32> to vector<16xi32>
        %gather3A_449 = tpu.dynamic_gather %get3A_314[%gather3A_448] in [0] : vector<16xf32>, vector<16xi32> -> vector<16xf32>
        %get3A_450 = arith.constant 0 : i32
        %get3A_451 = arith.index_cast %get3A_450 : i32 to index
        %get3A_452 = arith.index_cast %scan3A_310 : i32 to index
        %get3A_453 = arith.constant 176 : index
        %get3A_454 = tpu.vector_load %arg9[%get3A_451, %get3A_452, %get3A_453] {strides = array<i32>} : memref<2x128x272xf32, #tpu.memory_space<vmem>>, vector<16xf32>,
        %mul3A_455 = arith.mulf %gather3A_449, %get3A_454 : vector<16xf32>
        %add3A_456 = arith.addf %add3A_412, %mul3A_455 : vector<16xf32>
        %broadcast_in_dim3A_457 = arith.constant 12 : i32
        %broadcast_in_dim3A_458 = vector.broadcast %broadcast_in_dim3A_457 : i32 to vector<16x1xi32>
        %gather3A_459 = vector.shape_cast %broadcast_in_dim3A_458 : vector<16x1xi32> to vector<16xi32>
        %gather3A_460 = tpu.dynamic_gather %get3A_314[%gather3A_459] in [0] : vector<16xf32>, vector<16xi32> -> vector<16xf32>
        %get3A_461 = arith.constant 0 : i32
        %get3A_462 = arith.index_cast %get3A_461 : i32 to index
        %get3A_463 = arith.index_cast %scan3A_310 : i32 to index
        %get3A_464 = arith.constant 192 : index
        %get3A_465 = tpu.vector_load %arg9[%get3A_462, %get3A_463, %get3A_464] {strides = array<i32>} : memref<2x128x272xf32, #tpu.memory_space<vmem>>, vector<16xf32>,
        %mul3A_466 = arith.mulf %gather3A_460, %get3A_465 : vector<16xf32>
        %add3A_467 = arith.addf %add3A_423, %mul3A_466 : vector<16xf32>
        %broadcast_in_dim3A_468 = arith.constant 13 : i32
        %broadcast_in_dim3A_469 = vector.broadcast %broadcast_in_dim3A_468 : i32 to vector<16x1xi32>
        %gather3A_470 = vector.shape_cast %broadcast_in_dim3A_469 : vector<16x1xi32> to vector<16xi32>
        %gather3A_471 = tpu.dynamic_gather %get3A_314[%gather3A_470] in [0] : vector<16xf32>, vector<16xi32> -> vector<16xf32>
        %get3A_472 = arith.constant 0 : i32
        %get3A_473 = arith.index_cast %get3A_472 : i32 to index
        %get3A_474 = arith.index_cast %scan3A_310 : i32 to index
        %get3A_475 = arith.constant 208 : index
        %get3A_476 = tpu.vector_load %arg9[%get3A_473, %get3A_474, %get3A_475] {strides = array<i32>} : memref<2x128x272xf32, #tpu.memory_space<vmem>>, vector<16xf32>,
        %mul3A_477 = arith.mulf %gather3A_471, %get3A_476 : vector<16xf32>
        %add3A_478 = arith.addf %add3A_434, %mul3A_477 : vector<16xf32>
        %broadcast_in_dim3A_479 = arith.constant 14 : i32
        %broadcast_in_dim3A_480 = vector.broadcast %broadcast_in_dim3A_479 : i32 to vector<16x1xi32>
        %gather3A_481 = vector.shape_cast %broadcast_in_dim3A_480 : vector<16x1xi32> to vector<16xi32>
        %gather3A_482 = tpu.dynamic_gather %get3A_314[%gather3A_481] in [0] : vector<16xf32>, vector<16xi32> -> vector<16xf32>
        %get3A_483 = arith.constant 0 : i32
        %get3A_484 = arith.index_cast %get3A_483 : i32 to index
        %get3A_485 = arith.index_cast %scan3A_310 : i32 to index
        %get3A_486 = arith.constant 224 : index
        %get3A_487 = tpu.vector_load %arg9[%get3A_484, %get3A_485, %get3A_486] {strides = array<i32>} : memref<2x128x272xf32, #tpu.memory_space<vmem>>, vector<16xf32>,
        %mul3A_488 = arith.mulf %gather3A_482, %get3A_487 : vector<16xf32>
        %add3A_489 = arith.addf %add3A_445, %mul3A_488 : vector<16xf32>
        %broadcast_in_dim3A_490 = arith.constant 15 : i32
        %broadcast_in_dim3A_491 = vector.broadcast %broadcast_in_dim3A_490 : i32 to vector<16x1xi32>
        %gather3A_492 = vector.shape_cast %broadcast_in_dim3A_491 : vector<16x1xi32> to vector<16xi32>
        %gather3A_493 = tpu.dynamic_gather %get3A_314[%gather3A_492] in [0] : vector<16xf32>, vector<16xi32> -> vector<16xf32>
        %get3A_494 = arith.constant 0 : i32
        %get3A_495 = arith.index_cast %get3A_494 : i32 to index
        %get3A_496 = arith.index_cast %scan3A_310 : i32 to index
        %get3A_497 = arith.constant 240 : index
        %get3A_498 = tpu.vector_load %arg9[%get3A_495, %get3A_496, %get3A_497] {strides = array<i32>} : memref<2x128x272xf32, #tpu.memory_space<vmem>>, vector<16xf32>,
        %mul3A_499 = arith.mulf %gather3A_493, %get3A_498 : vector<16xf32>
        %add3A_500 = arith.addf %add3A_456, %mul3A_499 : vector<16xf32>
        %add3A_501 = arith.addf %add3A_467, %add3A_478 : vector<16xf32>
        %add3A_502 = arith.addf %add3A_489, %add3A_500 : vector<16xf32>
        %add3A_503 = arith.addf %add3A_501, %add3A_502 : vector<16xf32>
        %swap3A = arith.index_cast %scan3A_310 : i32 to index
        %swap3A_504 = arith.constant 0 : index
        %swap3A_505 = tpu.vector_load %arg11[%swap3A, %swap3A_504] {strides = array<i32>} : memref<128x32xf32, #tpu.memory_space<vmem>>, vector<16xf32>,
        tpu.vector_store %arg11[%swap3A, %swap3A_504], %add3A_503 {strides = array<i32>} : memref<128x32xf32, #tpu.memory_space<vmem>>, vector<16xf32>,
        %swap3A_506 = arith.index_cast %scan3A_310 : i32 to index
        %swap3A_507 = arith.constant 16 : index
        %swap3A_508 = tpu.vector_load %arg11[%swap3A_506, %swap3A_507] {strides = array<i32>} : memref<128x32xf32, #tpu.memory_space<vmem>>, vector<16xf32>,
        tpu.vector_store %arg11[%swap3A_506, %swap3A_507], %get3A_319 {strides = array<i32>} : memref<128x32xf32, #tpu.memory_space<vmem>>, vector<16xf32>,
      }
      %scan3A_204 = arith.constant 128 : i32
      %add3A_205 = arith.addi %sub3A, %add3A_171 : i32
      "tpu.region"() ({
        %run_scoped3A = tpu.sem_alloc : memref<!tpu.dma_semaphore, #tpu.memory_space<semaphore_mem>>
        %dma_start3A_310 = arith.constant 0 : i32
        %dma_start3A_311 = tpu.memref_slice %arg8[%add3A_205, %dma_start3A_310] : memref<52x128xi32, #tpu.memory_space<vmem>> -> memref<1x128xi32, #tpu.memory_space<vmem>>
        %dma_start3A_312 = tpu.memref_squeeze %dma_start3A_311 : memref<1x128xi32, #tpu.memory_space<vmem>> -> memref<128xi32, #tpu.memory_space<vmem>>
        %dma_start3A_313 = arith.constant 0 : i32
        %dma_start3A_314 = arith.constant 0 : i32
        %dma_start3A_315 = tpu.memref_slice %arg12[%dma_start3A_313, %dma_start3A_314] : memref<10240x32xf32, #tpu.memory_space<vmem_shared>> -> memref<10240x32xf32, #tpu.memory_space<vmem_shared>>
        tpu.enqueue_indirect_dma source(%arg11 : memref<128x32xf32, #tpu.memory_space<vmem>>) target(%dma_start3A_315 : memref<10240x32xf32, #tpu.memory_space<vmem_shared>>) offsets(%dma_start3A_312 : memref<128xi32, #tpu.memory_space<vmem>>) semaphore(%run_scoped3A : memref<!tpu.dma_semaphore, #tpu.memory_space<semaphore_mem>>) {add = true}
        %dma_wait3A_316 = arith.constant 0 : i32
        %dma_wait3A_317 = tpu.memref_slice %arg8[%add3A_205, %dma_wait3A_316] : memref<52x128xi32, #tpu.memory_space<vmem>> -> memref<1x128xi32, #tpu.memory_space<vmem>>
        %dma_wait3A_318 = tpu.memref_squeeze %dma_wait3A_317 : memref<1x128xi32, #tpu.memory_space<vmem>> -> memref<128xi32, #tpu.memory_space<vmem>>
        %dma_wait3A_319 = arith.constant 0 : i32
        %dma_wait3A_320 = arith.constant 0 : i32
        %dma_wait3A_321 = tpu.memref_slice %arg12[%dma_wait3A_319, %dma_wait3A_320] : memref<10240x32xf32, #tpu.memory_space<vmem_shared>> -> memref<10240x32xf32, #tpu.memory_space<vmem_shared>>
        tpu.wait_indirect_dma semaphore(%run_scoped3A : memref<!tpu.dma_semaphore, #tpu.memory_space<semaphore_mem>>) src(%arg11 : memref<128x32xf32, #tpu.memory_space<vmem>>) dst(%dma_wait3A_321 : memref<10240x32xf32, #tpu.memory_space<vmem_shared>>)
        tpu.yield
      }) : () -> ()
      %add3A_206 = arith.constant 2 : i32
      %add3A_207 = arith.addi %add3A_171, %add3A_206 : i32
      %sub3A_208 = arith.constant 1 : i32
      %sub3A_209 = arith.subi %select_n3A, %sub3A_208 : i32
      %min3A_210 = arith.minsi %add3A_207, %sub3A_209 : i32
      %add3A_211 = arith.addi %sub3A, %min3A_210 : i32
      %dma_start3A_212 = arith.constant 0 : i32
      %dma_start3A_213 = arith.constant 0 : i32
      %dma_start3A_214 = arith.constant 0 : i32
      %dma_start3A_215 = tpu.memref_slice %arg9[%dma_start3A_212, %dma_start3A_213, %dma_start3A_214] : memref<2x128x272xf32, #tpu.memory_space<vmem>> -> memref<1x128x272xf32, #tpu.memory_space<vmem>>
      %dma_start3A_216 = tpu.memref_squeeze %dma_start3A_215 : memref<1x128x272xf32, #tpu.memory_space<vmem>> -> memref<128x272xf32, #tpu.memory_space<vmem>>
      %dma_start3A_217 = arith.constant 0 : i32
      %dma_start3A_218 = tpu.memref_slice %arg7[%add3A_211, %dma_start3A_217] : memref<52x128xi32, #tpu.memory_space<vmem>> -> memref<1x128xi32, #tpu.memory_space<vmem>>
      %dma_start3A_219 = tpu.memref_squeeze %dma_start3A_218 : memref<1x128xi32, #tpu.memory_space<vmem>> -> memref<128xi32, #tpu.memory_space<vmem>>
      %dma_start3A_220 = arith.constant 0 : i32
      %dma_start3A_221 = arith.constant 0 : i32
      %dma_start3A_222 = tpu.memref_slice %arg2[%dma_start3A_220, %dma_start3A_221] : memref<10000x272xf32, #tpu.memory_space<hbm>> -> memref<10000x272xf32, #tpu.memory_space<hbm>>
      tpu.enqueue_indirect_dma source(%dma_start3A_222 : memref<10000x272xf32, #tpu.memory_space<hbm>>) target(%dma_start3A_216 : memref<128x272xf32, #tpu.memory_space<vmem>>) offsets(%dma_start3A_219 : memref<128xi32, #tpu.memory_space<vmem>>) semaphore(%arg13 : memref<!tpu.dma_semaphore, #tpu.memory_space<semaphore_mem>>)
      %add3A_223 = arith.addi %add3A, %min3A_210 : i32
      %mul3A_224 = arith.constant 128 : i32
      %mul3A_225 = arith.muli %add3A_223, %mul3A_224 : i32
      %dma_start3A_226 = arith.constant 0 : i32
      %dma_start3A_227 = arith.constant 0 : i32
      %dma_start3A_228 = arith.constant 0 : i32
      %dma_start3A_229 = tpu.memref_slice %arg10[%dma_start3A_226, %dma_start3A_227, %dma_start3A_228] : memref<2x128x32xf32, #tpu.memory_space<vmem>> -> memref<1x128x32xf32, #tpu.memory_space<vmem>>
      %dma_start3A_230 = tpu.memref_squeeze %dma_start3A_229 : memref<1x128x32xf32, #tpu.memory_space<vmem>> -> memref<128x32xf32, #tpu.memory_space<vmem>>
      %dma_start3A_231 = arith.constant 0 : i32
      %dma_start3A_232 = tpu.memref_slice %arg3[%mul3A_225, %dma_start3A_231] : memref<163840x32xf32, #tpu.memory_space<hbm>> -> memref<128x32xf32, #tpu.memory_space<hbm>>
      %dma_start3A_233 = arith.constant 0 : i32
      %dma_start3A_234 = arith.constant 0 : i32
      %dma_start3A_235 = tpu.memref_slice %arg10[%dma_start3A_226, %dma_start3A_233, %dma_start3A_234] : memref<2x128x32xf32, #tpu.memory_space<vmem>> -> memref<1x128x32xf32, #tpu.memory_space<vmem>>
      %dma_start3A_236 = tpu.memref_squeeze %dma_start3A_235 : memref<1x128x32xf32, #tpu.memory_space<vmem>> -> memref<128x32xf32, #tpu.memory_space<vmem>>
      %dma_start3A_237 = arith.constant 0 : i32
      %dma_start3A_238 = tpu.memref_slice %arg3[%mul3A_225, %dma_start3A_237] : memref<163840x32xf32, #tpu.memory_space<hbm>> -> memref<128x32xf32, #tpu.memory_space<hbm>>
      tpu.enqueue_dma source(%dma_start3A_238 : memref<128x32xf32, #tpu.memory_space<hbm>>) target(%dma_start3A_236 : memref<128x32xf32, #tpu.memory_space<vmem>>) target_semaphore(%arg15 : memref<!tpu.dma_semaphore, #tpu.memory_space<semaphore_mem>>)
      %mul3A_239 = arith.constant 2 : i32
      %mul3A_240 = arith.muli %while3A_167, %mul3A_239 : i32
      %add3A_241 = arith.constant 1 : i32
      %add3A_242 = arith.addi %mul3A_240, %add3A_241 : i32
      %dma_wait3A_243 = arith.constant 0 : i32
      %dma_wait3A_244 = arith.constant 1 : i32
      %dma_wait3A_245 = arith.constant 0 : i32
      %dma_wait3A_246 = arith.constant 0 : i32
      %dma_wait3A_247 = tpu.memref_slice %arg9[%dma_wait3A_244, %dma_wait3A_245, %dma_wait3A_246] : memref<2x128x272xf32, #tpu.memory_space<vmem>> -> memref<1x128x272xf32, #tpu.memory_space<vmem>>
      %dma_wait3A_248 = tpu.memref_squeeze %dma_wait3A_247 : memref<1x128x272xf32, #tpu.memory_space<vmem>> -> memref<128x272xf32, #tpu.memory_space<vmem>>
      %dma_wait3A_249 = arith.constant 0 : i32
      %dma_wait3A_250 = tpu.memref_slice %arg7[%dma_wait3A_243, %dma_wait3A_249] : memref<52x128xi32, #tpu.memory_space<vmem>> -> memref<1x128xi32, #tpu.memory_space<vmem>>
      %dma_wait3A_251 = tpu.memref_squeeze %dma_wait3A_250 : memref<1x128xi32, #tpu.memory_space<vmem>> -> memref<128xi32, #tpu.memory_space<vmem>>
      %dma_wait3A_252 = arith.constant 0 : i32
      %dma_wait3A_253 = arith.constant 0 : i32
      %dma_wait3A_254 = tpu.memref_slice %arg2[%dma_wait3A_252, %dma_wait3A_253] : memref<10000x272xf32, #tpu.memory_space<hbm>> -> memref<10000x272xf32, #tpu.memory_space<hbm>>
      tpu.wait_indirect_dma semaphore(%arg14 : memref<!tpu.dma_semaphore, #tpu.memory_space<semaphore_mem>>) src(%dma_wait3A_254 : memref<10000x272xf32, #tpu.memory_space<hbm>>) dst(%dma_wait3A_248 : memref<128x272xf32, #tpu.memory_space<vmem>>)
      %dma_wait3A_255 = arith.constant 1 : i32
      %dma_wait3A_256 = arith.constant 0 : i32
      %dma_wait3A_257 = arith.constant 0 : i32
      %dma_wait3A_258 = tpu.memref_slice %arg10[%dma_wait3A_255, %dma_wait3A_256, %dma_wait3A_257] : memref<2x128x32xf32, #tpu.memory_space<vmem>> -> memref<1x128x32xf32, #tpu.memory_space<vmem>>
      %dma_wait3A_259 = tpu.memref_squeeze %dma_wait3A_258 : memref<1x128x32xf32, #tpu.memory_space<vmem>> -> memref<128x32xf32, #tpu.memory_space<vmem>>
      %dma_wait3A_260 = arith.constant 0 : i32
      %dma_wait3A_261 = arith.constant 0 : i32
      %dma_wait3A_262 = tpu.memref_slice %arg3[%dma_wait3A_260, %dma_wait3A_261] : memref<163840x32xf32, #tpu.memory_space<hbm>> -> memref<128x32xf32, #tpu.memory_space<hbm>>
      %dma_wait3A_263 = arith.constant 0 : i32
      %dma_wait3A_264 = arith.constant 0 : i32
      %dma_wait3A_265 = tpu.memref_slice %arg10[%dma_wait3A_255, %dma_wait3A_263, %dma_wait3A_264] : memref<2x128x32xf32, #tpu.memory_space<vmem>> -> memref<1x128x32xf32, #tpu.memory_space<vmem>>
      %dma_wait3A_266 = tpu.memref_squeeze %dma_wait3A_265 : memref<1x128x32xf32, #tpu.memory_space<vmem>> -> memref<128x32xf32, #tpu.memory_space<vmem>>
      %dma_wait3A_267 = arith.constant 0 : i32
      %dma_wait3A_268 = arith.constant 0 : i32
      %dma_wait3A_269 = tpu.memref_slice %arg3[%dma_wait3A_267, %dma_wait3A_268] : memref<163840x32xf32, #tpu.memory_space<hbm>> -> memref<128x32xf32, #tpu.memory_space<hbm>>
      tpu.wait_dma2 semaphore(%arg16 : memref<!tpu.dma_semaphore, #tpu.memory_space<semaphore_mem>>) src(%dma_wait3A_269 : memref<128x32xf32, #tpu.memory_space<hbm>>) dst(%dma_wait3A_266 : memref<128x32xf32, #tpu.memory_space<vmem>>)
      %scan3A_270 = arith.constant 0 : i32
      %scan3A_271 = arith.constant 0 : i32
      %scan3A_272 = arith.constant 128 : i32
      %scan3A_273 = arith.addi %scan3A_271, %scan3A_272 : i32
      %scan3A_274 = arith.constant 1 : i32
      scf.for %scan3A_310 = %scan3A_271 to %scan3A_273 step %scan3A_274  : i32 {
        %get3A = arith.constant 1 : i32
        %get3A_311 = arith.index_cast %get3A : i32 to index
        %get3A_312 = arith.index_cast %scan3A_310 : i32 to index
        %get3A_313 = arith.constant 0 : index
        %get3A_314 = tpu.vector_load %arg10[%get3A_311, %get3A_312, %get3A_313] {strides = array<i32>} : memref<2x128x32xf32, #tpu.memory_space<vmem>>, vector<16xf32>,
        %get3A_315 = arith.constant 1 : i32
        %get3A_316 = arith.index_cast %get3A_315 : i32 to index
        %get3A_317 = arith.index_cast %scan3A_310 : i32 to index
        %get3A_318 = arith.constant 16 : index
        %get3A_319 = tpu.vector_load %arg10[%get3A_316, %get3A_317, %get3A_318] {strides = array<i32>} : memref<2x128x32xf32, #tpu.memory_space<vmem>>, vector<16xf32>,
        %broadcast_in_dim3A = arith.constant 0 : i32
        %broadcast_in_dim3A_320 = vector.broadcast %broadcast_in_dim3A : i32 to vector<16x1xi32>
        %gather3A = vector.shape_cast %broadcast_in_dim3A_320 : vector<16x1xi32> to vector<16xi32>
        %gather3A_321 = tpu.dynamic_gather %get3A_319[%gather3A] in [0] : vector<16xf32>, vector<16xi32> -> vector<16xf32>
        %get3A_322 = arith.constant 1 : i32
        %get3A_323 = arith.index_cast %get3A_322 : i32 to index
        %get3A_324 = arith.index_cast %scan3A_310 : i32 to index
        %get3A_325 = arith.constant 256 : index
        %get3A_326 = tpu.vector_load %arg9[%get3A_323, %get3A_324, %get3A_325] {strides = array<i32>} : memref<2x128x272xf32, #tpu.memory_space<vmem>>, vector<16xf32>,
        %mul3A_327 = arith.mulf %gather3A_321, %get3A_326 : vector<16xf32>
        %broadcast_in_dim3A_328 = arith.constant 0 : i32
        %broadcast_in_dim3A_329 = vector.broadcast %broadcast_in_dim3A_328 : i32 to vector<16x1xi32>
        %gather3A_330 = vector.shape_cast %broadcast_in_dim3A_329 : vector<16x1xi32> to vector<16xi32>
        %gather3A_331 = tpu.dynamic_gather %get3A_314[%gather3A_330] in [0] : vector<16xf32>, vector<16xi32> -> vector<16xf32>
        %get3A_332 = arith.constant 1 : i32
        %get3A_333 = arith.index_cast %get3A_332 : i32 to index
        %get3A_334 = arith.index_cast %scan3A_310 : i32 to index
        %get3A_335 = arith.constant 0 : index
        %get3A_336 = tpu.vector_load %arg9[%get3A_333, %get3A_334, %get3A_335] {strides = array<i32>} : memref<2x128x272xf32, #tpu.memory_space<vmem>>, vector<16xf32>,
        %mul3A_337 = arith.mulf %gather3A_331, %get3A_336 : vector<16xf32>
        %add3A_338 = arith.addf %mul3A_327, %mul3A_337 : vector<16xf32>
        %broadcast_in_dim3A_339 = arith.constant 1 : i32
        %broadcast_in_dim3A_340 = vector.broadcast %broadcast_in_dim3A_339 : i32 to vector<16x1xi32>
        %gather3A_341 = vector.shape_cast %broadcast_in_dim3A_340 : vector<16x1xi32> to vector<16xi32>
        %gather3A_342 = tpu.dynamic_gather %get3A_314[%gather3A_341] in [0] : vector<16xf32>, vector<16xi32> -> vector<16xf32>
        %get3A_343 = arith.constant 1 : i32
        %get3A_344 = arith.index_cast %get3A_343 : i32 to index
        %get3A_345 = arith.index_cast %scan3A_310 : i32 to index
        %get3A_346 = arith.constant 16 : index
        %get3A_347 = tpu.vector_load %arg9[%get3A_344, %get3A_345, %get3A_346] {strides = array<i32>} : memref<2x128x272xf32, #tpu.memory_space<vmem>>, vector<16xf32>,
        %mul3A_348 = arith.mulf %gather3A_342, %get3A_347 : vector<16xf32>
        %broadcast_in_dim3A_349 = arith.constant 2 : i32
        %broadcast_in_dim3A_350 = vector.broadcast %broadcast_in_dim3A_349 : i32 to vector<16x1xi32>
        %gather3A_351 = vector.shape_cast %broadcast_in_dim3A_350 : vector<16x1xi32> to vector<16xi32>
        %gather3A_352 = tpu.dynamic_gather %get3A_314[%gather3A_351] in [0] : vector<16xf32>, vector<16xi32> -> vector<16xf32>
        %get3A_353 = arith.constant 1 : i32
        %get3A_354 = arith.index_cast %get3A_353 : i32 to index
        %get3A_355 = arith.index_cast %scan3A_310 : i32 to index
        %get3A_356 = arith.constant 32 : index
        %get3A_357 = tpu.vector_load %arg9[%get3A_354, %get3A_355, %get3A_356] {strides = array<i32>} : memref<2x128x272xf32, #tpu.memory_space<vmem>>, vector<16xf32>,
        %mul3A_358 = arith.mulf %gather3A_352, %get3A_357 : vector<16xf32>
        %broadcast_in_dim3A_359 = arith.constant 3 : i32
        %broadcast_in_dim3A_360 = vector.broadcast %broadcast_in_dim3A_359 : i32 to vector<16x1xi32>
        %gather3A_361 = vector.shape_cast %broadcast_in_dim3A_360 : vector<16x1xi32> to vector<16xi32>
        %gather3A_362 = tpu.dynamic_gather %get3A_314[%gather3A_361] in [0] : vector<16xf32>, vector<16xi32> -> vector<16xf32>
        %get3A_363 = arith.constant 1 : i32
        %get3A_364 = arith.index_cast %get3A_363 : i32 to index
        %get3A_365 = arith.index_cast %scan3A_310 : i32 to index
        %get3A_366 = arith.constant 48 : index
        %get3A_367 = tpu.vector_load %arg9[%get3A_364, %get3A_365, %get3A_366] {strides = array<i32>} : memref<2x128x272xf32, #tpu.memory_space<vmem>>, vector<16xf32>,
        %mul3A_368 = arith.mulf %gather3A_362, %get3A_367 : vector<16xf32>
        %broadcast_in_dim3A_369 = arith.constant 4 : i32
        %broadcast_in_dim3A_370 = vector.broadcast %broadcast_in_dim3A_369 : i32 to vector<16x1xi32>
        %gather3A_371 = vector.shape_cast %broadcast_in_dim3A_370 : vector<16x1xi32> to vector<16xi32>
        %gather3A_372 = tpu.dynamic_gather %get3A_314[%gather3A_371] in [0] : vector<16xf32>, vector<16xi32> -> vector<16xf32>
        %get3A_373 = arith.constant 1 : i32
        %get3A_374 = arith.index_cast %get3A_373 : i32 to index
        %get3A_375 = arith.index_cast %scan3A_310 : i32 to index
        %get3A_376 = arith.constant 64 : index
        %get3A_377 = tpu.vector_load %arg9[%get3A_374, %get3A_375, %get3A_376] {strides = array<i32>} : memref<2x128x272xf32, #tpu.memory_space<vmem>>, vector<16xf32>,
        %mul3A_378 = arith.mulf %gather3A_372, %get3A_377 : vector<16xf32>
        %add3A_379 = arith.addf %add3A_338, %mul3A_378 : vector<16xf32>
        %broadcast_in_dim3A_380 = arith.constant 5 : i32
        %broadcast_in_dim3A_381 = vector.broadcast %broadcast_in_dim3A_380 : i32 to vector<16x1xi32>
        %gather3A_382 = vector.shape_cast %broadcast_in_dim3A_381 : vector<16x1xi32> to vector<16xi32>
        %gather3A_383 = tpu.dynamic_gather %get3A_314[%gather3A_382] in [0] : vector<16xf32>, vector<16xi32> -> vector<16xf32>
        %get3A_384 = arith.constant 1 : i32
        %get3A_385 = arith.index_cast %get3A_384 : i32 to index
        %get3A_386 = arith.index_cast %scan3A_310 : i32 to index
        %get3A_387 = arith.constant 80 : index
        %get3A_388 = tpu.vector_load %arg9[%get3A_385, %get3A_386, %get3A_387] {strides = array<i32>} : memref<2x128x272xf32, #tpu.memory_space<vmem>>, vector<16xf32>,
        %mul3A_389 = arith.mulf %gather3A_383, %get3A_388 : vector<16xf32>
        %add3A_390 = arith.addf %mul3A_348, %mul3A_389 : vector<16xf32>
        %broadcast_in_dim3A_391 = arith.constant 6 : i32
        %broadcast_in_dim3A_392 = vector.broadcast %broadcast_in_dim3A_391 : i32 to vector<16x1xi32>
        %gather3A_393 = vector.shape_cast %broadcast_in_dim3A_392 : vector<16x1xi32> to vector<16xi32>
        %gather3A_394 = tpu.dynamic_gather %get3A_314[%gather3A_393] in [0] : vector<16xf32>, vector<16xi32> -> vector<16xf32>
        %get3A_395 = arith.constant 1 : i32
        %get3A_396 = arith.index_cast %get3A_395 : i32 to index
        %get3A_397 = arith.index_cast %scan3A_310 : i32 to index
        %get3A_398 = arith.constant 96 : index
        %get3A_399 = tpu.vector_load %arg9[%get3A_396, %get3A_397, %get3A_398] {strides = array<i32>} : memref<2x128x272xf32, #tpu.memory_space<vmem>>, vector<16xf32>,
        %mul3A_400 = arith.mulf %gather3A_394, %get3A_399 : vector<16xf32>
        %add3A_401 = arith.addf %mul3A_358, %mul3A_400 : vector<16xf32>
        %broadcast_in_dim3A_402 = arith.constant 7 : i32
        %broadcast_in_dim3A_403 = vector.broadcast %broadcast_in_dim3A_402 : i32 to vector<16x1xi32>
        %gather3A_404 = vector.shape_cast %broadcast_in_dim3A_403 : vector<16x1xi32> to vector<16xi32>
        %gather3A_405 = tpu.dynamic_gather %get3A_314[%gather3A_404] in [0] : vector<16xf32>, vector<16xi32> -> vector<16xf32>
        %get3A_406 = arith.constant 1 : i32
        %get3A_407 = arith.index_cast %get3A_406 : i32 to index
        %get3A_408 = arith.index_cast %scan3A_310 : i32 to index
        %get3A_409 = arith.constant 112 : index
        %get3A_410 = tpu.vector_load %arg9[%get3A_407, %get3A_408, %get3A_409] {strides = array<i32>} : memref<2x128x272xf32, #tpu.memory_space<vmem>>, vector<16xf32>,
        %mul3A_411 = arith.mulf %gather3A_405, %get3A_410 : vector<16xf32>
        %add3A_412 = arith.addf %mul3A_368, %mul3A_411 : vector<16xf32>
        %broadcast_in_dim3A_413 = arith.constant 8 : i32
        %broadcast_in_dim3A_414 = vector.broadcast %broadcast_in_dim3A_413 : i32 to vector<16x1xi32>
        %gather3A_415 = vector.shape_cast %broadcast_in_dim3A_414 : vector<16x1xi32> to vector<16xi32>
        %gather3A_416 = tpu.dynamic_gather %get3A_314[%gather3A_415] in [0] : vector<16xf32>, vector<16xi32> -> vector<16xf32>
        %get3A_417 = arith.constant 1 : i32
        %get3A_418 = arith.index_cast %get3A_417 : i32 to index
        %get3A_419 = arith.index_cast %scan3A_310 : i32 to index
        %get3A_420 = arith.constant 128 : index
        %get3A_421 = tpu.vector_load %arg9[%get3A_418, %get3A_419, %get3A_420] {strides = array<i32>} : memref<2x128x272xf32, #tpu.memory_space<vmem>>, vector<16xf32>,
        %mul3A_422 = arith.mulf %gather3A_416, %get3A_421 : vector<16xf32>
        %add3A_423 = arith.addf %add3A_379, %mul3A_422 : vector<16xf32>
        %broadcast_in_dim3A_424 = arith.constant 9 : i32
        %broadcast_in_dim3A_425 = vector.broadcast %broadcast_in_dim3A_424 : i32 to vector<16x1xi32>
        %gather3A_426 = vector.shape_cast %broadcast_in_dim3A_425 : vector<16x1xi32> to vector<16xi32>
        %gather3A_427 = tpu.dynamic_gather %get3A_314[%gather3A_426] in [0] : vector<16xf32>, vector<16xi32> -> vector<16xf32>
        %get3A_428 = arith.constant 1 : i32
        %get3A_429 = arith.index_cast %get3A_428 : i32 to index
        %get3A_430 = arith.index_cast %scan3A_310 : i32 to index
        %get3A_431 = arith.constant 144 : index
        %get3A_432 = tpu.vector_load %arg9[%get3A_429, %get3A_430, %get3A_431] {strides = array<i32>} : memref<2x128x272xf32, #tpu.memory_space<vmem>>, vector<16xf32>,
        %mul3A_433 = arith.mulf %gather3A_427, %get3A_432 : vector<16xf32>
        %add3A_434 = arith.addf %add3A_390, %mul3A_433 : vector<16xf32>
        %broadcast_in_dim3A_435 = arith.constant 10 : i32
        %broadcast_in_dim3A_436 = vector.broadcast %broadcast_in_dim3A_435 : i32 to vector<16x1xi32>
        %gather3A_437 = vector.shape_cast %broadcast_in_dim3A_436 : vector<16x1xi32> to vector<16xi32>
        %gather3A_438 = tpu.dynamic_gather %get3A_314[%gather3A_437] in [0] : vector<16xf32>, vector<16xi32> -> vector<16xf32>
        %get3A_439 = arith.constant 1 : i32
        %get3A_440 = arith.index_cast %get3A_439 : i32 to index
        %get3A_441 = arith.index_cast %scan3A_310 : i32 to index
        %get3A_442 = arith.constant 160 : index
        %get3A_443 = tpu.vector_load %arg9[%get3A_440, %get3A_441, %get3A_442] {strides = array<i32>} : memref<2x128x272xf32, #tpu.memory_space<vmem>>, vector<16xf32>,
        %mul3A_444 = arith.mulf %gather3A_438, %get3A_443 : vector<16xf32>
        %add3A_445 = arith.addf %add3A_401, %mul3A_444 : vector<16xf32>
        %broadcast_in_dim3A_446 = arith.constant 11 : i32
        %broadcast_in_dim3A_447 = vector.broadcast %broadcast_in_dim3A_446 : i32 to vector<16x1xi32>
        %gather3A_448 = vector.shape_cast %broadcast_in_dim3A_447 : vector<16x1xi32> to vector<16xi32>
        %gather3A_449 = tpu.dynamic_gather %get3A_314[%gather3A_448] in [0] : vector<16xf32>, vector<16xi32> -> vector<16xf32>
        %get3A_450 = arith.constant 1 : i32
        %get3A_451 = arith.index_cast %get3A_450 : i32 to index
        %get3A_452 = arith.index_cast %scan3A_310 : i32 to index
        %get3A_453 = arith.constant 176 : index
        %get3A_454 = tpu.vector_load %arg9[%get3A_451, %get3A_452, %get3A_453] {strides = array<i32>} : memref<2x128x272xf32, #tpu.memory_space<vmem>>, vector<16xf32>,
        %mul3A_455 = arith.mulf %gather3A_449, %get3A_454 : vector<16xf32>
        %add3A_456 = arith.addf %add3A_412, %mul3A_455 : vector<16xf32>
        %broadcast_in_dim3A_457 = arith.constant 12 : i32
        %broadcast_in_dim3A_458 = vector.broadcast %broadcast_in_dim3A_457 : i32 to vector<16x1xi32>
        %gather3A_459 = vector.shape_cast %broadcast_in_dim3A_458 : vector<16x1xi32> to vector<16xi32>
        %gather3A_460 = tpu.dynamic_gather %get3A_314[%gather3A_459] in [0] : vector<16xf32>, vector<16xi32> -> vector<16xf32>
        %get3A_461 = arith.constant 1 : i32
        %get3A_462 = arith.index_cast %get3A_461 : i32 to index
        %get3A_463 = arith.index_cast %scan3A_310 : i32 to index
        %get3A_464 = arith.constant 192 : index
        %get3A_465 = tpu.vector_load %arg9[%get3A_462, %get3A_463, %get3A_464] {strides = array<i32>} : memref<2x128x272xf32, #tpu.memory_space<vmem>>, vector<16xf32>,
        %mul3A_466 = arith.mulf %gather3A_460, %get3A_465 : vector<16xf32>
        %add3A_467 = arith.addf %add3A_423, %mul3A_466 : vector<16xf32>
        %broadcast_in_dim3A_468 = arith.constant 13 : i32
        %broadcast_in_dim3A_469 = vector.broadcast %broadcast_in_dim3A_468 : i32 to vector<16x1xi32>
        %gather3A_470 = vector.shape_cast %broadcast_in_dim3A_469 : vector<16x1xi32> to vector<16xi32>
        %gather3A_471 = tpu.dynamic_gather %get3A_314[%gather3A_470] in [0] : vector<16xf32>, vector<16xi32> -> vector<16xf32>
        %get3A_472 = arith.constant 1 : i32
        %get3A_473 = arith.index_cast %get3A_472 : i32 to index
        %get3A_474 = arith.index_cast %scan3A_310 : i32 to index
        %get3A_475 = arith.constant 208 : index
        %get3A_476 = tpu.vector_load %arg9[%get3A_473, %get3A_474, %get3A_475] {strides = array<i32>} : memref<2x128x272xf32, #tpu.memory_space<vmem>>, vector<16xf32>,
        %mul3A_477 = arith.mulf %gather3A_471, %get3A_476 : vector<16xf32>
        %add3A_478 = arith.addf %add3A_434, %mul3A_477 : vector<16xf32>
        %broadcast_in_dim3A_479 = arith.constant 14 : i32
        %broadcast_in_dim3A_480 = vector.broadcast %broadcast_in_dim3A_479 : i32 to vector<16x1xi32>
        %gather3A_481 = vector.shape_cast %broadcast_in_dim3A_480 : vector<16x1xi32> to vector<16xi32>
        %gather3A_482 = tpu.dynamic_gather %get3A_314[%gather3A_481] in [0] : vector<16xf32>, vector<16xi32> -> vector<16xf32>
        %get3A_483 = arith.constant 1 : i32
        %get3A_484 = arith.index_cast %get3A_483 : i32 to index
        %get3A_485 = arith.index_cast %scan3A_310 : i32 to index
        %get3A_486 = arith.constant 224 : index
        %get3A_487 = tpu.vector_load %arg9[%get3A_484, %get3A_485, %get3A_486] {strides = array<i32>} : memref<2x128x272xf32, #tpu.memory_space<vmem>>, vector<16xf32>,
        %mul3A_488 = arith.mulf %gather3A_482, %get3A_487 : vector<16xf32>
        %add3A_489 = arith.addf %add3A_445, %mul3A_488 : vector<16xf32>
        %broadcast_in_dim3A_490 = arith.constant 15 : i32
        %broadcast_in_dim3A_491 = vector.broadcast %broadcast_in_dim3A_490 : i32 to vector<16x1xi32>
        %gather3A_492 = vector.shape_cast %broadcast_in_dim3A_491 : vector<16x1xi32> to vector<16xi32>
        %gather3A_493 = tpu.dynamic_gather %get3A_314[%gather3A_492] in [0] : vector<16xf32>, vector<16xi32> -> vector<16xf32>
        %get3A_494 = arith.constant 1 : i32
        %get3A_495 = arith.index_cast %get3A_494 : i32 to index
        %get3A_496 = arith.index_cast %scan3A_310 : i32 to index
        %get3A_497 = arith.constant 240 : index
        %get3A_498 = tpu.vector_load %arg9[%get3A_495, %get3A_496, %get3A_497] {strides = array<i32>} : memref<2x128x272xf32, #tpu.memory_space<vmem>>, vector<16xf32>,
        %mul3A_499 = arith.mulf %gather3A_493, %get3A_498 : vector<16xf32>
        %add3A_500 = arith.addf %add3A_456, %mul3A_499 : vector<16xf32>
        %add3A_501 = arith.addf %add3A_467, %add3A_478 : vector<16xf32>
        %add3A_502 = arith.addf %add3A_489, %add3A_500 : vector<16xf32>
        %add3A_503 = arith.addf %add3A_501, %add3A_502 : vector<16xf32>
        %swap3A = arith.index_cast %scan3A_310 : i32 to index
        %swap3A_504 = arith.constant 0 : index
        %swap3A_505 = tpu.vector_load %arg11[%swap3A, %swap3A_504] {strides = array<i32>} : memref<128x32xf32, #tpu.memory_space<vmem>>, vector<16xf32>,
        tpu.vector_store %arg11[%swap3A, %swap3A_504], %add3A_503 {strides = array<i32>} : memref<128x32xf32, #tpu.memory_space<vmem>>, vector<16xf32>,
        %swap3A_506 = arith.index_cast %scan3A_310 : i32 to index
        %swap3A_507 = arith.constant 16 : index
        %swap3A_508 = tpu.vector_load %arg11[%swap3A_506, %swap3A_507] {strides = array<i32>} : memref<128x32xf32, #tpu.memory_space<vmem>>, vector<16xf32>,
        tpu.vector_store %arg11[%swap3A_506, %swap3A_507], %get3A_319 {strides = array<i32>} : memref<128x32xf32, #tpu.memory_space<vmem>>, vector<16xf32>,
      }
      %scan3A_275 = arith.constant 128 : i32
      %add3A_276 = arith.addi %sub3A, %add3A_242 : i32
      "tpu.region"() ({
        %run_scoped3A = tpu.sem_alloc : memref<!tpu.dma_semaphore, #tpu.memory_space<semaphore_mem>>
        %dma_start3A_310 = arith.constant 0 : i32
        %dma_start3A_311 = tpu.memref_slice %arg8[%add3A_276, %dma_start3A_310] : memref<52x128xi32, #tpu.memory_space<vmem>> -> memref<1x128xi32, #tpu.memory_space<vmem>>
        %dma_start3A_312 = tpu.memref_squeeze %dma_start3A_311 : memref<1x128xi32, #tpu.memory_space<vmem>> -> memref<128xi32, #tpu.memory_space<vmem>>
        %dma_start3A_313 = arith.constant 0 : i32
        %dma_start3A_314 = arith.constant 0 : i32
        %dma_start3A_315 = tpu.memref_slice %arg12[%dma_start3A_313, %dma_start3A_314] : memref<10240x32xf32, #tpu.memory_space<vmem_shared>> -> memref<10240x32xf32, #tpu.memory_space<vmem_shared>>
        tpu.enqueue_indirect_dma source(%arg11 : memref<128x32xf32, #tpu.memory_space<vmem>>) target(%dma_start3A_315 : memref<10240x32xf32, #tpu.memory_space<vmem_shared>>) offsets(%dma_start3A_312 : memref<128xi32, #tpu.memory_space<vmem>>) semaphore(%run_scoped3A : memref<!tpu.dma_semaphore, #tpu.memory_space<semaphore_mem>>) {add = true}
        %dma_wait3A_316 = arith.constant 0 : i32
        %dma_wait3A_317 = tpu.memref_slice %arg8[%add3A_276, %dma_wait3A_316] : memref<52x128xi32, #tpu.memory_space<vmem>> -> memref<1x128xi32, #tpu.memory_space<vmem>>
        %dma_wait3A_318 = tpu.memref_squeeze %dma_wait3A_317 : memref<1x128xi32, #tpu.memory_space<vmem>> -> memref<128xi32, #tpu.memory_space<vmem>>
        %dma_wait3A_319 = arith.constant 0 : i32
        %dma_wait3A_320 = arith.constant 0 : i32
        %dma_wait3A_321 = tpu.memref_slice %arg12[%dma_wait3A_319, %dma_wait3A_320] : memref<10240x32xf32, #tpu.memory_space<vmem_shared>> -> memref<10240x32xf32, #tpu.memory_space<vmem_shared>>
        tpu.wait_indirect_dma semaphore(%run_scoped3A : memref<!tpu.dma_semaphore, #tpu.memory_space<semaphore_mem>>) src(%arg11 : memref<128x32xf32, #tpu.memory_space<vmem>>) dst(%dma_wait3A_321 : memref<10240x32xf32, #tpu.memory_space<vmem_shared>>)
        tpu.yield
      }) : () -> ()
      %add3A_277 = arith.constant 2 : i32
      %add3A_278 = arith.addi %add3A_242, %add3A_277 : i32
      %sub3A_279 = arith.constant 1 : i32
      %sub3A_280 = arith.subi %select_n3A, %sub3A_279 : i32
      %min3A_281 = arith.minsi %add3A_278, %sub3A_280 : i32
      %add3A_282 = arith.addi %sub3A, %min3A_281 : i32
      %dma_start3A_283 = arith.constant 1 : i32
      %dma_start3A_284 = arith.constant 0 : i32
      %dma_start3A_285 = arith.constant 0 : i32
      %dma_start3A_286 = tpu.memref_slice %arg9[%dma_start3A_283, %dma_start3A_284, %dma_start3A_285] : memref<2x128x272xf32, #tpu.memory_space<vmem>> -> memref<1x128x272xf32, #tpu.memory_space<vmem>>
      %dma_start3A_287 = tpu.memref_squeeze %dma_start3A_286 : memref<1x128x272xf32, #tpu.memory_space<vmem>> -> memref<128x272xf32, #tpu.memory_space<vmem>>
      %dma_start3A_288 = arith.constant 0 : i32
      %dma_start3A_289 = tpu.memref_slice %arg7[%add3A_282, %dma_start3A_288] : memref<52x128xi32, #tpu.memory_space<vmem>> -> memref<1x128xi32, #tpu.memory_space<vmem>>
      %dma_start3A_290 = tpu.memref_squeeze %dma_start3A_289 : memref<1x128xi32, #tpu.memory_space<vmem>> -> memref<128xi32, #tpu.memory_space<vmem>>
      %dma_start3A_291 = arith.constant 0 : i32
      %dma_start3A_292 = arith.constant 0 : i32
      %dma_start3A_293 = tpu.memref_slice %arg2[%dma_start3A_291, %dma_start3A_292] : memref<10000x272xf32, #tpu.memory_space<hbm>> -> memref<10000x272xf32, #tpu.memory_space<hbm>>
      tpu.enqueue_indirect_dma source(%dma_start3A_293 : memref<10000x272xf32, #tpu.memory_space<hbm>>) target(%dma_start3A_287 : memref<128x272xf32, #tpu.memory_space<vmem>>) offsets(%dma_start3A_290 : memref<128xi32, #tpu.memory_space<vmem>>) semaphore(%arg14 : memref<!tpu.dma_semaphore, #tpu.memory_space<semaphore_mem>>)
      %add3A_294 = arith.addi %add3A, %min3A_281 : i32
      %mul3A_295 = arith.constant 128 : i32
      %mul3A_296 = arith.muli %add3A_294, %mul3A_295 : i32
      %dma_start3A_297 = arith.constant 1 : i32
      %dma_start3A_298 = arith.constant 0 : i32
      %dma_start3A_299 = arith.constant 0 : i32
      %dma_start3A_300 = tpu.memref_slice %arg10[%dma_start3A_297, %dma_start3A_298, %dma_start3A_299] : memref<2x128x32xf32, #tpu.memory_space<vmem>> -> memref<1x128x32xf32, #tpu.memory_space<vmem>>
      %dma_start3A_301 = tpu.memref_squeeze %dma_start3A_300 : memref<1x128x32xf32, #tpu.memory_space<vmem>> -> memref<128x32xf32, #tpu.memory_space<vmem>>
      %dma_start3A_302 = arith.constant 0 : i32
      %dma_start3A_303 = tpu.memref_slice %arg3[%mul3A_296, %dma_start3A_302] : memref<163840x32xf32, #tpu.memory_space<hbm>> -> memref<128x32xf32, #tpu.memory_space<hbm>>
      %dma_start3A_304 = arith.constant 0 : i32
      %dma_start3A_305 = arith.constant 0 : i32
      %dma_start3A_306 = tpu.memref_slice %arg10[%dma_start3A_297, %dma_start3A_304, %dma_start3A_305] : memref<2x128x32xf32, #tpu.memory_space<vmem>> -> memref<1x128x32xf32, #tpu.memory_space<vmem>>
      %dma_start3A_307 = tpu.memref_squeeze %dma_start3A_306 : memref<1x128x32xf32, #tpu.memory_space<vmem>> -> memref<128x32xf32, #tpu.memory_space<vmem>>
      %dma_start3A_308 = arith.constant 0 : i32
      %dma_start3A_309 = tpu.memref_slice %arg3[%mul3A_296, %dma_start3A_308] : memref<163840x32xf32, #tpu.memory_space<hbm>> -> memref<128x32xf32, #tpu.memory_space<hbm>>
      tpu.enqueue_dma source(%dma_start3A_309 : memref<128x32xf32, #tpu.memory_space<hbm>>) target(%dma_start3A_307 : memref<128x32xf32, #tpu.memory_space<vmem>>) target_semaphore(%arg16 : memref<!tpu.dma_semaphore, #tpu.memory_space<semaphore_mem>>)
    }
    %while3A_112 = arith.constant 1 : i32
    scf.for %while3A_167 = %while3A_110 to %while3A_106 step %while3A_112  : i32 {
      %mul3A_168 = arith.constant 2 : i32
      %mul3A_169 = arith.muli %while3A_167, %mul3A_168 : i32
      %add3A_170 = arith.constant 0 : i32
      %add3A_171 = arith.addi %mul3A_169, %add3A_170 : i32
      %dma_wait3A_172 = arith.constant 0 : i32
      %dma_wait3A_173 = arith.constant 0 : i32
      %dma_wait3A_174 = arith.constant 0 : i32
      %dma_wait3A_175 = arith.constant 0 : i32
      %dma_wait3A_176 = tpu.memref_slice %arg9[%dma_wait3A_173, %dma_wait3A_174, %dma_wait3A_175] : memref<2x128x272xf32, #tpu.memory_space<vmem>> -> memref<1x128x272xf32, #tpu.memory_space<vmem>>
      %dma_wait3A_177 = tpu.memref_squeeze %dma_wait3A_176 : memref<1x128x272xf32, #tpu.memory_space<vmem>> -> memref<128x272xf32, #tpu.memory_space<vmem>>
      %dma_wait3A_178 = arith.constant 0 : i32
      %dma_wait3A_179 = tpu.memref_slice %arg7[%dma_wait3A_172, %dma_wait3A_178] : memref<52x128xi32, #tpu.memory_space<vmem>> -> memref<1x128xi32, #tpu.memory_space<vmem>>
      %dma_wait3A_180 = tpu.memref_squeeze %dma_wait3A_179 : memref<1x128xi32, #tpu.memory_space<vmem>> -> memref<128xi32, #tpu.memory_space<vmem>>
      %dma_wait3A_181 = arith.constant 0 : i32
      %dma_wait3A_182 = arith.constant 0 : i32
      %dma_wait3A_183 = tpu.memref_slice %arg2[%dma_wait3A_181, %dma_wait3A_182] : memref<10000x272xf32, #tpu.memory_space<hbm>> -> memref<10000x272xf32, #tpu.memory_space<hbm>>
      tpu.wait_indirect_dma semaphore(%arg13 : memref<!tpu.dma_semaphore, #tpu.memory_space<semaphore_mem>>) src(%dma_wait3A_183 : memref<10000x272xf32, #tpu.memory_space<hbm>>) dst(%dma_wait3A_177 : memref<128x272xf32, #tpu.memory_space<vmem>>)
      %dma_wait3A_184 = arith.constant 0 : i32
      %dma_wait3A_185 = arith.constant 0 : i32
      %dma_wait3A_186 = arith.constant 0 : i32
      %dma_wait3A_187 = tpu.memref_slice %arg10[%dma_wait3A_184, %dma_wait3A_185, %dma_wait3A_186] : memref<2x128x32xf32, #tpu.memory_space<vmem>> -> memref<1x128x32xf32, #tpu.memory_space<vmem>>
      %dma_wait3A_188 = tpu.memref_squeeze %dma_wait3A_187 : memref<1x128x32xf32, #tpu.memory_space<vmem>> -> memref<128x32xf32, #tpu.memory_space<vmem>>
      %dma_wait3A_189 = arith.constant 0 : i32
      %dma_wait3A_190 = arith.constant 0 : i32
      %dma_wait3A_191 = tpu.memref_slice %arg3[%dma_wait3A_189, %dma_wait3A_190] : memref<163840x32xf32, #tpu.memory_space<hbm>> -> memref<128x32xf32, #tpu.memory_space<hbm>>
      %dma_wait3A_192 = arith.constant 0 : i32
      %dma_wait3A_193 = arith.constant 0 : i32
      %dma_wait3A_194 = tpu.memref_slice %arg10[%dma_wait3A_184, %dma_wait3A_192, %dma_wait3A_193] : memref<2x128x32xf32, #tpu.memory_space<vmem>> -> memref<1x128x32xf32, #tpu.memory_space<vmem>>
      %dma_wait3A_195 = tpu.memref_squeeze %dma_wait3A_194 : memref<1x128x32xf32, #tpu.memory_space<vmem>> -> memref<128x32xf32, #tpu.memory_space<vmem>>
      %dma_wait3A_196 = arith.constant 0 : i32
      %dma_wait3A_197 = arith.constant 0 : i32
      %dma_wait3A_198 = tpu.memref_slice %arg3[%dma_wait3A_196, %dma_wait3A_197] : memref<163840x32xf32, #tpu.memory_space<hbm>> -> memref<128x32xf32, #tpu.memory_space<hbm>>
      tpu.wait_dma2 semaphore(%arg15 : memref<!tpu.dma_semaphore, #tpu.memory_space<semaphore_mem>>) src(%dma_wait3A_198 : memref<128x32xf32, #tpu.memory_space<hbm>>) dst(%dma_wait3A_195 : memref<128x32xf32, #tpu.memory_space<vmem>>)
      %scan3A_199 = arith.constant 0 : i32
      %scan3A_200 = arith.constant 0 : i32
      %scan3A_201 = arith.constant 128 : i32
      %scan3A_202 = arith.addi %scan3A_200, %scan3A_201 : i32
      %scan3A_203 = arith.constant 1 : i32
      scf.for %scan3A_310 = %scan3A_200 to %scan3A_202 step %scan3A_203  : i32 {
        %get3A = arith.constant 0 : i32
        %get3A_311 = arith.index_cast %get3A : i32 to index
        %get3A_312 = arith.index_cast %scan3A_310 : i32 to index
        %get3A_313 = arith.constant 0 : index
        %get3A_314 = tpu.vector_load %arg10[%get3A_311, %get3A_312, %get3A_313] {strides = array<i32>} : memref<2x128x32xf32, #tpu.memory_space<vmem>>, vector<16xf32>,
        %get3A_315 = arith.constant 0 : i32
        %get3A_316 = arith.index_cast %get3A_315 : i32 to index
        %get3A_317 = arith.index_cast %scan3A_310 : i32 to index
        %get3A_318 = arith.constant 16 : index
        %get3A_319 = tpu.vector_load %arg10[%get3A_316, %get3A_317, %get3A_318] {strides = array<i32>} : memref<2x128x32xf32, #tpu.memory_space<vmem>>, vector<16xf32>,
        %broadcast_in_dim3A = arith.constant 0 : i32
        %broadcast_in_dim3A_320 = vector.broadcast %broadcast_in_dim3A : i32 to vector<16x1xi32>
        %gather3A = vector.shape_cast %broadcast_in_dim3A_320 : vector<16x1xi32> to vector<16xi32>
        %gather3A_321 = tpu.dynamic_gather %get3A_319[%gather3A] in [0] : vector<16xf32>, vector<16xi32> -> vector<16xf32>
        %get3A_322 = arith.constant 0 : i32
        %get3A_323 = arith.index_cast %get3A_322 : i32 to index
        %get3A_324 = arith.index_cast %scan3A_310 : i32 to index
        %get3A_325 = arith.constant 256 : index
        %get3A_326 = tpu.vector_load %arg9[%get3A_323, %get3A_324, %get3A_325] {strides = array<i32>} : memref<2x128x272xf32, #tpu.memory_space<vmem>>, vector<16xf32>,
        %mul3A_327 = arith.mulf %gather3A_321, %get3A_326 : vector<16xf32>
        %broadcast_in_dim3A_328 = arith.constant 0 : i32
        %broadcast_in_dim3A_329 = vector.broadcast %broadcast_in_dim3A_328 : i32 to vector<16x1xi32>
        %gather3A_330 = vector.shape_cast %broadcast_in_dim3A_329 : vector<16x1xi32> to vector<16xi32>
        %gather3A_331 = tpu.dynamic_gather %get3A_314[%gather3A_330] in [0] : vector<16xf32>, vector<16xi32> -> vector<16xf32>
        %get3A_332 = arith.constant 0 : i32
        %get3A_333 = arith.index_cast %get3A_332 : i32 to index
        %get3A_334 = arith.index_cast %scan3A_310 : i32 to index
        %get3A_335 = arith.constant 0 : index
        %get3A_336 = tpu.vector_load %arg9[%get3A_333, %get3A_334, %get3A_335] {strides = array<i32>} : memref<2x128x272xf32, #tpu.memory_space<vmem>>, vector<16xf32>,
        %mul3A_337 = arith.mulf %gather3A_331, %get3A_336 : vector<16xf32>
        %add3A_338 = arith.addf %mul3A_327, %mul3A_337 : vector<16xf32>
        %broadcast_in_dim3A_339 = arith.constant 1 : i32
        %broadcast_in_dim3A_340 = vector.broadcast %broadcast_in_dim3A_339 : i32 to vector<16x1xi32>
        %gather3A_341 = vector.shape_cast %broadcast_in_dim3A_340 : vector<16x1xi32> to vector<16xi32>
        %gather3A_342 = tpu.dynamic_gather %get3A_314[%gather3A_341] in [0] : vector<16xf32>, vector<16xi32> -> vector<16xf32>
        %get3A_343 = arith.constant 0 : i32
        %get3A_344 = arith.index_cast %get3A_343 : i32 to index
        %get3A_345 = arith.index_cast %scan3A_310 : i32 to index
        %get3A_346 = arith.constant 16 : index
        %get3A_347 = tpu.vector_load %arg9[%get3A_344, %get3A_345, %get3A_346] {strides = array<i32>} : memref<2x128x272xf32, #tpu.memory_space<vmem>>, vector<16xf32>,
        %mul3A_348 = arith.mulf %gather3A_342, %get3A_347 : vector<16xf32>
        %broadcast_in_dim3A_349 = arith.constant 2 : i32
        %broadcast_in_dim3A_350 = vector.broadcast %broadcast_in_dim3A_349 : i32 to vector<16x1xi32>
        %gather3A_351 = vector.shape_cast %broadcast_in_dim3A_350 : vector<16x1xi32> to vector<16xi32>
        %gather3A_352 = tpu.dynamic_gather %get3A_314[%gather3A_351] in [0] : vector<16xf32>, vector<16xi32> -> vector<16xf32>
        %get3A_353 = arith.constant 0 : i32
        %get3A_354 = arith.index_cast %get3A_353 : i32 to index
        %get3A_355 = arith.index_cast %scan3A_310 : i32 to index
        %get3A_356 = arith.constant 32 : index
        %get3A_357 = tpu.vector_load %arg9[%get3A_354, %get3A_355, %get3A_356] {strides = array<i32>} : memref<2x128x272xf32, #tpu.memory_space<vmem>>, vector<16xf32>,
        %mul3A_358 = arith.mulf %gather3A_352, %get3A_357 : vector<16xf32>
        %broadcast_in_dim3A_359 = arith.constant 3 : i32
        %broadcast_in_dim3A_360 = vector.broadcast %broadcast_in_dim3A_359 : i32 to vector<16x1xi32>
        %gather3A_361 = vector.shape_cast %broadcast_in_dim3A_360 : vector<16x1xi32> to vector<16xi32>
        %gather3A_362 = tpu.dynamic_gather %get3A_314[%gather3A_361] in [0] : vector<16xf32>, vector<16xi32> -> vector<16xf32>
        %get3A_363 = arith.constant 0 : i32
        %get3A_364 = arith.index_cast %get3A_363 : i32 to index
        %get3A_365 = arith.index_cast %scan3A_310 : i32 to index
        %get3A_366 = arith.constant 48 : index
        %get3A_367 = tpu.vector_load %arg9[%get3A_364, %get3A_365, %get3A_366] {strides = array<i32>} : memref<2x128x272xf32, #tpu.memory_space<vmem>>, vector<16xf32>,
        %mul3A_368 = arith.mulf %gather3A_362, %get3A_367 : vector<16xf32>
        %broadcast_in_dim3A_369 = arith.constant 4 : i32
        %broadcast_in_dim3A_370 = vector.broadcast %broadcast_in_dim3A_369 : i32 to vector<16x1xi32>
        %gather3A_371 = vector.shape_cast %broadcast_in_dim3A_370 : vector<16x1xi32> to vector<16xi32>
        %gather3A_372 = tpu.dynamic_gather %get3A_314[%gather3A_371] in [0] : vector<16xf32>, vector<16xi32> -> vector<16xf32>
        %get3A_373 = arith.constant 0 : i32
        %get3A_374 = arith.index_cast %get3A_373 : i32 to index
        %get3A_375 = arith.index_cast %scan3A_310 : i32 to index
        %get3A_376 = arith.constant 64 : index
        %get3A_377 = tpu.vector_load %arg9[%get3A_374, %get3A_375, %get3A_376] {strides = array<i32>} : memref<2x128x272xf32, #tpu.memory_space<vmem>>, vector<16xf32>,
        %mul3A_378 = arith.mulf %gather3A_372, %get3A_377 : vector<16xf32>
        %add3A_379 = arith.addf %add3A_338, %mul3A_378 : vector<16xf32>
        %broadcast_in_dim3A_380 = arith.constant 5 : i32
        %broadcast_in_dim3A_381 = vector.broadcast %broadcast_in_dim3A_380 : i32 to vector<16x1xi32>
        %gather3A_382 = vector.shape_cast %broadcast_in_dim3A_381 : vector<16x1xi32> to vector<16xi32>
        %gather3A_383 = tpu.dynamic_gather %get3A_314[%gather3A_382] in [0] : vector<16xf32>, vector<16xi32> -> vector<16xf32>
        %get3A_384 = arith.constant 0 : i32
        %get3A_385 = arith.index_cast %get3A_384 : i32 to index
        %get3A_386 = arith.index_cast %scan3A_310 : i32 to index
        %get3A_387 = arith.constant 80 : index
        %get3A_388 = tpu.vector_load %arg9[%get3A_385, %get3A_386, %get3A_387] {strides = array<i32>} : memref<2x128x272xf32, #tpu.memory_space<vmem>>, vector<16xf32>,
        %mul3A_389 = arith.mulf %gather3A_383, %get3A_388 : vector<16xf32>
        %add3A_390 = arith.addf %mul3A_348, %mul3A_389 : vector<16xf32>
        %broadcast_in_dim3A_391 = arith.constant 6 : i32
        %broadcast_in_dim3A_392 = vector.broadcast %broadcast_in_dim3A_391 : i32 to vector<16x1xi32>
        %gather3A_393 = vector.shape_cast %broadcast_in_dim3A_392 : vector<16x1xi32> to vector<16xi32>
        %gather3A_394 = tpu.dynamic_gather %get3A_314[%gather3A_393] in [0] : vector<16xf32>, vector<16xi32> -> vector<16xf32>
        %get3A_395 = arith.constant 0 : i32
        %get3A_396 = arith.index_cast %get3A_395 : i32 to index
        %get3A_397 = arith.index_cast %scan3A_310 : i32 to index
        %get3A_398 = arith.constant 96 : index
        %get3A_399 = tpu.vector_load %arg9[%get3A_396, %get3A_397, %get3A_398] {strides = array<i32>} : memref<2x128x272xf32, #tpu.memory_space<vmem>>, vector<16xf32>,
        %mul3A_400 = arith.mulf %gather3A_394, %get3A_399 : vector<16xf32>
        %add3A_401 = arith.addf %mul3A_358, %mul3A_400 : vector<16xf32>
        %broadcast_in_dim3A_402 = arith.constant 7 : i32
        %broadcast_in_dim3A_403 = vector.broadcast %broadcast_in_dim3A_402 : i32 to vector<16x1xi32>
        %gather3A_404 = vector.shape_cast %broadcast_in_dim3A_403 : vector<16x1xi32> to vector<16xi32>
        %gather3A_405 = tpu.dynamic_gather %get3A_314[%gather3A_404] in [0] : vector<16xf32>, vector<16xi32> -> vector<16xf32>
        %get3A_406 = arith.constant 0 : i32
        %get3A_407 = arith.index_cast %get3A_406 : i32 to index
        %get3A_408 = arith.index_cast %scan3A_310 : i32 to index
        %get3A_409 = arith.constant 112 : index
        %get3A_410 = tpu.vector_load %arg9[%get3A_407, %get3A_408, %get3A_409] {strides = array<i32>} : memref<2x128x272xf32, #tpu.memory_space<vmem>>, vector<16xf32>,
        %mul3A_411 = arith.mulf %gather3A_405, %get3A_410 : vector<16xf32>
        %add3A_412 = arith.addf %mul3A_368, %mul3A_411 : vector<16xf32>
        %broadcast_in_dim3A_413 = arith.constant 8 : i32
        %broadcast_in_dim3A_414 = vector.broadcast %broadcast_in_dim3A_413 : i32 to vector<16x1xi32>
        %gather3A_415 = vector.shape_cast %broadcast_in_dim3A_414 : vector<16x1xi32> to vector<16xi32>
        %gather3A_416 = tpu.dynamic_gather %get3A_314[%gather3A_415] in [0] : vector<16xf32>, vector<16xi32> -> vector<16xf32>
        %get3A_417 = arith.constant 0 : i32
        %get3A_418 = arith.index_cast %get3A_417 : i32 to index
        %get3A_419 = arith.index_cast %scan3A_310 : i32 to index
        %get3A_420 = arith.constant 128 : index
        %get3A_421 = tpu.vector_load %arg9[%get3A_418, %get3A_419, %get3A_420] {strides = array<i32>} : memref<2x128x272xf32, #tpu.memory_space<vmem>>, vector<16xf32>,
        %mul3A_422 = arith.mulf %gather3A_416, %get3A_421 : vector<16xf32>
        %add3A_423 = arith.addf %add3A_379, %mul3A_422 : vector<16xf32>
        %broadcast_in_dim3A_424 = arith.constant 9 : i32
        %broadcast_in_dim3A_425 = vector.broadcast %broadcast_in_dim3A_424 : i32 to vector<16x1xi32>
        %gather3A_426 = vector.shape_cast %broadcast_in_dim3A_425 : vector<16x1xi32> to vector<16xi32>
        %gather3A_427 = tpu.dynamic_gather %get3A_314[%gather3A_426] in [0] : vector<16xf32>, vector<16xi32> -> vector<16xf32>
        %get3A_428 = arith.constant 0 : i32
        %get3A_429 = arith.index_cast %get3A_428 : i32 to index
        %get3A_430 = arith.index_cast %scan3A_310 : i32 to index
        %get3A_431 = arith.constant 144 : index
        %get3A_432 = tpu.vector_load %arg9[%get3A_429, %get3A_430, %get3A_431] {strides = array<i32>} : memref<2x128x272xf32, #tpu.memory_space<vmem>>, vector<16xf32>,
        %mul3A_433 = arith.mulf %gather3A_427, %get3A_432 : vector<16xf32>
        %add3A_434 = arith.addf %add3A_390, %mul3A_433 : vector<16xf32>
        %broadcast_in_dim3A_435 = arith.constant 10 : i32
        %broadcast_in_dim3A_436 = vector.broadcast %broadcast_in_dim3A_435 : i32 to vector<16x1xi32>
        %gather3A_437 = vector.shape_cast %broadcast_in_dim3A_436 : vector<16x1xi32> to vector<16xi32>
        %gather3A_438 = tpu.dynamic_gather %get3A_314[%gather3A_437] in [0] : vector<16xf32>, vector<16xi32> -> vector<16xf32>
        %get3A_439 = arith.constant 0 : i32
        %get3A_440 = arith.index_cast %get3A_439 : i32 to index
        %get3A_441 = arith.index_cast %scan3A_310 : i32 to index
        %get3A_442 = arith.constant 160 : index
        %get3A_443 = tpu.vector_load %arg9[%get3A_440, %get3A_441, %get3A_442] {strides = array<i32>} : memref<2x128x272xf32, #tpu.memory_space<vmem>>, vector<16xf32>,
        %mul3A_444 = arith.mulf %gather3A_438, %get3A_443 : vector<16xf32>
        %add3A_445 = arith.addf %add3A_401, %mul3A_444 : vector<16xf32>
        %broadcast_in_dim3A_446 = arith.constant 11 : i32
        %broadcast_in_dim3A_447 = vector.broadcast %broadcast_in_dim3A_446 : i32 to vector<16x1xi32>
        %gather3A_448 = vector.shape_cast %broadcast_in_dim3A_447 : vector<16x1xi32> to vector<16xi32>
        %gather3A_449 = tpu.dynamic_gather %get3A_314[%gather3A_448] in [0] : vector<16xf32>, vector<16xi32> -> vector<16xf32>
        %get3A_450 = arith.constant 0 : i32
        %get3A_451 = arith.index_cast %get3A_450 : i32 to index
        %get3A_452 = arith.index_cast %scan3A_310 : i32 to index
        %get3A_453 = arith.constant 176 : index
        %get3A_454 = tpu.vector_load %arg9[%get3A_451, %get3A_452, %get3A_453] {strides = array<i32>} : memref<2x128x272xf32, #tpu.memory_space<vmem>>, vector<16xf32>,
        %mul3A_455 = arith.mulf %gather3A_449, %get3A_454 : vector<16xf32>
        %add3A_456 = arith.addf %add3A_412, %mul3A_455 : vector<16xf32>
        %broadcast_in_dim3A_457 = arith.constant 12 : i32
        %broadcast_in_dim3A_458 = vector.broadcast %broadcast_in_dim3A_457 : i32 to vector<16x1xi32>
        %gather3A_459 = vector.shape_cast %broadcast_in_dim3A_458 : vector<16x1xi32> to vector<16xi32>
        %gather3A_460 = tpu.dynamic_gather %get3A_314[%gather3A_459] in [0] : vector<16xf32>, vector<16xi32> -> vector<16xf32>
        %get3A_461 = arith.constant 0 : i32
        %get3A_462 = arith.index_cast %get3A_461 : i32 to index
        %get3A_463 = arith.index_cast %scan3A_310 : i32 to index
        %get3A_464 = arith.constant 192 : index
        %get3A_465 = tpu.vector_load %arg9[%get3A_462, %get3A_463, %get3A_464] {strides = array<i32>} : memref<2x128x272xf32, #tpu.memory_space<vmem>>, vector<16xf32>,
        %mul3A_466 = arith.mulf %gather3A_460, %get3A_465 : vector<16xf32>
        %add3A_467 = arith.addf %add3A_423, %mul3A_466 : vector<16xf32>
        %broadcast_in_dim3A_468 = arith.constant 13 : i32
        %broadcast_in_dim3A_469 = vector.broadcast %broadcast_in_dim3A_468 : i32 to vector<16x1xi32>
        %gather3A_470 = vector.shape_cast %broadcast_in_dim3A_469 : vector<16x1xi32> to vector<16xi32>
        %gather3A_471 = tpu.dynamic_gather %get3A_314[%gather3A_470] in [0] : vector<16xf32>, vector<16xi32> -> vector<16xf32>
        %get3A_472 = arith.constant 0 : i32
        %get3A_473 = arith.index_cast %get3A_472 : i32 to index
        %get3A_474 = arith.index_cast %scan3A_310 : i32 to index
        %get3A_475 = arith.constant 208 : index
        %get3A_476 = tpu.vector_load %arg9[%get3A_473, %get3A_474, %get3A_475] {strides = array<i32>} : memref<2x128x272xf32, #tpu.memory_space<vmem>>, vector<16xf32>,
        %mul3A_477 = arith.mulf %gather3A_471, %get3A_476 : vector<16xf32>
        %add3A_478 = arith.addf %add3A_434, %mul3A_477 : vector<16xf32>
        %broadcast_in_dim3A_479 = arith.constant 14 : i32
        %broadcast_in_dim3A_480 = vector.broadcast %broadcast_in_dim3A_479 : i32 to vector<16x1xi32>
        %gather3A_481 = vector.shape_cast %broadcast_in_dim3A_480 : vector<16x1xi32> to vector<16xi32>
        %gather3A_482 = tpu.dynamic_gather %get3A_314[%gather3A_481] in [0] : vector<16xf32>, vector<16xi32> -> vector<16xf32>
        %get3A_483 = arith.constant 0 : i32
        %get3A_484 = arith.index_cast %get3A_483 : i32 to index
        %get3A_485 = arith.index_cast %scan3A_310 : i32 to index
        %get3A_486 = arith.constant 224 : index
        %get3A_487 = tpu.vector_load %arg9[%get3A_484, %get3A_485, %get3A_486] {strides = array<i32>} : memref<2x128x272xf32, #tpu.memory_space<vmem>>, vector<16xf32>,
        %mul3A_488 = arith.mulf %gather3A_482, %get3A_487 : vector<16xf32>
        %add3A_489 = arith.addf %add3A_445, %mul3A_488 : vector<16xf32>
        %broadcast_in_dim3A_490 = arith.constant 15 : i32
        %broadcast_in_dim3A_491 = vector.broadcast %broadcast_in_dim3A_490 : i32 to vector<16x1xi32>
        %gather3A_492 = vector.shape_cast %broadcast_in_dim3A_491 : vector<16x1xi32> to vector<16xi32>
        %gather3A_493 = tpu.dynamic_gather %get3A_314[%gather3A_492] in [0] : vector<16xf32>, vector<16xi32> -> vector<16xf32>
        %get3A_494 = arith.constant 0 : i32
        %get3A_495 = arith.index_cast %get3A_494 : i32 to index
        %get3A_496 = arith.index_cast %scan3A_310 : i32 to index
        %get3A_497 = arith.constant 240 : index
        %get3A_498 = tpu.vector_load %arg9[%get3A_495, %get3A_496, %get3A_497] {strides = array<i32>} : memref<2x128x272xf32, #tpu.memory_space<vmem>>, vector<16xf32>,
        %mul3A_499 = arith.mulf %gather3A_493, %get3A_498 : vector<16xf32>
        %add3A_500 = arith.addf %add3A_456, %mul3A_499 : vector<16xf32>
        %add3A_501 = arith.addf %add3A_467, %add3A_478 : vector<16xf32>
        %add3A_502 = arith.addf %add3A_489, %add3A_500 : vector<16xf32>
        %add3A_503 = arith.addf %add3A_501, %add3A_502 : vector<16xf32>
        %swap3A = arith.index_cast %scan3A_310 : i32 to index
        %swap3A_504 = arith.constant 0 : index
        %swap3A_505 = tpu.vector_load %arg11[%swap3A, %swap3A_504] {strides = array<i32>} : memref<128x32xf32, #tpu.memory_space<vmem>>, vector<16xf32>,
        tpu.vector_store %arg11[%swap3A, %swap3A_504], %add3A_503 {strides = array<i32>} : memref<128x32xf32, #tpu.memory_space<vmem>>, vector<16xf32>,
        %swap3A_506 = arith.index_cast %scan3A_310 : i32 to index
        %swap3A_507 = arith.constant 16 : index
        %swap3A_508 = tpu.vector_load %arg11[%swap3A_506, %swap3A_507] {strides = array<i32>} : memref<128x32xf32, #tpu.memory_space<vmem>>, vector<16xf32>,
        tpu.vector_store %arg11[%swap3A_506, %swap3A_507], %get3A_319 {strides = array<i32>} : memref<128x32xf32, #tpu.memory_space<vmem>>, vector<16xf32>,
      }
      %scan3A_204 = arith.constant 128 : i32
      %add3A_205 = arith.addi %sub3A, %add3A_171 : i32
      "tpu.region"() ({
        %run_scoped3A = tpu.sem_alloc : memref<!tpu.dma_semaphore, #tpu.memory_space<semaphore_mem>>
        %dma_start3A_310 = arith.constant 0 : i32
        %dma_start3A_311 = tpu.memref_slice %arg8[%add3A_205, %dma_start3A_310] : memref<52x128xi32, #tpu.memory_space<vmem>> -> memref<1x128xi32, #tpu.memory_space<vmem>>
        %dma_start3A_312 = tpu.memref_squeeze %dma_start3A_311 : memref<1x128xi32, #tpu.memory_space<vmem>> -> memref<128xi32, #tpu.memory_space<vmem>>
        %dma_start3A_313 = arith.constant 0 : i32
        %dma_start3A_314 = arith.constant 0 : i32
        %dma_start3A_315 = tpu.memref_slice %arg12[%dma_start3A_313, %dma_start3A_314] : memref<10240x32xf32, #tpu.memory_space<vmem_shared>> -> memref<10240x32xf32, #tpu.memory_space<vmem_shared>>
        tpu.enqueue_indirect_dma source(%arg11 : memref<128x32xf32, #tpu.memory_space<vmem>>) target(%dma_start3A_315 : memref<10240x32xf32, #tpu.memory_space<vmem_shared>>) offsets(%dma_start3A_312 : memref<128xi32, #tpu.memory_space<vmem>>) semaphore(%run_scoped3A : memref<!tpu.dma_semaphore, #tpu.memory_space<semaphore_mem>>) {add = true}
        %dma_wait3A_316 = arith.constant 0 : i32
        %dma_wait3A_317 = tpu.memref_slice %arg8[%add3A_205, %dma_wait3A_316] : memref<52x128xi32, #tpu.memory_space<vmem>> -> memref<1x128xi32, #tpu.memory_space<vmem>>
        %dma_wait3A_318 = tpu.memref_squeeze %dma_wait3A_317 : memref<1x128xi32, #tpu.memory_space<vmem>> -> memref<128xi32, #tpu.memory_space<vmem>>
        %dma_wait3A_319 = arith.constant 0 : i32
        %dma_wait3A_320 = arith.constant 0 : i32
        %dma_wait3A_321 = tpu.memref_slice %arg12[%dma_wait3A_319, %dma_wait3A_320] : memref<10240x32xf32, #tpu.memory_space<vmem_shared>> -> memref<10240x32xf32, #tpu.memory_space<vmem_shared>>
        tpu.wait_indirect_dma semaphore(%run_scoped3A : memref<!tpu.dma_semaphore, #tpu.memory_space<semaphore_mem>>) src(%arg11 : memref<128x32xf32, #tpu.memory_space<vmem>>) dst(%dma_wait3A_321 : memref<10240x32xf32, #tpu.memory_space<vmem_shared>>)
        tpu.yield
      }) : () -> ()
      %add3A_206 = arith.constant 2 : i32
      %add3A_207 = arith.addi %add3A_171, %add3A_206 : i32
      %sub3A_208 = arith.constant 1 : i32
      %sub3A_209 = arith.subi %select_n3A, %sub3A_208 : i32
      %min3A_210 = arith.minsi %add3A_207, %sub3A_209 : i32
      %add3A_211 = arith.addi %sub3A, %min3A_210 : i32
      %dma_start3A_212 = arith.constant 0 : i32
      %dma_start3A_213 = arith.constant 0 : i32
      %dma_start3A_214 = arith.constant 0 : i32
      %dma_start3A_215 = tpu.memref_slice %arg9[%dma_start3A_212, %dma_start3A_213, %dma_start3A_214] : memref<2x128x272xf32, #tpu.memory_space<vmem>> -> memref<1x128x272xf32, #tpu.memory_space<vmem>>
      %dma_start3A_216 = tpu.memref_squeeze %dma_start3A_215 : memref<1x128x272xf32, #tpu.memory_space<vmem>> -> memref<128x272xf32, #tpu.memory_space<vmem>>
      %dma_start3A_217 = arith.constant 0 : i32
      %dma_start3A_218 = tpu.memref_slice %arg7[%add3A_211, %dma_start3A_217] : memref<52x128xi32, #tpu.memory_space<vmem>> -> memref<1x128xi32, #tpu.memory_space<vmem>>
      %dma_start3A_219 = tpu.memref_squeeze %dma_start3A_218 : memref<1x128xi32, #tpu.memory_space<vmem>> -> memref<128xi32, #tpu.memory_space<vmem>>
      %dma_start3A_220 = arith.constant 0 : i32
      %dma_start3A_221 = arith.constant 0 : i32
      %dma_start3A_222 = tpu.memref_slice %arg2[%dma_start3A_220, %dma_start3A_221] : memref<10000x272xf32, #tpu.memory_space<hbm>> -> memref<10000x272xf32, #tpu.memory_space<hbm>>
      tpu.enqueue_indirect_dma source(%dma_start3A_222 : memref<10000x272xf32, #tpu.memory_space<hbm>>) target(%dma_start3A_216 : memref<128x272xf32, #tpu.memory_space<vmem>>) offsets(%dma_start3A_219 : memref<128xi32, #tpu.memory_space<vmem>>) semaphore(%arg13 : memref<!tpu.dma_semaphore, #tpu.memory_space<semaphore_mem>>)
      %add3A_223 = arith.addi %add3A, %min3A_210 : i32
      %mul3A_224 = arith.constant 128 : i32
      %mul3A_225 = arith.muli %add3A_223, %mul3A_224 : i32
      %dma_start3A_226 = arith.constant 0 : i32
      %dma_start3A_227 = arith.constant 0 : i32
      %dma_start3A_228 = arith.constant 0 : i32
      %dma_start3A_229 = tpu.memref_slice %arg10[%dma_start3A_226, %dma_start3A_227, %dma_start3A_228] : memref<2x128x32xf32, #tpu.memory_space<vmem>> -> memref<1x128x32xf32, #tpu.memory_space<vmem>>
      %dma_start3A_230 = tpu.memref_squeeze %dma_start3A_229 : memref<1x128x32xf32, #tpu.memory_space<vmem>> -> memref<128x32xf32, #tpu.memory_space<vmem>>
      %dma_start3A_231 = arith.constant 0 : i32
      %dma_start3A_232 = tpu.memref_slice %arg3[%mul3A_225, %dma_start3A_231] : memref<163840x32xf32, #tpu.memory_space<hbm>> -> memref<128x32xf32, #tpu.memory_space<hbm>>
      %dma_start3A_233 = arith.constant 0 : i32
      %dma_start3A_234 = arith.constant 0 : i32
      %dma_start3A_235 = tpu.memref_slice %arg10[%dma_start3A_226, %dma_start3A_233, %dma_start3A_234] : memref<2x128x32xf32, #tpu.memory_space<vmem>> -> memref<1x128x32xf32, #tpu.memory_space<vmem>>
      %dma_start3A_236 = tpu.memref_squeeze %dma_start3A_235 : memref<1x128x32xf32, #tpu.memory_space<vmem>> -> memref<128x32xf32, #tpu.memory_space<vmem>>
      %dma_start3A_237 = arith.constant 0 : i32
      %dma_start3A_238 = tpu.memref_slice %arg3[%mul3A_225, %dma_start3A_237] : memref<163840x32xf32, #tpu.memory_space<hbm>> -> memref<128x32xf32, #tpu.memory_space<hbm>>
      tpu.enqueue_dma source(%dma_start3A_238 : memref<128x32xf32, #tpu.memory_space<hbm>>) target(%dma_start3A_236 : memref<128x32xf32, #tpu.memory_space<vmem>>) target_semaphore(%arg15 : memref<!tpu.dma_semaphore, #tpu.memory_space<semaphore_mem>>)
      %mul3A_239 = arith.constant 2 : i32
      %mul3A_240 = arith.muli %while3A_167, %mul3A_239 : i32
      %add3A_241 = arith.constant 1 : i32
      %add3A_242 = arith.addi %mul3A_240, %add3A_241 : i32
      %dma_wait3A_243 = arith.constant 0 : i32
      %dma_wait3A_244 = arith.constant 1 : i32
      %dma_wait3A_245 = arith.constant 0 : i32
      %dma_wait3A_246 = arith.constant 0 : i32
      %dma_wait3A_247 = tpu.memref_slice %arg9[%dma_wait3A_244, %dma_wait3A_245, %dma_wait3A_246] : memref<2x128x272xf32, #tpu.memory_space<vmem>> -> memref<1x128x272xf32, #tpu.memory_space<vmem>>
      %dma_wait3A_248 = tpu.memref_squeeze %dma_wait3A_247 : memref<1x128x272xf32, #tpu.memory_space<vmem>> -> memref<128x272xf32, #tpu.memory_space<vmem>>
      %dma_wait3A_249 = arith.constant 0 : i32
      %dma_wait3A_250 = tpu.memref_slice %arg7[%dma_wait3A_243, %dma_wait3A_249] : memref<52x128xi32, #tpu.memory_space<vmem>> -> memref<1x128xi32, #tpu.memory_space<vmem>>
      %dma_wait3A_251 = tpu.memref_squeeze %dma_wait3A_250 : memref<1x128xi32, #tpu.memory_space<vmem>> -> memref<128xi32, #tpu.memory_space<vmem>>
      %dma_wait3A_252 = arith.constant 0 : i32
      %dma_wait3A_253 = arith.constant 0 : i32
      %dma_wait3A_254 = tpu.memref_slice %arg2[%dma_wait3A_252, %dma_wait3A_253] : memref<10000x272xf32, #tpu.memory_space<hbm>> -> memref<10000x272xf32, #tpu.memory_space<hbm>>
      tpu.wait_indirect_dma semaphore(%arg14 : memref<!tpu.dma_semaphore, #tpu.memory_space<semaphore_mem>>) src(%dma_wait3A_254 : memref<10000x272xf32, #tpu.memory_space<hbm>>) dst(%dma_wait3A_248 : memref<128x272xf32, #tpu.memory_space<vmem>>)
      %dma_wait3A_255 = arith.constant 1 : i32
      %dma_wait3A_256 = arith.constant 0 : i32
      %dma_wait3A_257 = arith.constant 0 : i32
      %dma_wait3A_258 = tpu.memref_slice %arg10[%dma_wait3A_255, %dma_wait3A_256, %dma_wait3A_257] : memref<2x128x32xf32, #tpu.memory_space<vmem>> -> memref<1x128x32xf32, #tpu.memory_space<vmem>>
      %dma_wait3A_259 = tpu.memref_squeeze %dma_wait3A_258 : memref<1x128x32xf32, #tpu.memory_space<vmem>> -> memref<128x32xf32, #tpu.memory_space<vmem>>
      %dma_wait3A_260 = arith.constant 0 : i32
      %dma_wait3A_261 = arith.constant 0 : i32
      %dma_wait3A_262 = tpu.memref_slice %arg3[%dma_wait3A_260, %dma_wait3A_261] : memref<163840x32xf32, #tpu.memory_space<hbm>> -> memref<128x32xf32, #tpu.memory_space<hbm>>
      %dma_wait3A_263 = arith.constant 0 : i32
      %dma_wait3A_264 = arith.constant 0 : i32
      %dma_wait3A_265 = tpu.memref_slice %arg10[%dma_wait3A_255, %dma_wait3A_263, %dma_wait3A_264] : memref<2x128x32xf32, #tpu.memory_space<vmem>> -> memref<1x128x32xf32, #tpu.memory_space<vmem>>
      %dma_wait3A_266 = tpu.memref_squeeze %dma_wait3A_265 : memref<1x128x32xf32, #tpu.memory_space<vmem>> -> memref<128x32xf32, #tpu.memory_space<vmem>>
      %dma_wait3A_267 = arith.constant 0 : i32
      %dma_wait3A_268 = arith.constant 0 : i32
      %dma_wait3A_269 = tpu.memref_slice %arg3[%dma_wait3A_267, %dma_wait3A_268] : memref<163840x32xf32, #tpu.memory_space<hbm>> -> memref<128x32xf32, #tpu.memory_space<hbm>>
      tpu.wait_dma2 semaphore(%arg16 : memref<!tpu.dma_semaphore, #tpu.memory_space<semaphore_mem>>) src(%dma_wait3A_269 : memref<128x32xf32, #tpu.memory_space<hbm>>) dst(%dma_wait3A_266 : memref<128x32xf32, #tpu.memory_space<vmem>>)
      %scan3A_270 = arith.constant 0 : i32
      %scan3A_271 = arith.constant 0 : i32
      %scan3A_272 = arith.constant 128 : i32
      %scan3A_273 = arith.addi %scan3A_271, %scan3A_272 : i32
      %scan3A_274 = arith.constant 1 : i32
      scf.for %scan3A_310 = %scan3A_271 to %scan3A_273 step %scan3A_274  : i32 {
        %get3A = arith.constant 1 : i32
        %get3A_311 = arith.index_cast %get3A : i32 to index
        %get3A_312 = arith.index_cast %scan3A_310 : i32 to index
        %get3A_313 = arith.constant 0 : index
        %get3A_314 = tpu.vector_load %arg10[%get3A_311, %get3A_312, %get3A_313] {strides = array<i32>} : memref<2x128x32xf32, #tpu.memory_space<vmem>>, vector<16xf32>,
        %get3A_315 = arith.constant 1 : i32
        %get3A_316 = arith.index_cast %get3A_315 : i32 to index
        %get3A_317 = arith.index_cast %scan3A_310 : i32 to index
        %get3A_318 = arith.constant 16 : index
        %get3A_319 = tpu.vector_load %arg10[%get3A_316, %get3A_317, %get3A_318] {strides = array<i32>} : memref<2x128x32xf32, #tpu.memory_space<vmem>>, vector<16xf32>,
        %broadcast_in_dim3A = arith.constant 0 : i32
        %broadcast_in_dim3A_320 = vector.broadcast %broadcast_in_dim3A : i32 to vector<16x1xi32>
        %gather3A = vector.shape_cast %broadcast_in_dim3A_320 : vector<16x1xi32> to vector<16xi32>
        %gather3A_321 = tpu.dynamic_gather %get3A_319[%gather3A] in [0] : vector<16xf32>, vector<16xi32> -> vector<16xf32>
        %get3A_322 = arith.constant 1 : i32
        %get3A_323 = arith.index_cast %get3A_322 : i32 to index
        %get3A_324 = arith.index_cast %scan3A_310 : i32 to index
        %get3A_325 = arith.constant 256 : index
        %get3A_326 = tpu.vector_load %arg9[%get3A_323, %get3A_324, %get3A_325] {strides = array<i32>} : memref<2x128x272xf32, #tpu.memory_space<vmem>>, vector<16xf32>,
        %mul3A_327 = arith.mulf %gather3A_321, %get3A_326 : vector<16xf32>
        %broadcast_in_dim3A_328 = arith.constant 0 : i32
        %broadcast_in_dim3A_329 = vector.broadcast %broadcast_in_dim3A_328 : i32 to vector<16x1xi32>
        %gather3A_330 = vector.shape_cast %broadcast_in_dim3A_329 : vector<16x1xi32> to vector<16xi32>
        %gather3A_331 = tpu.dynamic_gather %get3A_314[%gather3A_330] in [0] : vector<16xf32>, vector<16xi32> -> vector<16xf32>
        %get3A_332 = arith.constant 1 : i32
        %get3A_333 = arith.index_cast %get3A_332 : i32 to index
        %get3A_334 = arith.index_cast %scan3A_310 : i32 to index
        %get3A_335 = arith.constant 0 : index
        %get3A_336 = tpu.vector_load %arg9[%get3A_333, %get3A_334, %get3A_335] {strides = array<i32>} : memref<2x128x272xf32, #tpu.memory_space<vmem>>, vector<16xf32>,
        %mul3A_337 = arith.mulf %gather3A_331, %get3A_336 : vector<16xf32>
        %add3A_338 = arith.addf %mul3A_327, %mul3A_337 : vector<16xf32>
        %broadcast_in_dim3A_339 = arith.constant 1 : i32
        %broadcast_in_dim3A_340 = vector.broadcast %broadcast_in_dim3A_339 : i32 to vector<16x1xi32>
        %gather3A_341 = vector.shape_cast %broadcast_in_dim3A_340 : vector<16x1xi32> to vector<16xi32>
        %gather3A_342 = tpu.dynamic_gather %get3A_314[%gather3A_341] in [0] : vector<16xf32>, vector<16xi32> -> vector<16xf32>
        %get3A_343 = arith.constant 1 : i32
        %get3A_344 = arith.index_cast %get3A_343 : i32 to index
        %get3A_345 = arith.index_cast %scan3A_310 : i32 to index
        %get3A_346 = arith.constant 16 : index
        %get3A_347 = tpu.vector_load %arg9[%get3A_344, %get3A_345, %get3A_346] {strides = array<i32>} : memref<2x128x272xf32, #tpu.memory_space<vmem>>, vector<16xf32>,
        %mul3A_348 = arith.mulf %gather3A_342, %get3A_347 : vector<16xf32>
        %broadcast_in_dim3A_349 = arith.constant 2 : i32
        %broadcast_in_dim3A_350 = vector.broadcast %broadcast_in_dim3A_349 : i32 to vector<16x1xi32>
        %gather3A_351 = vector.shape_cast %broadcast_in_dim3A_350 : vector<16x1xi32> to vector<16xi32>
        %gather3A_352 = tpu.dynamic_gather %get3A_314[%gather3A_351] in [0] : vector<16xf32>, vector<16xi32> -> vector<16xf32>
        %get3A_353 = arith.constant 1 : i32
        %get3A_354 = arith.index_cast %get3A_353 : i32 to index
        %get3A_355 = arith.index_cast %scan3A_310 : i32 to index
        %get3A_356 = arith.constant 32 : index
        %get3A_357 = tpu.vector_load %arg9[%get3A_354, %get3A_355, %get3A_356] {strides = array<i32>} : memref<2x128x272xf32, #tpu.memory_space<vmem>>, vector<16xf32>,
        %mul3A_358 = arith.mulf %gather3A_352, %get3A_357 : vector<16xf32>
        %broadcast_in_dim3A_359 = arith.constant 3 : i32
        %broadcast_in_dim3A_360 = vector.broadcast %broadcast_in_dim3A_359 : i32 to vector<16x1xi32>
        %gather3A_361 = vector.shape_cast %broadcast_in_dim3A_360 : vector<16x1xi32> to vector<16xi32>
        %gather3A_362 = tpu.dynamic_gather %get3A_314[%gather3A_361] in [0] : vector<16xf32>, vector<16xi32> -> vector<16xf32>
        %get3A_363 = arith.constant 1 : i32
        %get3A_364 = arith.index_cast %get3A_363 : i32 to index
        %get3A_365 = arith.index_cast %scan3A_310 : i32 to index
        %get3A_366 = arith.constant 48 : index
        %get3A_367 = tpu.vector_load %arg9[%get3A_364, %get3A_365, %get3A_366] {strides = array<i32>} : memref<2x128x272xf32, #tpu.memory_space<vmem>>, vector<16xf32>,
        %mul3A_368 = arith.mulf %gather3A_362, %get3A_367 : vector<16xf32>
        %broadcast_in_dim3A_369 = arith.constant 4 : i32
        %broadcast_in_dim3A_370 = vector.broadcast %broadcast_in_dim3A_369 : i32 to vector<16x1xi32>
        %gather3A_371 = vector.shape_cast %broadcast_in_dim3A_370 : vector<16x1xi32> to vector<16xi32>
        %gather3A_372 = tpu.dynamic_gather %get3A_314[%gather3A_371] in [0] : vector<16xf32>, vector<16xi32> -> vector<16xf32>
        %get3A_373 = arith.constant 1 : i32
        %get3A_374 = arith.index_cast %get3A_373 : i32 to index
        %get3A_375 = arith.index_cast %scan3A_310 : i32 to index
        %get3A_376 = arith.constant 64 : index
        %get3A_377 = tpu.vector_load %arg9[%get3A_374, %get3A_375, %get3A_376] {strides = array<i32>} : memref<2x128x272xf32, #tpu.memory_space<vmem>>, vector<16xf32>,
        %mul3A_378 = arith.mulf %gather3A_372, %get3A_377 : vector<16xf32>
        %add3A_379 = arith.addf %add3A_338, %mul3A_378 : vector<16xf32>
        %broadcast_in_dim3A_380 = arith.constant 5 : i32
        %broadcast_in_dim3A_381 = vector.broadcast %broadcast_in_dim3A_380 : i32 to vector<16x1xi32>
        %gather3A_382 = vector.shape_cast %broadcast_in_dim3A_381 : vector<16x1xi32> to vector<16xi32>
        %gather3A_383 = tpu.dynamic_gather %get3A_314[%gather3A_382] in [0] : vector<16xf32>, vector<16xi32> -> vector<16xf32>
        %get3A_384 = arith.constant 1 : i32
        %get3A_385 = arith.index_cast %get3A_384 : i32 to index
        %get3A_386 = arith.index_cast %scan3A_310 : i32 to index
        %get3A_387 = arith.constant 80 : index
        %get3A_388 = tpu.vector_load %arg9[%get3A_385, %get3A_386, %get3A_387] {strides = array<i32>} : memref<2x128x272xf32, #tpu.memory_space<vmem>>, vector<16xf32>,
        %mul3A_389 = arith.mulf %gather3A_383, %get3A_388 : vector<16xf32>
        %add3A_390 = arith.addf %mul3A_348, %mul3A_389 : vector<16xf32>
        %broadcast_in_dim3A_391 = arith.constant 6 : i32
        %broadcast_in_dim3A_392 = vector.broadcast %broadcast_in_dim3A_391 : i32 to vector<16x1xi32>
        %gather3A_393 = vector.shape_cast %broadcast_in_dim3A_392 : vector<16x1xi32> to vector<16xi32>
        %gather3A_394 = tpu.dynamic_gather %get3A_314[%gather3A_393] in [0] : vector<16xf32>, vector<16xi32> -> vector<16xf32>
        %get3A_395 = arith.constant 1 : i32
        %get3A_396 = arith.index_cast %get3A_395 : i32 to index
        %get3A_397 = arith.index_cast %scan3A_310 : i32 to index
        %get3A_398 = arith.constant 96 : index
        %get3A_399 = tpu.vector_load %arg9[%get3A_396, %get3A_397, %get3A_398] {strides = array<i32>} : memref<2x128x272xf32, #tpu.memory_space<vmem>>, vector<16xf32>,
        %mul3A_400 = arith.mulf %gather3A_394, %get3A_399 : vector<16xf32>
        %add3A_401 = arith.addf %mul3A_358, %mul3A_400 : vector<16xf32>
        %broadcast_in_dim3A_402 = arith.constant 7 : i32
        %broadcast_in_dim3A_403 = vector.broadcast %broadcast_in_dim3A_402 : i32 to vector<16x1xi32>
        %gather3A_404 = vector.shape_cast %broadcast_in_dim3A_403 : vector<16x1xi32> to vector<16xi32>
        %gather3A_405 = tpu.dynamic_gather %get3A_314[%gather3A_404] in [0] : vector<16xf32>, vector<16xi32> -> vector<16xf32>
        %get3A_406 = arith.constant 1 : i32
        %get3A_407 = arith.index_cast %get3A_406 : i32 to index
        %get3A_408 = arith.index_cast %scan3A_310 : i32 to index
        %get3A_409 = arith.constant 112 : index
        %get3A_410 = tpu.vector_load %arg9[%get3A_407, %get3A_408, %get3A_409] {strides = array<i32>} : memref<2x128x272xf32, #tpu.memory_space<vmem>>, vector<16xf32>,
        %mul3A_411 = arith.mulf %gather3A_405, %get3A_410 : vector<16xf32>
        %add3A_412 = arith.addf %mul3A_368, %mul3A_411 : vector<16xf32>
        %broadcast_in_dim3A_413 = arith.constant 8 : i32
        %broadcast_in_dim3A_414 = vector.broadcast %broadcast_in_dim3A_413 : i32 to vector<16x1xi32>
        %gather3A_415 = vector.shape_cast %broadcast_in_dim3A_414 : vector<16x1xi32> to vector<16xi32>
        %gather3A_416 = tpu.dynamic_gather %get3A_314[%gather3A_415] in [0] : vector<16xf32>, vector<16xi32> -> vector<16xf32>
        %get3A_417 = arith.constant 1 : i32
        %get3A_418 = arith.index_cast %get3A_417 : i32 to index
        %get3A_419 = arith.index_cast %scan3A_310 : i32 to index
        %get3A_420 = arith.constant 128 : index
        %get3A_421 = tpu.vector_load %arg9[%get3A_418, %get3A_419, %get3A_420] {strides = array<i32>} : memref<2x128x272xf32, #tpu.memory_space<vmem>>, vector<16xf32>,
        %mul3A_422 = arith.mulf %gather3A_416, %get3A_421 : vector<16xf32>
        %add3A_423 = arith.addf %add3A_379, %mul3A_422 : vector<16xf32>
        %broadcast_in_dim3A_424 = arith.constant 9 : i32
        %broadcast_in_dim3A_425 = vector.broadcast %broadcast_in_dim3A_424 : i32 to vector<16x1xi32>
        %gather3A_426 = vector.shape_cast %broadcast_in_dim3A_425 : vector<16x1xi32> to vector<16xi32>
        %gather3A_427 = tpu.dynamic_gather %get3A_314[%gather3A_426] in [0] : vector<16xf32>, vector<16xi32> -> vector<16xf32>
        %get3A_428 = arith.constant 1 : i32
        %get3A_429 = arith.index_cast %get3A_428 : i32 to index
        %get3A_430 = arith.index_cast %scan3A_310 : i32 to index
        %get3A_431 = arith.constant 144 : index
        %get3A_432 = tpu.vector_load %arg9[%get3A_429, %get3A_430, %get3A_431] {strides = array<i32>} : memref<2x128x272xf32, #tpu.memory_space<vmem>>, vector<16xf32>,
        %mul3A_433 = arith.mulf %gather3A_427, %get3A_432 : vector<16xf32>
        %add3A_434 = arith.addf %add3A_390, %mul3A_433 : vector<16xf32>
        %broadcast_in_dim3A_435 = arith.constant 10 : i32
        %broadcast_in_dim3A_436 = vector.broadcast %broadcast_in_dim3A_435 : i32 to vector<16x1xi32>
        %gather3A_437 = vector.shape_cast %broadcast_in_dim3A_436 : vector<16x1xi32> to vector<16xi32>
        %gather3A_438 = tpu.dynamic_gather %get3A_314[%gather3A_437] in [0] : vector<16xf32>, vector<16xi32> -> vector<16xf32>
        %get3A_439 = arith.constant 1 : i32
        %get3A_440 = arith.index_cast %get3A_439 : i32 to index
        %get3A_441 = arith.index_cast %scan3A_310 : i32 to index
        %get3A_442 = arith.constant 160 : index
        %get3A_443 = tpu.vector_load %arg9[%get3A_440, %get3A_441, %get3A_442] {strides = array<i32>} : memref<2x128x272xf32, #tpu.memory_space<vmem>>, vector<16xf32>,
        %mul3A_444 = arith.mulf %gather3A_438, %get3A_443 : vector<16xf32>
        %add3A_445 = arith.addf %add3A_401, %mul3A_444 : vector<16xf32>
        %broadcast_in_dim3A_446 = arith.constant 11 : i32
        %broadcast_in_dim3A_447 = vector.broadcast %broadcast_in_dim3A_446 : i32 to vector<16x1xi32>
        %gather3A_448 = vector.shape_cast %broadcast_in_dim3A_447 : vector<16x1xi32> to vector<16xi32>
        %gather3A_449 = tpu.dynamic_gather %get3A_314[%gather3A_448] in [0] : vector<16xf32>, vector<16xi32> -> vector<16xf32>
        %get3A_450 = arith.constant 1 : i32
        %get3A_451 = arith.index_cast %get3A_450 : i32 to index
        %get3A_452 = arith.index_cast %scan3A_310 : i32 to index
        %get3A_453 = arith.constant 176 : index
        %get3A_454 = tpu.vector_load %arg9[%get3A_451, %get3A_452, %get3A_453] {strides = array<i32>} : memref<2x128x272xf32, #tpu.memory_space<vmem>>, vector<16xf32>,
        %mul3A_455 = arith.mulf %gather3A_449, %get3A_454 : vector<16xf32>
        %add3A_456 = arith.addf %add3A_412, %mul3A_455 : vector<16xf32>
        %broadcast_in_dim3A_457 = arith.constant 12 : i32
        %broadcast_in_dim3A_458 = vector.broadcast %broadcast_in_dim3A_457 : i32 to vector<16x1xi32>
        %gather3A_459 = vector.shape_cast %broadcast_in_dim3A_458 : vector<16x1xi32> to vector<16xi32>
        %gather3A_460 = tpu.dynamic_gather %get3A_314[%gather3A_459] in [0] : vector<16xf32>, vector<16xi32> -> vector<16xf32>
        %get3A_461 = arith.constant 1 : i32
        %get3A_462 = arith.index_cast %get3A_461 : i32 to index
        %get3A_463 = arith.index_cast %scan3A_310 : i32 to index
        %get3A_464 = arith.constant 192 : index
        %get3A_465 = tpu.vector_load %arg9[%get3A_462, %get3A_463, %get3A_464] {strides = array<i32>} : memref<2x128x272xf32, #tpu.memory_space<vmem>>, vector<16xf32>,
        %mul3A_466 = arith.mulf %gather3A_460, %get3A_465 : vector<16xf32>
        %add3A_467 = arith.addf %add3A_423, %mul3A_466 : vector<16xf32>
        %broadcast_in_dim3A_468 = arith.constant 13 : i32
        %broadcast_in_dim3A_469 = vector.broadcast %broadcast_in_dim3A_468 : i32 to vector<16x1xi32>
        %gather3A_470 = vector.shape_cast %broadcast_in_dim3A_469 : vector<16x1xi32> to vector<16xi32>
        %gather3A_471 = tpu.dynamic_gather %get3A_314[%gather3A_470] in [0] : vector<16xf32>, vector<16xi32> -> vector<16xf32>
        %get3A_472 = arith.constant 1 : i32
        %get3A_473 = arith.index_cast %get3A_472 : i32 to index
        %get3A_474 = arith.index_cast %scan3A_310 : i32 to index
        %get3A_475 = arith.constant 208 : index
        %get3A_476 = tpu.vector_load %arg9[%get3A_473, %get3A_474, %get3A_475] {strides = array<i32>} : memref<2x128x272xf32, #tpu.memory_space<vmem>>, vector<16xf32>,
        %mul3A_477 = arith.mulf %gather3A_471, %get3A_476 : vector<16xf32>
        %add3A_478 = arith.addf %add3A_434, %mul3A_477 : vector<16xf32>
        %broadcast_in_dim3A_479 = arith.constant 14 : i32
        %broadcast_in_dim3A_480 = vector.broadcast %broadcast_in_dim3A_479 : i32 to vector<16x1xi32>
        %gather3A_481 = vector.shape_cast %broadcast_in_dim3A_480 : vector<16x1xi32> to vector<16xi32>
        %gather3A_482 = tpu.dynamic_gather %get3A_314[%gather3A_481] in [0] : vector<16xf32>, vector<16xi32> -> vector<16xf32>
        %get3A_483 = arith.constant 1 : i32
        %get3A_484 = arith.index_cast %get3A_483 : i32 to index
        %get3A_485 = arith.index_cast %scan3A_310 : i32 to index
        %get3A_486 = arith.constant 224 : index
        %get3A_487 = tpu.vector_load %arg9[%get3A_484, %get3A_485, %get3A_486] {strides = array<i32>} : memref<2x128x272xf32, #tpu.memory_space<vmem>>, vector<16xf32>,
        %mul3A_488 = arith.mulf %gather3A_482, %get3A_487 : vector<16xf32>
        %add3A_489 = arith.addf %add3A_445, %mul3A_488 : vector<16xf32>
        %broadcast_in_dim3A_490 = arith.constant 15 : i32
        %broadcast_in_dim3A_491 = vector.broadcast %broadcast_in_dim3A_490 : i32 to vector<16x1xi32>
        %gather3A_492 = vector.shape_cast %broadcast_in_dim3A_491 : vector<16x1xi32> to vector<16xi32>
        %gather3A_493 = tpu.dynamic_gather %get3A_314[%gather3A_492] in [0] : vector<16xf32>, vector<16xi32> -> vector<16xf32>
        %get3A_494 = arith.constant 1 : i32
        %get3A_495 = arith.index_cast %get3A_494 : i32 to index
        %get3A_496 = arith.index_cast %scan3A_310 : i32 to index
        %get3A_497 = arith.constant 240 : index
        %get3A_498 = tpu.vector_load %arg9[%get3A_495, %get3A_496, %get3A_497] {strides = array<i32>} : memref<2x128x272xf32, #tpu.memory_space<vmem>>, vector<16xf32>,
        %mul3A_499 = arith.mulf %gather3A_493, %get3A_498 : vector<16xf32>
        %add3A_500 = arith.addf %add3A_456, %mul3A_499 : vector<16xf32>
        %add3A_501 = arith.addf %add3A_467, %add3A_478 : vector<16xf32>
        %add3A_502 = arith.addf %add3A_489, %add3A_500 : vector<16xf32>
        %add3A_503 = arith.addf %add3A_501, %add3A_502 : vector<16xf32>
        %swap3A = arith.index_cast %scan3A_310 : i32 to index
        %swap3A_504 = arith.constant 0 : index
        %swap3A_505 = tpu.vector_load %arg11[%swap3A, %swap3A_504] {strides = array<i32>} : memref<128x32xf32, #tpu.memory_space<vmem>>, vector<16xf32>,
        tpu.vector_store %arg11[%swap3A, %swap3A_504], %add3A_503 {strides = array<i32>} : memref<128x32xf32, #tpu.memory_space<vmem>>, vector<16xf32>,
        %swap3A_506 = arith.index_cast %scan3A_310 : i32 to index
        %swap3A_507 = arith.constant 16 : index
        %swap3A_508 = tpu.vector_load %arg11[%swap3A_506, %swap3A_507] {strides = array<i32>} : memref<128x32xf32, #tpu.memory_space<vmem>>, vector<16xf32>,
        tpu.vector_store %arg11[%swap3A_506, %swap3A_507], %get3A_319 {strides = array<i32>} : memref<128x32xf32, #tpu.memory_space<vmem>>, vector<16xf32>,
      }
      %scan3A_275 = arith.constant 128 : i32
      %add3A_276 = arith.addi %sub3A, %add3A_242 : i32
      "tpu.region"() ({
        %run_scoped3A = tpu.sem_alloc : memref<!tpu.dma_semaphore, #tpu.memory_space<semaphore_mem>>
        %dma_start3A_310 = arith.constant 0 : i32
        %dma_start3A_311 = tpu.memref_slice %arg8[%add3A_276, %dma_start3A_310] : memref<52x128xi32, #tpu.memory_space<vmem>> -> memref<1x128xi32, #tpu.memory_space<vmem>>
        %dma_start3A_312 = tpu.memref_squeeze %dma_start3A_311 : memref<1x128xi32, #tpu.memory_space<vmem>> -> memref<128xi32, #tpu.memory_space<vmem>>
        %dma_start3A_313 = arith.constant 0 : i32
        %dma_start3A_314 = arith.constant 0 : i32
        %dma_start3A_315 = tpu.memref_slice %arg12[%dma_start3A_313, %dma_start3A_314] : memref<10240x32xf32, #tpu.memory_space<vmem_shared>> -> memref<10240x32xf32, #tpu.memory_space<vmem_shared>>
        tpu.enqueue_indirect_dma source(%arg11 : memref<128x32xf32, #tpu.memory_space<vmem>>) target(%dma_start3A_315 : memref<10240x32xf32, #tpu.memory_space<vmem_shared>>) offsets(%dma_start3A_312 : memref<128xi32, #tpu.memory_space<vmem>>) semaphore(%run_scoped3A : memref<!tpu.dma_semaphore, #tpu.memory_space<semaphore_mem>>) {add = true}
        %dma_wait3A_316 = arith.constant 0 : i32
        %dma_wait3A_317 = tpu.memref_slice %arg8[%add3A_276, %dma_wait3A_316] : memref<52x128xi32, #tpu.memory_space<vmem>> -> memref<1x128xi32, #tpu.memory_space<vmem>>
        %dma_wait3A_318 = tpu.memref_squeeze %dma_wait3A_317 : memref<1x128xi32, #tpu.memory_space<vmem>> -> memref<128xi32, #tpu.memory_space<vmem>>
        %dma_wait3A_319 = arith.constant 0 : i32
        %dma_wait3A_320 = arith.constant 0 : i32
        %dma_wait3A_321 = tpu.memref_slice %arg12[%dma_wait3A_319, %dma_wait3A_320] : memref<10240x32xf32, #tpu.memory_space<vmem_shared>> -> memref<10240x32xf32, #tpu.memory_space<vmem_shared>>
        tpu.wait_indirect_dma semaphore(%run_scoped3A : memref<!tpu.dma_semaphore, #tpu.memory_space<semaphore_mem>>) src(%arg11 : memref<128x32xf32, #tpu.memory_space<vmem>>) dst(%dma_wait3A_321 : memref<10240x32xf32, #tpu.memory_space<vmem_shared>>)
        tpu.yield
      }) : () -> ()
      %add3A_277 = arith.constant 2 : i32
      %add3A_278 = arith.addi %add3A_242, %add3A_277 : i32
      %sub3A_279 = arith.constant 1 : i32
      %sub3A_280 = arith.subi %select_n3A, %sub3A_279 : i32
      %min3A_281 = arith.minsi %add3A_278, %sub3A_280 : i32
      %add3A_282 = arith.addi %sub3A, %min3A_281 : i32
      %dma_start3A_283 = arith.constant 1 : i32
      %dma_start3A_284 = arith.constant 0 : i32
      %dma_start3A_285 = arith.constant 0 : i32
      %dma_start3A_286 = tpu.memref_slice %arg9[%dma_start3A_283, %dma_start3A_284, %dma_start3A_285] : memref<2x128x272xf32, #tpu.memory_space<vmem>> -> memref<1x128x272xf32, #tpu.memory_space<vmem>>
      %dma_start3A_287 = tpu.memref_squeeze %dma_start3A_286 : memref<1x128x272xf32, #tpu.memory_space<vmem>> -> memref<128x272xf32, #tpu.memory_space<vmem>>
      %dma_start3A_288 = arith.constant 0 : i32
      %dma_start3A_289 = tpu.memref_slice %arg7[%add3A_282, %dma_start3A_288] : memref<52x128xi32, #tpu.memory_space<vmem>> -> memref<1x128xi32, #tpu.memory_space<vmem>>
      %dma_start3A_290 = tpu.memref_squeeze %dma_start3A_289 : memref<1x128xi32, #tpu.memory_space<vmem>> -> memref<128xi32, #tpu.memory_space<vmem>>
      %dma_start3A_291 = arith.constant 0 : i32
      %dma_start3A_292 = arith.constant 0 : i32
      %dma_start3A_293 = tpu.memref_slice %arg2[%dma_start3A_291, %dma_start3A_292] : memref<10000x272xf32, #tpu.memory_space<hbm>> -> memref<10000x272xf32, #tpu.memory_space<hbm>>
      tpu.enqueue_indirect_dma source(%dma_start3A_293 : memref<10000x272xf32, #tpu.memory_space<hbm>>) target(%dma_start3A_287 : memref<128x272xf32, #tpu.memory_space<vmem>>) offsets(%dma_start3A_290 : memref<128xi32, #tpu.memory_space<vmem>>) semaphore(%arg14 : memref<!tpu.dma_semaphore, #tpu.memory_space<semaphore_mem>>)
      %add3A_294 = arith.addi %add3A, %min3A_281 : i32
      %mul3A_295 = arith.constant 128 : i32
      %mul3A_296 = arith.muli %add3A_294, %mul3A_295 : i32
      %dma_start3A_297 = arith.constant 1 : i32
      %dma_start3A_298 = arith.constant 0 : i32
      %dma_start3A_299 = arith.constant 0 : i32
      %dma_start3A_300 = tpu.memref_slice %arg10[%dma_start3A_297, %dma_start3A_298, %dma_start3A_299] : memref<2x128x32xf32, #tpu.memory_space<vmem>> -> memref<1x128x32xf32, #tpu.memory_space<vmem>>
      %dma_start3A_301 = tpu.memref_squeeze %dma_start3A_300 : memref<1x128x32xf32, #tpu.memory_space<vmem>> -> memref<128x32xf32, #tpu.memory_space<vmem>>
      %dma_start3A_302 = arith.constant 0 : i32
      %dma_start3A_303 = tpu.memref_slice %arg3[%mul3A_296, %dma_start3A_302] : memref<163840x32xf32, #tpu.memory_space<hbm>> -> memref<128x32xf32, #tpu.memory_space<hbm>>
      %dma_start3A_304 = arith.constant 0 : i32
      %dma_start3A_305 = arith.constant 0 : i32
      %dma_start3A_306 = tpu.memref_slice %arg10[%dma_start3A_297, %dma_start3A_304, %dma_start3A_305] : memref<2x128x32xf32, #tpu.memory_space<vmem>> -> memref<1x128x32xf32, #tpu.memory_space<vmem>>
      %dma_start3A_307 = tpu.memref_squeeze %dma_start3A_306 : memref<1x128x32xf32, #tpu.memory_space<vmem>> -> memref<128x32xf32, #tpu.memory_space<vmem>>
      %dma_start3A_308 = arith.constant 0 : i32
      %dma_start3A_309 = tpu.memref_slice %arg3[%mul3A_296, %dma_start3A_308] : memref<163840x32xf32, #tpu.memory_space<hbm>> -> memref<128x32xf32, #tpu.memory_space<hbm>>
      tpu.enqueue_dma source(%dma_start3A_309 : memref<128x32xf32, #tpu.memory_space<hbm>>) target(%dma_start3A_307 : memref<128x32xf32, #tpu.memory_space<vmem>>) target_semaphore(%arg16 : memref<!tpu.dma_semaphore, #tpu.memory_space<semaphore_mem>>)
    }
    %dma_wait3A = arith.constant 0 : i32
    %dma_wait3A_113 = arith.constant 0 : i32
    %dma_wait3A_114 = arith.constant 0 : i32
    %dma_wait3A_115 = arith.constant 0 : i32
    %dma_wait3A_116 = tpu.memref_slice %arg9[%dma_wait3A_113, %dma_wait3A_114, %dma_wait3A_115] : memref<2x128x272xf32, #tpu.memory_space<vmem>> -> memref<1x128x272xf32, #tpu.memory_space<vmem>>
    %dma_wait3A_117 = tpu.memref_squeeze %dma_wait3A_116 : memref<1x128x272xf32, #tpu.memory_space<vmem>> -> memref<128x272xf32, #tpu.memory_space<vmem>>
    %dma_wait3A_118 = arith.constant 0 : i32
    %dma_wait3A_119 = tpu.memref_slice %arg7[%dma_wait3A, %dma_wait3A_118] : memref<52x128xi32, #tpu.memory_space<vmem>> -> memref<1x128xi32, #tpu.memory_space<vmem>>
    %dma_wait3A_120 = tpu.memref_squeeze %dma_wait3A_119 : memref<1x128xi32, #tpu.memory_space<vmem>> -> memref<128xi32, #tpu.memory_space<vmem>>
    %dma_wait3A_121 = arith.constant 0 : i32
    %dma_wait3A_122 = arith.constant 0 : i32
    %dma_wait3A_123 = tpu.memref_slice %arg2[%dma_wait3A_121, %dma_wait3A_122] : memref<10000x272xf32, #tpu.memory_space<hbm>> -> memref<10000x272xf32, #tpu.memory_space<hbm>>
    tpu.wait_indirect_dma semaphore(%arg13 : memref<!tpu.dma_semaphore, #tpu.memory_space<semaphore_mem>>) src(%dma_wait3A_123 : memref<10000x272xf32, #tpu.memory_space<hbm>>) dst(%dma_wait3A_117 : memref<128x272xf32, #tpu.memory_space<vmem>>)
    %dma_wait3A_124 = arith.constant 0 : i32
    %dma_wait3A_125 = arith.constant 0 : i32
    %dma_wait3A_126 = arith.constant 0 : i32
    %dma_wait3A_127 = tpu.memref_slice %arg10[%dma_wait3A_124, %dma_wait3A_125, %dma_wait3A_126] : memref<2x128x32xf32, #tpu.memory_space<vmem>> -> memref<1x128x32xf32, #tpu.memory_space<vmem>>
    %dma_wait3A_128 = tpu.memref_squeeze %dma_wait3A_127 : memref<1x128x32xf32, #tpu.memory_space<vmem>> -> memref<128x32xf32, #tpu.memory_space<vmem>>
    %dma_wait3A_129 = arith.constant 0 : i32
    %dma_wait3A_130 = arith.constant 0 : i32
    %dma_wait3A_131 = tpu.memref_slice %arg3[%dma_wait3A_129, %dma_wait3A_130] : memref<163840x32xf32, #tpu.memory_space<hbm>> -> memref<128x32xf32, #tpu.memory_space<hbm>>
    %dma_wait3A_132 = arith.constant 0 : i32
    %dma_wait3A_133 = arith.constant 0 : i32
    %dma_wait3A_134 = tpu.memref_slice %arg10[%dma_wait3A_124, %dma_wait3A_132, %dma_wait3A_133] : memref<2x128x32xf32, #tpu.memory_space<vmem>> -> memref<1x128x32xf32, #tpu.memory_space<vmem>>
    %dma_wait3A_135 = tpu.memref_squeeze %dma_wait3A_134 : memref<1x128x32xf32, #tpu.memory_space<vmem>> -> memref<128x32xf32, #tpu.memory_space<vmem>>
    %dma_wait3A_136 = arith.constant 0 : i32
    %dma_wait3A_137 = arith.constant 0 : i32
    %dma_wait3A_138 = tpu.memref_slice %arg3[%dma_wait3A_136, %dma_wait3A_137] : memref<163840x32xf32, #tpu.memory_space<hbm>> -> memref<128x32xf32, #tpu.memory_space<hbm>>
    tpu.wait_dma2 semaphore(%arg15 : memref<!tpu.dma_semaphore, #tpu.memory_space<semaphore_mem>>) src(%dma_wait3A_138 : memref<128x32xf32, #tpu.memory_space<hbm>>) dst(%dma_wait3A_135 : memref<128x32xf32, #tpu.memory_space<vmem>>)
    %dma_wait3A_139 = arith.constant 0 : i32
    %dma_wait3A_140 = arith.constant 1 : i32
    %dma_wait3A_141 = arith.constant 0 : i32
    %dma_wait3A_142 = arith.constant 0 : i32
    %dma_wait3A_143 = tpu.memref_slice %arg9[%dma_wait3A_140, %dma_wait3A_141, %dma_wait3A_142] : memref<2x128x272xf32, #tpu.memory_space<vmem>> -> memref<1x128x272xf32, #tpu.memory_space<vmem>>
    %dma_wait3A_144 = tpu.memref_squeeze %dma_wait3A_143 : memref<1x128x272xf32, #tpu.memory_space<vmem>> -> memref<128x272xf32, #tpu.memory_space<vmem>>
    %dma_wait3A_145 = arith.constant 0 : i32
    %dma_wait3A_146 = tpu.memref_slice %arg7[%dma_wait3A_139, %dma_wait3A_145] : memref<52x128xi32, #tpu.memory_space<vmem>> -> memref<1x128xi32, #tpu.memory_space<vmem>>
    %dma_wait3A_147 = tpu.memref_squeeze %dma_wait3A_146 : memref<1x128xi32, #tpu.memory_space<vmem>> -> memref<128xi32, #tpu.memory_space<vmem>>
    %dma_wait3A_148 = arith.constant 0 : i32
    %dma_wait3A_149 = arith.constant 0 : i32
    %dma_wait3A_150 = tpu.memref_slice %arg2[%dma_wait3A_148, %dma_wait3A_149] : memref<10000x272xf32, #tpu.memory_space<hbm>> -> memref<10000x272xf32, #tpu.memory_space<hbm>>
    tpu.wait_indirect_dma semaphore(%arg14 : memref<!tpu.dma_semaphore, #tpu.memory_space<semaphore_mem>>) src(%dma_wait3A_150 : memref<10000x272xf32, #tpu.memory_space<hbm>>) dst(%dma_wait3A_144 : memref<128x272xf32, #tpu.memory_space<vmem>>)
    %dma_wait3A_151 = arith.constant 1 : i32
    %dma_wait3A_152 = arith.constant 0 : i32
    %dma_wait3A_153 = arith.constant 0 : i32
    %dma_wait3A_154 = tpu.memref_slice %arg10[%dma_wait3A_151, %dma_wait3A_152, %dma_wait3A_153] : memref<2x128x32xf32, #tpu.memory_space<vmem>> -> memref<1x128x32xf32, #tpu.memory_space<vmem>>
    %dma_wait3A_155 = tpu.memref_squeeze %dma_wait3A_154 : memref<1x128x32xf32, #tpu.memory_space<vmem>> -> memref<128x32xf32, #tpu.memory_space<vmem>>
    %dma_wait3A_156 = arith.constant 0 : i32
    %dma_wait3A_157 = arith.constant 0 : i32
    %dma_wait3A_158 = tpu.memref_slice %arg3[%dma_wait3A_156, %dma_wait3A_157] : memref<163840x32xf32, #tpu.memory_space<hbm>> -> memref<128x32xf32, #tpu.memory_space<hbm>>
    %dma_wait3A_159 = arith.constant 0 : i32
    %dma_wait3A_160 = arith.constant 0 : i32
    %dma_wait3A_161 = tpu.memref_slice %arg10[%dma_wait3A_151, %dma_wait3A_159, %dma_wait3A_160] : memref<2x128x32xf32, #tpu.memory_space<vmem>> -> memref<1x128x32xf32, #tpu.memory_space<vmem>>
    %dma_wait3A_162 = tpu.memref_squeeze %dma_wait3A_161 : memref<1x128x32xf32, #tpu.memory_space<vmem>> -> memref<128x32xf32, #tpu.memory_space<vmem>>
    %dma_wait3A_163 = arith.constant 0 : i32
    %dma_wait3A_164 = arith.constant 0 : i32
    %dma_wait3A_165 = tpu.memref_slice %arg3[%dma_wait3A_163, %dma_wait3A_164] : memref<163840x32xf32, #tpu.memory_space<hbm>> -> memref<128x32xf32, #tpu.memory_space<hbm>>
    tpu.wait_dma2 semaphore(%arg16 : memref<!tpu.dma_semaphore, #tpu.memory_space<semaphore_mem>>) src(%dma_wait3A_165 : memref<128x32xf32, #tpu.memory_space<hbm>>) dst(%dma_wait3A_162 : memref<128x32xf32, #tpu.memory_space<vmem>>)
    %barrier3A_166 = arith.constant 0 : index
    tpu.barrier barrier_id(%barrier3A_166)
    "tpu.region"() ({
      %run_scoped3A = tpu.sem_alloc : memref<!tpu.dma_semaphore, #tpu.memory_space<semaphore_mem>>
      %dma_start3A_167 = arith.constant 0 : i32
      %dma_start3A_168 = tpu.memref_slice %arg6[%arg0, %mul3A_5, %dma_start3A_167] : memref<2x10240x32xf32, #tpu.memory_space<hbm>> -> memref<1x640x32xf32, #tpu.memory_space<hbm>>
      %dma_start3A_169 = tpu.memref_squeeze %dma_start3A_168 : memref<1x640x32xf32, #tpu.memory_space<hbm>> -> memref<640x32xf32, #tpu.memory_space<hbm>>
      %dma_start3A_170 = arith.constant 0 : i32
      %dma_start3A_171 = tpu.memref_slice %arg12[%mul3A_5, %dma_start3A_170] : memref<10240x32xf32, #tpu.memory_space<vmem_shared>> -> memref<640x32xf32, #tpu.memory_space<vmem_shared>>
      tpu.enqueue_dma source(%dma_start3A_171 : memref<640x32xf32, #tpu.memory_space<vmem_shared>>) target(%dma_start3A_169 : memref<640x32xf32, #tpu.memory_space<hbm>>) target_semaphore(%run_scoped3A : memref<!tpu.dma_semaphore, #tpu.memory_space<semaphore_mem>>)
      %dma_wait3A_172 = arith.constant 0 : i32
      %dma_wait3A_173 = tpu.memref_slice %arg6[%arg0, %mul3A_5, %dma_wait3A_172] : memref<2x10240x32xf32, #tpu.memory_space<hbm>> -> memref<1x640x32xf32, #tpu.memory_space<hbm>>
      %dma_wait3A_174 = tpu.memref_squeeze %dma_wait3A_173 : memref<1x640x32xf32, #tpu.memory_space<hbm>> -> memref<640x32xf32, #tpu.memory_space<hbm>>
      %dma_wait3A_175 = arith.constant 0 : i32
      %dma_wait3A_176 = tpu.memref_slice %arg12[%mul3A_5, %dma_wait3A_175] : memref<10240x32xf32, #tpu.memory_space<vmem_shared>> -> memref<640x32xf32, #tpu.memory_space<vmem_shared>>
      tpu.wait_dma2 semaphore(%run_scoped3A : memref<!tpu.dma_semaphore, #tpu.memory_space<semaphore_mem>>) src(%dma_wait3A_176 : memref<640x32xf32, #tpu.memory_space<vmem_shared>>) dst(%dma_wait3A_174 : memref<640x32xf32, #tpu.memory_space<hbm>>)
      tpu.yield
    }) : () -> ()
    return
  }
}

#map = affine_map<(d0, d1) -> (0, 0)>
#map1 = affine_map<(d0, d1) -> (0, 0, 0)>
module attributes {stable_mosaic.version = 14 : i64} {
  func.func @_sc_body(%arg0: i32, %arg1: i32, %arg2: memref<10000x272xf32, #tpu.memory_space<hbm>>, %arg3: memref<163840x32xf32, #tpu.memory_space<hbm>>, %arg4: memref<1280x128xi32, #tpu.memory_space<hbm>>, %arg5: memref<1280x128xi32, #tpu.memory_space<hbm>>, %arg6: memref<2x10240x32xf32, #tpu.memory_space<hbm>>, %arg7: memref<52x128xi32, #tpu.memory_space<vmem>>, %arg8: memref<52x128xi32, #tpu.memory_space<vmem>>, %arg9: memref<2x128x272xf32, #tpu.memory_space<vmem>>, %arg10: memref<2x128x32xf32, #tpu.memory_space<vmem>>, %arg11: memref<128x32xf32, #tpu.memory_space<vmem>>, %arg12: memref<10240x32xf32, #tpu.memory_space<vmem_shared>>, %arg13: memref<!tpu.dma_semaphore, #tpu.memory_space<semaphore_mem>>, %arg14: memref<!tpu.dma_semaphore, #tpu.memory_space<semaphore_mem>>, %arg15: memref<!tpu.dma_semaphore, #tpu.memory_space<semaphore_mem>>, %arg16: memref<!tpu.dma_semaphore, #tpu.memory_space<semaphore_mem>>) attributes {dimension_semantics = [#tpu.dimension_semantics<core_parallel>, #tpu.dimension_semantics<subcore_parallel>], iteration_bounds = array<i64: 2, 16>, scalar_prefetch = 0 : i64, scratch_operands = 10 : i64, tpu.core_type = #tpu.core_type<sc_vector_subcore>, window_params = [{transform_indices = #map}, {transform_indices = #map}, {transform_indices = #map}, {transform_indices = #map}, {transform_indices = #map1}]} {
    %eq3A = arith.constant 0 : i32
    %eq3A_0 = arith.cmpi eq, %arg0, %eq3A : i32
    %jit3A = arith.constant 52 : i32
    %jit3A_1 = arith.constant 28 : i32
    %select_n3A = arith.select %eq3A_0, %jit3A, %jit3A_1 : i32
    %mul3A = arith.constant 832 : i32
    %mul3A_2 = arith.muli %arg0, %mul3A : i32
    %mul3A_3 = arith.muli %arg1, %select_n3A : i32
    %add3A = arith.addi %mul3A_2, %mul3A_3 : i32
    %mul3A_4 = arith.constant 640 : i32
    %mul3A_5 = arith.muli %arg1, %mul3A_4 : i32
    %min3A = arith.constant 1228 : i32
    %min3A_6 = arith.minsi %add3A, %min3A : i32
    %sub3A = arith.subi %add3A, %min3A_6 : i32
    "tpu.region"() ({
      %run_scoped3A = tpu.sem_alloc : memref<!tpu.dma_semaphore, #tpu.memory_space<semaphore_mem>>
      %dma_start3A_167 = arith.constant 0 : i32
      %dma_start3A_168 = tpu.memref_slice %arg4[%min3A_6, %dma_start3A_167] : memref<1280x128xi32, #tpu.memory_space<hbm>> -> memref<52x128xi32, #tpu.memory_space<hbm>>
      %dma_start3A_169 = arith.constant 0 : i32
      %dma_start3A_170 = tpu.memref_slice %arg4[%min3A_6, %dma_start3A_169] : memref<1280x128xi32, #tpu.memory_space<hbm>> -> memref<52x128xi32, #tpu.memory_space<hbm>>
      tpu.enqueue_dma source(%dma_start3A_170 : memref<52x128xi32, #tpu.memory_space<hbm>>) target(%arg7 : memref<52x128xi32, #tpu.memory_space<vmem>>) target_semaphore(%run_scoped3A : memref<!tpu.dma_semaphore, #tpu.memory_space<semaphore_mem>>)
      %dma_wait3A_171 = arith.constant 0 : i32
      %dma_wait3A_172 = tpu.memref_slice %arg4[%min3A_6, %dma_wait3A_171] : memref<1280x128xi32, #tpu.memory_space<hbm>> -> memref<52x128xi32, #tpu.memory_space<hbm>>
      %dma_wait3A_173 = arith.constant 0 : i32
      %dma_wait3A_174 = tpu.memref_slice %arg4[%min3A_6, %dma_wait3A_173] : memref<1280x128xi32, #tpu.memory_space<hbm>> -> memref<52x128xi32, #tpu.memory_space<hbm>>
      tpu.wait_dma2 semaphore(%run_scoped3A : memref<!tpu.dma_semaphore, #tpu.memory_space<semaphore_mem>>) src(%dma_wait3A_174 : memref<52x128xi32, #tpu.memory_space<hbm>>) dst(%arg7 : memref<52x128xi32, #tpu.memory_space<vmem>>)
      tpu.yield
    }) : () -> ()
    "tpu.region"() ({
      %run_scoped3A = tpu.sem_alloc : memref<!tpu.dma_semaphore, #tpu.memory_space<semaphore_mem>>
      %dma_start3A_167 = arith.constant 0 : i32
      %dma_start3A_168 = tpu.memref_slice %arg5[%min3A_6, %dma_start3A_167] : memref<1280x128xi32, #tpu.memory_space<hbm>> -> memref<52x128xi32, #tpu.memory_space<hbm>>
      %dma_start3A_169 = arith.constant 0 : i32
      %dma_start3A_170 = tpu.memref_slice %arg5[%min3A_6, %dma_start3A_169] : memref<1280x128xi32, #tpu.memory_space<hbm>> -> memref<52x128xi32, #tpu.memory_space<hbm>>
      tpu.enqueue_dma source(%dma_start3A_170 : memref<52x128xi32, #tpu.memory_space<hbm>>) target(%arg8 : memref<52x128xi32, #tpu.memory_space<vmem>>) target_semaphore(%run_scoped3A : memref<!tpu.dma_semaphore, #tpu.memory_space<semaphore_mem>>)
      %dma_wait3A_171 = arith.constant 0 : i32
      %dma_wait3A_172 = tpu.memref_slice %arg5[%min3A_6, %dma_wait3A_171] : memref<1280x128xi32, #tpu.memory_space<hbm>> -> memref<52x128xi32, #tpu.memory_space<hbm>>
      %dma_wait3A_173 = arith.constant 0 : i32
      %dma_wait3A_174 = tpu.memref_slice %arg5[%min3A_6, %dma_wait3A_173] : memref<1280x128xi32, #tpu.memory_space<hbm>> -> memref<52x128xi32, #tpu.memory_space<hbm>>
      tpu.wait_dma2 semaphore(%run_scoped3A : memref<!tpu.dma_semaphore, #tpu.memory_space<semaphore_mem>>) src(%dma_wait3A_174 : memref<52x128xi32, #tpu.memory_space<hbm>>) dst(%arg8 : memref<52x128xi32, #tpu.memory_space<vmem>>)
      tpu.yield
    }) : () -> ()
    %scan3A = arith.constant 0 : i32
    %scan3A_7 = arith.constant 0 : i32
    %scan3A_8 = arith.constant 128 : i32
    %scan3A_9 = arith.addi %scan3A_7, %scan3A_8 : i32
    %scan3A_10 = arith.constant 1 : i32
    scf.for %scan3A_167 = %scan3A_7 to %scan3A_9 step %scan3A_10  : i32 {
      %broadcast_in_dim3A = arith.constant 0.000000e+00 : f32
      %broadcast_in_dim3A_168 = vector.broadcast %broadcast_in_dim3A : f32 to vector<16xf32>
      %swap3A = arith.index_cast %scan3A_167 : i32 to index
      %swap3A_169 = arith.constant 0 : index
      %swap3A_170 = tpu.vector_load %arg11[%swap3A, %swap3A_169] {strides = array<i32>} : memref<128x32xf32, #tpu.memory_space<vmem>>, vector<16xf32>,
      tpu.vector_store %arg11[%swap3A, %swap3A_169], %broadcast_in_dim3A_168 {strides = array<i32>} : memref<128x32xf32, #tpu.memory_space<vmem>>, vector<16xf32>,
      %broadcast_in_dim3A_171 = arith.constant 0.000000e+00 : f32
      %broadcast_in_dim3A_172 = vector.broadcast %broadcast_in_dim3A_171 : f32 to vector<16xf32>
      %swap3A_173 = arith.index_cast %scan3A_167 : i32 to index
      %swap3A_174 = arith.constant 16 : index
      %swap3A_175 = tpu.vector_load %arg11[%swap3A_173, %swap3A_174] {strides = array<i32>} : memref<128x32xf32, #tpu.memory_space<vmem>>, vector<16xf32>,
      tpu.vector_store %arg11[%swap3A_173, %swap3A_174], %broadcast_in_dim3A_172 {strides = array<i32>} : memref<128x32xf32, #tpu.memory_space<vmem>>, vector<16xf32>,
    }
    %scan3A_11 = arith.constant 128 : i32
    %add3A_12 = arith.constant 0 : i32
    %add3A_13 = arith.addi %mul3A_5, %add3A_12 : i32
    "tpu.region"() ({
      %run_scoped3A = tpu.sem_alloc : memref<!tpu.dma_semaphore, #tpu.memory_space<semaphore_mem>>
      %dma_start3A_167 = arith.constant 0 : i32
      %dma_start3A_168 = tpu.memref_slice %arg12[%add3A_13, %dma_start3A_167] : memref<10240x32xf32, #tpu.memory_space<vmem_shared>> -> memref<128x32xf32, #tpu.memory_space<vmem_shared>>
      %dma_start3A_169 = arith.constant 0 : i32
      %dma_start3A_170 = tpu.memref_slice %arg12[%add3A_13, %dma_start3A_169] : memref<10240x32xf32, #tpu.memory_space<vmem_shared>> -> memref<128x32xf32, #tpu.memory_space<vmem_shared>>
      tpu.enqueue_dma source(%arg11 : memref<128x32xf32, #tpu.memory_space<vmem>>) target(%dma_start3A_170 : memref<128x32xf32, #tpu.memory_space<vmem_shared>>) target_semaphore(%run_scoped3A : memref<!tpu.dma_semaphore, #tpu.memory_space<semaphore_mem>>)
      %dma_wait3A_171 = arith.constant 0 : i32
      %dma_wait3A_172 = tpu.memref_slice %arg12[%add3A_13, %dma_wait3A_171] : memref<10240x32xf32, #tpu.memory_space<vmem_shared>> -> memref<128x32xf32, #tpu.memory_space<vmem_shared>>
      %dma_wait3A_173 = arith.constant 0 : i32
      %dma_wait3A_174 = tpu.memref_slice %arg12[%add3A_13, %dma_wait3A_173] : memref<10240x32xf32, #tpu.memory_space<vmem_shared>> -> memref<128x32xf32, #tpu.memory_space<vmem_shared>>
      tpu.wait_dma2 semaphore(%run_scoped3A : memref<!tpu.dma_semaphore, #tpu.memory_space<semaphore_mem>>) src(%arg11 : memref<128x32xf32, #tpu.memory_space<vmem>>) dst(%dma_wait3A_174 : memref<128x32xf32, #tpu.memory_space<vmem_shared>>)
      tpu.yield
    }) : () -> ()
    %add3A_14 = arith.constant 128 : i32
    %add3A_15 = arith.addi %mul3A_5, %add3A_14 : i32
    "tpu.region"() ({
      %run_scoped3A = tpu.sem_alloc : memref<!tpu.dma_semaphore, #tpu.memory_space<semaphore_mem>>
      %dma_start3A_167 = arith.constant 0 : i32
      %dma_start3A_168 = tpu.memref_slice %arg12[%add3A_15, %dma_start3A_167] : memref<10240x32xf32, #tpu.memory_space<vmem_shared>> -> memref<128x32xf32, #tpu.memory_space<vmem_shared>>
      %dma_start3A_169 = arith.constant 0 : i32
      %dma_start3A_170 = tpu.memref_slice %arg12[%add3A_15, %dma_start3A_169] : memref<10240x32xf32, #tpu.memory_space<vmem_shared>> -> memref<128x32xf32, #tpu.memory_space<vmem_shared>>
      tpu.enqueue_dma source(%arg11 : memref<128x32xf32, #tpu.memory_space<vmem>>) target(%dma_start3A_170 : memref<128x32xf32, #tpu.memory_space<vmem_shared>>) target_semaphore(%run_scoped3A : memref<!tpu.dma_semaphore, #tpu.memory_space<semaphore_mem>>)
      %dma_wait3A_171 = arith.constant 0 : i32
      %dma_wait3A_172 = tpu.memref_slice %arg12[%add3A_15, %dma_wait3A_171] : memref<10240x32xf32, #tpu.memory_space<vmem_shared>> -> memref<128x32xf32, #tpu.memory_space<vmem_shared>>
      %dma_wait3A_173 = arith.constant 0 : i32
      %dma_wait3A_174 = tpu.memref_slice %arg12[%add3A_15, %dma_wait3A_173] : memref<10240x32xf32, #tpu.memory_space<vmem_shared>> -> memref<128x32xf32, #tpu.memory_space<vmem_shared>>
      tpu.wait_dma2 semaphore(%run_scoped3A : memref<!tpu.dma_semaphore, #tpu.memory_space<semaphore_mem>>) src(%arg11 : memref<128x32xf32, #tpu.memory_space<vmem>>) dst(%dma_wait3A_174 : memref<128x32xf32, #tpu.memory_space<vmem_shared>>)
      tpu.yield
    }) : () -> ()
    %add3A_16 = arith.constant 256 : i32
    %add3A_17 = arith.addi %mul3A_5, %add3A_16 : i32
    "tpu.region"() ({
      %run_scoped3A = tpu.sem_alloc : memref<!tpu.dma_semaphore, #tpu.memory_space<semaphore_mem>>
      %dma_start3A_167 = arith.constant 0 : i32
      %dma_start3A_168 = tpu.memref_slice %arg12[%add3A_17, %dma_start3A_167] : memref<10240x32xf32, #tpu.memory_space<vmem_shared>> -> memref<128x32xf32, #tpu.memory_space<vmem_shared>>
      %dma_start3A_169 = arith.constant 0 : i32
      %dma_start3A_170 = tpu.memref_slice %arg12[%add3A_17, %dma_start3A_169] : memref<10240x32xf32, #tpu.memory_space<vmem_shared>> -> memref<128x32xf32, #tpu.memory_space<vmem_shared>>
      tpu.enqueue_dma source(%arg11 : memref<128x32xf32, #tpu.memory_space<vmem>>) target(%dma_start3A_170 : memref<128x32xf32, #tpu.memory_space<vmem_shared>>) target_semaphore(%run_scoped3A : memref<!tpu.dma_semaphore, #tpu.memory_space<semaphore_mem>>)
      %dma_wait3A_171 = arith.constant 0 : i32
      %dma_wait3A_172 = tpu.memref_slice %arg12[%add3A_17, %dma_wait3A_171] : memref<10240x32xf32, #tpu.memory_space<vmem_shared>> -> memref<128x32xf32, #tpu.memory_space<vmem_shared>>
      %dma_wait3A_173 = arith.constant 0 : i32
      %dma_wait3A_174 = tpu.memref_slice %arg12[%add3A_17, %dma_wait3A_173] : memref<10240x32xf32, #tpu.memory_space<vmem_shared>> -> memref<128x32xf32, #tpu.memory_space<vmem_shared>>
      tpu.wait_dma2 semaphore(%run_scoped3A : memref<!tpu.dma_semaphore, #tpu.memory_space<semaphore_mem>>) src(%arg11 : memref<128x32xf32, #tpu.memory_space<vmem>>) dst(%dma_wait3A_174 : memref<128x32xf32, #tpu.memory_space<vmem_shared>>)
      tpu.yield
    }) : () -> ()
    %add3A_18 = arith.constant 384 : i32
    %add3A_19 = arith.addi %mul3A_5, %add3A_18 : i32
    "tpu.region"() ({
      %run_scoped3A = tpu.sem_alloc : memref<!tpu.dma_semaphore, #tpu.memory_space<semaphore_mem>>
      %dma_start3A_167 = arith.constant 0 : i32
      %dma_start3A_168 = tpu.memref_slice %arg12[%add3A_19, %dma_start3A_167] : memref<10240x32xf32, #tpu.memory_space<vmem_shared>> -> memref<128x32xf32, #tpu.memory_space<vmem_shared>>
      %dma_start3A_169 = arith.constant 0 : i32
      %dma_start3A_170 = tpu.memref_slice %arg12[%add3A_19, %dma_start3A_169] : memref<10240x32xf32, #tpu.memory_space<vmem_shared>> -> memref<128x32xf32, #tpu.memory_space<vmem_shared>>
      tpu.enqueue_dma source(%arg11 : memref<128x32xf32, #tpu.memory_space<vmem>>) target(%dma_start3A_170 : memref<128x32xf32, #tpu.memory_space<vmem_shared>>) target_semaphore(%run_scoped3A : memref<!tpu.dma_semaphore, #tpu.memory_space<semaphore_mem>>)
      %dma_wait3A_171 = arith.constant 0 : i32
      %dma_wait3A_172 = tpu.memref_slice %arg12[%add3A_19, %dma_wait3A_171] : memref<10240x32xf32, #tpu.memory_space<vmem_shared>> -> memref<128x32xf32, #tpu.memory_space<vmem_shared>>
      %dma_wait3A_173 = arith.constant 0 : i32
      %dma_wait3A_174 = tpu.memref_slice %arg12[%add3A_19, %dma_wait3A_173] : memref<10240x32xf32, #tpu.memory_space<vmem_shared>> -> memref<128x32xf32, #tpu.memory_space<vmem_shared>>
      tpu.wait_dma2 semaphore(%run_scoped3A : memref<!tpu.dma_semaphore, #tpu.memory_space<semaphore_mem>>) src(%arg11 : memref<128x32xf32, #tpu.memory_space<vmem>>) dst(%dma_wait3A_174 : memref<128x32xf32, #tpu.memory_space<vmem_shared>>)
      tpu.yield
    }) : () -> ()
    %add3A_20 = arith.constant 512 : i32
    %add3A_21 = arith.addi %mul3A_5, %add3A_20 : i32
    "tpu.region"() ({
      %run_scoped3A = tpu.sem_alloc : memref<!tpu.dma_semaphore, #tpu.memory_space<semaphore_mem>>
      %dma_start3A_167 = arith.constant 0 : i32
      %dma_start3A_168 = tpu.memref_slice %arg12[%add3A_21, %dma_start3A_167] : memref<10240x32xf32, #tpu.memory_space<vmem_shared>> -> memref<128x32xf32, #tpu.memory_space<vmem_shared>>
      %dma_start3A_169 = arith.constant 0 : i32
      %dma_start3A_170 = tpu.memref_slice %arg12[%add3A_21, %dma_start3A_169] : memref<10240x32xf32, #tpu.memory_space<vmem_shared>> -> memref<128x32xf32, #tpu.memory_space<vmem_shared>>
      tpu.enqueue_dma source(%arg11 : memref<128x32xf32, #tpu.memory_space<vmem>>) target(%dma_start3A_170 : memref<128x32xf32, #tpu.memory_space<vmem_shared>>) target_semaphore(%run_scoped3A : memref<!tpu.dma_semaphore, #tpu.memory_space<semaphore_mem>>)
      %dma_wait3A_171 = arith.constant 0 : i32
      %dma_wait3A_172 = tpu.memref_slice %arg12[%add3A_21, %dma_wait3A_171] : memref<10240x32xf32, #tpu.memory_space<vmem_shared>> -> memref<128x32xf32, #tpu.memory_space<vmem_shared>>
      %dma_wait3A_173 = arith.constant 0 : i32
      %dma_wait3A_174 = tpu.memref_slice %arg12[%add3A_21, %dma_wait3A_173] : memref<10240x32xf32, #tpu.memory_space<vmem_shared>> -> memref<128x32xf32, #tpu.memory_space<vmem_shared>>
      tpu.wait_dma2 semaphore(%run_scoped3A : memref<!tpu.dma_semaphore, #tpu.memory_space<semaphore_mem>>) src(%arg11 : memref<128x32xf32, #tpu.memory_space<vmem>>) dst(%dma_wait3A_174 : memref<128x32xf32, #tpu.memory_space<vmem_shared>>)
      tpu.yield
    }) : () -> ()
    %barrier3A = arith.constant 0 : index
    tpu.barrier barrier_id(%barrier3A)
    %sub3A_22 = arith.constant 1 : i32
    %sub3A_23 = arith.subi %select_n3A, %sub3A_22 : i32
    %min3A_24 = arith.constant 0 : i32
    %min3A_25 = arith.minsi %min3A_24, %sub3A_23 : i32
    %add3A_26 = arith.addi %sub3A, %min3A_25 : i32
    %dma_start3A = arith.constant 0 : i32
    %dma_start3A_27 = arith.constant 0 : i32
    %dma_start3A_28 = arith.constant 0 : i32
    %dma_start3A_29 = tpu.memref_slice %arg9[%dma_start3A, %dma_start3A_27, %dma_start3A_28] : memref<2x128x272xf32, #tpu.memory_space<vmem>> -> memref<1x128x272xf32, #tpu.memory_space<vmem>>
    %dma_start3A_30 = tpu.memref_squeeze %dma_start3A_29 : memref<1x128x272xf32, #tpu.memory_space<vmem>> -> memref<128x272xf32, #tpu.memory_space<vmem>>
    %dma_start3A_31 = arith.constant 0 : i32
    %dma_start3A_32 = tpu.memref_slice %arg7[%add3A_26, %dma_start3A_31] : memref<52x128xi32, #tpu.memory_space<vmem>> -> memref<1x128xi32, #tpu.memory_space<vmem>>
    %dma_start3A_33 = tpu.memref_squeeze %dma_start3A_32 : memref<1x128xi32, #tpu.memory_space<vmem>> -> memref<128xi32, #tpu.memory_space<vmem>>
    %dma_start3A_34 = arith.constant 0 : i32
    %dma_start3A_35 = arith.constant 0 : i32
    %dma_start3A_36 = tpu.memref_slice %arg2[%dma_start3A_34, %dma_start3A_35] : memref<10000x272xf32, #tpu.memory_space<hbm>> -> memref<10000x272xf32, #tpu.memory_space<hbm>>
    tpu.enqueue_indirect_dma source(%dma_start3A_36 : memref<10000x272xf32, #tpu.memory_space<hbm>>) target(%dma_start3A_30 : memref<128x272xf32, #tpu.memory_space<vmem>>) offsets(%dma_start3A_33 : memref<128xi32, #tpu.memory_space<vmem>>) semaphore(%arg13 : memref<!tpu.dma_semaphore, #tpu.memory_space<semaphore_mem>>)
    %add3A_37 = arith.addi %add3A, %min3A_25 : i32
    %mul3A_38 = arith.constant 128 : i32
    %mul3A_39 = arith.muli %add3A_37, %mul3A_38 : i32
    %dma_start3A_40 = arith.constant 0 : i32
    %dma_start3A_41 = arith.constant 0 : i32
    %dma_start3A_42 = arith.constant 0 : i32
    %dma_start3A_43 = tpu.memref_slice %arg10[%dma_start3A_40, %dma_start3A_41, %dma_start3A_42] : memref<2x128x32xf32, #tpu.memory_space<vmem>> -> memref<1x128x32xf32, #tpu.memory_space<vmem>>
    %dma_start3A_44 = tpu.memref_squeeze %dma_start3A_43 : memref<1x128x32xf32, #tpu.memory_space<vmem>> -> memref<128x32xf32, #tpu.memory_space<vmem>>
    %dma_start3A_45 = arith.constant 0 : i32
    %dma_start3A_46 = tpu.memref_slice %arg3[%mul3A_39, %dma_start3A_45] : memref<163840x32xf32, #tpu.memory_space<hbm>> -> memref<128x32xf32, #tpu.memory_space<hbm>>
    %dma_start3A_47 = arith.constant 0 : i32
    %dma_start3A_48 = arith.constant 0 : i32
    %dma_start3A_49 = tpu.memref_slice %arg10[%dma_start3A_40, %dma_start3A_47, %dma_start3A_48] : memref<2x128x32xf32, #tpu.memory_space<vmem>> -> memref<1x128x32xf32, #tpu.memory_space<vmem>>
    %dma_start3A_50 = tpu.memref_squeeze %dma_start3A_49 : memref<1x128x32xf32, #tpu.memory_space<vmem>> -> memref<128x32xf32, #tpu.memory_space<vmem>>
    %dma_start3A_51 = arith.constant 0 : i32
    %dma_start3A_52 = tpu.memref_slice %arg3[%mul3A_39, %dma_start3A_51] : memref<163840x32xf32, #tpu.memory_space<hbm>> -> memref<128x32xf32, #tpu.memory_space<hbm>>
    tpu.enqueue_dma source(%dma_start3A_52 : memref<128x32xf32, #tpu.memory_space<hbm>>) target(%dma_start3A_50 : memref<128x32xf32, #tpu.memory_space<vmem>>) target_semaphore(%arg15 : memref<!tpu.dma_semaphore, #tpu.memory_space<semaphore_mem>>)
    %sub3A_53 = arith.constant 1 : i32
    %sub3A_54 = arith.subi %select_n3A, %sub3A_53 : i32
    %min3A_55 = arith.constant 1 : i32
    %min3A_56 = arith.minsi %min3A_55, %sub3A_54 : i32
    %add3A_57 = arith.addi %sub3A, %min3A_56 : i32
    %dma_start3A_58 = arith.constant 1 : i32
    %dma_start3A_59 = arith.constant 0 : i32
    %dma_start3A_60 = arith.constant 0 : i32
    %dma_start3A_61 = tpu.memref_slice %arg9[%dma_start3A_58, %dma_start3A_59, %dma_start3A_60] : memref<2x128x272xf32, #tpu.memory_space<vmem>> -> memref<1x128x272xf32, #tpu.memory_space<vmem>>
    %dma_start3A_62 = tpu.memref_squeeze %dma_start3A_61 : memref<1x128x272xf32, #tpu.memory_space<vmem>> -> memref<128x272xf32, #tpu.memory_space<vmem>>
    %dma_start3A_63 = arith.constant 0 : i32
    %dma_start3A_64 = tpu.memref_slice %arg7[%add3A_57, %dma_start3A_63] : memref<52x128xi32, #tpu.memory_space<vmem>> -> memref<1x128xi32, #tpu.memory_space<vmem>>
    %dma_start3A_65 = tpu.memref_squeeze %dma_start3A_64 : memref<1x128xi32, #tpu.memory_space<vmem>> -> memref<128xi32, #tpu.memory_space<vmem>>
    %dma_start3A_66 = arith.constant 0 : i32
    %dma_start3A_67 = arith.constant 0 : i32
    %dma_start3A_68 = tpu.memref_slice %arg2[%dma_start3A_66, %dma_start3A_67] : memref<10000x272xf32, #tpu.memory_space<hbm>> -> memref<10000x272xf32, #tpu.memory_space<hbm>>
    tpu.enqueue_indirect_dma source(%dma_start3A_68 : memref<10000x272xf32, #tpu.memory_space<hbm>>) target(%dma_start3A_62 : memref<128x272xf32, #tpu.memory_space<vmem>>) offsets(%dma_start3A_65 : memref<128xi32, #tpu.memory_space<vmem>>) semaphore(%arg14 : memref<!tpu.dma_semaphore, #tpu.memory_space<semaphore_mem>>)
    %add3A_69 = arith.addi %add3A, %min3A_56 : i32
    %mul3A_70 = arith.constant 128 : i32
    %mul3A_71 = arith.muli %add3A_69, %mul3A_70 : i32
    %dma_start3A_72 = arith.constant 1 : i32
    %dma_start3A_73 = arith.constant 0 : i32
    %dma_start3A_74 = arith.constant 0 : i32
    %dma_start3A_75 = tpu.memref_slice %arg10[%dma_start3A_72, %dma_start3A_73, %dma_start3A_74] : memref<2x128x32xf32, #tpu.memory_space<vmem>> -> memref<1x128x32xf32, #tpu.memory_space<vmem>>
    %dma_start3A_76 = tpu.memref_squeeze %dma_start3A_75 : memref<1x128x32xf32, #tpu.memory_space<vmem>> -> memref<128x32xf32, #tpu.memory_space<vmem>>
    %dma_start3A_77 = arith.constant 0 : i32
    %dma_start3A_78 = tpu.memref_slice %arg3[%mul3A_71, %dma_start3A_77] : memref<163840x32xf32, #tpu.memory_space<hbm>> -> memref<128x32xf32, #tpu.memory_space<hbm>>
    %dma_start3A_79 = arith.constant 0 : i32
    %dma_start3A_80 = arith.constant 0 : i32
    %dma_start3A_81 = tpu.memref_slice %arg10[%dma_start3A_72, %dma_start3A_79, %dma_start3A_80] : memref<2x128x32xf32, #tpu.memory_space<vmem>> -> memref<1x128x32xf32, #tpu.memory_space<vmem>>
    %dma_start3A_82 = tpu.memref_squeeze %dma_start3A_81 : memref<1x128x32xf32, #tpu.memory_space<vmem>> -> memref<128x32xf32, #tpu.memory_space<vmem>>
    %dma_start3A_83 = arith.constant 0 : i32
    %dma_start3A_84 = tpu.memref_slice %arg3[%mul3A_71, %dma_start3A_83] : memref<163840x32xf32, #tpu.memory_space<hbm>> -> memref<128x32xf32, #tpu.memory_space<hbm>>
    tpu.enqueue_dma source(%dma_start3A_84 : memref<128x32xf32, #tpu.memory_space<hbm>>) target(%dma_start3A_82 : memref<128x32xf32, #tpu.memory_space<vmem>>) target_semaphore(%arg16 : memref<!tpu.dma_semaphore, #tpu.memory_space<semaphore_mem>>)
    %jit3A_85 = arith.constant 2 : i32
    %div3A = arith.divsi %select_n3A, %jit3A_85 : i32
    %sign3A = arith.constant 0 : i32
    %sign3A_86 = arith.cmpi sgt, %select_n3A, %sign3A : i32
    %sign3A_87 = arith.extui %sign3A_86 : i1 to i32
    %sign3A_88 = arith.constant 0 : i32
    %sign3A_89 = arith.cmpi slt, %select_n3A, %sign3A_88 : i32
    %sign3A_90 = arith.extui %sign3A_89 : i1 to i32
    %sign3A_91 = arith.subi %sign3A_87, %sign3A_90 : i32
    %sign3A_92 = arith.constant 0 : i32
    %sign3A_93 = arith.cmpi sgt, %jit3A_85, %sign3A_92 : i32
    %sign3A_94 = arith.extui %sign3A_93 : i1 to i32
    %sign3A_95 = arith.constant 0 : i32
    %sign3A_96 = arith.cmpi slt, %jit3A_85, %sign3A_95 : i32
    %sign3A_97 = arith.extui %sign3A_96 : i1 to i32
    %sign3A_98 = arith.subi %sign3A_94, %sign3A_97 : i32
    %ne3A = arith.cmpi ne, %sign3A_91, %sign3A_98 : i32
    %rem3A = arith.remsi %select_n3A, %jit3A_85 : i32
    %ne3A_99 = arith.constant 0 : i32
    %ne3A_100 = arith.cmpi ne, %rem3A, %ne3A_99 : i32
    %and3A = arith.andi %ne3A, %ne3A_100 : i1
    %sub3A_101 = arith.constant 1 : i32
    %sub3A_102 = arith.subi %div3A, %sub3A_101 : i32
    %select_n3A_103 = arith.select %and3A, %sub3A_102, %div3A : i32
    %while3A = arith.constant 0 : i32
    %while3A_104 = arith.constant 0 : i32
    %while3A_105 = arith.subi %select_n3A_103, %while3A_104 : i32
    %while3A_106 = arith.addi %while3A_104, %while3A_105 : i32
    %while3A_107 = arith.constant 1 : i32
    %while3A_108 = arith.divsi %while3A_105, %while3A_107 : i32
    %while3A_109 = arith.muli %while3A_108, %while3A_107 : i32
    %while3A_110 = arith.addi %while3A_104, %while3A_109 : i32
    %while3A_111 = arith.constant 1 : i32
    scf.for %while3A_167 = %while3A_104 to %while3A_110 step %while3A_111  : i32 {
      %mul3A_168 = arith.constant 2 : i32
      %mul3A_169 = arith.muli %while3A_167, %mul3A_168 : i32
      %add3A_170 = arith.constant 0 : i32
      %add3A_171 = arith.addi %mul3A_169, %add3A_170 : i32
      %dma_wait3A_172 = arith.constant 0 : i32
      %dma_wait3A_173 = arith.constant 0 : i32
      %dma_wait3A_174 = arith.constant 0 : i32
      %dma_wait3A_175 = arith.constant 0 : i32
      %dma_wait3A_176 = tpu.memref_slice %arg9[%dma_wait3A_173, %dma_wait3A_174, %dma_wait3A_175] : memref<2x128x272xf32, #tpu.memory_space<vmem>> -> memref<1x128x272xf32, #tpu.memory_space<vmem>>
      %dma_wait3A_177 = tpu.memref_squeeze %dma_wait3A_176 : memref<1x128x272xf32, #tpu.memory_space<vmem>> -> memref<128x272xf32, #tpu.memory_space<vmem>>
      %dma_wait3A_178 = arith.constant 0 : i32
      %dma_wait3A_179 = tpu.memref_slice %arg7[%dma_wait3A_172, %dma_wait3A_178] : memref<52x128xi32, #tpu.memory_space<vmem>> -> memref<1x128xi32, #tpu.memory_space<vmem>>
      %dma_wait3A_180 = tpu.memref_squeeze %dma_wait3A_179 : memref<1x128xi32, #tpu.memory_space<vmem>> -> memref<128xi32, #tpu.memory_space<vmem>>
      %dma_wait3A_181 = arith.constant 0 : i32
      %dma_wait3A_182 = arith.constant 0 : i32
      %dma_wait3A_183 = tpu.memref_slice %arg2[%dma_wait3A_181, %dma_wait3A_182] : memref<10000x272xf32, #tpu.memory_space<hbm>> -> memref<10000x272xf32, #tpu.memory_space<hbm>>
      tpu.wait_indirect_dma semaphore(%arg13 : memref<!tpu.dma_semaphore, #tpu.memory_space<semaphore_mem>>) src(%dma_wait3A_183 : memref<10000x272xf32, #tpu.memory_space<hbm>>) dst(%dma_wait3A_177 : memref<128x272xf32, #tpu.memory_space<vmem>>)
      %dma_wait3A_184 = arith.constant 0 : i32
      %dma_wait3A_185 = arith.constant 0 : i32
      %dma_wait3A_186 = arith.constant 0 : i32
      %dma_wait3A_187 = tpu.memref_slice %arg10[%dma_wait3A_184, %dma_wait3A_185, %dma_wait3A_186] : memref<2x128x32xf32, #tpu.memory_space<vmem>> -> memref<1x128x32xf32, #tpu.memory_space<vmem>>
      %dma_wait3A_188 = tpu.memref_squeeze %dma_wait3A_187 : memref<1x128x32xf32, #tpu.memory_space<vmem>> -> memref<128x32xf32, #tpu.memory_space<vmem>>
      %dma_wait3A_189 = arith.constant 0 : i32
      %dma_wait3A_190 = arith.constant 0 : i32
      %dma_wait3A_191 = tpu.memref_slice %arg3[%dma_wait3A_189, %dma_wait3A_190] : memref<163840x32xf32, #tpu.memory_space<hbm>> -> memref<128x32xf32, #tpu.memory_space<hbm>>
      %dma_wait3A_192 = arith.constant 0 : i32
      %dma_wait3A_193 = arith.constant 0 : i32
      %dma_wait3A_194 = tpu.memref_slice %arg10[%dma_wait3A_184, %dma_wait3A_192, %dma_wait3A_193] : memref<2x128x32xf32, #tpu.memory_space<vmem>> -> memref<1x128x32xf32, #tpu.memory_space<vmem>>
      %dma_wait3A_195 = tpu.memref_squeeze %dma_wait3A_194 : memref<1x128x32xf32, #tpu.memory_space<vmem>> -> memref<128x32xf32, #tpu.memory_space<vmem>>
      %dma_wait3A_196 = arith.constant 0 : i32
      %dma_wait3A_197 = arith.constant 0 : i32
      %dma_wait3A_198 = tpu.memref_slice %arg3[%dma_wait3A_196, %dma_wait3A_197] : memref<163840x32xf32, #tpu.memory_space<hbm>> -> memref<128x32xf32, #tpu.memory_space<hbm>>
      tpu.wait_dma2 semaphore(%arg15 : memref<!tpu.dma_semaphore, #tpu.memory_space<semaphore_mem>>) src(%dma_wait3A_198 : memref<128x32xf32, #tpu.memory_space<hbm>>) dst(%dma_wait3A_195 : memref<128x32xf32, #tpu.memory_space<vmem>>)
      %scan3A_199 = arith.constant 0 : i32
      %scan3A_200 = arith.constant 0 : i32
      %scan3A_201 = arith.constant 128 : i32
      %scan3A_202 = arith.addi %scan3A_200, %scan3A_201 : i32
      %scan3A_203 = arith.constant 1 : i32
      scf.for %scan3A_310 = %scan3A_200 to %scan3A_202 step %scan3A_203  : i32 {
        %get3A = arith.constant 0 : i32
        %get3A_311 = arith.index_cast %get3A : i32 to index
        %get3A_312 = arith.index_cast %scan3A_310 : i32 to index
        %get3A_313 = arith.constant 0 : index
        %get3A_314 = tpu.vector_load %arg10[%get3A_311, %get3A_312, %get3A_313] {strides = array<i32>} : memref<2x128x32xf32, #tpu.memory_space<vmem>>, vector<16xf32>,
        %get3A_315 = arith.constant 0 : i32
        %get3A_316 = arith.index_cast %get3A_315 : i32 to index
        %get3A_317 = arith.index_cast %scan3A_310 : i32 to index
        %get3A_318 = arith.constant 16 : index
        %get3A_319 = tpu.vector_load %arg10[%get3A_316, %get3A_317, %get3A_318] {strides = array<i32>} : memref<2x128x32xf32, #tpu.memory_space<vmem>>, vector<16xf32>,
        %broadcast_in_dim3A = arith.constant 0 : i32
        %broadcast_in_dim3A_320 = vector.broadcast %broadcast_in_dim3A : i32 to vector<16x1xi32>
        %gather3A = vector.shape_cast %broadcast_in_dim3A_320 : vector<16x1xi32> to vector<16xi32>
        %gather3A_321 = tpu.dynamic_gather %get3A_319[%gather3A] in [0] : vector<16xf32>, vector<16xi32> -> vector<16xf32>
        %get3A_322 = arith.constant 0 : i32
        %get3A_323 = arith.index_cast %get3A_322 : i32 to index
        %get3A_324 = arith.index_cast %scan3A_310 : i32 to index
        %get3A_325 = arith.constant 256 : index
        %get3A_326 = tpu.vector_load %arg9[%get3A_323, %get3A_324, %get3A_325] {strides = array<i32>} : memref<2x128x272xf32, #tpu.memory_space<vmem>>, vector<16xf32>,
        %mul3A_327 = arith.mulf %gather3A_321, %get3A_326 : vector<16xf32>
        %broadcast_in_dim3A_328 = arith.constant 0 : i32
        %broadcast_in_dim3A_329 = vector.broadcast %broadcast_in_dim3A_328 : i32 to vector<16x1xi32>
        %gather3A_330 = vector.shape_cast %broadcast_in_dim3A_329 : vector<16x1xi32> to vector<16xi32>
        %gather3A_331 = tpu.dynamic_gather %get3A_314[%gather3A_330] in [0] : vector<16xf32>, vector<16xi32> -> vector<16xf32>
        %get3A_332 = arith.constant 0 : i32
        %get3A_333 = arith.index_cast %get3A_332 : i32 to index
        %get3A_334 = arith.index_cast %scan3A_310 : i32 to index
        %get3A_335 = arith.constant 0 : index
        %get3A_336 = tpu.vector_load %arg9[%get3A_333, %get3A_334, %get3A_335] {strides = array<i32>} : memref<2x128x272xf32, #tpu.memory_space<vmem>>, vector<16xf32>,
        %mul3A_337 = arith.mulf %gather3A_331, %get3A_336 : vector<16xf32>
        %add3A_338 = arith.addf %mul3A_327, %mul3A_337 : vector<16xf32>
        %broadcast_in_dim3A_339 = arith.constant 1 : i32
        %broadcast_in_dim3A_340 = vector.broadcast %broadcast_in_dim3A_339 : i32 to vector<16x1xi32>
        %gather3A_341 = vector.shape_cast %broadcast_in_dim3A_340 : vector<16x1xi32> to vector<16xi32>
        %gather3A_342 = tpu.dynamic_gather %get3A_314[%gather3A_341] in [0] : vector<16xf32>, vector<16xi32> -> vector<16xf32>
        %get3A_343 = arith.constant 0 : i32
        %get3A_344 = arith.index_cast %get3A_343 : i32 to index
        %get3A_345 = arith.index_cast %scan3A_310 : i32 to index
        %get3A_346 = arith.constant 16 : index
        %get3A_347 = tpu.vector_load %arg9[%get3A_344, %get3A_345, %get3A_346] {strides = array<i32>} : memref<2x128x272xf32, #tpu.memory_space<vmem>>, vector<16xf32>,
        %mul3A_348 = arith.mulf %gather3A_342, %get3A_347 : vector<16xf32>
        %broadcast_in_dim3A_349 = arith.constant 2 : i32
        %broadcast_in_dim3A_350 = vector.broadcast %broadcast_in_dim3A_349 : i32 to vector<16x1xi32>
        %gather3A_351 = vector.shape_cast %broadcast_in_dim3A_350 : vector<16x1xi32> to vector<16xi32>
        %gather3A_352 = tpu.dynamic_gather %get3A_314[%gather3A_351] in [0] : vector<16xf32>, vector<16xi32> -> vector<16xf32>
        %get3A_353 = arith.constant 0 : i32
        %get3A_354 = arith.index_cast %get3A_353 : i32 to index
        %get3A_355 = arith.index_cast %scan3A_310 : i32 to index
        %get3A_356 = arith.constant 32 : index
        %get3A_357 = tpu.vector_load %arg9[%get3A_354, %get3A_355, %get3A_356] {strides = array<i32>} : memref<2x128x272xf32, #tpu.memory_space<vmem>>, vector<16xf32>,
        %mul3A_358 = arith.mulf %gather3A_352, %get3A_357 : vector<16xf32>
        %broadcast_in_dim3A_359 = arith.constant 3 : i32
        %broadcast_in_dim3A_360 = vector.broadcast %broadcast_in_dim3A_359 : i32 to vector<16x1xi32>
        %gather3A_361 = vector.shape_cast %broadcast_in_dim3A_360 : vector<16x1xi32> to vector<16xi32>
        %gather3A_362 = tpu.dynamic_gather %get3A_314[%gather3A_361] in [0] : vector<16xf32>, vector<16xi32> -> vector<16xf32>
        %get3A_363 = arith.constant 0 : i32
        %get3A_364 = arith.index_cast %get3A_363 : i32 to index
        %get3A_365 = arith.index_cast %scan3A_310 : i32 to index
        %get3A_366 = arith.constant 48 : index
        %get3A_367 = tpu.vector_load %arg9[%get3A_364, %get3A_365, %get3A_366] {strides = array<i32>} : memref<2x128x272xf32, #tpu.memory_space<vmem>>, vector<16xf32>,
        %mul3A_368 = arith.mulf %gather3A_362, %get3A_367 : vector<16xf32>
        %broadcast_in_dim3A_369 = arith.constant 4 : i32
        %broadcast_in_dim3A_370 = vector.broadcast %broadcast_in_dim3A_369 : i32 to vector<16x1xi32>
        %gather3A_371 = vector.shape_cast %broadcast_in_dim3A_370 : vector<16x1xi32> to vector<16xi32>
        %gather3A_372 = tpu.dynamic_gather %get3A_314[%gather3A_371] in [0] : vector<16xf32>, vector<16xi32> -> vector<16xf32>
        %get3A_373 = arith.constant 0 : i32
        %get3A_374 = arith.index_cast %get3A_373 : i32 to index
        %get3A_375 = arith.index_cast %scan3A_310 : i32 to index
        %get3A_376 = arith.constant 64 : index
        %get3A_377 = tpu.vector_load %arg9[%get3A_374, %get3A_375, %get3A_376] {strides = array<i32>} : memref<2x128x272xf32, #tpu.memory_space<vmem>>, vector<16xf32>,
        %mul3A_378 = arith.mulf %gather3A_372, %get3A_377 : vector<16xf32>
        %add3A_379 = arith.addf %add3A_338, %mul3A_378 : vector<16xf32>
        %broadcast_in_dim3A_380 = arith.constant 5 : i32
        %broadcast_in_dim3A_381 = vector.broadcast %broadcast_in_dim3A_380 : i32 to vector<16x1xi32>
        %gather3A_382 = vector.shape_cast %broadcast_in_dim3A_381 : vector<16x1xi32> to vector<16xi32>
        %gather3A_383 = tpu.dynamic_gather %get3A_314[%gather3A_382] in [0] : vector<16xf32>, vector<16xi32> -> vector<16xf32>
        %get3A_384 = arith.constant 0 : i32
        %get3A_385 = arith.index_cast %get3A_384 : i32 to index
        %get3A_386 = arith.index_cast %scan3A_310 : i32 to index
        %get3A_387 = arith.constant 80 : index
        %get3A_388 = tpu.vector_load %arg9[%get3A_385, %get3A_386, %get3A_387] {strides = array<i32>} : memref<2x128x272xf32, #tpu.memory_space<vmem>>, vector<16xf32>,
        %mul3A_389 = arith.mulf %gather3A_383, %get3A_388 : vector<16xf32>
        %add3A_390 = arith.addf %mul3A_348, %mul3A_389 : vector<16xf32>
        %broadcast_in_dim3A_391 = arith.constant 6 : i32
        %broadcast_in_dim3A_392 = vector.broadcast %broadcast_in_dim3A_391 : i32 to vector<16x1xi32>
        %gather3A_393 = vector.shape_cast %broadcast_in_dim3A_392 : vector<16x1xi32> to vector<16xi32>
        %gather3A_394 = tpu.dynamic_gather %get3A_314[%gather3A_393] in [0] : vector<16xf32>, vector<16xi32> -> vector<16xf32>
        %get3A_395 = arith.constant 0 : i32
        %get3A_396 = arith.index_cast %get3A_395 : i32 to index
        %get3A_397 = arith.index_cast %scan3A_310 : i32 to index
        %get3A_398 = arith.constant 96 : index
        %get3A_399 = tpu.vector_load %arg9[%get3A_396, %get3A_397, %get3A_398] {strides = array<i32>} : memref<2x128x272xf32, #tpu.memory_space<vmem>>, vector<16xf32>,
        %mul3A_400 = arith.mulf %gather3A_394, %get3A_399 : vector<16xf32>
        %add3A_401 = arith.addf %mul3A_358, %mul3A_400 : vector<16xf32>
        %broadcast_in_dim3A_402 = arith.constant 7 : i32
        %broadcast_in_dim3A_403 = vector.broadcast %broadcast_in_dim3A_402 : i32 to vector<16x1xi32>
        %gather3A_404 = vector.shape_cast %broadcast_in_dim3A_403 : vector<16x1xi32> to vector<16xi32>
        %gather3A_405 = tpu.dynamic_gather %get3A_314[%gather3A_404] in [0] : vector<16xf32>, vector<16xi32> -> vector<16xf32>
        %get3A_406 = arith.constant 0 : i32
        %get3A_407 = arith.index_cast %get3A_406 : i32 to index
        %get3A_408 = arith.index_cast %scan3A_310 : i32 to index
        %get3A_409 = arith.constant 112 : index
        %get3A_410 = tpu.vector_load %arg9[%get3A_407, %get3A_408, %get3A_409] {strides = array<i32>} : memref<2x128x272xf32, #tpu.memory_space<vmem>>, vector<16xf32>,
        %mul3A_411 = arith.mulf %gather3A_405, %get3A_410 : vector<16xf32>
        %add3A_412 = arith.addf %mul3A_368, %mul3A_411 : vector<16xf32>
        %broadcast_in_dim3A_413 = arith.constant 8 : i32
        %broadcast_in_dim3A_414 = vector.broadcast %broadcast_in_dim3A_413 : i32 to vector<16x1xi32>
        %gather3A_415 = vector.shape_cast %broadcast_in_dim3A_414 : vector<16x1xi32> to vector<16xi32>
        %gather3A_416 = tpu.dynamic_gather %get3A_314[%gather3A_415] in [0] : vector<16xf32>, vector<16xi32> -> vector<16xf32>
        %get3A_417 = arith.constant 0 : i32
        %get3A_418 = arith.index_cast %get3A_417 : i32 to index
        %get3A_419 = arith.index_cast %scan3A_310 : i32 to index
        %get3A_420 = arith.constant 128 : index
        %get3A_421 = tpu.vector_load %arg9[%get3A_418, %get3A_419, %get3A_420] {strides = array<i32>} : memref<2x128x272xf32, #tpu.memory_space<vmem>>, vector<16xf32>,
        %mul3A_422 = arith.mulf %gather3A_416, %get3A_421 : vector<16xf32>
        %add3A_423 = arith.addf %add3A_379, %mul3A_422 : vector<16xf32>
        %broadcast_in_dim3A_424 = arith.constant 9 : i32
        %broadcast_in_dim3A_425 = vector.broadcast %broadcast_in_dim3A_424 : i32 to vector<16x1xi32>
        %gather3A_426 = vector.shape_cast %broadcast_in_dim3A_425 : vector<16x1xi32> to vector<16xi32>
        %gather3A_427 = tpu.dynamic_gather %get3A_314[%gather3A_426] in [0] : vector<16xf32>, vector<16xi32> -> vector<16xf32>
        %get3A_428 = arith.constant 0 : i32
        %get3A_429 = arith.index_cast %get3A_428 : i32 to index
        %get3A_430 = arith.index_cast %scan3A_310 : i32 to index
        %get3A_431 = arith.constant 144 : index
        %get3A_432 = tpu.vector_load %arg9[%get3A_429, %get3A_430, %get3A_431] {strides = array<i32>} : memref<2x128x272xf32, #tpu.memory_space<vmem>>, vector<16xf32>,
        %mul3A_433 = arith.mulf %gather3A_427, %get3A_432 : vector<16xf32>
        %add3A_434 = arith.addf %add3A_390, %mul3A_433 : vector<16xf32>
        %broadcast_in_dim3A_435 = arith.constant 10 : i32
        %broadcast_in_dim3A_436 = vector.broadcast %broadcast_in_dim3A_435 : i32 to vector<16x1xi32>
        %gather3A_437 = vector.shape_cast %broadcast_in_dim3A_436 : vector<16x1xi32> to vector<16xi32>
        %gather3A_438 = tpu.dynamic_gather %get3A_314[%gather3A_437] in [0] : vector<16xf32>, vector<16xi32> -> vector<16xf32>
        %get3A_439 = arith.constant 0 : i32
        %get3A_440 = arith.index_cast %get3A_439 : i32 to index
        %get3A_441 = arith.index_cast %scan3A_310 : i32 to index
        %get3A_442 = arith.constant 160 : index
        %get3A_443 = tpu.vector_load %arg9[%get3A_440, %get3A_441, %get3A_442] {strides = array<i32>} : memref<2x128x272xf32, #tpu.memory_space<vmem>>, vector<16xf32>,
        %mul3A_444 = arith.mulf %gather3A_438, %get3A_443 : vector<16xf32>
        %add3A_445 = arith.addf %add3A_401, %mul3A_444 : vector<16xf32>
        %broadcast_in_dim3A_446 = arith.constant 11 : i32
        %broadcast_in_dim3A_447 = vector.broadcast %broadcast_in_dim3A_446 : i32 to vector<16x1xi32>
        %gather3A_448 = vector.shape_cast %broadcast_in_dim3A_447 : vector<16x1xi32> to vector<16xi32>
        %gather3A_449 = tpu.dynamic_gather %get3A_314[%gather3A_448] in [0] : vector<16xf32>, vector<16xi32> -> vector<16xf32>
        %get3A_450 = arith.constant 0 : i32
        %get3A_451 = arith.index_cast %get3A_450 : i32 to index
        %get3A_452 = arith.index_cast %scan3A_310 : i32 to index
        %get3A_453 = arith.constant 176 : index
        %get3A_454 = tpu.vector_load %arg9[%get3A_451, %get3A_452, %get3A_453] {strides = array<i32>} : memref<2x128x272xf32, #tpu.memory_space<vmem>>, vector<16xf32>,
        %mul3A_455 = arith.mulf %gather3A_449, %get3A_454 : vector<16xf32>
        %add3A_456 = arith.addf %add3A_412, %mul3A_455 : vector<16xf32>
        %broadcast_in_dim3A_457 = arith.constant 12 : i32
        %broadcast_in_dim3A_458 = vector.broadcast %broadcast_in_dim3A_457 : i32 to vector<16x1xi32>
        %gather3A_459 = vector.shape_cast %broadcast_in_dim3A_458 : vector<16x1xi32> to vector<16xi32>
        %gather3A_460 = tpu.dynamic_gather %get3A_314[%gather3A_459] in [0] : vector<16xf32>, vector<16xi32> -> vector<16xf32>
        %get3A_461 = arith.constant 0 : i32
        %get3A_462 = arith.index_cast %get3A_461 : i32 to index
        %get3A_463 = arith.index_cast %scan3A_310 : i32 to index
        %get3A_464 = arith.constant 192 : index
        %get3A_465 = tpu.vector_load %arg9[%get3A_462, %get3A_463, %get3A_464] {strides = array<i32>} : memref<2x128x272xf32, #tpu.memory_space<vmem>>, vector<16xf32>,
        %mul3A_466 = arith.mulf %gather3A_460, %get3A_465 : vector<16xf32>
        %add3A_467 = arith.addf %add3A_423, %mul3A_466 : vector<16xf32>
        %broadcast_in_dim3A_468 = arith.constant 13 : i32
        %broadcast_in_dim3A_469 = vector.broadcast %broadcast_in_dim3A_468 : i32 to vector<16x1xi32>
        %gather3A_470 = vector.shape_cast %broadcast_in_dim3A_469 : vector<16x1xi32> to vector<16xi32>
        %gather3A_471 = tpu.dynamic_gather %get3A_314[%gather3A_470] in [0] : vector<16xf32>, vector<16xi32> -> vector<16xf32>
        %get3A_472 = arith.constant 0 : i32
        %get3A_473 = arith.index_cast %get3A_472 : i32 to index
        %get3A_474 = arith.index_cast %scan3A_310 : i32 to index
        %get3A_475 = arith.constant 208 : index
        %get3A_476 = tpu.vector_load %arg9[%get3A_473, %get3A_474, %get3A_475] {strides = array<i32>} : memref<2x128x272xf32, #tpu.memory_space<vmem>>, vector<16xf32>,
        %mul3A_477 = arith.mulf %gather3A_471, %get3A_476 : vector<16xf32>
        %add3A_478 = arith.addf %add3A_434, %mul3A_477 : vector<16xf32>
        %broadcast_in_dim3A_479 = arith.constant 14 : i32
        %broadcast_in_dim3A_480 = vector.broadcast %broadcast_in_dim3A_479 : i32 to vector<16x1xi32>
        %gather3A_481 = vector.shape_cast %broadcast_in_dim3A_480 : vector<16x1xi32> to vector<16xi32>
        %gather3A_482 = tpu.dynamic_gather %get3A_314[%gather3A_481] in [0] : vector<16xf32>, vector<16xi32> -> vector<16xf32>
        %get3A_483 = arith.constant 0 : i32
        %get3A_484 = arith.index_cast %get3A_483 : i32 to index
        %get3A_485 = arith.index_cast %scan3A_310 : i32 to index
        %get3A_486 = arith.constant 224 : index
        %get3A_487 = tpu.vector_load %arg9[%get3A_484, %get3A_485, %get3A_486] {strides = array<i32>} : memref<2x128x272xf32, #tpu.memory_space<vmem>>, vector<16xf32>,
        %mul3A_488 = arith.mulf %gather3A_482, %get3A_487 : vector<16xf32>
        %add3A_489 = arith.addf %add3A_445, %mul3A_488 : vector<16xf32>
        %broadcast_in_dim3A_490 = arith.constant 15 : i32
        %broadcast_in_dim3A_491 = vector.broadcast %broadcast_in_dim3A_490 : i32 to vector<16x1xi32>
        %gather3A_492 = vector.shape_cast %broadcast_in_dim3A_491 : vector<16x1xi32> to vector<16xi32>
        %gather3A_493 = tpu.dynamic_gather %get3A_314[%gather3A_492] in [0] : vector<16xf32>, vector<16xi32> -> vector<16xf32>
        %get3A_494 = arith.constant 0 : i32
        %get3A_495 = arith.index_cast %get3A_494 : i32 to index
        %get3A_496 = arith.index_cast %scan3A_310 : i32 to index
        %get3A_497 = arith.constant 240 : index
        %get3A_498 = tpu.vector_load %arg9[%get3A_495, %get3A_496, %get3A_497] {strides = array<i32>} : memref<2x128x272xf32, #tpu.memory_space<vmem>>, vector<16xf32>,
        %mul3A_499 = arith.mulf %gather3A_493, %get3A_498 : vector<16xf32>
        %add3A_500 = arith.addf %add3A_456, %mul3A_499 : vector<16xf32>
        %add3A_501 = arith.addf %add3A_467, %add3A_478 : vector<16xf32>
        %add3A_502 = arith.addf %add3A_489, %add3A_500 : vector<16xf32>
        %add3A_503 = arith.addf %add3A_501, %add3A_502 : vector<16xf32>
        %swap3A = arith.index_cast %scan3A_310 : i32 to index
        %swap3A_504 = arith.constant 0 : index
        %swap3A_505 = tpu.vector_load %arg11[%swap3A, %swap3A_504] {strides = array<i32>} : memref<128x32xf32, #tpu.memory_space<vmem>>, vector<16xf32>,
        tpu.vector_store %arg11[%swap3A, %swap3A_504], %add3A_503 {strides = array<i32>} : memref<128x32xf32, #tpu.memory_space<vmem>>, vector<16xf32>,
        %swap3A_506 = arith.index_cast %scan3A_310 : i32 to index
        %swap3A_507 = arith.constant 16 : index
        %swap3A_508 = tpu.vector_load %arg11[%swap3A_506, %swap3A_507] {strides = array<i32>} : memref<128x32xf32, #tpu.memory_space<vmem>>, vector<16xf32>,
        tpu.vector_store %arg11[%swap3A_506, %swap3A_507], %get3A_319 {strides = array<i32>} : memref<128x32xf32, #tpu.memory_space<vmem>>, vector<16xf32>,
      }
      %scan3A_204 = arith.constant 128 : i32
      %add3A_205 = arith.addi %sub3A, %add3A_171 : i32
      "tpu.region"() ({
        %run_scoped3A = tpu.sem_alloc : memref<!tpu.dma_semaphore, #tpu.memory_space<semaphore_mem>>
        %dma_start3A_310 = arith.constant 0 : i32
        %dma_start3A_311 = tpu.memref_slice %arg8[%add3A_205, %dma_start3A_310] : memref<52x128xi32, #tpu.memory_space<vmem>> -> memref<1x128xi32, #tpu.memory_space<vmem>>
        %dma_start3A_312 = tpu.memref_squeeze %dma_start3A_311 : memref<1x128xi32, #tpu.memory_space<vmem>> -> memref<128xi32, #tpu.memory_space<vmem>>
        %dma_start3A_313 = arith.constant 0 : i32
        %dma_start3A_314 = arith.constant 0 : i32
        %dma_start3A_315 = tpu.memref_slice %arg12[%dma_start3A_313, %dma_start3A_314] : memref<10240x32xf32, #tpu.memory_space<vmem_shared>> -> memref<10240x32xf32, #tpu.memory_space<vmem_shared>>
        tpu.enqueue_indirect_dma source(%arg11 : memref<128x32xf32, #tpu.memory_space<vmem>>) target(%dma_start3A_315 : memref<10240x32xf32, #tpu.memory_space<vmem_shared>>) offsets(%dma_start3A_312 : memref<128xi32, #tpu.memory_space<vmem>>) semaphore(%run_scoped3A : memref<!tpu.dma_semaphore, #tpu.memory_space<semaphore_mem>>) {add = true}
        %dma_wait3A_316 = arith.constant 0 : i32
        %dma_wait3A_317 = tpu.memref_slice %arg8[%add3A_205, %dma_wait3A_316] : memref<52x128xi32, #tpu.memory_space<vmem>> -> memref<1x128xi32, #tpu.memory_space<vmem>>
        %dma_wait3A_318 = tpu.memref_squeeze %dma_wait3A_317 : memref<1x128xi32, #tpu.memory_space<vmem>> -> memref<128xi32, #tpu.memory_space<vmem>>
        %dma_wait3A_319 = arith.constant 0 : i32
        %dma_wait3A_320 = arith.constant 0 : i32
        %dma_wait3A_321 = tpu.memref_slice %arg12[%dma_wait3A_319, %dma_wait3A_320] : memref<10240x32xf32, #tpu.memory_space<vmem_shared>> -> memref<10240x32xf32, #tpu.memory_space<vmem_shared>>
        tpu.wait_indirect_dma semaphore(%run_scoped3A : memref<!tpu.dma_semaphore, #tpu.memory_space<semaphore_mem>>) src(%arg11 : memref<128x32xf32, #tpu.memory_space<vmem>>) dst(%dma_wait3A_321 : memref<10240x32xf32, #tpu.memory_space<vmem_shared>>)
        tpu.yield
      }) : () -> ()
      %add3A_206 = arith.constant 2 : i32
      %add3A_207 = arith.addi %add3A_171, %add3A_206 : i32
      %sub3A_208 = arith.constant 1 : i32
      %sub3A_209 = arith.subi %select_n3A, %sub3A_208 : i32
      %min3A_210 = arith.minsi %add3A_207, %sub3A_209 : i32
      %add3A_211 = arith.addi %sub3A, %min3A_210 : i32
      %dma_start3A_212 = arith.constant 0 : i32
      %dma_start3A_213 = arith.constant 0 : i32
      %dma_start3A_214 = arith.constant 0 : i32
      %dma_start3A_215 = tpu.memref_slice %arg9[%dma_start3A_212, %dma_start3A_213, %dma_start3A_214] : memref<2x128x272xf32, #tpu.memory_space<vmem>> -> memref<1x128x272xf32, #tpu.memory_space<vmem>>
      %dma_start3A_216 = tpu.memref_squeeze %dma_start3A_215 : memref<1x128x272xf32, #tpu.memory_space<vmem>> -> memref<128x272xf32, #tpu.memory_space<vmem>>
      %dma_start3A_217 = arith.constant 0 : i32
      %dma_start3A_218 = tpu.memref_slice %arg7[%add3A_211, %dma_start3A_217] : memref<52x128xi32, #tpu.memory_space<vmem>> -> memref<1x128xi32, #tpu.memory_space<vmem>>
      %dma_start3A_219 = tpu.memref_squeeze %dma_start3A_218 : memref<1x128xi32, #tpu.memory_space<vmem>> -> memref<128xi32, #tpu.memory_space<vmem>>
      %dma_start3A_220 = arith.constant 0 : i32
      %dma_start3A_221 = arith.constant 0 : i32
      %dma_start3A_222 = tpu.memref_slice %arg2[%dma_start3A_220, %dma_start3A_221] : memref<10000x272xf32, #tpu.memory_space<hbm>> -> memref<10000x272xf32, #tpu.memory_space<hbm>>
      tpu.enqueue_indirect_dma source(%dma_start3A_222 : memref<10000x272xf32, #tpu.memory_space<hbm>>) target(%dma_start3A_216 : memref<128x272xf32, #tpu.memory_space<vmem>>) offsets(%dma_start3A_219 : memref<128xi32, #tpu.memory_space<vmem>>) semaphore(%arg13 : memref<!tpu.dma_semaphore, #tpu.memory_space<semaphore_mem>>)
      %add3A_223 = arith.addi %add3A, %min3A_210 : i32
      %mul3A_224 = arith.constant 128 : i32
      %mul3A_225 = arith.muli %add3A_223, %mul3A_224 : i32
      %dma_start3A_226 = arith.constant 0 : i32
      %dma_start3A_227 = arith.constant 0 : i32
      %dma_start3A_228 = arith.constant 0 : i32
      %dma_start3A_229 = tpu.memref_slice %arg10[%dma_start3A_226, %dma_start3A_227, %dma_start3A_228] : memref<2x128x32xf32, #tpu.memory_space<vmem>> -> memref<1x128x32xf32, #tpu.memory_space<vmem>>
      %dma_start3A_230 = tpu.memref_squeeze %dma_start3A_229 : memref<1x128x32xf32, #tpu.memory_space<vmem>> -> memref<128x32xf32, #tpu.memory_space<vmem>>
      %dma_start3A_231 = arith.constant 0 : i32
      %dma_start3A_232 = tpu.memref_slice %arg3[%mul3A_225, %dma_start3A_231] : memref<163840x32xf32, #tpu.memory_space<hbm>> -> memref<128x32xf32, #tpu.memory_space<hbm>>
      %dma_start3A_233 = arith.constant 0 : i32
      %dma_start3A_234 = arith.constant 0 : i32
      %dma_start3A_235 = tpu.memref_slice %arg10[%dma_start3A_226, %dma_start3A_233, %dma_start3A_234] : memref<2x128x32xf32, #tpu.memory_space<vmem>> -> memref<1x128x32xf32, #tpu.memory_space<vmem>>
      %dma_start3A_236 = tpu.memref_squeeze %dma_start3A_235 : memref<1x128x32xf32, #tpu.memory_space<vmem>> -> memref<128x32xf32, #tpu.memory_space<vmem>>
      %dma_start3A_237 = arith.constant 0 : i32
      %dma_start3A_238 = tpu.memref_slice %arg3[%mul3A_225, %dma_start3A_237] : memref<163840x32xf32, #tpu.memory_space<hbm>> -> memref<128x32xf32, #tpu.memory_space<hbm>>
      tpu.enqueue_dma source(%dma_start3A_238 : memref<128x32xf32, #tpu.memory_space<hbm>>) target(%dma_start3A_236 : memref<128x32xf32, #tpu.memory_space<vmem>>) target_semaphore(%arg15 : memref<!tpu.dma_semaphore, #tpu.memory_space<semaphore_mem>>)
      %mul3A_239 = arith.constant 2 : i32
      %mul3A_240 = arith.muli %while3A_167, %mul3A_239 : i32
      %add3A_241 = arith.constant 1 : i32
      %add3A_242 = arith.addi %mul3A_240, %add3A_241 : i32
      %dma_wait3A_243 = arith.constant 0 : i32
      %dma_wait3A_244 = arith.constant 1 : i32
      %dma_wait3A_245 = arith.constant 0 : i32
      %dma_wait3A_246 = arith.constant 0 : i32
      %dma_wait3A_247 = tpu.memref_slice %arg9[%dma_wait3A_244, %dma_wait3A_245, %dma_wait3A_246] : memref<2x128x272xf32, #tpu.memory_space<vmem>> -> memref<1x128x272xf32, #tpu.memory_space<vmem>>
      %dma_wait3A_248 = tpu.memref_squeeze %dma_wait3A_247 : memref<1x128x272xf32, #tpu.memory_space<vmem>> -> memref<128x272xf32, #tpu.memory_space<vmem>>
      %dma_wait3A_249 = arith.constant 0 : i32
      %dma_wait3A_250 = tpu.memref_slice %arg7[%dma_wait3A_243, %dma_wait3A_249] : memref<52x128xi32, #tpu.memory_space<vmem>> -> memref<1x128xi32, #tpu.memory_space<vmem>>
      %dma_wait3A_251 = tpu.memref_squeeze %dma_wait3A_250 : memref<1x128xi32, #tpu.memory_space<vmem>> -> memref<128xi32, #tpu.memory_space<vmem>>
      %dma_wait3A_252 = arith.constant 0 : i32
      %dma_wait3A_253 = arith.constant 0 : i32
      %dma_wait3A_254 = tpu.memref_slice %arg2[%dma_wait3A_252, %dma_wait3A_253] : memref<10000x272xf32, #tpu.memory_space<hbm>> -> memref<10000x272xf32, #tpu.memory_space<hbm>>
      tpu.wait_indirect_dma semaphore(%arg14 : memref<!tpu.dma_semaphore, #tpu.memory_space<semaphore_mem>>) src(%dma_wait3A_254 : memref<10000x272xf32, #tpu.memory_space<hbm>>) dst(%dma_wait3A_248 : memref<128x272xf32, #tpu.memory_space<vmem>>)
      %dma_wait3A_255 = arith.constant 1 : i32
      %dma_wait3A_256 = arith.constant 0 : i32
      %dma_wait3A_257 = arith.constant 0 : i32
      %dma_wait3A_258 = tpu.memref_slice %arg10[%dma_wait3A_255, %dma_wait3A_256, %dma_wait3A_257] : memref<2x128x32xf32, #tpu.memory_space<vmem>> -> memref<1x128x32xf32, #tpu.memory_space<vmem>>
      %dma_wait3A_259 = tpu.memref_squeeze %dma_wait3A_258 : memref<1x128x32xf32, #tpu.memory_space<vmem>> -> memref<128x32xf32, #tpu.memory_space<vmem>>
      %dma_wait3A_260 = arith.constant 0 : i32
      %dma_wait3A_261 = arith.constant 0 : i32
      %dma_wait3A_262 = tpu.memref_slice %arg3[%dma_wait3A_260, %dma_wait3A_261] : memref<163840x32xf32, #tpu.memory_space<hbm>> -> memref<128x32xf32, #tpu.memory_space<hbm>>
      %dma_wait3A_263 = arith.constant 0 : i32
      %dma_wait3A_264 = arith.constant 0 : i32
      %dma_wait3A_265 = tpu.memref_slice %arg10[%dma_wait3A_255, %dma_wait3A_263, %dma_wait3A_264] : memref<2x128x32xf32, #tpu.memory_space<vmem>> -> memref<1x128x32xf32, #tpu.memory_space<vmem>>
      %dma_wait3A_266 = tpu.memref_squeeze %dma_wait3A_265 : memref<1x128x32xf32, #tpu.memory_space<vmem>> -> memref<128x32xf32, #tpu.memory_space<vmem>>
      %dma_wait3A_267 = arith.constant 0 : i32
      %dma_wait3A_268 = arith.constant 0 : i32
      %dma_wait3A_269 = tpu.memref_slice %arg3[%dma_wait3A_267, %dma_wait3A_268] : memref<163840x32xf32, #tpu.memory_space<hbm>> -> memref<128x32xf32, #tpu.memory_space<hbm>>
      tpu.wait_dma2 semaphore(%arg16 : memref<!tpu.dma_semaphore, #tpu.memory_space<semaphore_mem>>) src(%dma_wait3A_269 : memref<128x32xf32, #tpu.memory_space<hbm>>) dst(%dma_wait3A_266 : memref<128x32xf32, #tpu.memory_space<vmem>>)
      %scan3A_270 = arith.constant 0 : i32
      %scan3A_271 = arith.constant 0 : i32
      %scan3A_272 = arith.constant 128 : i32
      %scan3A_273 = arith.addi %scan3A_271, %scan3A_272 : i32
      %scan3A_274 = arith.constant 1 : i32
      scf.for %scan3A_310 = %scan3A_271 to %scan3A_273 step %scan3A_274  : i32 {
        %get3A = arith.constant 1 : i32
        %get3A_311 = arith.index_cast %get3A : i32 to index
        %get3A_312 = arith.index_cast %scan3A_310 : i32 to index
        %get3A_313 = arith.constant 0 : index
        %get3A_314 = tpu.vector_load %arg10[%get3A_311, %get3A_312, %get3A_313] {strides = array<i32>} : memref<2x128x32xf32, #tpu.memory_space<vmem>>, vector<16xf32>,
        %get3A_315 = arith.constant 1 : i32
        %get3A_316 = arith.index_cast %get3A_315 : i32 to index
        %get3A_317 = arith.index_cast %scan3A_310 : i32 to index
        %get3A_318 = arith.constant 16 : index
        %get3A_319 = tpu.vector_load %arg10[%get3A_316, %get3A_317, %get3A_318] {strides = array<i32>} : memref<2x128x32xf32, #tpu.memory_space<vmem>>, vector<16xf32>,
        %broadcast_in_dim3A = arith.constant 0 : i32
        %broadcast_in_dim3A_320 = vector.broadcast %broadcast_in_dim3A : i32 to vector<16x1xi32>
        %gather3A = vector.shape_cast %broadcast_in_dim3A_320 : vector<16x1xi32> to vector<16xi32>
        %gather3A_321 = tpu.dynamic_gather %get3A_319[%gather3A] in [0] : vector<16xf32>, vector<16xi32> -> vector<16xf32>
        %get3A_322 = arith.constant 1 : i32
        %get3A_323 = arith.index_cast %get3A_322 : i32 to index
        %get3A_324 = arith.index_cast %scan3A_310 : i32 to index
        %get3A_325 = arith.constant 256 : index
        %get3A_326 = tpu.vector_load %arg9[%get3A_323, %get3A_324, %get3A_325] {strides = array<i32>} : memref<2x128x272xf32, #tpu.memory_space<vmem>>, vector<16xf32>,
        %mul3A_327 = arith.mulf %gather3A_321, %get3A_326 : vector<16xf32>
        %broadcast_in_dim3A_328 = arith.constant 0 : i32
        %broadcast_in_dim3A_329 = vector.broadcast %broadcast_in_dim3A_328 : i32 to vector<16x1xi32>
        %gather3A_330 = vector.shape_cast %broadcast_in_dim3A_329 : vector<16x1xi32> to vector<16xi32>
        %gather3A_331 = tpu.dynamic_gather %get3A_314[%gather3A_330] in [0] : vector<16xf32>, vector<16xi32> -> vector<16xf32>
        %get3A_332 = arith.constant 1 : i32
        %get3A_333 = arith.index_cast %get3A_332 : i32 to index
        %get3A_334 = arith.index_cast %scan3A_310 : i32 to index
        %get3A_335 = arith.constant 0 : index
        %get3A_336 = tpu.vector_load %arg9[%get3A_333, %get3A_334, %get3A_335] {strides = array<i32>} : memref<2x128x272xf32, #tpu.memory_space<vmem>>, vector<16xf32>,
        %mul3A_337 = arith.mulf %gather3A_331, %get3A_336 : vector<16xf32>
        %add3A_338 = arith.addf %mul3A_327, %mul3A_337 : vector<16xf32>
        %broadcast_in_dim3A_339 = arith.constant 1 : i32
        %broadcast_in_dim3A_340 = vector.broadcast %broadcast_in_dim3A_339 : i32 to vector<16x1xi32>
        %gather3A_341 = vector.shape_cast %broadcast_in_dim3A_340 : vector<16x1xi32> to vector<16xi32>
        %gather3A_342 = tpu.dynamic_gather %get3A_314[%gather3A_341] in [0] : vector<16xf32>, vector<16xi32> -> vector<16xf32>
        %get3A_343 = arith.constant 1 : i32
        %get3A_344 = arith.index_cast %get3A_343 : i32 to index
        %get3A_345 = arith.index_cast %scan3A_310 : i32 to index
        %get3A_346 = arith.constant 16 : index
        %get3A_347 = tpu.vector_load %arg9[%get3A_344, %get3A_345, %get3A_346] {strides = array<i32>} : memref<2x128x272xf32, #tpu.memory_space<vmem>>, vector<16xf32>,
        %mul3A_348 = arith.mulf %gather3A_342, %get3A_347 : vector<16xf32>
        %broadcast_in_dim3A_349 = arith.constant 2 : i32
        %broadcast_in_dim3A_350 = vector.broadcast %broadcast_in_dim3A_349 : i32 to vector<16x1xi32>
        %gather3A_351 = vector.shape_cast %broadcast_in_dim3A_350 : vector<16x1xi32> to vector<16xi32>
        %gather3A_352 = tpu.dynamic_gather %get3A_314[%gather3A_351] in [0] : vector<16xf32>, vector<16xi32> -> vector<16xf32>
        %get3A_353 = arith.constant 1 : i32
        %get3A_354 = arith.index_cast %get3A_353 : i32 to index
        %get3A_355 = arith.index_cast %scan3A_310 : i32 to index
        %get3A_356 = arith.constant 32 : index
        %get3A_357 = tpu.vector_load %arg9[%get3A_354, %get3A_355, %get3A_356] {strides = array<i32>} : memref<2x128x272xf32, #tpu.memory_space<vmem>>, vector<16xf32>,
        %mul3A_358 = arith.mulf %gather3A_352, %get3A_357 : vector<16xf32>
        %broadcast_in_dim3A_359 = arith.constant 3 : i32
        %broadcast_in_dim3A_360 = vector.broadcast %broadcast_in_dim3A_359 : i32 to vector<16x1xi32>
        %gather3A_361 = vector.shape_cast %broadcast_in_dim3A_360 : vector<16x1xi32> to vector<16xi32>
        %gather3A_362 = tpu.dynamic_gather %get3A_314[%gather3A_361] in [0] : vector<16xf32>, vector<16xi32> -> vector<16xf32>
        %get3A_363 = arith.constant 1 : i32
        %get3A_364 = arith.index_cast %get3A_363 : i32 to index
        %get3A_365 = arith.index_cast %scan3A_310 : i32 to index
        %get3A_366 = arith.constant 48 : index
        %get3A_367 = tpu.vector_load %arg9[%get3A_364, %get3A_365, %get3A_366] {strides = array<i32>} : memref<2x128x272xf32, #tpu.memory_space<vmem>>, vector<16xf32>,
        %mul3A_368 = arith.mulf %gather3A_362, %get3A_367 : vector<16xf32>
        %broadcast_in_dim3A_369 = arith.constant 4 : i32
        %broadcast_in_dim3A_370 = vector.broadcast %broadcast_in_dim3A_369 : i32 to vector<16x1xi32>
        %gather3A_371 = vector.shape_cast %broadcast_in_dim3A_370 : vector<16x1xi32> to vector<16xi32>
        %gather3A_372 = tpu.dynamic_gather %get3A_314[%gather3A_371] in [0] : vector<16xf32>, vector<16xi32> -> vector<16xf32>
        %get3A_373 = arith.constant 1 : i32
        %get3A_374 = arith.index_cast %get3A_373 : i32 to index
        %get3A_375 = arith.index_cast %scan3A_310 : i32 to index
        %get3A_376 = arith.constant 64 : index
        %get3A_377 = tpu.vector_load %arg9[%get3A_374, %get3A_375, %get3A_376] {strides = array<i32>} : memref<2x128x272xf32, #tpu.memory_space<vmem>>, vector<16xf32>,
        %mul3A_378 = arith.mulf %gather3A_372, %get3A_377 : vector<16xf32>
        %add3A_379 = arith.addf %add3A_338, %mul3A_378 : vector<16xf32>
        %broadcast_in_dim3A_380 = arith.constant 5 : i32
        %broadcast_in_dim3A_381 = vector.broadcast %broadcast_in_dim3A_380 : i32 to vector<16x1xi32>
        %gather3A_382 = vector.shape_cast %broadcast_in_dim3A_381 : vector<16x1xi32> to vector<16xi32>
        %gather3A_383 = tpu.dynamic_gather %get3A_314[%gather3A_382] in [0] : vector<16xf32>, vector<16xi32> -> vector<16xf32>
        %get3A_384 = arith.constant 1 : i32
        %get3A_385 = arith.index_cast %get3A_384 : i32 to index
        %get3A_386 = arith.index_cast %scan3A_310 : i32 to index
        %get3A_387 = arith.constant 80 : index
        %get3A_388 = tpu.vector_load %arg9[%get3A_385, %get3A_386, %get3A_387] {strides = array<i32>} : memref<2x128x272xf32, #tpu.memory_space<vmem>>, vector<16xf32>,
        %mul3A_389 = arith.mulf %gather3A_383, %get3A_388 : vector<16xf32>
        %add3A_390 = arith.addf %mul3A_348, %mul3A_389 : vector<16xf32>
        %broadcast_in_dim3A_391 = arith.constant 6 : i32
        %broadcast_in_dim3A_392 = vector.broadcast %broadcast_in_dim3A_391 : i32 to vector<16x1xi32>
        %gather3A_393 = vector.shape_cast %broadcast_in_dim3A_392 : vector<16x1xi32> to vector<16xi32>
        %gather3A_394 = tpu.dynamic_gather %get3A_314[%gather3A_393] in [0] : vector<16xf32>, vector<16xi32> -> vector<16xf32>
        %get3A_395 = arith.constant 1 : i32
        %get3A_396 = arith.index_cast %get3A_395 : i32 to index
        %get3A_397 = arith.index_cast %scan3A_310 : i32 to index
        %get3A_398 = arith.constant 96 : index
        %get3A_399 = tpu.vector_load %arg9[%get3A_396, %get3A_397, %get3A_398] {strides = array<i32>} : memref<2x128x272xf32, #tpu.memory_space<vmem>>, vector<16xf32>,
        %mul3A_400 = arith.mulf %gather3A_394, %get3A_399 : vector<16xf32>
        %add3A_401 = arith.addf %mul3A_358, %mul3A_400 : vector<16xf32>
        %broadcast_in_dim3A_402 = arith.constant 7 : i32
        %broadcast_in_dim3A_403 = vector.broadcast %broadcast_in_dim3A_402 : i32 to vector<16x1xi32>
        %gather3A_404 = vector.shape_cast %broadcast_in_dim3A_403 : vector<16x1xi32> to vector<16xi32>
        %gather3A_405 = tpu.dynamic_gather %get3A_314[%gather3A_404] in [0] : vector<16xf32>, vector<16xi32> -> vector<16xf32>
        %get3A_406 = arith.constant 1 : i32
        %get3A_407 = arith.index_cast %get3A_406 : i32 to index
        %get3A_408 = arith.index_cast %scan3A_310 : i32 to index
        %get3A_409 = arith.constant 112 : index
        %get3A_410 = tpu.vector_load %arg9[%get3A_407, %get3A_408, %get3A_409] {strides = array<i32>} : memref<2x128x272xf32, #tpu.memory_space<vmem>>, vector<16xf32>,
        %mul3A_411 = arith.mulf %gather3A_405, %get3A_410 : vector<16xf32>
        %add3A_412 = arith.addf %mul3A_368, %mul3A_411 : vector<16xf32>
        %broadcast_in_dim3A_413 = arith.constant 8 : i32
        %broadcast_in_dim3A_414 = vector.broadcast %broadcast_in_dim3A_413 : i32 to vector<16x1xi32>
        %gather3A_415 = vector.shape_cast %broadcast_in_dim3A_414 : vector<16x1xi32> to vector<16xi32>
        %gather3A_416 = tpu.dynamic_gather %get3A_314[%gather3A_415] in [0] : vector<16xf32>, vector<16xi32> -> vector<16xf32>
        %get3A_417 = arith.constant 1 : i32
        %get3A_418 = arith.index_cast %get3A_417 : i32 to index
        %get3A_419 = arith.index_cast %scan3A_310 : i32 to index
        %get3A_420 = arith.constant 128 : index
        %get3A_421 = tpu.vector_load %arg9[%get3A_418, %get3A_419, %get3A_420] {strides = array<i32>} : memref<2x128x272xf32, #tpu.memory_space<vmem>>, vector<16xf32>,
        %mul3A_422 = arith.mulf %gather3A_416, %get3A_421 : vector<16xf32>
        %add3A_423 = arith.addf %add3A_379, %mul3A_422 : vector<16xf32>
        %broadcast_in_dim3A_424 = arith.constant 9 : i32
        %broadcast_in_dim3A_425 = vector.broadcast %broadcast_in_dim3A_424 : i32 to vector<16x1xi32>
        %gather3A_426 = vector.shape_cast %broadcast_in_dim3A_425 : vector<16x1xi32> to vector<16xi32>
        %gather3A_427 = tpu.dynamic_gather %get3A_314[%gather3A_426] in [0] : vector<16xf32>, vector<16xi32> -> vector<16xf32>
        %get3A_428 = arith.constant 1 : i32
        %get3A_429 = arith.index_cast %get3A_428 : i32 to index
        %get3A_430 = arith.index_cast %scan3A_310 : i32 to index
        %get3A_431 = arith.constant 144 : index
        %get3A_432 = tpu.vector_load %arg9[%get3A_429, %get3A_430, %get3A_431] {strides = array<i32>} : memref<2x128x272xf32, #tpu.memory_space<vmem>>, vector<16xf32>,
        %mul3A_433 = arith.mulf %gather3A_427, %get3A_432 : vector<16xf32>
        %add3A_434 = arith.addf %add3A_390, %mul3A_433 : vector<16xf32>
        %broadcast_in_dim3A_435 = arith.constant 10 : i32
        %broadcast_in_dim3A_436 = vector.broadcast %broadcast_in_dim3A_435 : i32 to vector<16x1xi32>
        %gather3A_437 = vector.shape_cast %broadcast_in_dim3A_436 : vector<16x1xi32> to vector<16xi32>
        %gather3A_438 = tpu.dynamic_gather %get3A_314[%gather3A_437] in [0] : vector<16xf32>, vector<16xi32> -> vector<16xf32>
        %get3A_439 = arith.constant 1 : i32
        %get3A_440 = arith.index_cast %get3A_439 : i32 to index
        %get3A_441 = arith.index_cast %scan3A_310 : i32 to index
        %get3A_442 = arith.constant 160 : index
        %get3A_443 = tpu.vector_load %arg9[%get3A_440, %get3A_441, %get3A_442] {strides = array<i32>} : memref<2x128x272xf32, #tpu.memory_space<vmem>>, vector<16xf32>,
        %mul3A_444 = arith.mulf %gather3A_438, %get3A_443 : vector<16xf32>
        %add3A_445 = arith.addf %add3A_401, %mul3A_444 : vector<16xf32>
        %broadcast_in_dim3A_446 = arith.constant 11 : i32
        %broadcast_in_dim3A_447 = vector.broadcast %broadcast_in_dim3A_446 : i32 to vector<16x1xi32>
        %gather3A_448 = vector.shape_cast %broadcast_in_dim3A_447 : vector<16x1xi32> to vector<16xi32>
        %gather3A_449 = tpu.dynamic_gather %get3A_314[%gather3A_448] in [0] : vector<16xf32>, vector<16xi32> -> vector<16xf32>
        %get3A_450 = arith.constant 1 : i32
        %get3A_451 = arith.index_cast %get3A_450 : i32 to index
        %get3A_452 = arith.index_cast %scan3A_310 : i32 to index
        %get3A_453 = arith.constant 176 : index
        %get3A_454 = tpu.vector_load %arg9[%get3A_451, %get3A_452, %get3A_453] {strides = array<i32>} : memref<2x128x272xf32, #tpu.memory_space<vmem>>, vector<16xf32>,
        %mul3A_455 = arith.mulf %gather3A_449, %get3A_454 : vector<16xf32>
        %add3A_456 = arith.addf %add3A_412, %mul3A_455 : vector<16xf32>
        %broadcast_in_dim3A_457 = arith.constant 12 : i32
        %broadcast_in_dim3A_458 = vector.broadcast %broadcast_in_dim3A_457 : i32 to vector<16x1xi32>
        %gather3A_459 = vector.shape_cast %broadcast_in_dim3A_458 : vector<16x1xi32> to vector<16xi32>
        %gather3A_460 = tpu.dynamic_gather %get3A_314[%gather3A_459] in [0] : vector<16xf32>, vector<16xi32> -> vector<16xf32>
        %get3A_461 = arith.constant 1 : i32
        %get3A_462 = arith.index_cast %get3A_461 : i32 to index
        %get3A_463 = arith.index_cast %scan3A_310 : i32 to index
        %get3A_464 = arith.constant 192 : index
        %get3A_465 = tpu.vector_load %arg9[%get3A_462, %get3A_463, %get3A_464] {strides = array<i32>} : memref<2x128x272xf32, #tpu.memory_space<vmem>>, vector<16xf32>,
        %mul3A_466 = arith.mulf %gather3A_460, %get3A_465 : vector<16xf32>
        %add3A_467 = arith.addf %add3A_423, %mul3A_466 : vector<16xf32>
        %broadcast_in_dim3A_468 = arith.constant 13 : i32
        %broadcast_in_dim3A_469 = vector.broadcast %broadcast_in_dim3A_468 : i32 to vector<16x1xi32>
        %gather3A_470 = vector.shape_cast %broadcast_in_dim3A_469 : vector<16x1xi32> to vector<16xi32>
        %gather3A_471 = tpu.dynamic_gather %get3A_314[%gather3A_470] in [0] : vector<16xf32>, vector<16xi32> -> vector<16xf32>
        %get3A_472 = arith.constant 1 : i32
        %get3A_473 = arith.index_cast %get3A_472 : i32 to index
        %get3A_474 = arith.index_cast %scan3A_310 : i32 to index
        %get3A_475 = arith.constant 208 : index
        %get3A_476 = tpu.vector_load %arg9[%get3A_473, %get3A_474, %get3A_475] {strides = array<i32>} : memref<2x128x272xf32, #tpu.memory_space<vmem>>, vector<16xf32>,
        %mul3A_477 = arith.mulf %gather3A_471, %get3A_476 : vector<16xf32>
        %add3A_478 = arith.addf %add3A_434, %mul3A_477 : vector<16xf32>
        %broadcast_in_dim3A_479 = arith.constant 14 : i32
        %broadcast_in_dim3A_480 = vector.broadcast %broadcast_in_dim3A_479 : i32 to vector<16x1xi32>
        %gather3A_481 = vector.shape_cast %broadcast_in_dim3A_480 : vector<16x1xi32> to vector<16xi32>
        %gather3A_482 = tpu.dynamic_gather %get3A_314[%gather3A_481] in [0] : vector<16xf32>, vector<16xi32> -> vector<16xf32>
        %get3A_483 = arith.constant 1 : i32
        %get3A_484 = arith.index_cast %get3A_483 : i32 to index
        %get3A_485 = arith.index_cast %scan3A_310 : i32 to index
        %get3A_486 = arith.constant 224 : index
        %get3A_487 = tpu.vector_load %arg9[%get3A_484, %get3A_485, %get3A_486] {strides = array<i32>} : memref<2x128x272xf32, #tpu.memory_space<vmem>>, vector<16xf32>,
        %mul3A_488 = arith.mulf %gather3A_482, %get3A_487 : vector<16xf32>
        %add3A_489 = arith.addf %add3A_445, %mul3A_488 : vector<16xf32>
        %broadcast_in_dim3A_490 = arith.constant 15 : i32
        %broadcast_in_dim3A_491 = vector.broadcast %broadcast_in_dim3A_490 : i32 to vector<16x1xi32>
        %gather3A_492 = vector.shape_cast %broadcast_in_dim3A_491 : vector<16x1xi32> to vector<16xi32>
        %gather3A_493 = tpu.dynamic_gather %get3A_314[%gather3A_492] in [0] : vector<16xf32>, vector<16xi32> -> vector<16xf32>
        %get3A_494 = arith.constant 1 : i32
        %get3A_495 = arith.index_cast %get3A_494 : i32 to index
        %get3A_496 = arith.index_cast %scan3A_310 : i32 to index
        %get3A_497 = arith.constant 240 : index
        %get3A_498 = tpu.vector_load %arg9[%get3A_495, %get3A_496, %get3A_497] {strides = array<i32>} : memref<2x128x272xf32, #tpu.memory_space<vmem>>, vector<16xf32>,
        %mul3A_499 = arith.mulf %gather3A_493, %get3A_498 : vector<16xf32>
        %add3A_500 = arith.addf %add3A_456, %mul3A_499 : vector<16xf32>
        %add3A_501 = arith.addf %add3A_467, %add3A_478 : vector<16xf32>
        %add3A_502 = arith.addf %add3A_489, %add3A_500 : vector<16xf32>
        %add3A_503 = arith.addf %add3A_501, %add3A_502 : vector<16xf32>
        %swap3A = arith.index_cast %scan3A_310 : i32 to index
        %swap3A_504 = arith.constant 0 : index
        %swap3A_505 = tpu.vector_load %arg11[%swap3A, %swap3A_504] {strides = array<i32>} : memref<128x32xf32, #tpu.memory_space<vmem>>, vector<16xf32>,
        tpu.vector_store %arg11[%swap3A, %swap3A_504], %add3A_503 {strides = array<i32>} : memref<128x32xf32, #tpu.memory_space<vmem>>, vector<16xf32>,
        %swap3A_506 = arith.index_cast %scan3A_310 : i32 to index
        %swap3A_507 = arith.constant 16 : index
        %swap3A_508 = tpu.vector_load %arg11[%swap3A_506, %swap3A_507] {strides = array<i32>} : memref<128x32xf32, #tpu.memory_space<vmem>>, vector<16xf32>,
        tpu.vector_store %arg11[%swap3A_506, %swap3A_507], %get3A_319 {strides = array<i32>} : memref<128x32xf32, #tpu.memory_space<vmem>>, vector<16xf32>,
      }
      %scan3A_275 = arith.constant 128 : i32
      %add3A_276 = arith.addi %sub3A, %add3A_242 : i32
      "tpu.region"() ({
        %run_scoped3A = tpu.sem_alloc : memref<!tpu.dma_semaphore, #tpu.memory_space<semaphore_mem>>
        %dma_start3A_310 = arith.constant 0 : i32
        %dma_start3A_311 = tpu.memref_slice %arg8[%add3A_276, %dma_start3A_310] : memref<52x128xi32, #tpu.memory_space<vmem>> -> memref<1x128xi32, #tpu.memory_space<vmem>>
        %dma_start3A_312 = tpu.memref_squeeze %dma_start3A_311 : memref<1x128xi32, #tpu.memory_space<vmem>> -> memref<128xi32, #tpu.memory_space<vmem>>
        %dma_start3A_313 = arith.constant 0 : i32
        %dma_start3A_314 = arith.constant 0 : i32
        %dma_start3A_315 = tpu.memref_slice %arg12[%dma_start3A_313, %dma_start3A_314] : memref<10240x32xf32, #tpu.memory_space<vmem_shared>> -> memref<10240x32xf32, #tpu.memory_space<vmem_shared>>
        tpu.enqueue_indirect_dma source(%arg11 : memref<128x32xf32, #tpu.memory_space<vmem>>) target(%dma_start3A_315 : memref<10240x32xf32, #tpu.memory_space<vmem_shared>>) offsets(%dma_start3A_312 : memref<128xi32, #tpu.memory_space<vmem>>) semaphore(%run_scoped3A : memref<!tpu.dma_semaphore, #tpu.memory_space<semaphore_mem>>) {add = true}
        %dma_wait3A_316 = arith.constant 0 : i32
        %dma_wait3A_317 = tpu.memref_slice %arg8[%add3A_276, %dma_wait3A_316] : memref<52x128xi32, #tpu.memory_space<vmem>> -> memref<1x128xi32, #tpu.memory_space<vmem>>
        %dma_wait3A_318 = tpu.memref_squeeze %dma_wait3A_317 : memref<1x128xi32, #tpu.memory_space<vmem>> -> memref<128xi32, #tpu.memory_space<vmem>>
        %dma_wait3A_319 = arith.constant 0 : i32
        %dma_wait3A_320 = arith.constant 0 : i32
        %dma_wait3A_321 = tpu.memref_slice %arg12[%dma_wait3A_319, %dma_wait3A_320] : memref<10240x32xf32, #tpu.memory_space<vmem_shared>> -> memref<10240x32xf32, #tpu.memory_space<vmem_shared>>
        tpu.wait_indirect_dma semaphore(%run_scoped3A : memref<!tpu.dma_semaphore, #tpu.memory_space<semaphore_mem>>) src(%arg11 : memref<128x32xf32, #tpu.memory_space<vmem>>) dst(%dma_wait3A_321 : memref<10240x32xf32, #tpu.memory_space<vmem_shared>>)
        tpu.yield
      }) : () -> ()
      %add3A_277 = arith.constant 2 : i32
      %add3A_278 = arith.addi %add3A_242, %add3A_277 : i32
      %sub3A_279 = arith.constant 1 : i32
      %sub3A_280 = arith.subi %select_n3A, %sub3A_279 : i32
      %min3A_281 = arith.minsi %add3A_278, %sub3A_280 : i32
      %add3A_282 = arith.addi %sub3A, %min3A_281 : i32
      %dma_start3A_283 = arith.constant 1 : i32
      %dma_start3A_284 = arith.constant 0 : i32
      %dma_start3A_285 = arith.constant 0 : i32
      %dma_start3A_286 = tpu.memref_slice %arg9[%dma_start3A_283, %dma_start3A_284, %dma_start3A_285] : memref<2x128x272xf32, #tpu.memory_space<vmem>> -> memref<1x128x272xf32, #tpu.memory_space<vmem>>
      %dma_start3A_287 = tpu.memref_squeeze %dma_start3A_286 : memref<1x128x272xf32, #tpu.memory_space<vmem>> -> memref<128x272xf32, #tpu.memory_space<vmem>>
      %dma_start3A_288 = arith.constant 0 : i32
      %dma_start3A_289 = tpu.memref_slice %arg7[%add3A_282, %dma_start3A_288] : memref<52x128xi32, #tpu.memory_space<vmem>> -> memref<1x128xi32, #tpu.memory_space<vmem>>
      %dma_start3A_290 = tpu.memref_squeeze %dma_start3A_289 : memref<1x128xi32, #tpu.memory_space<vmem>> -> memref<128xi32, #tpu.memory_space<vmem>>
      %dma_start3A_291 = arith.constant 0 : i32
      %dma_start3A_292 = arith.constant 0 : i32
      %dma_start3A_293 = tpu.memref_slice %arg2[%dma_start3A_291, %dma_start3A_292] : memref<10000x272xf32, #tpu.memory_space<hbm>> -> memref<10000x272xf32, #tpu.memory_space<hbm>>
      tpu.enqueue_indirect_dma source(%dma_start3A_293 : memref<10000x272xf32, #tpu.memory_space<hbm>>) target(%dma_start3A_287 : memref<128x272xf32, #tpu.memory_space<vmem>>) offsets(%dma_start3A_290 : memref<128xi32, #tpu.memory_space<vmem>>) semaphore(%arg14 : memref<!tpu.dma_semaphore, #tpu.memory_space<semaphore_mem>>)
      %add3A_294 = arith.addi %add3A, %min3A_281 : i32
      %mul3A_295 = arith.constant 128 : i32
      %mul3A_296 = arith.muli %add3A_294, %mul3A_295 : i32
      %dma_start3A_297 = arith.constant 1 : i32
      %dma_start3A_298 = arith.constant 0 : i32
      %dma_start3A_299 = arith.constant 0 : i32
      %dma_start3A_300 = tpu.memref_slice %arg10[%dma_start3A_297, %dma_start3A_298, %dma_start3A_299] : memref<2x128x32xf32, #tpu.memory_space<vmem>> -> memref<1x128x32xf32, #tpu.memory_space<vmem>>
      %dma_start3A_301 = tpu.memref_squeeze %dma_start3A_300 : memref<1x128x32xf32, #tpu.memory_space<vmem>> -> memref<128x32xf32, #tpu.memory_space<vmem>>
      %dma_start3A_302 = arith.constant 0 : i32
      %dma_start3A_303 = tpu.memref_slice %arg3[%mul3A_296, %dma_start3A_302] : memref<163840x32xf32, #tpu.memory_space<hbm>> -> memref<128x32xf32, #tpu.memory_space<hbm>>
      %dma_start3A_304 = arith.constant 0 : i32
      %dma_start3A_305 = arith.constant 0 : i32
      %dma_start3A_306 = tpu.memref_slice %arg10[%dma_start3A_297, %dma_start3A_304, %dma_start3A_305] : memref<2x128x32xf32, #tpu.memory_space<vmem>> -> memref<1x128x32xf32, #tpu.memory_space<vmem>>
      %dma_start3A_307 = tpu.memref_squeeze %dma_start3A_306 : memref<1x128x32xf32, #tpu.memory_space<vmem>> -> memref<128x32xf32, #tpu.memory_space<vmem>>
      %dma_start3A_308 = arith.constant 0 : i32
      %dma_start3A_309 = tpu.memref_slice %arg3[%mul3A_296, %dma_start3A_308] : memref<163840x32xf32, #tpu.memory_space<hbm>> -> memref<128x32xf32, #tpu.memory_space<hbm>>
      tpu.enqueue_dma source(%dma_start3A_309 : memref<128x32xf32, #tpu.memory_space<hbm>>) target(%dma_start3A_307 : memref<128x32xf32, #tpu.memory_space<vmem>>) target_semaphore(%arg16 : memref<!tpu.dma_semaphore, #tpu.memory_space<semaphore_mem>>)
    }
    %while3A_112 = arith.constant 1 : i32
    scf.for %while3A_167 = %while3A_110 to %while3A_106 step %while3A_112  : i32 {
      %mul3A_168 = arith.constant 2 : i32
      %mul3A_169 = arith.muli %while3A_167, %mul3A_168 : i32
      %add3A_170 = arith.constant 0 : i32
      %add3A_171 = arith.addi %mul3A_169, %add3A_170 : i32
      %dma_wait3A_172 = arith.constant 0 : i32
      %dma_wait3A_173 = arith.constant 0 : i32
      %dma_wait3A_174 = arith.constant 0 : i32
      %dma_wait3A_175 = arith.constant 0 : i32
      %dma_wait3A_176 = tpu.memref_slice %arg9[%dma_wait3A_173, %dma_wait3A_174, %dma_wait3A_175] : memref<2x128x272xf32, #tpu.memory_space<vmem>> -> memref<1x128x272xf32, #tpu.memory_space<vmem>>
      %dma_wait3A_177 = tpu.memref_squeeze %dma_wait3A_176 : memref<1x128x272xf32, #tpu.memory_space<vmem>> -> memref<128x272xf32, #tpu.memory_space<vmem>>
      %dma_wait3A_178 = arith.constant 0 : i32
      %dma_wait3A_179 = tpu.memref_slice %arg7[%dma_wait3A_172, %dma_wait3A_178] : memref<52x128xi32, #tpu.memory_space<vmem>> -> memref<1x128xi32, #tpu.memory_space<vmem>>
      %dma_wait3A_180 = tpu.memref_squeeze %dma_wait3A_179 : memref<1x128xi32, #tpu.memory_space<vmem>> -> memref<128xi32, #tpu.memory_space<vmem>>
      %dma_wait3A_181 = arith.constant 0 : i32
      %dma_wait3A_182 = arith.constant 0 : i32
      %dma_wait3A_183 = tpu.memref_slice %arg2[%dma_wait3A_181, %dma_wait3A_182] : memref<10000x272xf32, #tpu.memory_space<hbm>> -> memref<10000x272xf32, #tpu.memory_space<hbm>>
      tpu.wait_indirect_dma semaphore(%arg13 : memref<!tpu.dma_semaphore, #tpu.memory_space<semaphore_mem>>) src(%dma_wait3A_183 : memref<10000x272xf32, #tpu.memory_space<hbm>>) dst(%dma_wait3A_177 : memref<128x272xf32, #tpu.memory_space<vmem>>)
      %dma_wait3A_184 = arith.constant 0 : i32
      %dma_wait3A_185 = arith.constant 0 : i32
      %dma_wait3A_186 = arith.constant 0 : i32
      %dma_wait3A_187 = tpu.memref_slice %arg10[%dma_wait3A_184, %dma_wait3A_185, %dma_wait3A_186] : memref<2x128x32xf32, #tpu.memory_space<vmem>> -> memref<1x128x32xf32, #tpu.memory_space<vmem>>
      %dma_wait3A_188 = tpu.memref_squeeze %dma_wait3A_187 : memref<1x128x32xf32, #tpu.memory_space<vmem>> -> memref<128x32xf32, #tpu.memory_space<vmem>>
      %dma_wait3A_189 = arith.constant 0 : i32
      %dma_wait3A_190 = arith.constant 0 : i32
      %dma_wait3A_191 = tpu.memref_slice %arg3[%dma_wait3A_189, %dma_wait3A_190] : memref<163840x32xf32, #tpu.memory_space<hbm>> -> memref<128x32xf32, #tpu.memory_space<hbm>>
      %dma_wait3A_192 = arith.constant 0 : i32
      %dma_wait3A_193 = arith.constant 0 : i32
      %dma_wait3A_194 = tpu.memref_slice %arg10[%dma_wait3A_184, %dma_wait3A_192, %dma_wait3A_193] : memref<2x128x32xf32, #tpu.memory_space<vmem>> -> memref<1x128x32xf32, #tpu.memory_space<vmem>>
      %dma_wait3A_195 = tpu.memref_squeeze %dma_wait3A_194 : memref<1x128x32xf32, #tpu.memory_space<vmem>> -> memref<128x32xf32, #tpu.memory_space<vmem>>
      %dma_wait3A_196 = arith.constant 0 : i32
      %dma_wait3A_197 = arith.constant 0 : i32
      %dma_wait3A_198 = tpu.memref_slice %arg3[%dma_wait3A_196, %dma_wait3A_197] : memref<163840x32xf32, #tpu.memory_space<hbm>> -> memref<128x32xf32, #tpu.memory_space<hbm>>
      tpu.wait_dma2 semaphore(%arg15 : memref<!tpu.dma_semaphore, #tpu.memory_space<semaphore_mem>>) src(%dma_wait3A_198 : memref<128x32xf32, #tpu.memory_space<hbm>>) dst(%dma_wait3A_195 : memref<128x32xf32, #tpu.memory_space<vmem>>)
      %scan3A_199 = arith.constant 0 : i32
      %scan3A_200 = arith.constant 0 : i32
      %scan3A_201 = arith.constant 128 : i32
      %scan3A_202 = arith.addi %scan3A_200, %scan3A_201 : i32
      %scan3A_203 = arith.constant 1 : i32
      scf.for %scan3A_310 = %scan3A_200 to %scan3A_202 step %scan3A_203  : i32 {
        %get3A = arith.constant 0 : i32
        %get3A_311 = arith.index_cast %get3A : i32 to index
        %get3A_312 = arith.index_cast %scan3A_310 : i32 to index
        %get3A_313 = arith.constant 0 : index
        %get3A_314 = tpu.vector_load %arg10[%get3A_311, %get3A_312, %get3A_313] {strides = array<i32>} : memref<2x128x32xf32, #tpu.memory_space<vmem>>, vector<16xf32>,
        %get3A_315 = arith.constant 0 : i32
        %get3A_316 = arith.index_cast %get3A_315 : i32 to index
        %get3A_317 = arith.index_cast %scan3A_310 : i32 to index
        %get3A_318 = arith.constant 16 : index
        %get3A_319 = tpu.vector_load %arg10[%get3A_316, %get3A_317, %get3A_318] {strides = array<i32>} : memref<2x128x32xf32, #tpu.memory_space<vmem>>, vector<16xf32>,
        %broadcast_in_dim3A = arith.constant 0 : i32
        %broadcast_in_dim3A_320 = vector.broadcast %broadcast_in_dim3A : i32 to vector<16x1xi32>
        %gather3A = vector.shape_cast %broadcast_in_dim3A_320 : vector<16x1xi32> to vector<16xi32>
        %gather3A_321 = tpu.dynamic_gather %get3A_319[%gather3A] in [0] : vector<16xf32>, vector<16xi32> -> vector<16xf32>
        %get3A_322 = arith.constant 0 : i32
        %get3A_323 = arith.index_cast %get3A_322 : i32 to index
        %get3A_324 = arith.index_cast %scan3A_310 : i32 to index
        %get3A_325 = arith.constant 256 : index
        %get3A_326 = tpu.vector_load %arg9[%get3A_323, %get3A_324, %get3A_325] {strides = array<i32>} : memref<2x128x272xf32, #tpu.memory_space<vmem>>, vector<16xf32>,
        %mul3A_327 = arith.mulf %gather3A_321, %get3A_326 : vector<16xf32>
        %broadcast_in_dim3A_328 = arith.constant 0 : i32
        %broadcast_in_dim3A_329 = vector.broadcast %broadcast_in_dim3A_328 : i32 to vector<16x1xi32>
        %gather3A_330 = vector.shape_cast %broadcast_in_dim3A_329 : vector<16x1xi32> to vector<16xi32>
        %gather3A_331 = tpu.dynamic_gather %get3A_314[%gather3A_330] in [0] : vector<16xf32>, vector<16xi32> -> vector<16xf32>
        %get3A_332 = arith.constant 0 : i32
        %get3A_333 = arith.index_cast %get3A_332 : i32 to index
        %get3A_334 = arith.index_cast %scan3A_310 : i32 to index
        %get3A_335 = arith.constant 0 : index
        %get3A_336 = tpu.vector_load %arg9[%get3A_333, %get3A_334, %get3A_335] {strides = array<i32>} : memref<2x128x272xf32, #tpu.memory_space<vmem>>, vector<16xf32>,
        %mul3A_337 = arith.mulf %gather3A_331, %get3A_336 : vector<16xf32>
        %add3A_338 = arith.addf %mul3A_327, %mul3A_337 : vector<16xf32>
        %broadcast_in_dim3A_339 = arith.constant 1 : i32
        %broadcast_in_dim3A_340 = vector.broadcast %broadcast_in_dim3A_339 : i32 to vector<16x1xi32>
        %gather3A_341 = vector.shape_cast %broadcast_in_dim3A_340 : vector<16x1xi32> to vector<16xi32>
        %gather3A_342 = tpu.dynamic_gather %get3A_314[%gather3A_341] in [0] : vector<16xf32>, vector<16xi32> -> vector<16xf32>
        %get3A_343 = arith.constant 0 : i32
        %get3A_344 = arith.index_cast %get3A_343 : i32 to index
        %get3A_345 = arith.index_cast %scan3A_310 : i32 to index
        %get3A_346 = arith.constant 16 : index
        %get3A_347 = tpu.vector_load %arg9[%get3A_344, %get3A_345, %get3A_346] {strides = array<i32>} : memref<2x128x272xf32, #tpu.memory_space<vmem>>, vector<16xf32>,
        %mul3A_348 = arith.mulf %gather3A_342, %get3A_347 : vector<16xf32>
        %broadcast_in_dim3A_349 = arith.constant 2 : i32
        %broadcast_in_dim3A_350 = vector.broadcast %broadcast_in_dim3A_349 : i32 to vector<16x1xi32>
        %gather3A_351 = vector.shape_cast %broadcast_in_dim3A_350 : vector<16x1xi32> to vector<16xi32>
        %gather3A_352 = tpu.dynamic_gather %get3A_314[%gather3A_351] in [0] : vector<16xf32>, vector<16xi32> -> vector<16xf32>
        %get3A_353 = arith.constant 0 : i32
        %get3A_354 = arith.index_cast %get3A_353 : i32 to index
        %get3A_355 = arith.index_cast %scan3A_310 : i32 to index
        %get3A_356 = arith.constant 32 : index
        %get3A_357 = tpu.vector_load %arg9[%get3A_354, %get3A_355, %get3A_356] {strides = array<i32>} : memref<2x128x272xf32, #tpu.memory_space<vmem>>, vector<16xf32>,
        %mul3A_358 = arith.mulf %gather3A_352, %get3A_357 : vector<16xf32>
        %broadcast_in_dim3A_359 = arith.constant 3 : i32
        %broadcast_in_dim3A_360 = vector.broadcast %broadcast_in_dim3A_359 : i32 to vector<16x1xi32>
        %gather3A_361 = vector.shape_cast %broadcast_in_dim3A_360 : vector<16x1xi32> to vector<16xi32>
        %gather3A_362 = tpu.dynamic_gather %get3A_314[%gather3A_361] in [0] : vector<16xf32>, vector<16xi32> -> vector<16xf32>
        %get3A_363 = arith.constant 0 : i32
        %get3A_364 = arith.index_cast %get3A_363 : i32 to index
        %get3A_365 = arith.index_cast %scan3A_310 : i32 to index
        %get3A_366 = arith.constant 48 : index
        %get3A_367 = tpu.vector_load %arg9[%get3A_364, %get3A_365, %get3A_366] {strides = array<i32>} : memref<2x128x272xf32, #tpu.memory_space<vmem>>, vector<16xf32>,
        %mul3A_368 = arith.mulf %gather3A_362, %get3A_367 : vector<16xf32>
        %broadcast_in_dim3A_369 = arith.constant 4 : i32
        %broadcast_in_dim3A_370 = vector.broadcast %broadcast_in_dim3A_369 : i32 to vector<16x1xi32>
        %gather3A_371 = vector.shape_cast %broadcast_in_dim3A_370 : vector<16x1xi32> to vector<16xi32>
        %gather3A_372 = tpu.dynamic_gather %get3A_314[%gather3A_371] in [0] : vector<16xf32>, vector<16xi32> -> vector<16xf32>
        %get3A_373 = arith.constant 0 : i32
        %get3A_374 = arith.index_cast %get3A_373 : i32 to index
        %get3A_375 = arith.index_cast %scan3A_310 : i32 to index
        %get3A_376 = arith.constant 64 : index
        %get3A_377 = tpu.vector_load %arg9[%get3A_374, %get3A_375, %get3A_376] {strides = array<i32>} : memref<2x128x272xf32, #tpu.memory_space<vmem>>, vector<16xf32>,
        %mul3A_378 = arith.mulf %gather3A_372, %get3A_377 : vector<16xf32>
        %add3A_379 = arith.addf %add3A_338, %mul3A_378 : vector<16xf32>
        %broadcast_in_dim3A_380 = arith.constant 5 : i32
        %broadcast_in_dim3A_381 = vector.broadcast %broadcast_in_dim3A_380 : i32 to vector<16x1xi32>
        %gather3A_382 = vector.shape_cast %broadcast_in_dim3A_381 : vector<16x1xi32> to vector<16xi32>
        %gather3A_383 = tpu.dynamic_gather %get3A_314[%gather3A_382] in [0] : vector<16xf32>, vector<16xi32> -> vector<16xf32>
        %get3A_384 = arith.constant 0 : i32
        %get3A_385 = arith.index_cast %get3A_384 : i32 to index
        %get3A_386 = arith.index_cast %scan3A_310 : i32 to index
        %get3A_387 = arith.constant 80 : index
        %get3A_388 = tpu.vector_load %arg9[%get3A_385, %get3A_386, %get3A_387] {strides = array<i32>} : memref<2x128x272xf32, #tpu.memory_space<vmem>>, vector<16xf32>,
        %mul3A_389 = arith.mulf %gather3A_383, %get3A_388 : vector<16xf32>
        %add3A_390 = arith.addf %mul3A_348, %mul3A_389 : vector<16xf32>
        %broadcast_in_dim3A_391 = arith.constant 6 : i32
        %broadcast_in_dim3A_392 = vector.broadcast %broadcast_in_dim3A_391 : i32 to vector<16x1xi32>
        %gather3A_393 = vector.shape_cast %broadcast_in_dim3A_392 : vector<16x1xi32> to vector<16xi32>
        %gather3A_394 = tpu.dynamic_gather %get3A_314[%gather3A_393] in [0] : vector<16xf32>, vector<16xi32> -> vector<16xf32>
        %get3A_395 = arith.constant 0 : i32
        %get3A_396 = arith.index_cast %get3A_395 : i32 to index
        %get3A_397 = arith.index_cast %scan3A_310 : i32 to index
        %get3A_398 = arith.constant 96 : index
        %get3A_399 = tpu.vector_load %arg9[%get3A_396, %get3A_397, %get3A_398] {strides = array<i32>} : memref<2x128x272xf32, #tpu.memory_space<vmem>>, vector<16xf32>,
        %mul3A_400 = arith.mulf %gather3A_394, %get3A_399 : vector<16xf32>
        %add3A_401 = arith.addf %mul3A_358, %mul3A_400 : vector<16xf32>
        %broadcast_in_dim3A_402 = arith.constant 7 : i32
        %broadcast_in_dim3A_403 = vector.broadcast %broadcast_in_dim3A_402 : i32 to vector<16x1xi32>
        %gather3A_404 = vector.shape_cast %broadcast_in_dim3A_403 : vector<16x1xi32> to vector<16xi32>
        %gather3A_405 = tpu.dynamic_gather %get3A_314[%gather3A_404] in [0] : vector<16xf32>, vector<16xi32> -> vector<16xf32>
        %get3A_406 = arith.constant 0 : i32
        %get3A_407 = arith.index_cast %get3A_406 : i32 to index
        %get3A_408 = arith.index_cast %scan3A_310 : i32 to index
        %get3A_409 = arith.constant 112 : index
        %get3A_410 = tpu.vector_load %arg9[%get3A_407, %get3A_408, %get3A_409] {strides = array<i32>} : memref<2x128x272xf32, #tpu.memory_space<vmem>>, vector<16xf32>,
        %mul3A_411 = arith.mulf %gather3A_405, %get3A_410 : vector<16xf32>
        %add3A_412 = arith.addf %mul3A_368, %mul3A_411 : vector<16xf32>
        %broadcast_in_dim3A_413 = arith.constant 8 : i32
        %broadcast_in_dim3A_414 = vector.broadcast %broadcast_in_dim3A_413 : i32 to vector<16x1xi32>
        %gather3A_415 = vector.shape_cast %broadcast_in_dim3A_414 : vector<16x1xi32> to vector<16xi32>
        %gather3A_416 = tpu.dynamic_gather %get3A_314[%gather3A_415] in [0] : vector<16xf32>, vector<16xi32> -> vector<16xf32>
        %get3A_417 = arith.constant 0 : i32
        %get3A_418 = arith.index_cast %get3A_417 : i32 to index
        %get3A_419 = arith.index_cast %scan3A_310 : i32 to index
        %get3A_420 = arith.constant 128 : index
        %get3A_421 = tpu.vector_load %arg9[%get3A_418, %get3A_419, %get3A_420] {strides = array<i32>} : memref<2x128x272xf32, #tpu.memory_space<vmem>>, vector<16xf32>,
        %mul3A_422 = arith.mulf %gather3A_416, %get3A_421 : vector<16xf32>
        %add3A_423 = arith.addf %add3A_379, %mul3A_422 : vector<16xf32>
        %broadcast_in_dim3A_424 = arith.constant 9 : i32
        %broadcast_in_dim3A_425 = vector.broadcast %broadcast_in_dim3A_424 : i32 to vector<16x1xi32>
        %gather3A_426 = vector.shape_cast %broadcast_in_dim3A_425 : vector<16x1xi32> to vector<16xi32>
        %gather3A_427 = tpu.dynamic_gather %get3A_314[%gather3A_426] in [0] : vector<16xf32>, vector<16xi32> -> vector<16xf32>
        %get3A_428 = arith.constant 0 : i32
        %get3A_429 = arith.index_cast %get3A_428 : i32 to index
        %get3A_430 = arith.index_cast %scan3A_310 : i32 to index
        %get3A_431 = arith.constant 144 : index
        %get3A_432 = tpu.vector_load %arg9[%get3A_429, %get3A_430, %get3A_431] {strides = array<i32>} : memref<2x128x272xf32, #tpu.memory_space<vmem>>, vector<16xf32>,
        %mul3A_433 = arith.mulf %gather3A_427, %get3A_432 : vector<16xf32>
        %add3A_434 = arith.addf %add3A_390, %mul3A_433 : vector<16xf32>
        %broadcast_in_dim3A_435 = arith.constant 10 : i32
        %broadcast_in_dim3A_436 = vector.broadcast %broadcast_in_dim3A_435 : i32 to vector<16x1xi32>
        %gather3A_437 = vector.shape_cast %broadcast_in_dim3A_436 : vector<16x1xi32> to vector<16xi32>
        %gather3A_438 = tpu.dynamic_gather %get3A_314[%gather3A_437] in [0] : vector<16xf32>, vector<16xi32> -> vector<16xf32>
        %get3A_439 = arith.constant 0 : i32
        %get3A_440 = arith.index_cast %get3A_439 : i32 to index
        %get3A_441 = arith.index_cast %scan3A_310 : i32 to index
        %get3A_442 = arith.constant 160 : index
        %get3A_443 = tpu.vector_load %arg9[%get3A_440, %get3A_441, %get3A_442] {strides = array<i32>} : memref<2x128x272xf32, #tpu.memory_space<vmem>>, vector<16xf32>,
        %mul3A_444 = arith.mulf %gather3A_438, %get3A_443 : vector<16xf32>
        %add3A_445 = arith.addf %add3A_401, %mul3A_444 : vector<16xf32>
        %broadcast_in_dim3A_446 = arith.constant 11 : i32
        %broadcast_in_dim3A_447 = vector.broadcast %broadcast_in_dim3A_446 : i32 to vector<16x1xi32>
        %gather3A_448 = vector.shape_cast %broadcast_in_dim3A_447 : vector<16x1xi32> to vector<16xi32>
        %gather3A_449 = tpu.dynamic_gather %get3A_314[%gather3A_448] in [0] : vector<16xf32>, vector<16xi32> -> vector<16xf32>
        %get3A_450 = arith.constant 0 : i32
        %get3A_451 = arith.index_cast %get3A_450 : i32 to index
        %get3A_452 = arith.index_cast %scan3A_310 : i32 to index
        %get3A_453 = arith.constant 176 : index
        %get3A_454 = tpu.vector_load %arg9[%get3A_451, %get3A_452, %get3A_453] {strides = array<i32>} : memref<2x128x272xf32, #tpu.memory_space<vmem>>, vector<16xf32>,
        %mul3A_455 = arith.mulf %gather3A_449, %get3A_454 : vector<16xf32>
        %add3A_456 = arith.addf %add3A_412, %mul3A_455 : vector<16xf32>
        %broadcast_in_dim3A_457 = arith.constant 12 : i32
        %broadcast_in_dim3A_458 = vector.broadcast %broadcast_in_dim3A_457 : i32 to vector<16x1xi32>
        %gather3A_459 = vector.shape_cast %broadcast_in_dim3A_458 : vector<16x1xi32> to vector<16xi32>
        %gather3A_460 = tpu.dynamic_gather %get3A_314[%gather3A_459] in [0] : vector<16xf32>, vector<16xi32> -> vector<16xf32>
        %get3A_461 = arith.constant 0 : i32
        %get3A_462 = arith.index_cast %get3A_461 : i32 to index
        %get3A_463 = arith.index_cast %scan3A_310 : i32 to index
        %get3A_464 = arith.constant 192 : index
        %get3A_465 = tpu.vector_load %arg9[%get3A_462, %get3A_463, %get3A_464] {strides = array<i32>} : memref<2x128x272xf32, #tpu.memory_space<vmem>>, vector<16xf32>,
        %mul3A_466 = arith.mulf %gather3A_460, %get3A_465 : vector<16xf32>
        %add3A_467 = arith.addf %add3A_423, %mul3A_466 : vector<16xf32>
        %broadcast_in_dim3A_468 = arith.constant 13 : i32
        %broadcast_in_dim3A_469 = vector.broadcast %broadcast_in_dim3A_468 : i32 to vector<16x1xi32>
        %gather3A_470 = vector.shape_cast %broadcast_in_dim3A_469 : vector<16x1xi32> to vector<16xi32>
        %gather3A_471 = tpu.dynamic_gather %get3A_314[%gather3A_470] in [0] : vector<16xf32>, vector<16xi32> -> vector<16xf32>
        %get3A_472 = arith.constant 0 : i32
        %get3A_473 = arith.index_cast %get3A_472 : i32 to index
        %get3A_474 = arith.index_cast %scan3A_310 : i32 to index
        %get3A_475 = arith.constant 208 : index
        %get3A_476 = tpu.vector_load %arg9[%get3A_473, %get3A_474, %get3A_475] {strides = array<i32>} : memref<2x128x272xf32, #tpu.memory_space<vmem>>, vector<16xf32>,
        %mul3A_477 = arith.mulf %gather3A_471, %get3A_476 : vector<16xf32>
        %add3A_478 = arith.addf %add3A_434, %mul3A_477 : vector<16xf32>
        %broadcast_in_dim3A_479 = arith.constant 14 : i32
        %broadcast_in_dim3A_480 = vector.broadcast %broadcast_in_dim3A_479 : i32 to vector<16x1xi32>
        %gather3A_481 = vector.shape_cast %broadcast_in_dim3A_480 : vector<16x1xi32> to vector<16xi32>
        %gather3A_482 = tpu.dynamic_gather %get3A_314[%gather3A_481] in [0] : vector<16xf32>, vector<16xi32> -> vector<16xf32>
        %get3A_483 = arith.constant 0 : i32
        %get3A_484 = arith.index_cast %get3A_483 : i32 to index
        %get3A_485 = arith.index_cast %scan3A_310 : i32 to index
        %get3A_486 = arith.constant 224 : index
        %get3A_487 = tpu.vector_load %arg9[%get3A_484, %get3A_485, %get3A_486] {strides = array<i32>} : memref<2x128x272xf32, #tpu.memory_space<vmem>>, vector<16xf32>,
        %mul3A_488 = arith.mulf %gather3A_482, %get3A_487 : vector<16xf32>
        %add3A_489 = arith.addf %add3A_445, %mul3A_488 : vector<16xf32>
        %broadcast_in_dim3A_490 = arith.constant 15 : i32
        %broadcast_in_dim3A_491 = vector.broadcast %broadcast_in_dim3A_490 : i32 to vector<16x1xi32>
        %gather3A_492 = vector.shape_cast %broadcast_in_dim3A_491 : vector<16x1xi32> to vector<16xi32>
        %gather3A_493 = tpu.dynamic_gather %get3A_314[%gather3A_492] in [0] : vector<16xf32>, vector<16xi32> -> vector<16xf32>
        %get3A_494 = arith.constant 0 : i32
        %get3A_495 = arith.index_cast %get3A_494 : i32 to index
        %get3A_496 = arith.index_cast %scan3A_310 : i32 to index
        %get3A_497 = arith.constant 240 : index
        %get3A_498 = tpu.vector_load %arg9[%get3A_495, %get3A_496, %get3A_497] {strides = array<i32>} : memref<2x128x272xf32, #tpu.memory_space<vmem>>, vector<16xf32>,
        %mul3A_499 = arith.mulf %gather3A_493, %get3A_498 : vector<16xf32>
        %add3A_500 = arith.addf %add3A_456, %mul3A_499 : vector<16xf32>
        %add3A_501 = arith.addf %add3A_467, %add3A_478 : vector<16xf32>
        %add3A_502 = arith.addf %add3A_489, %add3A_500 : vector<16xf32>
        %add3A_503 = arith.addf %add3A_501, %add3A_502 : vector<16xf32>
        %swap3A = arith.index_cast %scan3A_310 : i32 to index
        %swap3A_504 = arith.constant 0 : index
        %swap3A_505 = tpu.vector_load %arg11[%swap3A, %swap3A_504] {strides = array<i32>} : memref<128x32xf32, #tpu.memory_space<vmem>>, vector<16xf32>,
        tpu.vector_store %arg11[%swap3A, %swap3A_504], %add3A_503 {strides = array<i32>} : memref<128x32xf32, #tpu.memory_space<vmem>>, vector<16xf32>,
        %swap3A_506 = arith.index_cast %scan3A_310 : i32 to index
        %swap3A_507 = arith.constant 16 : index
        %swap3A_508 = tpu.vector_load %arg11[%swap3A_506, %swap3A_507] {strides = array<i32>} : memref<128x32xf32, #tpu.memory_space<vmem>>, vector<16xf32>,
        tpu.vector_store %arg11[%swap3A_506, %swap3A_507], %get3A_319 {strides = array<i32>} : memref<128x32xf32, #tpu.memory_space<vmem>>, vector<16xf32>,
      }
      %scan3A_204 = arith.constant 128 : i32
      %add3A_205 = arith.addi %sub3A, %add3A_171 : i32
      "tpu.region"() ({
        %run_scoped3A = tpu.sem_alloc : memref<!tpu.dma_semaphore, #tpu.memory_space<semaphore_mem>>
        %dma_start3A_310 = arith.constant 0 : i32
        %dma_start3A_311 = tpu.memref_slice %arg8[%add3A_205, %dma_start3A_310] : memref<52x128xi32, #tpu.memory_space<vmem>> -> memref<1x128xi32, #tpu.memory_space<vmem>>
        %dma_start3A_312 = tpu.memref_squeeze %dma_start3A_311 : memref<1x128xi32, #tpu.memory_space<vmem>> -> memref<128xi32, #tpu.memory_space<vmem>>
        %dma_start3A_313 = arith.constant 0 : i32
        %dma_start3A_314 = arith.constant 0 : i32
        %dma_start3A_315 = tpu.memref_slice %arg12[%dma_start3A_313, %dma_start3A_314] : memref<10240x32xf32, #tpu.memory_space<vmem_shared>> -> memref<10240x32xf32, #tpu.memory_space<vmem_shared>>
        tpu.enqueue_indirect_dma source(%arg11 : memref<128x32xf32, #tpu.memory_space<vmem>>) target(%dma_start3A_315 : memref<10240x32xf32, #tpu.memory_space<vmem_shared>>) offsets(%dma_start3A_312 : memref<128xi32, #tpu.memory_space<vmem>>) semaphore(%run_scoped3A : memref<!tpu.dma_semaphore, #tpu.memory_space<semaphore_mem>>) {add = true}
        %dma_wait3A_316 = arith.constant 0 : i32
        %dma_wait3A_317 = tpu.memref_slice %arg8[%add3A_205, %dma_wait3A_316] : memref<52x128xi32, #tpu.memory_space<vmem>> -> memref<1x128xi32, #tpu.memory_space<vmem>>
        %dma_wait3A_318 = tpu.memref_squeeze %dma_wait3A_317 : memref<1x128xi32, #tpu.memory_space<vmem>> -> memref<128xi32, #tpu.memory_space<vmem>>
        %dma_wait3A_319 = arith.constant 0 : i32
        %dma_wait3A_320 = arith.constant 0 : i32
        %dma_wait3A_321 = tpu.memref_slice %arg12[%dma_wait3A_319, %dma_wait3A_320] : memref<10240x32xf32, #tpu.memory_space<vmem_shared>> -> memref<10240x32xf32, #tpu.memory_space<vmem_shared>>
        tpu.wait_indirect_dma semaphore(%run_scoped3A : memref<!tpu.dma_semaphore, #tpu.memory_space<semaphore_mem>>) src(%arg11 : memref<128x32xf32, #tpu.memory_space<vmem>>) dst(%dma_wait3A_321 : memref<10240x32xf32, #tpu.memory_space<vmem_shared>>)
        tpu.yield
      }) : () -> ()
      %add3A_206 = arith.constant 2 : i32
      %add3A_207 = arith.addi %add3A_171, %add3A_206 : i32
      %sub3A_208 = arith.constant 1 : i32
      %sub3A_209 = arith.subi %select_n3A, %sub3A_208 : i32
      %min3A_210 = arith.minsi %add3A_207, %sub3A_209 : i32
      %add3A_211 = arith.addi %sub3A, %min3A_210 : i32
      %dma_start3A_212 = arith.constant 0 : i32
      %dma_start3A_213 = arith.constant 0 : i32
      %dma_start3A_214 = arith.constant 0 : i32
      %dma_start3A_215 = tpu.memref_slice %arg9[%dma_start3A_212, %dma_start3A_213, %dma_start3A_214] : memref<2x128x272xf32, #tpu.memory_space<vmem>> -> memref<1x128x272xf32, #tpu.memory_space<vmem>>
      %dma_start3A_216 = tpu.memref_squeeze %dma_start3A_215 : memref<1x128x272xf32, #tpu.memory_space<vmem>> -> memref<128x272xf32, #tpu.memory_space<vmem>>
      %dma_start3A_217 = arith.constant 0 : i32
      %dma_start3A_218 = tpu.memref_slice %arg7[%add3A_211, %dma_start3A_217] : memref<52x128xi32, #tpu.memory_space<vmem>> -> memref<1x128xi32, #tpu.memory_space<vmem>>
      %dma_start3A_219 = tpu.memref_squeeze %dma_start3A_218 : memref<1x128xi32, #tpu.memory_space<vmem>> -> memref<128xi32, #tpu.memory_space<vmem>>
      %dma_start3A_220 = arith.constant 0 : i32
      %dma_start3A_221 = arith.constant 0 : i32
      %dma_start3A_222 = tpu.memref_slice %arg2[%dma_start3A_220, %dma_start3A_221] : memref<10000x272xf32, #tpu.memory_space<hbm>> -> memref<10000x272xf32, #tpu.memory_space<hbm>>
      tpu.enqueue_indirect_dma source(%dma_start3A_222 : memref<10000x272xf32, #tpu.memory_space<hbm>>) target(%dma_start3A_216 : memref<128x272xf32, #tpu.memory_space<vmem>>) offsets(%dma_start3A_219 : memref<128xi32, #tpu.memory_space<vmem>>) semaphore(%arg13 : memref<!tpu.dma_semaphore, #tpu.memory_space<semaphore_mem>>)
      %add3A_223 = arith.addi %add3A, %min3A_210 : i32
      %mul3A_224 = arith.constant 128 : i32
      %mul3A_225 = arith.muli %add3A_223, %mul3A_224 : i32
      %dma_start3A_226 = arith.constant 0 : i32
      %dma_start3A_227 = arith.constant 0 : i32
      %dma_start3A_228 = arith.constant 0 : i32
      %dma_start3A_229 = tpu.memref_slice %arg10[%dma_start3A_226, %dma_start3A_227, %dma_start3A_228] : memref<2x128x32xf32, #tpu.memory_space<vmem>> -> memref<1x128x32xf32, #tpu.memory_space<vmem>>
      %dma_start3A_230 = tpu.memref_squeeze %dma_start3A_229 : memref<1x128x32xf32, #tpu.memory_space<vmem>> -> memref<128x32xf32, #tpu.memory_space<vmem>>
      %dma_start3A_231 = arith.constant 0 : i32
      %dma_start3A_232 = tpu.memref_slice %arg3[%mul3A_225, %dma_start3A_231] : memref<163840x32xf32, #tpu.memory_space<hbm>> -> memref<128x32xf32, #tpu.memory_space<hbm>>
      %dma_start3A_233 = arith.constant 0 : i32
      %dma_start3A_234 = arith.constant 0 : i32
      %dma_start3A_235 = tpu.memref_slice %arg10[%dma_start3A_226, %dma_start3A_233, %dma_start3A_234] : memref<2x128x32xf32, #tpu.memory_space<vmem>> -> memref<1x128x32xf32, #tpu.memory_space<vmem>>
      %dma_start3A_236 = tpu.memref_squeeze %dma_start3A_235 : memref<1x128x32xf32, #tpu.memory_space<vmem>> -> memref<128x32xf32, #tpu.memory_space<vmem>>
      %dma_start3A_237 = arith.constant 0 : i32
      %dma_start3A_238 = tpu.memref_slice %arg3[%mul3A_225, %dma_start3A_237] : memref<163840x32xf32, #tpu.memory_space<hbm>> -> memref<128x32xf32, #tpu.memory_space<hbm>>
      tpu.enqueue_dma source(%dma_start3A_238 : memref<128x32xf32, #tpu.memory_space<hbm>>) target(%dma_start3A_236 : memref<128x32xf32, #tpu.memory_space<vmem>>) target_semaphore(%arg15 : memref<!tpu.dma_semaphore, #tpu.memory_space<semaphore_mem>>)
      %mul3A_239 = arith.constant 2 : i32
      %mul3A_240 = arith.muli %while3A_167, %mul3A_239 : i32
      %add3A_241 = arith.constant 1 : i32
      %add3A_242 = arith.addi %mul3A_240, %add3A_241 : i32
      %dma_wait3A_243 = arith.constant 0 : i32
      %dma_wait3A_244 = arith.constant 1 : i32
      %dma_wait3A_245 = arith.constant 0 : i32
      %dma_wait3A_246 = arith.constant 0 : i32
      %dma_wait3A_247 = tpu.memref_slice %arg9[%dma_wait3A_244, %dma_wait3A_245, %dma_wait3A_246] : memref<2x128x272xf32, #tpu.memory_space<vmem>> -> memref<1x128x272xf32, #tpu.memory_space<vmem>>
      %dma_wait3A_248 = tpu.memref_squeeze %dma_wait3A_247 : memref<1x128x272xf32, #tpu.memory_space<vmem>> -> memref<128x272xf32, #tpu.memory_space<vmem>>
      %dma_wait3A_249 = arith.constant 0 : i32
      %dma_wait3A_250 = tpu.memref_slice %arg7[%dma_wait3A_243, %dma_wait3A_249] : memref<52x128xi32, #tpu.memory_space<vmem>> -> memref<1x128xi32, #tpu.memory_space<vmem>>
      %dma_wait3A_251 = tpu.memref_squeeze %dma_wait3A_250 : memref<1x128xi32, #tpu.memory_space<vmem>> -> memref<128xi32, #tpu.memory_space<vmem>>
      %dma_wait3A_252 = arith.constant 0 : i32
      %dma_wait3A_253 = arith.constant 0 : i32
      %dma_wait3A_254 = tpu.memref_slice %arg2[%dma_wait3A_252, %dma_wait3A_253] : memref<10000x272xf32, #tpu.memory_space<hbm>> -> memref<10000x272xf32, #tpu.memory_space<hbm>>
      tpu.wait_indirect_dma semaphore(%arg14 : memref<!tpu.dma_semaphore, #tpu.memory_space<semaphore_mem>>) src(%dma_wait3A_254 : memref<10000x272xf32, #tpu.memory_space<hbm>>) dst(%dma_wait3A_248 : memref<128x272xf32, #tpu.memory_space<vmem>>)
      %dma_wait3A_255 = arith.constant 1 : i32
      %dma_wait3A_256 = arith.constant 0 : i32
      %dma_wait3A_257 = arith.constant 0 : i32
      %dma_wait3A_258 = tpu.memref_slice %arg10[%dma_wait3A_255, %dma_wait3A_256, %dma_wait3A_257] : memref<2x128x32xf32, #tpu.memory_space<vmem>> -> memref<1x128x32xf32, #tpu.memory_space<vmem>>
      %dma_wait3A_259 = tpu.memref_squeeze %dma_wait3A_258 : memref<1x128x32xf32, #tpu.memory_space<vmem>> -> memref<128x32xf32, #tpu.memory_space<vmem>>
      %dma_wait3A_260 = arith.constant 0 : i32
      %dma_wait3A_261 = arith.constant 0 : i32
      %dma_wait3A_262 = tpu.memref_slice %arg3[%dma_wait3A_260, %dma_wait3A_261] : memref<163840x32xf32, #tpu.memory_space<hbm>> -> memref<128x32xf32, #tpu.memory_space<hbm>>
      %dma_wait3A_263 = arith.constant 0 : i32
      %dma_wait3A_264 = arith.constant 0 : i32
      %dma_wait3A_265 = tpu.memref_slice %arg10[%dma_wait3A_255, %dma_wait3A_263, %dma_wait3A_264] : memref<2x128x32xf32, #tpu.memory_space<vmem>> -> memref<1x128x32xf32, #tpu.memory_space<vmem>>
      %dma_wait3A_266 = tpu.memref_squeeze %dma_wait3A_265 : memref<1x128x32xf32, #tpu.memory_space<vmem>> -> memref<128x32xf32, #tpu.memory_space<vmem>>
      %dma_wait3A_267 = arith.constant 0 : i32
      %dma_wait3A_268 = arith.constant 0 : i32
      %dma_wait3A_269 = tpu.memref_slice %arg3[%dma_wait3A_267, %dma_wait3A_268] : memref<163840x32xf32, #tpu.memory_space<hbm>> -> memref<128x32xf32, #tpu.memory_space<hbm>>
      tpu.wait_dma2 semaphore(%arg16 : memref<!tpu.dma_semaphore, #tpu.memory_space<semaphore_mem>>) src(%dma_wait3A_269 : memref<128x32xf32, #tpu.memory_space<hbm>>) dst(%dma_wait3A_266 : memref<128x32xf32, #tpu.memory_space<vmem>>)
      %scan3A_270 = arith.constant 0 : i32
      %scan3A_271 = arith.constant 0 : i32
      %scan3A_272 = arith.constant 128 : i32
      %scan3A_273 = arith.addi %scan3A_271, %scan3A_272 : i32
      %scan3A_274 = arith.constant 1 : i32
      scf.for %scan3A_310 = %scan3A_271 to %scan3A_273 step %scan3A_274  : i32 {
        %get3A = arith.constant 1 : i32
        %get3A_311 = arith.index_cast %get3A : i32 to index
        %get3A_312 = arith.index_cast %scan3A_310 : i32 to index
        %get3A_313 = arith.constant 0 : index
        %get3A_314 = tpu.vector_load %arg10[%get3A_311, %get3A_312, %get3A_313] {strides = array<i32>} : memref<2x128x32xf32, #tpu.memory_space<vmem>>, vector<16xf32>,
        %get3A_315 = arith.constant 1 : i32
        %get3A_316 = arith.index_cast %get3A_315 : i32 to index
        %get3A_317 = arith.index_cast %scan3A_310 : i32 to index
        %get3A_318 = arith.constant 16 : index
        %get3A_319 = tpu.vector_load %arg10[%get3A_316, %get3A_317, %get3A_318] {strides = array<i32>} : memref<2x128x32xf32, #tpu.memory_space<vmem>>, vector<16xf32>,
        %broadcast_in_dim3A = arith.constant 0 : i32
        %broadcast_in_dim3A_320 = vector.broadcast %broadcast_in_dim3A : i32 to vector<16x1xi32>
        %gather3A = vector.shape_cast %broadcast_in_dim3A_320 : vector<16x1xi32> to vector<16xi32>
        %gather3A_321 = tpu.dynamic_gather %get3A_319[%gather3A] in [0] : vector<16xf32>, vector<16xi32> -> vector<16xf32>
        %get3A_322 = arith.constant 1 : i32
        %get3A_323 = arith.index_cast %get3A_322 : i32 to index
        %get3A_324 = arith.index_cast %scan3A_310 : i32 to index
        %get3A_325 = arith.constant 256 : index
        %get3A_326 = tpu.vector_load %arg9[%get3A_323, %get3A_324, %get3A_325] {strides = array<i32>} : memref<2x128x272xf32, #tpu.memory_space<vmem>>, vector<16xf32>,
        %mul3A_327 = arith.mulf %gather3A_321, %get3A_326 : vector<16xf32>
        %broadcast_in_dim3A_328 = arith.constant 0 : i32
        %broadcast_in_dim3A_329 = vector.broadcast %broadcast_in_dim3A_328 : i32 to vector<16x1xi32>
        %gather3A_330 = vector.shape_cast %broadcast_in_dim3A_329 : vector<16x1xi32> to vector<16xi32>
        %gather3A_331 = tpu.dynamic_gather %get3A_314[%gather3A_330] in [0] : vector<16xf32>, vector<16xi32> -> vector<16xf32>
        %get3A_332 = arith.constant 1 : i32
        %get3A_333 = arith.index_cast %get3A_332 : i32 to index
        %get3A_334 = arith.index_cast %scan3A_310 : i32 to index
        %get3A_335 = arith.constant 0 : index
        %get3A_336 = tpu.vector_load %arg9[%get3A_333, %get3A_334, %get3A_335] {strides = array<i32>} : memref<2x128x272xf32, #tpu.memory_space<vmem>>, vector<16xf32>,
        %mul3A_337 = arith.mulf %gather3A_331, %get3A_336 : vector<16xf32>
        %add3A_338 = arith.addf %mul3A_327, %mul3A_337 : vector<16xf32>
        %broadcast_in_dim3A_339 = arith.constant 1 : i32
        %broadcast_in_dim3A_340 = vector.broadcast %broadcast_in_dim3A_339 : i32 to vector<16x1xi32>
        %gather3A_341 = vector.shape_cast %broadcast_in_dim3A_340 : vector<16x1xi32> to vector<16xi32>
        %gather3A_342 = tpu.dynamic_gather %get3A_314[%gather3A_341] in [0] : vector<16xf32>, vector<16xi32> -> vector<16xf32>
        %get3A_343 = arith.constant 1 : i32
        %get3A_344 = arith.index_cast %get3A_343 : i32 to index
        %get3A_345 = arith.index_cast %scan3A_310 : i32 to index
        %get3A_346 = arith.constant 16 : index
        %get3A_347 = tpu.vector_load %arg9[%get3A_344, %get3A_345, %get3A_346] {strides = array<i32>} : memref<2x128x272xf32, #tpu.memory_space<vmem>>, vector<16xf32>,
        %mul3A_348 = arith.mulf %gather3A_342, %get3A_347 : vector<16xf32>
        %broadcast_in_dim3A_349 = arith.constant 2 : i32
        %broadcast_in_dim3A_350 = vector.broadcast %broadcast_in_dim3A_349 : i32 to vector<16x1xi32>
        %gather3A_351 = vector.shape_cast %broadcast_in_dim3A_350 : vector<16x1xi32> to vector<16xi32>
        %gather3A_352 = tpu.dynamic_gather %get3A_314[%gather3A_351] in [0] : vector<16xf32>, vector<16xi32> -> vector<16xf32>
        %get3A_353 = arith.constant 1 : i32
        %get3A_354 = arith.index_cast %get3A_353 : i32 to index
        %get3A_355 = arith.index_cast %scan3A_310 : i32 to index
        %get3A_356 = arith.constant 32 : index
        %get3A_357 = tpu.vector_load %arg9[%get3A_354, %get3A_355, %get3A_356] {strides = array<i32>} : memref<2x128x272xf32, #tpu.memory_space<vmem>>, vector<16xf32>,
        %mul3A_358 = arith.mulf %gather3A_352, %get3A_357 : vector<16xf32>
        %broadcast_in_dim3A_359 = arith.constant 3 : i32
        %broadcast_in_dim3A_360 = vector.broadcast %broadcast_in_dim3A_359 : i32 to vector<16x1xi32>
        %gather3A_361 = vector.shape_cast %broadcast_in_dim3A_360 : vector<16x1xi32> to vector<16xi32>
        %gather3A_362 = tpu.dynamic_gather %get3A_314[%gather3A_361] in [0] : vector<16xf32>, vector<16xi32> -> vector<16xf32>
        %get3A_363 = arith.constant 1 : i32
        %get3A_364 = arith.index_cast %get3A_363 : i32 to index
        %get3A_365 = arith.index_cast %scan3A_310 : i32 to index
        %get3A_366 = arith.constant 48 : index
        %get3A_367 = tpu.vector_load %arg9[%get3A_364, %get3A_365, %get3A_366] {strides = array<i32>} : memref<2x128x272xf32, #tpu.memory_space<vmem>>, vector<16xf32>,
        %mul3A_368 = arith.mulf %gather3A_362, %get3A_367 : vector<16xf32>
        %broadcast_in_dim3A_369 = arith.constant 4 : i32
        %broadcast_in_dim3A_370 = vector.broadcast %broadcast_in_dim3A_369 : i32 to vector<16x1xi32>
        %gather3A_371 = vector.shape_cast %broadcast_in_dim3A_370 : vector<16x1xi32> to vector<16xi32>
        %gather3A_372 = tpu.dynamic_gather %get3A_314[%gather3A_371] in [0] : vector<16xf32>, vector<16xi32> -> vector<16xf32>
        %get3A_373 = arith.constant 1 : i32
        %get3A_374 = arith.index_cast %get3A_373 : i32 to index
        %get3A_375 = arith.index_cast %scan3A_310 : i32 to index
        %get3A_376 = arith.constant 64 : index
        %get3A_377 = tpu.vector_load %arg9[%get3A_374, %get3A_375, %get3A_376] {strides = array<i32>} : memref<2x128x272xf32, #tpu.memory_space<vmem>>, vector<16xf32>,
        %mul3A_378 = arith.mulf %gather3A_372, %get3A_377 : vector<16xf32>
        %add3A_379 = arith.addf %add3A_338, %mul3A_378 : vector<16xf32>
        %broadcast_in_dim3A_380 = arith.constant 5 : i32
        %broadcast_in_dim3A_381 = vector.broadcast %broadcast_in_dim3A_380 : i32 to vector<16x1xi32>
        %gather3A_382 = vector.shape_cast %broadcast_in_dim3A_381 : vector<16x1xi32> to vector<16xi32>
        %gather3A_383 = tpu.dynamic_gather %get3A_314[%gather3A_382] in [0] : vector<16xf32>, vector<16xi32> -> vector<16xf32>
        %get3A_384 = arith.constant 1 : i32
        %get3A_385 = arith.index_cast %get3A_384 : i32 to index
        %get3A_386 = arith.index_cast %scan3A_310 : i32 to index
        %get3A_387 = arith.constant 80 : index
        %get3A_388 = tpu.vector_load %arg9[%get3A_385, %get3A_386, %get3A_387] {strides = array<i32>} : memref<2x128x272xf32, #tpu.memory_space<vmem>>, vector<16xf32>,
        %mul3A_389 = arith.mulf %gather3A_383, %get3A_388 : vector<16xf32>
        %add3A_390 = arith.addf %mul3A_348, %mul3A_389 : vector<16xf32>
        %broadcast_in_dim3A_391 = arith.constant 6 : i32
        %broadcast_in_dim3A_392 = vector.broadcast %broadcast_in_dim3A_391 : i32 to vector<16x1xi32>
        %gather3A_393 = vector.shape_cast %broadcast_in_dim3A_392 : vector<16x1xi32> to vector<16xi32>
        %gather3A_394 = tpu.dynamic_gather %get3A_314[%gather3A_393] in [0] : vector<16xf32>, vector<16xi32> -> vector<16xf32>
        %get3A_395 = arith.constant 1 : i32
        %get3A_396 = arith.index_cast %get3A_395 : i32 to index
        %get3A_397 = arith.index_cast %scan3A_310 : i32 to index
        %get3A_398 = arith.constant 96 : index
        %get3A_399 = tpu.vector_load %arg9[%get3A_396, %get3A_397, %get3A_398] {strides = array<i32>} : memref<2x128x272xf32, #tpu.memory_space<vmem>>, vector<16xf32>,
        %mul3A_400 = arith.mulf %gather3A_394, %get3A_399 : vector<16xf32>
        %add3A_401 = arith.addf %mul3A_358, %mul3A_400 : vector<16xf32>
        %broadcast_in_dim3A_402 = arith.constant 7 : i32
        %broadcast_in_dim3A_403 = vector.broadcast %broadcast_in_dim3A_402 : i32 to vector<16x1xi32>
        %gather3A_404 = vector.shape_cast %broadcast_in_dim3A_403 : vector<16x1xi32> to vector<16xi32>
        %gather3A_405 = tpu.dynamic_gather %get3A_314[%gather3A_404] in [0] : vector<16xf32>, vector<16xi32> -> vector<16xf32>
        %get3A_406 = arith.constant 1 : i32
        %get3A_407 = arith.index_cast %get3A_406 : i32 to index
        %get3A_408 = arith.index_cast %scan3A_310 : i32 to index
        %get3A_409 = arith.constant 112 : index
        %get3A_410 = tpu.vector_load %arg9[%get3A_407, %get3A_408, %get3A_409] {strides = array<i32>} : memref<2x128x272xf32, #tpu.memory_space<vmem>>, vector<16xf32>,
        %mul3A_411 = arith.mulf %gather3A_405, %get3A_410 : vector<16xf32>
        %add3A_412 = arith.addf %mul3A_368, %mul3A_411 : vector<16xf32>
        %broadcast_in_dim3A_413 = arith.constant 8 : i32
        %broadcast_in_dim3A_414 = vector.broadcast %broadcast_in_dim3A_413 : i32 to vector<16x1xi32>
        %gather3A_415 = vector.shape_cast %broadcast_in_dim3A_414 : vector<16x1xi32> to vector<16xi32>
        %gather3A_416 = tpu.dynamic_gather %get3A_314[%gather3A_415] in [0] : vector<16xf32>, vector<16xi32> -> vector<16xf32>
        %get3A_417 = arith.constant 1 : i32
        %get3A_418 = arith.index_cast %get3A_417 : i32 to index
        %get3A_419 = arith.index_cast %scan3A_310 : i32 to index
        %get3A_420 = arith.constant 128 : index
        %get3A_421 = tpu.vector_load %arg9[%get3A_418, %get3A_419, %get3A_420] {strides = array<i32>} : memref<2x128x272xf32, #tpu.memory_space<vmem>>, vector<16xf32>,
        %mul3A_422 = arith.mulf %gather3A_416, %get3A_421 : vector<16xf32>
        %add3A_423 = arith.addf %add3A_379, %mul3A_422 : vector<16xf32>
        %broadcast_in_dim3A_424 = arith.constant 9 : i32
        %broadcast_in_dim3A_425 = vector.broadcast %broadcast_in_dim3A_424 : i32 to vector<16x1xi32>
        %gather3A_426 = vector.shape_cast %broadcast_in_dim3A_425 : vector<16x1xi32> to vector<16xi32>
        %gather3A_427 = tpu.dynamic_gather %get3A_314[%gather3A_426] in [0] : vector<16xf32>, vector<16xi32> -> vector<16xf32>
        %get3A_428 = arith.constant 1 : i32
        %get3A_429 = arith.index_cast %get3A_428 : i32 to index
        %get3A_430 = arith.index_cast %scan3A_310 : i32 to index
        %get3A_431 = arith.constant 144 : index
        %get3A_432 = tpu.vector_load %arg9[%get3A_429, %get3A_430, %get3A_431] {strides = array<i32>} : memref<2x128x272xf32, #tpu.memory_space<vmem>>, vector<16xf32>,
        %mul3A_433 = arith.mulf %gather3A_427, %get3A_432 : vector<16xf32>
        %add3A_434 = arith.addf %add3A_390, %mul3A_433 : vector<16xf32>
        %broadcast_in_dim3A_435 = arith.constant 10 : i32
        %broadcast_in_dim3A_436 = vector.broadcast %broadcast_in_dim3A_435 : i32 to vector<16x1xi32>
        %gather3A_437 = vector.shape_cast %broadcast_in_dim3A_436 : vector<16x1xi32> to vector<16xi32>
        %gather3A_438 = tpu.dynamic_gather %get3A_314[%gather3A_437] in [0] : vector<16xf32>, vector<16xi32> -> vector<16xf32>
        %get3A_439 = arith.constant 1 : i32
        %get3A_440 = arith.index_cast %get3A_439 : i32 to index
        %get3A_441 = arith.index_cast %scan3A_310 : i32 to index
        %get3A_442 = arith.constant 160 : index
        %get3A_443 = tpu.vector_load %arg9[%get3A_440, %get3A_441, %get3A_442] {strides = array<i32>} : memref<2x128x272xf32, #tpu.memory_space<vmem>>, vector<16xf32>,
        %mul3A_444 = arith.mulf %gather3A_438, %get3A_443 : vector<16xf32>
        %add3A_445 = arith.addf %add3A_401, %mul3A_444 : vector<16xf32>
        %broadcast_in_dim3A_446 = arith.constant 11 : i32
        %broadcast_in_dim3A_447 = vector.broadcast %broadcast_in_dim3A_446 : i32 to vector<16x1xi32>
        %gather3A_448 = vector.shape_cast %broadcast_in_dim3A_447 : vector<16x1xi32> to vector<16xi32>
        %gather3A_449 = tpu.dynamic_gather %get3A_314[%gather3A_448] in [0] : vector<16xf32>, vector<16xi32> -> vector<16xf32>
        %get3A_450 = arith.constant 1 : i32
        %get3A_451 = arith.index_cast %get3A_450 : i32 to index
        %get3A_452 = arith.index_cast %scan3A_310 : i32 to index
        %get3A_453 = arith.constant 176 : index
        %get3A_454 = tpu.vector_load %arg9[%get3A_451, %get3A_452, %get3A_453] {strides = array<i32>} : memref<2x128x272xf32, #tpu.memory_space<vmem>>, vector<16xf32>,
        %mul3A_455 = arith.mulf %gather3A_449, %get3A_454 : vector<16xf32>
        %add3A_456 = arith.addf %add3A_412, %mul3A_455 : vector<16xf32>
        %broadcast_in_dim3A_457 = arith.constant 12 : i32
        %broadcast_in_dim3A_458 = vector.broadcast %broadcast_in_dim3A_457 : i32 to vector<16x1xi32>
        %gather3A_459 = vector.shape_cast %broadcast_in_dim3A_458 : vector<16x1xi32> to vector<16xi32>
        %gather3A_460 = tpu.dynamic_gather %get3A_314[%gather3A_459] in [0] : vector<16xf32>, vector<16xi32> -> vector<16xf32>
        %get3A_461 = arith.constant 1 : i32
        %get3A_462 = arith.index_cast %get3A_461 : i32 to index
        %get3A_463 = arith.index_cast %scan3A_310 : i32 to index
        %get3A_464 = arith.constant 192 : index
        %get3A_465 = tpu.vector_load %arg9[%get3A_462, %get3A_463, %get3A_464] {strides = array<i32>} : memref<2x128x272xf32, #tpu.memory_space<vmem>>, vector<16xf32>,
        %mul3A_466 = arith.mulf %gather3A_460, %get3A_465 : vector<16xf32>
        %add3A_467 = arith.addf %add3A_423, %mul3A_466 : vector<16xf32>
        %broadcast_in_dim3A_468 = arith.constant 13 : i32
        %broadcast_in_dim3A_469 = vector.broadcast %broadcast_in_dim3A_468 : i32 to vector<16x1xi32>
        %gather3A_470 = vector.shape_cast %broadcast_in_dim3A_469 : vector<16x1xi32> to vector<16xi32>
        %gather3A_471 = tpu.dynamic_gather %get3A_314[%gather3A_470] in [0] : vector<16xf32>, vector<16xi32> -> vector<16xf32>
        %get3A_472 = arith.constant 1 : i32
        %get3A_473 = arith.index_cast %get3A_472 : i32 to index
        %get3A_474 = arith.index_cast %scan3A_310 : i32 to index
        %get3A_475 = arith.constant 208 : index
        %get3A_476 = tpu.vector_load %arg9[%get3A_473, %get3A_474, %get3A_475] {strides = array<i32>} : memref<2x128x272xf32, #tpu.memory_space<vmem>>, vector<16xf32>,
        %mul3A_477 = arith.mulf %gather3A_471, %get3A_476 : vector<16xf32>
        %add3A_478 = arith.addf %add3A_434, %mul3A_477 : vector<16xf32>
        %broadcast_in_dim3A_479 = arith.constant 14 : i32
        %broadcast_in_dim3A_480 = vector.broadcast %broadcast_in_dim3A_479 : i32 to vector<16x1xi32>
        %gather3A_481 = vector.shape_cast %broadcast_in_dim3A_480 : vector<16x1xi32> to vector<16xi32>
        %gather3A_482 = tpu.dynamic_gather %get3A_314[%gather3A_481] in [0] : vector<16xf32>, vector<16xi32> -> vector<16xf32>
        %get3A_483 = arith.constant 1 : i32
        %get3A_484 = arith.index_cast %get3A_483 : i32 to index
        %get3A_485 = arith.index_cast %scan3A_310 : i32 to index
        %get3A_486 = arith.constant 224 : index
        %get3A_487 = tpu.vector_load %arg9[%get3A_484, %get3A_485, %get3A_486] {strides = array<i32>} : memref<2x128x272xf32, #tpu.memory_space<vmem>>, vector<16xf32>,
        %mul3A_488 = arith.mulf %gather3A_482, %get3A_487 : vector<16xf32>
        %add3A_489 = arith.addf %add3A_445, %mul3A_488 : vector<16xf32>
        %broadcast_in_dim3A_490 = arith.constant 15 : i32
        %broadcast_in_dim3A_491 = vector.broadcast %broadcast_in_dim3A_490 : i32 to vector<16x1xi32>
        %gather3A_492 = vector.shape_cast %broadcast_in_dim3A_491 : vector<16x1xi32> to vector<16xi32>
        %gather3A_493 = tpu.dynamic_gather %get3A_314[%gather3A_492] in [0] : vector<16xf32>, vector<16xi32> -> vector<16xf32>
        %get3A_494 = arith.constant 1 : i32
        %get3A_495 = arith.index_cast %get3A_494 : i32 to index
        %get3A_496 = arith.index_cast %scan3A_310 : i32 to index
        %get3A_497 = arith.constant 240 : index
        %get3A_498 = tpu.vector_load %arg9[%get3A_495, %get3A_496, %get3A_497] {strides = array<i32>} : memref<2x128x272xf32, #tpu.memory_space<vmem>>, vector<16xf32>,
        %mul3A_499 = arith.mulf %gather3A_493, %get3A_498 : vector<16xf32>
        %add3A_500 = arith.addf %add3A_456, %mul3A_499 : vector<16xf32>
        %add3A_501 = arith.addf %add3A_467, %add3A_478 : vector<16xf32>
        %add3A_502 = arith.addf %add3A_489, %add3A_500 : vector<16xf32>
        %add3A_503 = arith.addf %add3A_501, %add3A_502 : vector<16xf32>
        %swap3A = arith.index_cast %scan3A_310 : i32 to index
        %swap3A_504 = arith.constant 0 : index
        %swap3A_505 = tpu.vector_load %arg11[%swap3A, %swap3A_504] {strides = array<i32>} : memref<128x32xf32, #tpu.memory_space<vmem>>, vector<16xf32>,
        tpu.vector_store %arg11[%swap3A, %swap3A_504], %add3A_503 {strides = array<i32>} : memref<128x32xf32, #tpu.memory_space<vmem>>, vector<16xf32>,
        %swap3A_506 = arith.index_cast %scan3A_310 : i32 to index
        %swap3A_507 = arith.constant 16 : index
        %swap3A_508 = tpu.vector_load %arg11[%swap3A_506, %swap3A_507] {strides = array<i32>} : memref<128x32xf32, #tpu.memory_space<vmem>>, vector<16xf32>,
        tpu.vector_store %arg11[%swap3A_506, %swap3A_507], %get3A_319 {strides = array<i32>} : memref<128x32xf32, #tpu.memory_space<vmem>>, vector<16xf32>,
      }
      %scan3A_275 = arith.constant 128 : i32
      %add3A_276 = arith.addi %sub3A, %add3A_242 : i32
      "tpu.region"() ({
        %run_scoped3A = tpu.sem_alloc : memref<!tpu.dma_semaphore, #tpu.memory_space<semaphore_mem>>
        %dma_start3A_310 = arith.constant 0 : i32
        %dma_start3A_311 = tpu.memref_slice %arg8[%add3A_276, %dma_start3A_310] : memref<52x128xi32, #tpu.memory_space<vmem>> -> memref<1x128xi32, #tpu.memory_space<vmem>>
        %dma_start3A_312 = tpu.memref_squeeze %dma_start3A_311 : memref<1x128xi32, #tpu.memory_space<vmem>> -> memref<128xi32, #tpu.memory_space<vmem>>
        %dma_start3A_313 = arith.constant 0 : i32
        %dma_start3A_314 = arith.constant 0 : i32
        %dma_start3A_315 = tpu.memref_slice %arg12[%dma_start3A_313, %dma_start3A_314] : memref<10240x32xf32, #tpu.memory_space<vmem_shared>> -> memref<10240x32xf32, #tpu.memory_space<vmem_shared>>
        tpu.enqueue_indirect_dma source(%arg11 : memref<128x32xf32, #tpu.memory_space<vmem>>) target(%dma_start3A_315 : memref<10240x32xf32, #tpu.memory_space<vmem_shared>>) offsets(%dma_start3A_312 : memref<128xi32, #tpu.memory_space<vmem>>) semaphore(%run_scoped3A : memref<!tpu.dma_semaphore, #tpu.memory_space<semaphore_mem>>) {add = true}
        %dma_wait3A_316 = arith.constant 0 : i32
        %dma_wait3A_317 = tpu.memref_slice %arg8[%add3A_276, %dma_wait3A_316] : memref<52x128xi32, #tpu.memory_space<vmem>> -> memref<1x128xi32, #tpu.memory_space<vmem>>
        %dma_wait3A_318 = tpu.memref_squeeze %dma_wait3A_317 : memref<1x128xi32, #tpu.memory_space<vmem>> -> memref<128xi32, #tpu.memory_space<vmem>>
        %dma_wait3A_319 = arith.constant 0 : i32
        %dma_wait3A_320 = arith.constant 0 : i32
        %dma_wait3A_321 = tpu.memref_slice %arg12[%dma_wait3A_319, %dma_wait3A_320] : memref<10240x32xf32, #tpu.memory_space<vmem_shared>> -> memref<10240x32xf32, #tpu.memory_space<vmem_shared>>
        tpu.wait_indirect_dma semaphore(%run_scoped3A : memref<!tpu.dma_semaphore, #tpu.memory_space<semaphore_mem>>) src(%arg11 : memref<128x32xf32, #tpu.memory_space<vmem>>) dst(%dma_wait3A_321 : memref<10240x32xf32, #tpu.memory_space<vmem_shared>>)
        tpu.yield
      }) : () -> ()
      %add3A_277 = arith.constant 2 : i32
      %add3A_278 = arith.addi %add3A_242, %add3A_277 : i32
      %sub3A_279 = arith.constant 1 : i32
      %sub3A_280 = arith.subi %select_n3A, %sub3A_279 : i32
      %min3A_281 = arith.minsi %add3A_278, %sub3A_280 : i32
      %add3A_282 = arith.addi %sub3A, %min3A_281 : i32
      %dma_start3A_283 = arith.constant 1 : i32
      %dma_start3A_284 = arith.constant 0 : i32
      %dma_start3A_285 = arith.constant 0 : i32
      %dma_start3A_286 = tpu.memref_slice %arg9[%dma_start3A_283, %dma_start3A_284, %dma_start3A_285] : memref<2x128x272xf32, #tpu.memory_space<vmem>> -> memref<1x128x272xf32, #tpu.memory_space<vmem>>
      %dma_start3A_287 = tpu.memref_squeeze %dma_start3A_286 : memref<1x128x272xf32, #tpu.memory_space<vmem>> -> memref<128x272xf32, #tpu.memory_space<vmem>>
      %dma_start3A_288 = arith.constant 0 : i32
      %dma_start3A_289 = tpu.memref_slice %arg7[%add3A_282, %dma_start3A_288] : memref<52x128xi32, #tpu.memory_space<vmem>> -> memref<1x128xi32, #tpu.memory_space<vmem>>
      %dma_start3A_290 = tpu.memref_squeeze %dma_start3A_289 : memref<1x128xi32, #tpu.memory_space<vmem>> -> memref<128xi32, #tpu.memory_space<vmem>>
      %dma_start3A_291 = arith.constant 0 : i32
      %dma_start3A_292 = arith.constant 0 : i32
      %dma_start3A_293 = tpu.memref_slice %arg2[%dma_start3A_291, %dma_start3A_292] : memref<10000x272xf32, #tpu.memory_space<hbm>> -> memref<10000x272xf32, #tpu.memory_space<hbm>>
      tpu.enqueue_indirect_dma source(%dma_start3A_293 : memref<10000x272xf32, #tpu.memory_space<hbm>>) target(%dma_start3A_287 : memref<128x272xf32, #tpu.memory_space<vmem>>) offsets(%dma_start3A_290 : memref<128xi32, #tpu.memory_space<vmem>>) semaphore(%arg14 : memref<!tpu.dma_semaphore, #tpu.memory_space<semaphore_mem>>)
      %add3A_294 = arith.addi %add3A, %min3A_281 : i32
      %mul3A_295 = arith.constant 128 : i32
      %mul3A_296 = arith.muli %add3A_294, %mul3A_295 : i32
      %dma_start3A_297 = arith.constant 1 : i32
      %dma_start3A_298 = arith.constant 0 : i32
      %dma_start3A_299 = arith.constant 0 : i32
      %dma_start3A_300 = tpu.memref_slice %arg10[%dma_start3A_297, %dma_start3A_298, %dma_start3A_299] : memref<2x128x32xf32, #tpu.memory_space<vmem>> -> memref<1x128x32xf32, #tpu.memory_space<vmem>>
      %dma_start3A_301 = tpu.memref_squeeze %dma_start3A_300 : memref<1x128x32xf32, #tpu.memory_space<vmem>> -> memref<128x32xf32, #tpu.memory_space<vmem>>
      %dma_start3A_302 = arith.constant 0 : i32
      %dma_start3A_303 = tpu.memref_slice %arg3[%mul3A_296, %dma_start3A_302] : memref<163840x32xf32, #tpu.memory_space<hbm>> -> memref<128x32xf32, #tpu.memory_space<hbm>>
      %dma_start3A_304 = arith.constant 0 : i32
      %dma_start3A_305 = arith.constant 0 : i32
      %dma_start3A_306 = tpu.memref_slice %arg10[%dma_start3A_297, %dma_start3A_304, %dma_start3A_305] : memref<2x128x32xf32, #tpu.memory_space<vmem>> -> memref<1x128x32xf32, #tpu.memory_space<vmem>>
      %dma_start3A_307 = tpu.memref_squeeze %dma_start3A_306 : memref<1x128x32xf32, #tpu.memory_space<vmem>> -> memref<128x32xf32, #tpu.memory_space<vmem>>
      %dma_start3A_308 = arith.constant 0 : i32
      %dma_start3A_309 = tpu.memref_slice %arg3[%mul3A_296, %dma_start3A_308] : memref<163840x32xf32, #tpu.memory_space<hbm>> -> memref<128x32xf32, #tpu.memory_space<hbm>>
      tpu.enqueue_dma source(%dma_start3A_309 : memref<128x32xf32, #tpu.memory_space<hbm>>) target(%dma_start3A_307 : memref<128x32xf32, #tpu.memory_space<vmem>>) target_semaphore(%arg16 : memref<!tpu.dma_semaphore, #tpu.memory_space<semaphore_mem>>)
    }
    %dma_wait3A = arith.constant 0 : i32
    %dma_wait3A_113 = arith.constant 0 : i32
    %dma_wait3A_114 = arith.constant 0 : i32
    %dma_wait3A_115 = arith.constant 0 : i32
    %dma_wait3A_116 = tpu.memref_slice %arg9[%dma_wait3A_113, %dma_wait3A_114, %dma_wait3A_115] : memref<2x128x272xf32, #tpu.memory_space<vmem>> -> memref<1x128x272xf32, #tpu.memory_space<vmem>>
    %dma_wait3A_117 = tpu.memref_squeeze %dma_wait3A_116 : memref<1x128x272xf32, #tpu.memory_space<vmem>> -> memref<128x272xf32, #tpu.memory_space<vmem>>
    %dma_wait3A_118 = arith.constant 0 : i32
    %dma_wait3A_119 = tpu.memref_slice %arg7[%dma_wait3A, %dma_wait3A_118] : memref<52x128xi32, #tpu.memory_space<vmem>> -> memref<1x128xi32, #tpu.memory_space<vmem>>
    %dma_wait3A_120 = tpu.memref_squeeze %dma_wait3A_119 : memref<1x128xi32, #tpu.memory_space<vmem>> -> memref<128xi32, #tpu.memory_space<vmem>>
    %dma_wait3A_121 = arith.constant 0 : i32
    %dma_wait3A_122 = arith.constant 0 : i32
    %dma_wait3A_123 = tpu.memref_slice %arg2[%dma_wait3A_121, %dma_wait3A_122] : memref<10000x272xf32, #tpu.memory_space<hbm>> -> memref<10000x272xf32, #tpu.memory_space<hbm>>
    tpu.wait_indirect_dma semaphore(%arg13 : memref<!tpu.dma_semaphore, #tpu.memory_space<semaphore_mem>>) src(%dma_wait3A_123 : memref<10000x272xf32, #tpu.memory_space<hbm>>) dst(%dma_wait3A_117 : memref<128x272xf32, #tpu.memory_space<vmem>>)
    %dma_wait3A_124 = arith.constant 0 : i32
    %dma_wait3A_125 = arith.constant 0 : i32
    %dma_wait3A_126 = arith.constant 0 : i32
    %dma_wait3A_127 = tpu.memref_slice %arg10[%dma_wait3A_124, %dma_wait3A_125, %dma_wait3A_126] : memref<2x128x32xf32, #tpu.memory_space<vmem>> -> memref<1x128x32xf32, #tpu.memory_space<vmem>>
    %dma_wait3A_128 = tpu.memref_squeeze %dma_wait3A_127 : memref<1x128x32xf32, #tpu.memory_space<vmem>> -> memref<128x32xf32, #tpu.memory_space<vmem>>
    %dma_wait3A_129 = arith.constant 0 : i32
    %dma_wait3A_130 = arith.constant 0 : i32
    %dma_wait3A_131 = tpu.memref_slice %arg3[%dma_wait3A_129, %dma_wait3A_130] : memref<163840x32xf32, #tpu.memory_space<hbm>> -> memref<128x32xf32, #tpu.memory_space<hbm>>
    %dma_wait3A_132 = arith.constant 0 : i32
    %dma_wait3A_133 = arith.constant 0 : i32
    %dma_wait3A_134 = tpu.memref_slice %arg10[%dma_wait3A_124, %dma_wait3A_132, %dma_wait3A_133] : memref<2x128x32xf32, #tpu.memory_space<vmem>> -> memref<1x128x32xf32, #tpu.memory_space<vmem>>
    %dma_wait3A_135 = tpu.memref_squeeze %dma_wait3A_134 : memref<1x128x32xf32, #tpu.memory_space<vmem>> -> memref<128x32xf32, #tpu.memory_space<vmem>>
    %dma_wait3A_136 = arith.constant 0 : i32
    %dma_wait3A_137 = arith.constant 0 : i32
    %dma_wait3A_138 = tpu.memref_slice %arg3[%dma_wait3A_136, %dma_wait3A_137] : memref<163840x32xf32, #tpu.memory_space<hbm>> -> memref<128x32xf32, #tpu.memory_space<hbm>>
    tpu.wait_dma2 semaphore(%arg15 : memref<!tpu.dma_semaphore, #tpu.memory_space<semaphore_mem>>) src(%dma_wait3A_138 : memref<128x32xf32, #tpu.memory_space<hbm>>) dst(%dma_wait3A_135 : memref<128x32xf32, #tpu.memory_space<vmem>>)
    %dma_wait3A_139 = arith.constant 0 : i32
    %dma_wait3A_140 = arith.constant 1 : i32
    %dma_wait3A_141 = arith.constant 0 : i32
    %dma_wait3A_142 = arith.constant 0 : i32
    %dma_wait3A_143 = tpu.memref_slice %arg9[%dma_wait3A_140, %dma_wait3A_141, %dma_wait3A_142] : memref<2x128x272xf32, #tpu.memory_space<vmem>> -> memref<1x128x272xf32, #tpu.memory_space<vmem>>
    %dma_wait3A_144 = tpu.memref_squeeze %dma_wait3A_143 : memref<1x128x272xf32, #tpu.memory_space<vmem>> -> memref<128x272xf32, #tpu.memory_space<vmem>>
    %dma_wait3A_145 = arith.constant 0 : i32
    %dma_wait3A_146 = tpu.memref_slice %arg7[%dma_wait3A_139, %dma_wait3A_145] : memref<52x128xi32, #tpu.memory_space<vmem>> -> memref<1x128xi32, #tpu.memory_space<vmem>>
    %dma_wait3A_147 = tpu.memref_squeeze %dma_wait3A_146 : memref<1x128xi32, #tpu.memory_space<vmem>> -> memref<128xi32, #tpu.memory_space<vmem>>
    %dma_wait3A_148 = arith.constant 0 : i32
    %dma_wait3A_149 = arith.constant 0 : i32
    %dma_wait3A_150 = tpu.memref_slice %arg2[%dma_wait3A_148, %dma_wait3A_149] : memref<10000x272xf32, #tpu.memory_space<hbm>> -> memref<10000x272xf32, #tpu.memory_space<hbm>>
    tpu.wait_indirect_dma semaphore(%arg14 : memref<!tpu.dma_semaphore, #tpu.memory_space<semaphore_mem>>) src(%dma_wait3A_150 : memref<10000x272xf32, #tpu.memory_space<hbm>>) dst(%dma_wait3A_144 : memref<128x272xf32, #tpu.memory_space<vmem>>)
    %dma_wait3A_151 = arith.constant 1 : i32
    %dma_wait3A_152 = arith.constant 0 : i32
    %dma_wait3A_153 = arith.constant 0 : i32
    %dma_wait3A_154 = tpu.memref_slice %arg10[%dma_wait3A_151, %dma_wait3A_152, %dma_wait3A_153] : memref<2x128x32xf32, #tpu.memory_space<vmem>> -> memref<1x128x32xf32, #tpu.memory_space<vmem>>
    %dma_wait3A_155 = tpu.memref_squeeze %dma_wait3A_154 : memref<1x128x32xf32, #tpu.memory_space<vmem>> -> memref<128x32xf32, #tpu.memory_space<vmem>>
    %dma_wait3A_156 = arith.constant 0 : i32
    %dma_wait3A_157 = arith.constant 0 : i32
    %dma_wait3A_158 = tpu.memref_slice %arg3[%dma_wait3A_156, %dma_wait3A_157] : memref<163840x32xf32, #tpu.memory_space<hbm>> -> memref<128x32xf32, #tpu.memory_space<hbm>>
    %dma_wait3A_159 = arith.constant 0 : i32
    %dma_wait3A_160 = arith.constant 0 : i32
    %dma_wait3A_161 = tpu.memref_slice %arg10[%dma_wait3A_151, %dma_wait3A_159, %dma_wait3A_160] : memref<2x128x32xf32, #tpu.memory_space<vmem>> -> memref<1x128x32xf32, #tpu.memory_space<vmem>>
    %dma_wait3A_162 = tpu.memref_squeeze %dma_wait3A_161 : memref<1x128x32xf32, #tpu.memory_space<vmem>> -> memref<128x32xf32, #tpu.memory_space<vmem>>
    %dma_wait3A_163 = arith.constant 0 : i32
    %dma_wait3A_164 = arith.constant 0 : i32
    %dma_wait3A_165 = tpu.memref_slice %arg3[%dma_wait3A_163, %dma_wait3A_164] : memref<163840x32xf32, #tpu.memory_space<hbm>> -> memref<128x32xf32, #tpu.memory_space<hbm>>
    tpu.wait_dma2 semaphore(%arg16 : memref<!tpu.dma_semaphore, #tpu.memory_space<semaphore_mem>>) src(%dma_wait3A_165 : memref<128x32xf32, #tpu.memory_space<hbm>>) dst(%dma_wait3A_162 : memref<128x32xf32, #tpu.memory_space<vmem>>)
    %barrier3A_166 = arith.constant 0 : index
    tpu.barrier barrier_id(%barrier3A_166)
    "tpu.region"() ({
      %run_scoped3A = tpu.sem_alloc : memref<!tpu.dma_semaphore, #tpu.memory_space<semaphore_mem>>
      %dma_start3A_167 = arith.constant 0 : i32
      %dma_start3A_168 = tpu.memref_slice %arg6[%arg0, %mul3A_5, %dma_start3A_167] : memref<2x10240x32xf32, #tpu.memory_space<hbm>> -> memref<1x640x32xf32, #tpu.memory_space<hbm>>
      %dma_start3A_169 = tpu.memref_squeeze %dma_start3A_168 : memref<1x640x32xf32, #tpu.memory_space<hbm>> -> memref<640x32xf32, #tpu.memory_space<hbm>>
      %dma_start3A_170 = arith.constant 0 : i32
      %dma_start3A_171 = tpu.memref_slice %arg12[%mul3A_5, %dma_start3A_170] : memref<10240x32xf32, #tpu.memory_space<vmem_shared>> -> memref<640x32xf32, #tpu.memory_space<vmem_shared>>
      tpu.enqueue_dma source(%dma_start3A_171 : memref<640x32xf32, #tpu.memory_space<vmem_shared>>) target(%dma_start3A_169 : memref<640x32xf32, #tpu.memory_space<hbm>>) target_semaphore(%run_scoped3A : memref<!tpu.dma_semaphore, #tpu.memory_space<semaphore_mem>>)
      %dma_wait3A_172 = arith.constant 0 : i32
      %dma_wait3A_173 = tpu.memref_slice %arg6[%arg0, %mul3A_5, %dma_wait3A_172] : memref<2x10240x32xf32, #tpu.memory_space<hbm>> -> memref<1x640x32xf32, #tpu.memory_space<hbm>>
      %dma_wait3A_174 = tpu.memref_squeeze %dma_wait3A_173 : memref<1x640x32xf32, #tpu.memory_space<hbm>> -> memref<640x32xf32, #tpu.memory_space<hbm>>
      %dma_wait3A_175 = arith.constant 0 : i32
      %dma_wait3A_176 = tpu.memref_slice %arg12[%mul3A_5, %dma_wait3A_175] : memref<10240x32xf32, #tpu.memory_space<vmem_shared>> -> memref<640x32xf32, #tpu.memory_space<vmem_shared>>
      tpu.wait_dma2 semaphore(%run_scoped3A : memref<!tpu.dma_semaphore, #tpu.memory_space<semaphore_mem>>) src(%dma_wait3A_176 : memref<640x32xf32, #tpu.memory_space<vmem_shared>>) dst(%dma_wait3A_174 : memref<640x32xf32, #tpu.memory_space<hbm>>)
      tpu.yield
    }) : () -> ()
    return
  }
}

module attributes {stable_mosaic.version = 14 : i64} {
  func.func @_edge_mlp_body(%arg0: i32, %arg1: memref<8192x4xf32, #tpu.memory_space<vmem>>, %arg2: memref<4x16xf32, #tpu.memory_space<vmem>>, %arg3: memref<1x16xf32, #tpu.memory_space<vmem>>, %arg4: memref<4x16xf32, #tpu.memory_space<vmem>>, %arg5: memref<1x16xf32, #tpu.memory_space<vmem>>, %arg6: memref<8192x32xf32, #tpu.memory_space<vmem>>, %arg7: memref<8192x32xf32, #tpu.memory_space<vmem>>) attributes {dimension_semantics = [#tpu.dimension_semantics<arbitrary>], iteration_bounds = array<i64: 20>, scalar_prefetch = 0 : i64, scratch_operands = 0 : i64, tpu.core_type = #tpu.core_type<tc>, window_params = [{transform_indices = @transform_0, window_bounds = array<i64: 8192, 4>}, {pipeline_mode = #tpu.pipeline_mode<synchronous>, transform_indices = @transform_1, window_bounds = array<i64: 4, 16>}, {pipeline_mode = #tpu.pipeline_mode<synchronous>, transform_indices = @transform_2, window_bounds = array<i64: 1, 16>}, {pipeline_mode = #tpu.pipeline_mode<synchronous>, transform_indices = @transform_3, window_bounds = array<i64: 4, 16>}, {pipeline_mode = #tpu.pipeline_mode<synchronous>, transform_indices = @transform_4, window_bounds = array<i64: 1, 16>}, {transform_indices = @transform_5, window_bounds = array<i64: 8192, 32>}, {transform_indices = @transform_6, window_bounds = array<i64: 8192, 32>}]} {
    %get3A = arith.constant 0 : index
    %get3A_0 = arith.constant 0 : index
    %get3A_1 = vector.load %arg1[%get3A, %get3A_0] : memref<8192x4xf32, #tpu.memory_space<vmem>>, vector<8192x4xf32>
    %iota3A = tpu.iota {dimensions = array<i32: 0>} : vector<8192x16xi32>
    %mul3A = arith.constant 8192 : i32
    %mul3A_2 = arith.muli %arg0, %mul3A : i32
    %add3A = vector.broadcast %mul3A_2 : i32 to vector<8192x16xi32>
    %add3A_3 = arith.addi %iota3A, %add3A : vector<8192x16xi32>
    %lt3A = arith.constant 160000 : i32
    %lt3A_4 = vector.broadcast %lt3A : i32 to vector<8192x16xi32>
    %lt3A_5 = arith.cmpi slt, %add3A_3, %lt3A_4 : vector<8192x16xi32>
    %iota3A_6 = tpu.iota {dimensions = array<i32: 1>} : vector<8192x16xi32>
    %eq3A = arith.constant 0 : i32
    %eq3A_7 = vector.broadcast %eq3A : i32 to vector<8192x16xi32>
    %eq3A_8 = arith.cmpi eq, %iota3A_6, %eq3A_7 : vector<8192x16xi32>
    %and3A = arith.andi %eq3A_8, %lt3A_5 : vector<8192x16xi1>
    %jit3A = arith.constant 1.000000e+00 : f32
    %jit3A_9 = arith.constant 0.000000e+00 : f32
    %broadcast_in_dim3A = vector.broadcast %jit3A : f32 to vector<8192x16xf32>
    %broadcast_in_dim3A_10 = vector.broadcast %jit3A_9 : f32 to vector<8192x16xf32>
    %select_n3A = arith.select %and3A, %broadcast_in_dim3A, %broadcast_in_dim3A_10 : vector<8192x16xi1>, vector<8192x16xf32>
    %get3A_11 = arith.constant 0 : index
    %get3A_12 = arith.constant 0 : index
    %get3A_13 = vector.load %arg2[%get3A_11, %get3A_12] : memref<4x16xf32, #tpu.memory_space<vmem>>, vector<4x16xf32>
    %dot_general3A = arith.constant dense<0.000000e+00> : vector<8192x16xf32>
    %dot_general3A_14 = tpu.matmul %get3A_1, %get3A_13, %dot_general3A {dimension_numbers = #tpu.dot_dimension_numbers<[1], [0], [0], [1], [0, 0, 1, 1], [], []>, transpose_lhs_hint = false} : vector<8192x4xf32>, vector<4x16xf32>, vector<8192x16xf32> -> vector<8192x16xf32>
    %get3A_15 = arith.constant 0 : index
    %get3A_16 = arith.constant 0 : index
    %get3A_17 = vector.load %arg3[%get3A_15, %get3A_16] : memref<1x16xf32, #tpu.memory_space<vmem>>, vector<1x16xf32>
    %add3A_18 = vector.broadcast %get3A_17 : vector<1x16xf32> to vector<8192x16xf32>
    %add3A_19 = arith.addf %dot_general3A_14, %add3A_18 : vector<8192x16xf32>
    %max3A = arith.constant 0.000000e+00 : f32
    %max3A_20 = vector.broadcast %max3A : f32 to vector<8192x16xf32>
    %max3A_21 = arith.maximumf %add3A_19, %max3A_20 : vector<8192x16xf32>
    %jit3A_22 = arith.constant 0.000000e+00 : f32
    %broadcast_in_dim3A_23 = vector.broadcast %jit3A_22 : f32 to vector<8192x16xf32>
    %select_n3A_24 = arith.select %lt3A_5, %max3A_21, %broadcast_in_dim3A_23 : vector<8192x16xi1>, vector<8192x16xf32>
    %swap3A = arith.constant 0 : index
    %swap3A_25 = arith.constant 0 : index
    %swap3A_26 = vector.load %arg6[%swap3A, %swap3A_25] : memref<8192x32xf32, #tpu.memory_space<vmem>>, vector<8192x16xf32>
    tpu.vector_store %arg6[%swap3A, %swap3A_25], %select_n3A_24 {strides = array<i32>} : memref<8192x32xf32, #tpu.memory_space<vmem>>, vector<8192x16xf32>,
    %swap3A_27 = arith.constant 0 : index
    %swap3A_28 = arith.constant 16 : index
    %swap3A_29 = vector.load %arg6[%swap3A_27, %swap3A_28] : memref<8192x32xf32, #tpu.memory_space<vmem>>, vector<8192x16xf32>
    tpu.vector_store %arg6[%swap3A_27, %swap3A_28], %select_n3A {strides = array<i32>} : memref<8192x32xf32, #tpu.memory_space<vmem>>, vector<8192x16xf32>,
    %get3A_30 = arith.constant 0 : index
    %get3A_31 = arith.constant 0 : index
    %get3A_32 = vector.load %arg4[%get3A_30, %get3A_31] : memref<4x16xf32, #tpu.memory_space<vmem>>, vector<4x16xf32>
    %dot_general3A_33 = arith.constant dense<0.000000e+00> : vector<8192x16xf32>
    %dot_general3A_34 = tpu.matmul %get3A_1, %get3A_32, %dot_general3A_33 {dimension_numbers = #tpu.dot_dimension_numbers<[1], [0], [0], [1], [0, 0, 1, 1], [], []>, transpose_lhs_hint = false} : vector<8192x4xf32>, vector<4x16xf32>, vector<8192x16xf32> -> vector<8192x16xf32>
    %get3A_35 = arith.constant 0 : index
    %get3A_36 = arith.constant 0 : index
    %get3A_37 = vector.load %arg5[%get3A_35, %get3A_36] : memref<1x16xf32, #tpu.memory_space<vmem>>, vector<1x16xf32>
    %add3A_38 = vector.broadcast %get3A_37 : vector<1x16xf32> to vector<8192x16xf32>
    %add3A_39 = arith.addf %dot_general3A_34, %add3A_38 : vector<8192x16xf32>
    %max3A_40 = arith.constant 0.000000e+00 : f32
    %max3A_41 = vector.broadcast %max3A_40 : f32 to vector<8192x16xf32>
    %max3A_42 = arith.maximumf %add3A_39, %max3A_41 : vector<8192x16xf32>
    %jit3A_43 = arith.constant 0.000000e+00 : f32
    %broadcast_in_dim3A_44 = vector.broadcast %jit3A_43 : f32 to vector<8192x16xf32>
    %select_n3A_45 = arith.select %lt3A_5, %max3A_42, %broadcast_in_dim3A_44 : vector<8192x16xi1>, vector<8192x16xf32>
    %swap3A_46 = arith.constant 0 : index
    %swap3A_47 = arith.constant 0 : index
    %swap3A_48 = vector.load %arg7[%swap3A_46, %swap3A_47] : memref<8192x32xf32, #tpu.memory_space<vmem>>, vector<8192x16xf32>
    tpu.vector_store %arg7[%swap3A_46, %swap3A_47], %select_n3A_45 {strides = array<i32>} : memref<8192x32xf32, #tpu.memory_space<vmem>>, vector<8192x16xf32>,
    %swap3A_49 = arith.constant 0 : index
    %swap3A_50 = arith.constant 16 : index
    %swap3A_51 = vector.load %arg7[%swap3A_49, %swap3A_50] : memref<8192x32xf32, #tpu.memory_space<vmem>>, vector<8192x16xf32>
    tpu.vector_store %arg7[%swap3A_49, %swap3A_50], %select_n3A {strides = array<i32>} : memref<8192x32xf32, #tpu.memory_space<vmem>>, vector<8192x16xf32>,
    return
  }
  func.func @transform_0(%arg0: i32) -> (i32, i32) {
    %c0_i32 = arith.constant 0 : i32
    %c0_i32_0 = arith.constant 0 : i32
    return %arg0, %c0_i32 : i32, i32
  }
  func.func @transform_1(%arg0: i32) -> (i32, i32) {
    %c0_i32 = arith.constant 0 : i32
    %c0_i32_0 = arith.constant 0 : i32
    %c0_i32_1 = arith.constant 0 : i32
    return %c0_i32, %c0_i32_0 : i32, i32
  }
  func.func @transform_2(%arg0: i32) -> (i32, i32) {
    %c0_i32 = arith.constant 0 : i32
    %c0_i32_0 = arith.constant 0 : i32
    %c0_i32_1 = arith.constant 0 : i32
    return %c0_i32, %c0_i32_0 : i32, i32
  }
  func.func @transform_3(%arg0: i32) -> (i32, i32) {
    %c0_i32 = arith.constant 0 : i32
    %c0_i32_0 = arith.constant 0 : i32
    %c0_i32_1 = arith.constant 0 : i32
    return %c0_i32, %c0_i32_0 : i32, i32
  }
  func.func @transform_4(%arg0: i32) -> (i32, i32) {
    %c0_i32 = arith.constant 0 : i32
    %c0_i32_0 = arith.constant 0 : i32
    %c0_i32_1 = arith.constant 0 : i32
    return %c0_i32, %c0_i32_0 : i32, i32
  }
  func.func @transform_5(%arg0: i32) -> (i32, i32) {
    %c0_i32 = arith.constant 0 : i32
    %c0_i32_0 = arith.constant 0 : i32
    return %arg0, %c0_i32 : i32, i32
  }
  func.func @transform_6(%arg0: i32) -> (i32, i32) {
    %c0_i32 = arith.constant 0 : i32
    %c0_i32_0 = arith.constant 0 : i32
    return %arg0, %c0_i32 : i32, i32
  }
}

module attributes {stable_mosaic.version = 14 : i64} {
  func.func @_matmul_body(%arg0: memref<10000x128xf32, #tpu.memory_space<vmem>>, %arg1: memref<128x272xf32, #tpu.memory_space<vmem>>, %arg2: memref<10000x272xf32, #tpu.memory_space<vmem>>) attributes {dimension_semantics = [], scalar_prefetch = 0 : i64, scratch_operands = 0 : i64, tpu.core_type = #tpu.core_type<tc>} {
    %get3A = arith.constant 0 : index
    %get3A_0 = arith.constant 0 : index
    %get3A_1 = vector.load %arg0[%get3A, %get3A_0] : memref<10000x128xf32, #tpu.memory_space<vmem>>, vector<10000x128xf32>
    %get3A_2 = arith.constant 0 : index
    %get3A_3 = arith.constant 0 : index
    %get3A_4 = vector.load %arg1[%get3A_2, %get3A_3] : memref<128x272xf32, #tpu.memory_space<vmem>>, vector<128x272xf32>
    %dot_general3A = arith.constant dense<0.000000e+00> : vector<10000x272xf32>
    %dot_general3A_5 = tpu.matmul %get3A_1, %get3A_4, %dot_general3A {dimension_numbers = #tpu.dot_dimension_numbers<[1], [0], [0], [1], [0, 0, 1, 1], [], []>, transpose_lhs_hint = false} : vector<10000x128xf32>, vector<128x272xf32>, vector<10000x272xf32> -> vector<10000x272xf32>
    %swap3A = arith.constant 0 : index
    %swap3A_6 = arith.constant 0 : index
    %swap3A_7 = vector.load %arg2[%swap3A, %swap3A_6] : memref<10000x272xf32, #tpu.memory_space<vmem>>, vector<10000x272xf32>
    tpu.vector_store %arg2[%swap3A, %swap3A_6], %dot_general3A_5 {strides = array<i32>} : memref<10000x272xf32, #tpu.memory_space<vmem>>, vector<10000x272xf32>,
    return
  }
}

module attributes {stable_mosaic.version = 14 : i64} {
  func.func @_combine1_body(%arg0: memref<2x10240x32xf32, #tpu.memory_space<vmem>>, %arg1: memref<10000x128xf32, #tpu.memory_space<vmem>>, %arg2: memref<128x16xf32, #tpu.memory_space<vmem>>, %arg3: memref<1x16xf32, #tpu.memory_space<vmem>>, %arg4: memref<1x16xf32, #tpu.memory_space<vmem>>, %arg5: memref<1x16xf32, #tpu.memory_space<vmem>>, %arg6: memref<16x272xf32, #tpu.memory_space<vmem>>, %arg7: memref<10000x16xf32, #tpu.memory_space<vmem>>, %arg8: memref<10000x272xf32, #tpu.memory_space<vmem>>) attributes {dimension_semantics = [], scalar_prefetch = 0 : i64, scratch_operands = 0 : i64, tpu.core_type = #tpu.core_type<tc>} {
    %get3A = arith.constant 0 : index
    %get3A_0 = arith.constant 0 : index
    %get3A_1 = arith.constant 0 : index
    %get3A_2 = vector.load %arg0[%get3A, %get3A_0, %get3A_1] : memref<2x10240x32xf32, #tpu.memory_space<vmem>>, vector<1x10000x16xf32>
    %get3A_3 = vector.shape_cast %get3A_2 : vector<1x10000x16xf32> to vector<10000x16xf32>
    %get3A_4 = arith.constant 1 : index
    %get3A_5 = arith.constant 0 : index
    %get3A_6 = arith.constant 0 : index
    %get3A_7 = vector.load %arg0[%get3A_4, %get3A_5, %get3A_6] : memref<2x10240x32xf32, #tpu.memory_space<vmem>>, vector<1x10000x16xf32>
    %get3A_8 = vector.shape_cast %get3A_7 : vector<1x10000x16xf32> to vector<10000x16xf32>
    %add3A = arith.addf %get3A_3, %get3A_8 : vector<10000x16xf32>
    %get3A_9 = arith.constant 0 : index
    %get3A_10 = arith.constant 0 : index
    %get3A_11 = arith.constant 16 : index
    %get3A_12 = vector.load %arg0[%get3A_9, %get3A_10, %get3A_11] : memref<2x10240x32xf32, #tpu.memory_space<vmem>>, vector<1x10000x1xf32>
    %get3A_13 = vector.shape_cast %get3A_12 : vector<1x10000x1xf32> to vector<10000x1xf32>
    %get3A_14 = arith.constant 1 : index
    %get3A_15 = arith.constant 0 : index
    %get3A_16 = arith.constant 16 : index
    %get3A_17 = vector.load %arg0[%get3A_14, %get3A_15, %get3A_16] : memref<2x10240x32xf32, #tpu.memory_space<vmem>>, vector<1x10000x1xf32>
    %get3A_18 = vector.shape_cast %get3A_17 : vector<1x10000x1xf32> to vector<10000x1xf32>
    %add3A_19 = arith.addf %get3A_13, %get3A_18 : vector<10000x1xf32>
    %max3A = arith.constant 1.000000e+00 : f32
    %max3A_20 = vector.broadcast %max3A : f32 to vector<10000x1xf32>
    %max3A_21 = arith.maximumf %add3A_19, %max3A_20 : vector<10000x1xf32>
    %div3A = vector.broadcast %max3A_21 : vector<10000x1xf32> to vector<10000x16xf32>
    %div3A_22 = arith.divf %add3A, %div3A : vector<10000x16xf32>
    %get3A_23 = arith.constant 0 : index
    %get3A_24 = arith.constant 0 : index
    %get3A_25 = vector.load %arg1[%get3A_23, %get3A_24] : memref<10000x128xf32, #tpu.memory_space<vmem>>, vector<10000x128xf32>
    %get3A_26 = arith.constant 0 : index
    %get3A_27 = arith.constant 0 : index
    %get3A_28 = vector.load %arg2[%get3A_26, %get3A_27] : memref<128x16xf32, #tpu.memory_space<vmem>>, vector<128x16xf32>
    %dot_general3A = arith.constant dense<0.000000e+00> : vector<10000x16xf32>
    %dot_general3A_29 = tpu.matmul %get3A_25, %get3A_28, %dot_general3A {dimension_numbers = #tpu.dot_dimension_numbers<[1], [0], [0], [1], [0, 0, 1, 1], [], []>, transpose_lhs_hint = false} : vector<10000x128xf32>, vector<128x16xf32>, vector<10000x16xf32> -> vector<10000x16xf32>
    %add3A_30 = arith.addf %div3A_22, %dot_general3A_29 : vector<10000x16xf32>
    %get3A_31 = arith.constant 0 : index
    %get3A_32 = arith.constant 0 : index
    %get3A_33 = vector.load %arg3[%get3A_31, %get3A_32] : memref<1x16xf32, #tpu.memory_space<vmem>>, vector<1x16xf32>
    %add3A_34 = vector.broadcast %get3A_33 : vector<1x16xf32> to vector<10000x16xf32>
    %add3A_35 = arith.addf %add3A_30, %add3A_34 : vector<10000x16xf32>
    %reduce_sum3A = arith.constant dense<0.000000e+00> : vector<16xf32>
    %reduce_sum3A_36 = vector.multi_reduction <add>, %add3A_35, %reduce_sum3A [0] : vector<10000x16xf32> to vector<16xf32>
    %broadcast_in_dim3A = vector.shape_cast %reduce_sum3A_36 : vector<16xf32> to vector<1x16xf32>
    %div3A_37 = arith.constant 1.000000e+04 : f32
    %div3A_38 = vector.broadcast %div3A_37 : f32 to vector<1x16xf32>
    %div3A_39 = arith.divf %broadcast_in_dim3A, %div3A_38 : vector<1x16xf32>
    %sub3A = vector.broadcast %div3A_39 : vector<1x16xf32> to vector<10000x16xf32>
    %sub3A_40 = arith.subf %add3A_35, %sub3A : vector<10000x16xf32>
    %integer_pow3A = arith.mulf %sub3A_40, %sub3A_40 : vector<10000x16xf32>
    %reduce_sum3A_41 = arith.constant dense<0.000000e+00> : vector<16xf32>
    %reduce_sum3A_42 = vector.multi_reduction <add>, %integer_pow3A, %reduce_sum3A_41 [0] : vector<10000x16xf32> to vector<16xf32>
    %broadcast_in_dim3A_43 = vector.shape_cast %reduce_sum3A_42 : vector<16xf32> to vector<1x16xf32>
    %div3A_44 = arith.constant 1.000000e+04 : f32
    %div3A_45 = vector.broadcast %div3A_44 : f32 to vector<1x16xf32>
    %div3A_46 = arith.divf %broadcast_in_dim3A_43, %div3A_45 : vector<1x16xf32>
    %sub3A_47 = vector.broadcast %div3A_39 : vector<1x16xf32> to vector<10000x16xf32>
    %sub3A_48 = arith.subf %add3A_35, %sub3A_47 : vector<10000x16xf32>
    %add3A_49 = arith.constant 9.99999974E-6 : f32
    %add3A_50 = vector.broadcast %add3A_49 : f32 to vector<1x16xf32>
    %add3A_51 = arith.addf %div3A_46, %add3A_50 : vector<1x16xf32>
    %sqrt3A = math.sqrt %add3A_51 : vector<1x16xf32>
    %div3A_52 = vector.broadcast %sqrt3A : vector<1x16xf32> to vector<10000x16xf32>
    %div3A_53 = arith.divf %sub3A_48, %div3A_52 : vector<10000x16xf32>
    %get3A_54 = arith.constant 0 : index
    %get3A_55 = arith.constant 0 : index
    %get3A_56 = vector.load %arg4[%get3A_54, %get3A_55] : memref<1x16xf32, #tpu.memory_space<vmem>>, vector<1x16xf32>
    %mul3A = vector.broadcast %get3A_56 : vector<1x16xf32> to vector<10000x16xf32>
    %mul3A_57 = arith.mulf %div3A_53, %mul3A : vector<10000x16xf32>
    %get3A_58 = arith.constant 0 : index
    %get3A_59 = arith.constant 0 : index
    %get3A_60 = vector.load %arg5[%get3A_58, %get3A_59] : memref<1x16xf32, #tpu.memory_space<vmem>>, vector<1x16xf32>
    %add3A_61 = vector.broadcast %get3A_60 : vector<1x16xf32> to vector<10000x16xf32>
    %add3A_62 = arith.addf %mul3A_57, %add3A_61 : vector<10000x16xf32>
    %max3A_63 = arith.constant 0.000000e+00 : f32
    %max3A_64 = vector.broadcast %max3A_63 : f32 to vector<10000x16xf32>
    %max3A_65 = arith.maximumf %add3A_62, %max3A_64 : vector<10000x16xf32>
    %swap3A = arith.constant 0 : index
    %swap3A_66 = arith.constant 0 : index
    %swap3A_67 = vector.load %arg7[%swap3A, %swap3A_66] : memref<10000x16xf32, #tpu.memory_space<vmem>>, vector<10000x16xf32>
    tpu.vector_store %arg7[%swap3A, %swap3A_66], %max3A_65 {strides = array<i32>} : memref<10000x16xf32, #tpu.memory_space<vmem>>, vector<10000x16xf32>,
    %get3A_68 = arith.constant 0 : index
    %get3A_69 = arith.constant 0 : index
    %get3A_70 = vector.load %arg6[%get3A_68, %get3A_69] : memref<16x272xf32, #tpu.memory_space<vmem>>, vector<16x272xf32>
    %dot_general3A_71 = arith.constant dense<0.000000e+00> : vector<10000x272xf32>
    %dot_general3A_72 = tpu.matmul %max3A_65, %get3A_70, %dot_general3A_71 {dimension_numbers = #tpu.dot_dimension_numbers<[1], [0], [0], [1], [0, 0, 1, 1], [], []>, transpose_lhs_hint = false} : vector<10000x16xf32>, vector<16x272xf32>, vector<10000x272xf32> -> vector<10000x272xf32>
    %swap3A_73 = arith.constant 0 : index
    %swap3A_74 = arith.constant 0 : index
    %swap3A_75 = vector.load %arg8[%swap3A_73, %swap3A_74] : memref<10000x272xf32, #tpu.memory_space<vmem>>, vector<10000x272xf32>
    tpu.vector_store %arg8[%swap3A_73, %swap3A_74], %dot_general3A_72 {strides = array<i32>} : memref<10000x272xf32, #tpu.memory_space<vmem>>, vector<10000x272xf32>,
    return
  }
}

module attributes {stable_mosaic.version = 14 : i64} {
  func.func @_combine2_body(%arg0: memref<2x10240x32xf32, #tpu.memory_space<vmem>>, %arg1: memref<10000x16xf32, #tpu.memory_space<vmem>>, %arg2: memref<16x16xf32, #tpu.memory_space<vmem>>, %arg3: memref<1x16xf32, #tpu.memory_space<vmem>>, %arg4: memref<1x16xf32, #tpu.memory_space<vmem>>, %arg5: memref<1x16xf32, #tpu.memory_space<vmem>>, %arg6: memref<1x10000xi32, #tpu.memory_space<vmem>>, %arg7: memref<16x8xf32, #tpu.memory_space<vmem>>, %arg8: memref<1x8xf32, #tpu.memory_space<vmem>>, %arg9: memref<8x1xf32, #tpu.memory_space<vmem>>, %arg10: memref<1x1xf32, #tpu.memory_space<vmem>>, %arg11: memref<64x1xf32, #tpu.memory_space<vmem>>) attributes {dimension_semantics = [], scalar_prefetch = 0 : i64, scratch_operands = 0 : i64, tpu.core_type = #tpu.core_type<tc>} {
    %get3A = arith.constant 0 : index
    %get3A_0 = arith.constant 0 : index
    %get3A_1 = arith.constant 0 : index
    %get3A_2 = vector.load %arg0[%get3A, %get3A_0, %get3A_1] : memref<2x10240x32xf32, #tpu.memory_space<vmem>>, vector<1x10000x16xf32>
    %get3A_3 = vector.shape_cast %get3A_2 : vector<1x10000x16xf32> to vector<10000x16xf32>
    %get3A_4 = arith.constant 1 : index
    %get3A_5 = arith.constant 0 : index
    %get3A_6 = arith.constant 0 : index
    %get3A_7 = vector.load %arg0[%get3A_4, %get3A_5, %get3A_6] : memref<2x10240x32xf32, #tpu.memory_space<vmem>>, vector<1x10000x16xf32>
    %get3A_8 = vector.shape_cast %get3A_7 : vector<1x10000x16xf32> to vector<10000x16xf32>
    %add3A = arith.addf %get3A_3, %get3A_8 : vector<10000x16xf32>
    %get3A_9 = arith.constant 0 : index
    %get3A_10 = arith.constant 0 : index
    %get3A_11 = arith.constant 16 : index
    %get3A_12 = vector.load %arg0[%get3A_9, %get3A_10, %get3A_11] : memref<2x10240x32xf32, #tpu.memory_space<vmem>>, vector<1x10000x1xf32>
    %get3A_13 = vector.shape_cast %get3A_12 : vector<1x10000x1xf32> to vector<10000x1xf32>
    %get3A_14 = arith.constant 1 : index
    %get3A_15 = arith.constant 0 : index
    %get3A_16 = arith.constant 16 : index
    %get3A_17 = vector.load %arg0[%get3A_14, %get3A_15, %get3A_16] : memref<2x10240x32xf32, #tpu.memory_space<vmem>>, vector<1x10000x1xf32>
    %get3A_18 = vector.shape_cast %get3A_17 : vector<1x10000x1xf32> to vector<10000x1xf32>
    %add3A_19 = arith.addf %get3A_13, %get3A_18 : vector<10000x1xf32>
    %max3A = arith.constant 1.000000e+00 : f32
    %max3A_20 = vector.broadcast %max3A : f32 to vector<10000x1xf32>
    %max3A_21 = arith.maximumf %add3A_19, %max3A_20 : vector<10000x1xf32>
    %div3A = vector.broadcast %max3A_21 : vector<10000x1xf32> to vector<10000x16xf32>
    %div3A_22 = arith.divf %add3A, %div3A : vector<10000x16xf32>
    %get3A_23 = arith.constant 0 : index
    %get3A_24 = arith.constant 0 : index
    %get3A_25 = vector.load %arg1[%get3A_23, %get3A_24] : memref<10000x16xf32, #tpu.memory_space<vmem>>, vector<10000x16xf32>
    %get3A_26 = arith.constant 0 : index
    %get3A_27 = arith.constant 0 : index
    %get3A_28 = vector.load %arg2[%get3A_26, %get3A_27] : memref<16x16xf32, #tpu.memory_space<vmem>>, vector<16x16xf32>
    %dot_general3A = arith.constant dense<0.000000e+00> : vector<10000x16xf32>
    %dot_general3A_29 = tpu.matmul %get3A_25, %get3A_28, %dot_general3A {dimension_numbers = #tpu.dot_dimension_numbers<[1], [0], [0], [1], [0, 0, 1, 1], [], []>, transpose_lhs_hint = false} : vector<10000x16xf32>, vector<16x16xf32>, vector<10000x16xf32> -> vector<10000x16xf32>
    %add3A_30 = arith.addf %div3A_22, %dot_general3A_29 : vector<10000x16xf32>
    %get3A_31 = arith.constant 0 : index
    %get3A_32 = arith.constant 0 : index
    %get3A_33 = vector.load %arg3[%get3A_31, %get3A_32] : memref<1x16xf32, #tpu.memory_space<vmem>>, vector<1x16xf32>
    %add3A_34 = vector.broadcast %get3A_33 : vector<1x16xf32> to vector<10000x16xf32>
    %add3A_35 = arith.addf %add3A_30, %add3A_34 : vector<10000x16xf32>
    %reduce_sum3A = arith.constant dense<0.000000e+00> : vector<16xf32>
    %reduce_sum3A_36 = vector.multi_reduction <add>, %add3A_35, %reduce_sum3A [0] : vector<10000x16xf32> to vector<16xf32>
    %broadcast_in_dim3A = vector.shape_cast %reduce_sum3A_36 : vector<16xf32> to vector<1x16xf32>
    %div3A_37 = arith.constant 1.000000e+04 : f32
    %div3A_38 = vector.broadcast %div3A_37 : f32 to vector<1x16xf32>
    %div3A_39 = arith.divf %broadcast_in_dim3A, %div3A_38 : vector<1x16xf32>
    %sub3A = vector.broadcast %div3A_39 : vector<1x16xf32> to vector<10000x16xf32>
    %sub3A_40 = arith.subf %add3A_35, %sub3A : vector<10000x16xf32>
    %integer_pow3A = arith.mulf %sub3A_40, %sub3A_40 : vector<10000x16xf32>
    %reduce_sum3A_41 = arith.constant dense<0.000000e+00> : vector<16xf32>
    %reduce_sum3A_42 = vector.multi_reduction <add>, %integer_pow3A, %reduce_sum3A_41 [0] : vector<10000x16xf32> to vector<16xf32>
    %broadcast_in_dim3A_43 = vector.shape_cast %reduce_sum3A_42 : vector<16xf32> to vector<1x16xf32>
    %div3A_44 = arith.constant 1.000000e+04 : f32
    %div3A_45 = vector.broadcast %div3A_44 : f32 to vector<1x16xf32>
    %div3A_46 = arith.divf %broadcast_in_dim3A_43, %div3A_45 : vector<1x16xf32>
    %sub3A_47 = vector.broadcast %div3A_39 : vector<1x16xf32> to vector<10000x16xf32>
    %sub3A_48 = arith.subf %add3A_35, %sub3A_47 : vector<10000x16xf32>
    %add3A_49 = arith.constant 9.99999974E-6 : f32
    %add3A_50 = vector.broadcast %add3A_49 : f32 to vector<1x16xf32>
    %add3A_51 = arith.addf %div3A_46, %add3A_50 : vector<1x16xf32>
    %sqrt3A = math.sqrt %add3A_51 : vector<1x16xf32>
    %div3A_52 = vector.broadcast %sqrt3A : vector<1x16xf32> to vector<10000x16xf32>
    %div3A_53 = arith.divf %sub3A_48, %div3A_52 : vector<10000x16xf32>
    %get3A_54 = arith.constant 0 : index
    %get3A_55 = arith.constant 0 : index
    %get3A_56 = vector.load %arg4[%get3A_54, %get3A_55] : memref<1x16xf32, #tpu.memory_space<vmem>>, vector<1x16xf32>
    %mul3A = vector.broadcast %get3A_56 : vector<1x16xf32> to vector<10000x16xf32>
    %mul3A_57 = arith.mulf %div3A_53, %mul3A : vector<10000x16xf32>
    %get3A_58 = arith.constant 0 : index
    %get3A_59 = arith.constant 0 : index
    %get3A_60 = vector.load %arg5[%get3A_58, %get3A_59] : memref<1x16xf32, #tpu.memory_space<vmem>>, vector<1x16xf32>
    %add3A_61 = vector.broadcast %get3A_60 : vector<1x16xf32> to vector<10000x16xf32>
    %add3A_62 = arith.addf %mul3A_57, %add3A_61 : vector<10000x16xf32>
    %max3A_63 = arith.constant 0.000000e+00 : f32
    %max3A_64 = vector.broadcast %max3A_63 : f32 to vector<10000x16xf32>
    %max3A_65 = arith.maximumf %add3A_62, %max3A_64 : vector<10000x16xf32>
    %iota3A = tpu.iota {dimensions = array<i32: 0>} : vector<64x10000xi32>
    %get3A_66 = arith.constant 0 : index
    %get3A_67 = arith.constant 0 : index
    %get3A_68 = vector.load %arg6[%get3A_66, %get3A_67] : memref<1x10000xi32, #tpu.memory_space<vmem>>, vector<1x10000xi32>
    %eq3A = vector.broadcast %get3A_68 : vector<1x10000xi32> to vector<64x10000xi32>
    %eq3A_69 = arith.cmpi eq, %iota3A, %eq3A : vector<64x10000xi32>
    %convert_element_type3A = arith.extui %eq3A_69 : vector<64x10000xi1> to vector<64x10000xi32>
    %convert_element_type3A_70 = arith.sitofp %convert_element_type3A : vector<64x10000xi32> to vector<64x10000xf32>
    %dot_general3A_71 = arith.constant dense<0.000000e+00> : vector<64x16xf32>
    %dot_general3A_72 = tpu.matmul %convert_element_type3A_70, %max3A_65, %dot_general3A_71 {dimension_numbers = #tpu.dot_dimension_numbers<[1], [0], [0], [1], [0, 0, 1, 1], [], []>, transpose_lhs_hint = false} : vector<64x10000xf32>, vector<10000x16xf32>, vector<64x16xf32> -> vector<64x16xf32>
    %reduce_sum3A_73 = arith.constant dense<0.000000e+00> : vector<64xf32>
    %reduce_sum3A_74 = vector.multi_reduction <add>, %convert_element_type3A_70, %reduce_sum3A_73 [1] : vector<64x10000xf32> to vector<64xf32>
    %broadcast_in_dim3A_75 = vector.shape_cast %reduce_sum3A_74 : vector<64xf32> to vector<64x1xf32>
    %max3A_76 = arith.constant 1.000000e+00 : f32
    %max3A_77 = vector.broadcast %max3A_76 : f32 to vector<64x1xf32>
    %max3A_78 = arith.maximumf %broadcast_in_dim3A_75, %max3A_77 : vector<64x1xf32>
    %div3A_79 = vector.broadcast %max3A_78 : vector<64x1xf32> to vector<64x16xf32>
    %div3A_80 = arith.divf %dot_general3A_72, %div3A_79 : vector<64x16xf32>
    %get3A_81 = arith.constant 0 : index
    %get3A_82 = arith.constant 0 : index
    %get3A_83 = vector.load %arg7[%get3A_81, %get3A_82] : memref<16x8xf32, #tpu.memory_space<vmem>>, vector<16x8xf32>
    %dot_general3A_84 = arith.constant dense<0.000000e+00> : vector<64x8xf32>
    %dot_general3A_85 = tpu.matmul %div3A_80, %get3A_83, %dot_general3A_84 {dimension_numbers = #tpu.dot_dimension_numbers<[1], [0], [0], [1], [0, 0, 1, 1], [], []>, transpose_lhs_hint = false} : vector<64x16xf32>, vector<16x8xf32>, vector<64x8xf32> -> vector<64x8xf32>
    %get3A_86 = arith.constant 0 : index
    %get3A_87 = arith.constant 0 : index
    %get3A_88 = vector.load %arg8[%get3A_86, %get3A_87] : memref<1x8xf32, #tpu.memory_space<vmem>>, vector<1x8xf32>
    %add3A_89 = vector.broadcast %get3A_88 : vector<1x8xf32> to vector<64x8xf32>
    %add3A_90 = arith.addf %dot_general3A_85, %add3A_89 : vector<64x8xf32>
    %max3A_91 = arith.constant 0.000000e+00 : f32
    %max3A_92 = vector.broadcast %max3A_91 : f32 to vector<64x8xf32>
    %max3A_93 = arith.maximumf %add3A_90, %max3A_92 : vector<64x8xf32>
    %get3A_94 = arith.constant 0 : index
    %get3A_95 = arith.constant 0 : index
    %get3A_96 = vector.load %arg9[%get3A_94, %get3A_95] : memref<8x1xf32, #tpu.memory_space<vmem>>, vector<8x1xf32>
    %dot_general3A_97 = arith.constant dense<0.000000e+00> : vector<64x1xf32>
    %dot_general3A_98 = tpu.matmul %max3A_93, %get3A_96, %dot_general3A_97 {dimension_numbers = #tpu.dot_dimension_numbers<[1], [0], [0], [1], [0, 0, 1, 1], [], []>, transpose_lhs_hint = false} : vector<64x8xf32>, vector<8x1xf32>, vector<64x1xf32> -> vector<64x1xf32>
    %get3A_99 = arith.constant 0 : index
    %get3A_100 = arith.constant 0 : index
    %get3A_101 = vector.load %arg10[%get3A_99, %get3A_100] : memref<1x1xf32, #tpu.memory_space<vmem>>, vector<1x1xf32>
    %add3A_102 = vector.broadcast %get3A_101 : vector<1x1xf32> to vector<64x1xf32>
    %add3A_103 = arith.addf %dot_general3A_98, %add3A_102 : vector<64x1xf32>
    %swap3A = arith.constant 0 : index
    %swap3A_104 = arith.constant 0 : index
    %swap3A_105 = vector.load %arg11[%swap3A, %swap3A_104] : memref<64x1xf32, #tpu.memory_space<vmem>>, vector<64x1xf32>
    tpu.vector_store %arg11[%swap3A, %swap3A_104], %add3A_103 {strides = array<i32>} : memref<64x1xf32, #tpu.memory_space<vmem>>, vector<64x1xf32>,
    return
  }
}

</mosaic_0001>

<sc_bundles>
// kernel: kernel.11.cloned.1.call-start
scs
__scs_entry_jumppad:
0x0: {  	(pc) =	sbr.rel $0x88, $3  }
0x1: {  	(tag) =	ssettag $0x0;
	lr =	simm.s32 $0x1  }
0x2: {  	[smem:$0x3F89] =	sst lr;
	_ =	strace $0xD0000000  }
0x3: {  	_ = 	snop  }
0x4: {  	_ = 	snop  }
0x5: {  	_ = 	snop  }
0x6: {  	_ = 	snop  }
0x7: {  	_ = 	snop  }
__scs_overlays_trampoline_lowered:
0x8: {  	[smem:$0x3F98] =	sst s0  }
0x9: {  	[smem:$0x3F99] =	sst s1  }
0xa: {  	[smem:$0x3F9A] =	sst s2  }
0xb: {  	[smem:$0x3F9B] =	sst s3  }
0xc: {  	[smem:$0x3F9C] =	sst s4  }
0xd: {  	[smem:$0x3F9D] =	sst s5  }
0xe: {  	[smem:$0x3F9E] =	sst s6  }
0xf: {  	[smem:$0x3F9F] =	sst s7  }
0x10: {  	[smem:$0x3FA0] =	sst s8  }
0x11: {  	[smem:$0x3FA1] =	sst s9;
	s0 =	simm.s32 @!p0 $0x0  }
0x12: {  	s1 =	sld [smem:$0x3F87];
	s0 =	simm.s32 @p0 $0x1  }
0x13: {  	[smem:$0x3FA2] =	sst s0;
	s0 =	simm.s32 @!p1 $0x0  }
0x14: {  	s2 =	sld [smem:$0x3F86];
	s0 =	simm.s32 @p1 $0x1  }
0x15: {  	[smem:$0x3FA3] =	sst s0;
	s0 =	simm.s32 @!p2 $0x0  }
0x16: {  	s3 =	sld [smem:$0x3FDB];
	s0 =	simm.s32 @p2 $0x1  }
0x17: {  	s4 =	simm.s32 $0x1BF5;
	[smem:$0x3FA5] =	sst s0  }
0x18: {  	s0 =	sld [smem:$0x3F88];
	_ =	swait.ge [sflag:s4], $0x0  }
0x19: {  	s7 =	sld [smem:$0x3F89]  }
0x1a: {  	s8 =	sadd.s32 $0xFFFFE003, lr  }
0x1b: {  	s9 =	sadd.s32 $0xFFFFFEF7, lr;
	s5 =	simm.s32 $0xFFFFFFFF;
	p2 =	slt.u32 s8, $0xFFFFF086  }
0x1c: {  	p1 =	slt.u32 s9, $0xF7A;
	s5 =	simm.s32 @!p2 $0x0  }
0x1d: {  	s5 =	simm.s32 @p1 $0x1;
	p0 =	seq.s32 s7, s2  }
0x1e: {  	s7 =	smul.u32 @!p0 $0xF7A, s2;
	p2 =	seq.s32 @!p0 s5, $0x0  }
0x1f: {  	s9 =	smul.u32 $0xF7A, s1;
	s8 =	simm.s32 @!p0 $0x1BF5;
	p2 =	por !p2, p0  }
0x20: {  	[sflag:s8] =	ssyncset.s32 @!p0 $0xFFFFF086;
	s6 =	sadd.s32 @!p0 s3, s7;
	s7 =	simm.s32 @!p0 $0x108  }
0x21: {  	s3 =	sadd.s32 s3, s9;
	s6 =	sadd.s32 @!p0 $0x88, s6;
	s7 =	simm.s32 @p2 $0x1082  }
0x22: {  	[simem:s7], [sflag:s8] =	dma.local @!p0 [hbm:s6], $0xF7A  }
0x23: {  	s9 =	sor.u32 $0xD0000000, s2;
	s6 =	simm.s32 $0x108;
	_ =	swait.ge @!p0 [sflag:s8], $0x0  }
0x24: {  	s3 =	sadd.s32 $0x88, s3;
	s6 =	simm.s32 @!p1 $0x1082;
	[sflag:s4] =	ssyncset.s32 $0xFFFFF086  }
0x25: {  	[simem:s6], [sflag:s4] =	dma.local [hbm:s3], $0xF7A  }
0x26: {  	[smem:$0x3F89] =	sst s1;
	(tag) =	ssettag s2;
	_ =	strace s9  }
0x27: {  	s1 =	sld [smem:$0x3F99]  }
0x28: {  	s2 =	sld [smem:$0x3F9A]  }
0x29: {  	s4 =	sld [smem:$0x3F9C]  }
0x2a: {  	p0 =	seq.s32 s5, $0x0;
	s5 =	sld [smem:$0x3F9D]  }
0x2b: {  	s6 =	sld [smem:$0x3F9E]  }
0x2c: {  	s7 =	sld [smem:$0x3F9F]  }
0x2d: {  	s3 =	simm.s32 $0x108;
	s8 =	sld [smem:$0x3FA0]  }
0x2e: {  	s3 =	simm.s32 @!p0 $0x1082;
	s9 =	sld [smem:$0x3FA1]  }
0x2f: {  	lr =	sadd.s32 s0, s3;
	s0 =	sld [smem:$0x3F98]  }
0x30: {  	s3 =	sld [smem:$0x3F9B]  }
0x31: {  	[smem:$0x3FA4] =	sst s10  }
0x32: {  	s10 =	sld [smem:$0x3FA2];
	_ =	sdelay $0x3  }
0x33: {  	p0 =	seq.s32 s10, $0x1;
	s10 =	sld [smem:$0x3FA4];
	_ =	sdelay $0x3  }
0x34: {  	[smem:$0x3FA4] =	sst s10  }
0x35: {  	s10 =	sld [smem:$0x3FA3];
	_ =	sdelay $0x3  }
0x36: {  	p1 =	seq.s32 s10, $0x1;
	s10 =	sld [smem:$0x3FA4];
	_ =	sdelay $0x3  }
0x37: {  	[smem:$0x3FA4] =	sst s10  }
0x38: {  	s10 =	sld [smem:$0x3FA5]  }
0x39: {  	_ = 	snop;
	(pc) =	sbr.ind lr, $3  }
0x3a: {  	_ = 	snop  }
0x3b: {  	_ = 	snop  }
0x3c: {  	p2 =	seq.s32 s10, $0x1;
	s10 =	sld [smem:$0x3FA4]  }
0x3d: {  	_ =	shalt  }
0x3e: {  	_ =	shalt  }
0x3f: {  	_ =	shalt  }
0x40: {  	_ =	shalt  }
0x41: {  	_ =	shalt  }
0x42: {  	_ =	shalt  }
0x43: {  	_ =	shalt  }
0x44: {  	_ =	shalt  }
0x45: {  	_ =	shalt  }
0x46: {  	_ =	shalt  }
0x47: {  	_ =	shalt  }
0x48: {  	_ =	shalt  }
0x49: {  	_ =	shalt  }
0x4a: {  	_ =	shalt  }
0x4b: {  	_ =	shalt  }
0x4c: {  	_ =	shalt  }
0x4d: {  	_ =	shalt  }
0x4e: {  	_ =	shalt  }
0x4f: {  	_ =	shalt  }
0x50: {  	_ =	shalt  }
0x51: {  	_ =	shalt  }
0x52: {  	_ =	shalt  }
0x53: {  	_ =	shalt  }
0x54: {  	_ =	shalt  }
0x55: {  	_ =	shalt  }
0x56: {  	_ =	shalt  }
0x57: {  	_ =	shalt  }
0x58: {  	_ =	shalt  }
0x59: {  	_ =	shalt  }
0x5a: {  	_ =	shalt  }
0x5b: {  	_ =	shalt  }
0x5c: {  	_ =	shalt  }
0x5d: {  	_ =	shalt  }
0x5e: {  	_ =	shalt  }
0x5f: {  	_ =	shalt  }
0x60: {  	_ =	shalt  }
0x61: {  	_ =	shalt  }
0x62: {  	_ =	shalt  }
0x63: {  	_ =	shalt  }
0x64: {  	_ =	shalt  }
0x65: {  	_ =	shalt  }
0x66: {  	_ =	shalt  }
0x67: {  	_ =	shalt  }
0x68: {  	_ =	shalt  }
0x69: {  	_ =	shalt  }
0x6a: {  	_ =	shalt  }
0x6b: {  	_ =	shalt  }
0x6c: {  	_ =	shalt  }
0x6d: {  	_ =	shalt  }
0x6e: {  	_ =	shalt  }
0x6f: {  	_ =	shalt  }
0x70: {  	_ =	shalt  }
0x71: {  	_ =	shalt  }
0x72: {  	_ =	shalt  }
0x73: {  	_ =	shalt  }
0x74: {  	_ =	shalt  }
0x75: {  	_ =	shalt  }
0x76: {  	_ =	shalt  }
0x77: {  	_ =	shalt  }
0x78: {  	_ =	shalt  }
0x79: {  	_ =	shalt  }
0x7a: {  	_ =	shalt  }
0x7b: {  	_ =	shalt  }
0x7c: {  	_ =	shalt  }
0x7d: {  	_ =	shalt  }
0x7e: {  	_ =	shalt  }
0x7f: {  	_ =	shalt  }
0x80: {  	_ =	shalt  }
0x81: {  	_ =	shalt  }
0x82: {  	_ =	shalt  }
0x83: {  	_ =	shalt  }
0x84: {  	_ =	shalt  }
0x85: {  	_ =	shalt  }
0x86: {  	_ =	shalt  }
0x87: {  	_ =	shalt  }
.Lfunc_end0:
.L_simem_size_0:
called_computation.1_lowered:
.L_overlay_start_0:
0x88: {  	s2 =	sld [smem:$0x3FD9]  }
0x89: {  	s3 =	sld [smem:$0x3FFE];
	_ =	sdelay $0x1  }
0x8a: {  	s1 =	srdreg.scid  }
0x8b: {  	s0 =	sand.u32 $0x1, s1  }
0x8c: {  	s16 =	sshll.u32 s0, $0xA;
	s2 =	sadd.s32 s3, s2  }
0x8d: {  	s2 =	sadd.s32 s2, s16  }
0x8e: {  	[smem:$0x3FB0] =	sst s2  }
0x8f: {  	_ = 	snop  }
0x90: {  	(tm) =	ssettm $0x1  }
0x91: {  	s17 =	sld [smem:$0x3FFB];
	_ =	sdelay $0x3  }
0x92: {  	_ =	strace s17  }
0x93: {  	s2 =	sld [smem:$0x3FFC];
	_ =	sdelay $0x3  }
0x94: {  	_ =	strace s2  }
0x95: {  	s2 =	sld [smem:$0x3FFD];
	_ =	sdelay $0x3  }
0x96: {  	_ =	strace s2  }
0x97: {  	_ =	strace $0x8FFFFFFF  }
0x98: {  	s18 =	sld [smem:$0x3FDB];
	_ =	sdelay $0x1  }
0x99: {  	s19 =	simm.s32 $_scs_section_size  }
0x9a: {  	s4 =	simm.s32 $_size__tile_overlayer_lowered;
	s5 =	simm.s32 $_tile_overlayer_lowered  }
0x9b: {  	s22 =	simm.s32 $0x1BFF;
	s21 =	sshll.u32 s5, $0x1;
	s2 =	sadd.s32 s19, s18  }
0x9c: {  	s6 =	simm.s32 $0x0;
	s20 =	sshll.u32 s4, $0x1;
	s4 =	sadd.s32 s21, s2  }
0x9d: {  	[timem:s6], [sflag:s22] =	dma.local [hbm:s4], s20  }
0x9e: {  	_ =	swait.ge [sflag:s22], s20  }
0x9f: {  	s3 =	ssub.s32 $0x0, s20;
	[sflag:s22] =	ssyncset.done $0x0  }
0xa0: {  	[sflag:s22] =	ssyncadd.s32 s3;
	_ =	sdelay $0x1  }
0xa1: {  	s23 =	simm.s32 $0x1B8B  }
0xa2: {  	_ =	swait.ge [sflag:s23], $0x1  }
0xa3: {  	[sflag:s23] =	ssyncset.done $0x0  }
0xa4: {  	s25 =	simm.s32 $0x1B8E;
	s24 =	sld [smem:$0x3FFE];
	[sflag:s23] =	ssyncadd.s32 $0xFFFFFFFF  }
0xa5: {  	s26 =	simm.s32 $execute0_lowered;
	[smem:$0x3FD2] =	sst s25  }
0xa6: {  	s4 =	sshll.u32 s26, $0x1;
	_ =	strace $0x80000049;
	[dreg:$0x1] =	wrdreg $0xFFFFFFFF  }
0xa7: {  	s28 =	simm.s32 $_size_execute0_lowered;
	s2 =	sadd.s32 s2, s4;
	[dreg:$0x0] =	wrdreg $0x0  }
0xa8: {  	s4 =	sshll.u32 s28, $0x1;
	[dreg:$0x2] =	wrdreg s2  }
0xa9: {  	[dreg:$0x3] =	wrdreg s4  }
0xaa: {  	[dreg:$0x4] =	wrdreg $0xC0  }
0xab: {  	_ =	task [dreg:s6], $0x5FFFF  }
0xac: {  	[dreg:$0x1] =	wrdreg $0xFFFFFFFF  }
0xad: {  	[dreg:$0x0] =	wrdreg $0x60  }
0xae: {  	[dreg:$0x2] =	wrdreg s24  }
0xaf: {  	[dreg:$0x3] =	wrdreg $0x174000  }
0xb0: {  	[dreg:$0x4] =	wrdreg $0x9  }
0xb1: {  	_ =	task.clear_ibuf [dreg:s6], $0x5FFFF;
	_ =	strace $0x90000049  }
0xb2: {  	s29 =	simm.s32 $0x9;
	_ =	strace $0x8000004B  }
0xb3: {  	_ =	swait.ge [sflag:s29], $0x1  }
0xb4: {  	[sflag:s29] =	ssyncadd.s32 $0xFFFFFFFF  }
0xb5: {  	_ =	strace $0x9000004B  }
0xb6: {  	_ =	sfence  }
0xb7: {  	s30 =	sld [smem:$0x0];
	_ =	sdelay $0x2  }
0xb8: {  	s31 =	sshll.u32 s1, $0xD;
	s1 =	sshrl.u32 s1, $0x2  }
0xb9: {  	s3 =	sand.u32 $0x4000, s31;
	s1 =	sadd.s32 s1, s30  }
0xba: {  	s0 =	sor.u32 s3, s0;
	s1 =	sshll.u32 s1, $0x11  }
0xbb: {  	s0 =	sor.u32 s1, s0  }
0xbc: {  	s0 =	sadd.s32 $0x8F2B, s0  }
0xbd: {  	[sflag:s0] =	ssyncadd.remote.s32 $0x1  }
0xbe: {  	_ =	sfence.sel $0xFFFF  }
0xbf: {  	[dreg:$0x0] =	wrdreg $0xFFFFFFFF;
	(pc) =	sbr.abs _section_cstart, $3  }
0xc0: {  	[dreg:$0x1] =	wrdreg $0xFFFFFFFF  }
0xc1: {  	_ =	task.clear_ibuf [dreg:s6], $0x2FFFF;
	_ =	strace $0x9FFFFFFF  }
0xc2: {  	(tm) =	ssettm $0x7FFFFFFF  }
0xc3: {  	_ =	shalt  }
tec
execute0_lowered:
.L_overlay_start_1:
0x0: {  	(tag) =	ssettag $0x1  }
0x1: {  	s0 =	srdreg.scid;
	s1 =	rddreg [dreg:$0x0]  }
0x2: {  	s12 =	stileid.u32;
	s8 =	simm.s32 $0x34;
	s2 =	rddreg [dreg:$0x1]  }
0x3: {  	s3 =	simm.s32 $0x0;
	s28 =	simm.s32 $0x80;
	s29 =	simm.s32 $0x3400  }
0x4: {  	s30 =	simm.s32 $0x14400;
	s0 =	sand.u32 $0x1, s0;
	s9 =	smul.u32 $0x5000, s12  }
0x5: {  	s31 =	simm.s32 $0xBC00;
	[smem:$0x7FF] =	sst s3;
	s4 =	smul.u32 $0x340, s0  }
0x6: {  	s6 =	sadd.s32 $0x114600, s1;
	p0 =	seq.s32 s0, $0x0;
	s10 =	smul.u32 $0x50000, s0  }
0x7: {  	_ =	strace $0x8000004A;
	s0 =	ssub.s32 $0x2, s0;
	s8 =	simm.s32 @!p0 $0x1C  }
0x8: {  	s13 =	sshrl.u32 s0, $0x1;
	s5 =	smul.u32 s12, s8;
	s10 =	sadd.s32 s9, s10  }
0x9: {  	s12 =	smul.u32 $0x14000, s12;
	s0 =	ssub.s32 s0, s13;
	s10 =	sshrl.u32 s10, $0x3  }
0xa: {  	s0 =	smax.u32 s0, $0x1;
	s4 =	sadd.s32 s4, s5;
	s5 =	sadd.s32 $0x82800, s1  }
0xb: {  	s15 =	sshrl.u32 s12, $0x2;
	[dreg:$0xc] =	wrdreg s0;
	s0 =	simm.s32 $0x3  }
0xc: {  	s7 =	smin.u32 s4, $0x4CC;
	s17 =	sadd.s32 s15, s2;
	s24 =	sshll.u32 s4, $0x9  }
0xd: {  	s11 =	sshll.u32 s7, $0x4;
	s7 =	ssub.s32 s4, s7;
	s19 =	sadd.s32 $0x1000, s17  }
0xe: {  	s20 =	sadd.s32 $0x2000, s17;
	s21 =	sadd.s32 $0x3000, s17;
	s23 =	sadd.s32 $0x4000, s17  }
0xf: {  	s17 =	sadd.s32 s6, s24;
	s24 =	simm.s32 $0x5;
	[dreg:$0x5] =	wrdreg s19  }
0x10: {  	s11 =	sadd.s32 s11, s1;
	s1 =	sadd.s32 s10, s1;
	[dreg:$0x6] =	wrdreg s20  }
0x11: {  	s10 =	sadd.s32 s9, s2;
	[dreg:$0x7] =	wrdreg s21;
	s22 =	sshll.u32 s7, $0x9  }
0x12: {  	[dreg:$0x8] =	wrdreg s23;
	s26 =	sadd.s32 $0x200, s17;
	s20 =	sshrl.u32 s8, $0x1  }
0x13: {  	v0 =	vimm.f32 $0.0e+00;
	v1 =	vimm.s32 $0x0;
	s21 =	sor.u32 $0x1, s7;
	s9 =	simm.s32 $0x4;
	s16 =	sadd.s32 $0x8400, s11  }
0x14: {  	v2 =	vimm.s32 $0x1;
	v3 =	vimm.s32 $0x2;
	v4 =	vimm.s32 $0x3;
	s18 =	sadd.s32 $0x3400, s11;
	s15 =	sshra.s32 s22, $0x2;
	[dreg:$0xa] =	wrdreg s26  }
0x15: {  	v5 =	vimm.s32 $0x4;
	v6 =	vimm.s32 $0x5;
	v7 =	vimm.s32 $0x6;
	s1 =	sadd.s32 $0xD5A00, s1;
	s26 =	simm.s32 $0x16400;
	[dreg:$0x3] =	wrdreg s16  }
0x16: {  	v8 =	vimm.s32 $0x7;
	v9 =	vimm.s32 $0x8;
	v10 =	vimm.s32 $0x9;
	s11 =	simm.s32 $0x0;
	[dreg:$0x4] =	wrdreg s18;
	s16 =	sadd.s32 $0xFFFFFFFF, s8  }
0x17: {  	v11 =	vimm.s32 $0xA;
	v12 =	vimm.s32 $0xB;
	v13 =	vimm.s32 $0xC;
	s25 =	sadd.s32 $0x80, s15;
	[dreg:$0xb] =	wrdreg s1;
	s1 =	simm.s32 $0x15400  }
0x18: {  	v14 =	vimm.s32 $0xD;
	v15 =	vimm.s32 $0xE;
	v16 =	vimm.s32 $0xF;
	s8 =	simm.s32 $0x2;
	[dreg:$0x9] =	wrdreg s25;
	s25 =	simm.s32 $0x1  }
.LBB2_1:
0x19: {  	s12 =	rddreg [dreg:$0x3]  }
0x1a: {  	[tilespmem:s3], [sflag:$0x5] =	stream.linear.gather [hbm4b:s12+s3], $0x1A00, $0x38;
	[tilespmem:$0x1C400] =	vst v63  }
0x1b: {  	_ =	swait.ge [sflag:s24], $0x1A00  }
0x1c: {  	[sflag:s24] =	ssyncset.done $0x0  }
0x1d: {  	s13 =	simm.s32 $0x1A00;
	s23 =	rddreg [dreg:$0x4];
	[sflag:s24] =	ssyncadd.s32 $0xFFFFE600  }
0x1e: {  	[tilespmem:s13], [sflag:$0x5] =	stream.linear.gather [hbm4b:s23+s3], $0x1A00, $0x38;
	[tilespmem:$0x1C400] =	vst v63  }
0x1f: {  	_ =	swait.ge [sflag:s24], $0x1A00  }
0x20: {  	[sflag:s24] =	ssyncset.done $0x0  }
0x21: {  	s12 =	simm.s32 $0x80;
	s13 =	simm.s32 $0x0;
	[sflag:s24] =	ssyncadd.s32 $0xFFFFE600  }
.LBB2_2:
0x22: {  	p0 =	sne.s32 s12, $0x3F80;
	[tilespmem:s13+$0x16400] =	vst v0;
	s14 =	smov.u32 s12;
	s12 =	sadd.s32 $0x80, s12  }
.Ltmp0:
0x23: {  	[tilespmem:s13+$0x16410] =	vst v0;
	(pc) =	sbr.rel @p0 .LBB2_2-.Ltmp0, $2  }
0x24: {  	_ =	sdelay $0x2  }
0x25: {  	s13 =	sshra.s32 s14, $0x2  }
0x26: {  	[tilespmem:s13+$0x16400] =	vst v0  }
0x27: {  	[tilespmem:s13+$0x16410] =	vst v0  }
0x28: {  	[spmem:s10] =	stream.linear.scatter [tilespmem:s26], [sflag:$0x5], $0x1000, $0x38;
	[tilespmem:$0x1C400] =	vst v63  }
0x29: {  	_ =	swait.ge [sflag:s24], $0x1000  }
0x2a: {  	[sflag:s24] =	ssyncset.done $0x0  }
0x2b: {  	s12 =	rddreg [dreg:$0x5];
	[sflag:s24] =	ssyncadd.s32 $0xFFFFF000  }
0x2c: {  	[spmem:s12] =	stream.linear.scatter [tilespmem:s26], [sflag:$0x5], $0x1000, $0x38;
	[tilespmem:$0x1C400] =	vst v63  }
0x2d: {  	_ =	swait.ge [sflag:s24], $0x1000  }
0x2e: {  	[sflag:s24] =	ssyncset.done $0x0  }
0x2f: {  	s14 =	rddreg [dreg:$0x6];
	[sflag:s24] =	ssyncadd.s32 $0xFFFFF000  }
0x30: {  	[spmem:s14] =	stream.linear.scatter [tilespmem:s26], [sflag:$0x5], $0x1000, $0x38;
	[tilespmem:$0x1C400] =	vst v63  }
0x31: {  	_ =	swait.ge [sflag:s24], $0x1000  }
0x32: {  	[sflag:s24] =	ssyncset.done $0x0  }
0x33: {  	s18 =	rddreg [dreg:$0x7];
	[sflag:s24] =	ssyncadd.s32 $0xFFFFF000  }
0x34: {  	[spmem:s18] =	stream.linear.scatter [tilespmem:s26], [sflag:$0x5], $0x1000, $0x38;
	[tilespmem:$0x1C400] =	vst v63  }
0x35: {  	_ =	swait.ge [sflag:s24], $0x1000  }
0x36: {  	[sflag:s24] =	ssyncset.done $0x0  }
0x37: {  	s19 =	rddreg [dreg:$0x8];
	[sflag:s24] =	ssyncadd.s32 $0xFFFFF000  }
0x38: {  	[spmem:s19] =	stream.linear.scatter [tilespmem:s26], [sflag:$0x5], $0x1000, $0x38;
	[tilespmem:$0x1C400] =	vst v63  }
0x39: {  	_ =	swait.ge [sflag:s24], $0x1000  }
0x3a: {  	[sflag:s24] =	ssyncset.done $0x0  }
0x3b: {  	[sflag:s24] =	ssyncadd.s32 $0xFFFFF000  }
0x3c: {  	[bflag:$0x0] =	sbarrier.arrive $0xFFFF  }
0x3d: {  	[tilespmem:s29], [sflag:$0x1] =	stream.indirect.gather [hbm4b:s5+s28], $0x110, s15, s28, $0xb8;
	[tilespmem:$0x1C400] =	vst v63  }
0x3e: {  	s12 =	simm.s32 $0x0  }
0x3f: {  	[tilespmem:s30], [sflag:$0x3] =	stream.linear.gather [hbm4b:s17+s12], $0x1000, $0x38;
	[tilespmem:$0x1C400] =	vst v63  }
0x40: {  	s22 =	rddreg [dreg:$0x9]  }
0x41: {  	[tilespmem:s31], [sflag:$0x2] =	stream.indirect.gather [hbm4b:s5+s28], $0x110, s22, s28, $0xb8;
	[tilespmem:$0x1C400] =	vst v63  }
0x42: {  	s23 =	rddreg [dreg:$0xa]  }
0x43: {  	[tilespmem:s1], [sflag:$0x4] =	stream.linear.gather [hbm4b:s23+s12], $0x1000, $0x38;
	[tilespmem:$0x1C400] =	vst v63  }
.LBB2_4:
0x44: {  	_ =	swait.ge [sflag:s25], $0x8800  }
0x45: {  	[sflag:s25] =	ssyncset.done $0x0  }
0x46: {  	[sflag:s25] =	ssyncadd.s32 $0xFFFF7800  }
0x47: {  	_ =	swait.ge [sflag:s0], $0x1000  }
0x48: {  	[sflag:s0] =	ssyncset.done $0x0  }
0x49: {  	s14 =	simm.s32 $0x0;
	[sflag:s0] =	ssyncadd.s32 $0xFFFFF000  }
0x4a: {  	s13 =	simm.s32 $0x20;
	v19 =	vld [tilespmem:s14+$0x14400]  }
0x4b: {  	v17 =	vld [tilespmem:s13+$0x14400]  }
0x4c: {  	s18 =	simm.s32 $0x3480;
	v18 =	vld [tilespmem:s14+$0x14410]  }
0x4d: {  	v20 =	vld [tilespmem:s18+$0x70]  }
0x4e: {  	v22 =	vld [tilespmem:s18+$0xFFFFFF90]  }
0x4f: {  	v23 =	vld [tilespmem:s18+$0xFFFFFFC0]  }
0x50: {  	v24 =	vld [tilespmem:s18+$0x20]  }
0x51: {  	v26 =	vld [tilespmem:s18+$0x30];
	v25 =	vperm.xlane v19, v2;
	v27 =	vperm.xlane v19, v16  }
0x52: {  	v28 =	vld [tilespmem:s18+$0x10];
	v29 =	vperm.xlane v19, v4;
	v21 =	vperm.xlane v19, v8  }
0x53: {  	v30 =	vld [tilespmem:s18+$0xFFFFFFD0];
	v33 =	vperm.xlane v19, v10;
	v34 =	vperm.xlane v19, v11  }
0x54: {  	v31 =	vld [tilespmem:s18+$0xFFFFFFE0];
	v36 =	vperm.xlane v19, v5;
	v39 =	vperm.xlane v19, v3  }
0x55: {  	v35 =	vld [tilespmem:s18+$0xFFFFFFB0];
	v25 =	vmul.f32 v22, v25;
	v22 =	vperm.xlane v19, v12  }
0x56: {  	v32 =	vld [tilespmem:s18+$0xFFFFFFA0];
	v61 =	vperm.xlane v19, v1;
	v63 =	vperm.xlane v18, v1  }
0x57: {  	v37 =	vld [tilespmem:s18+$0xFFFFFF80];
	v22 =	vmul.f32 v26, v22;
	v26 =	vperm.xlane v19, v6  }
0x58: {  	v60 =	vld [tilespmem:s18+$0x80];
	v20 =	vmul.f32 v20, v27;
	v27 =	vperm.xlane v19, v7  }
0x59: {  	v38 =	vmul.f32 v28, v33;
	v28 =	vld [tilespmem:s18+$0xFFFFFFF0];
	v30 =	vmul.f32 v30, v26  }
0x5a: {  	v27 =	vmul.f32 v31, v27;
	v31 =	vmul.f32 v35, v29;
	v29 =	vld [tilespmem:s18+$0x0]  }
0x5b: {  	v62 =	vmul.f32 v32, v39;
	v26 =	vmul.f32 v24, v34;
	v24 =	vld [tilespmem:s18+$0x40];
	v30 =	vadd.f32 v30, v25  }
0x5c: {  	v23 =	vmul.f32 v23, v36;
	v32 =	vmul.f32 v37, v61;
	v25 =	vld [tilespmem:s18+$0x60]  }
0x5d: {  	s19 =	simm.s32 $0x100;
	s22 =	simm.s32 $0x3590;
	v34 =	vmul.f32 v60, v63;
	v33 =	vadd.f32 v27, v62;
	v27 =	vadd.f32 v38, v30;
	v30 =	vld [tilespmem:s18+$0x50];
	s18 =	simm.s32 $0x3590  }
.LBB2_5:
0x5e: {  	p0 =	sne.s32 s19, $0x3F80  }
0x5f: {  	s22 =	sadd.s32 $0x110, s22;
	v21 =	vmul.f32 v28, v21;
	s23 =	smov.u32 s19;
	s19 =	sadd.s32 $0x80, s19  }
0x60: {  	v28 =	vadd.f32 v32, v34;
	v32 =	vperm.xlane v19, v9;
	v26 =	vadd.f32 v26, v33  }
0x61: {  	v33 =	vperm.xlane v19, v14;
	v21 =	vadd.f32 v21, v31;
	v31 =	vperm.xlane v19, v13  }
0x62: {  	v23 =	vadd.f32 v23, v28;
	v28 =	vmul.f32 v29, v32;
	v29 =	vperm.xlane v19, v15;
	v19 =	vmovc v17  }
0x63: {  	v17 =	vadd.f32 v22, v21;
	v21 =	vmul.f32 v24, v31;
	v22 =	vmul.f32 v30, v33  }
0x64: {  	v24 =	vperm.xlane v19, v2;
	v23 =	vadd.f32 v28, v23;
	v25 =	vmul.f32 v25, v29  }
0x65: {  	v22 =	vadd.f32 v22, v27;
	v17 =	vadd.f32 v20, v17  }
0x66: {  	v20 =	vadd.f32 v21, v23;
	v21 =	vadd.f32 v25, v26;
	_ =	sdelay $0x1  }
0x67: {  	s23 =	sshra.s32 s23, $0x2;
	v20 =	vadd.f32 v22, v20;
	v21 =	vadd.f32 v17, v21  }
0x68: {  	v17 =	vld [tilespmem:s23+$0x14400]  }
0x69: {  	v20 =	vadd.f32 v21, v20  }
0x6a: {  	[tilespmem:s14+$0x16410] =	vst v18  }
0x6b: {  	v18 =	vld [tilespmem:s13+$0x14410];
	[tilespmem:s14+$0x16400] =	vst v20;
	s14 =	smov.u32 s13;
	s13 =	smov.u32 s23  }
0x6c: {  	v20 =	vld [tilespmem:s18+$0x70]  }
0x6d: {  	v22 =	vld [tilespmem:s18+$0xFFFFFF90]  }
0x6e: {  	v23 =	vld [tilespmem:s18+$0xFFFFFFC0]  }
0x6f: {  	v25 =	vld [tilespmem:s18+$0x20]  }
0x70: {  	v27 =	vperm.xlane v19, v16;
	v26 =	vld [tilespmem:s18+$0x30]  }
0x71: {  	v29 =	vperm.xlane v19, v4;
	v21 =	vperm.xlane v19, v8;
	v28 =	vld [tilespmem:s18+$0x10]  }
0x72: {  	v20 =	vmul.f32 v20, v27;
	v30 =	vmul.f32 v22, v24;
	v24 =	vld [tilespmem:s18+$0xFFFFFFD0]  }
0x73: {  	v27 =	vperm.xlane v19, v7;
	v22 =	vperm.xlane v19, v12;
	v31 =	vld [tilespmem:s18+$0xFFFFFFE0]  }
0x74: {  	v33 =	vperm.xlane v19, v10;
	v34 =	vperm.xlane v19, v11;
	v32 =	vld [tilespmem:s18+$0xFFFFFFA0]  }
0x75: {  	v36 =	vperm.xlane v19, v5;
	v35 =	vld [tilespmem:s18+$0xFFFFFFB0];
	v22 =	vmul.f32 v26, v22  }
0x76: {  	v26 =	vperm.xlane v19, v6;
	v37 =	vld [tilespmem:s18+$0xFFFFFF80];
	v38 =	vmul.f32 v28, v33  }
0x77: {  	v39 =	vperm.xlane v19, v3;
	v23 =	vmul.f32 v23, v36;
	v33 =	vld [tilespmem:s18+$0x80]  }
.Ltmp1:
0x78: {  	v36 =	vmul.f32 v24, v26;
	v26 =	vmul.f32 v25, v34;
	v28 =	vld [tilespmem:s18+$0xFFFFFFF0];
	(pc) =	sbr.rel @p0 .LBB2_5-.Ltmp1, $4  }
0x79: {  	v34 =	vperm.xlane v19, v1;
	v39 =	vmul.f32 v32, v39;
	v24 =	vld [tilespmem:s18+$0x40]  }
0x7a: {  	v40 =	vperm.xlane v18, v1;
	v27 =	vmul.f32 v31, v27;
	v30 =	vadd.f32 v36, v30;
	v25 =	vld [tilespmem:s18+$0x60]  }
0x7b: {  	v31 =	vmul.f32 v35, v29;
	v32 =	vmul.f32 v37, v34;
	v29 =	vld [tilespmem:s18+$0x0]  }
0x7c: {  	v34 =	vmul.f32 v33, v40;
	v33 =	vadd.f32 v27, v39;
	v27 =	vadd.f32 v38, v30;
	v30 =	vld [tilespmem:s18+$0x50];
	s18 =	smov.u32 s22  }
0x7d: {  	v21 =	vmul.f32 v28, v21  }
0x7e: {  	v47 =	vperm.xlane v19, v9;
	v28 =	vadd.f32 v32, v34  }
0x7f: {  	v48 =	vperm.xlane v19, v14;
	v21 =	vadd.f32 v21, v31;
	v31 =	vperm.xlane v19, v13  }
0x80: {  	v19 =	vperm.xlane v19, v15;
	v23 =	vadd.f32 v23, v28;
	v28 =	vmul.f32 v29, v47  }
0x81: {  	v26 =	vadd.f32 v26, v33;
	v21 =	vadd.f32 v22, v21;
	v22 =	vmul.f32 v30, v48  }
0x82: {  	v24 =	vmul.f32 v24, v31;
	v19 =	vmul.f32 v25, v19;
	v23 =	vadd.f32 v28, v23  }
0x83: {  	v22 =	vadd.f32 v22, v27;
	v20 =	vadd.f32 v20, v21  }
0x84: {  	v19 =	vadd.f32 v19, v26;
	v21 =	vadd.f32 v24, v23;
	_ =	sdelay $0x1  }
0x85: {  	v19 =	vadd.f32 v20, v19;
	v21 =	vadd.f32 v22, v21;
	_ =	sdelay $0x1  }
0x86: {  	v19 =	vadd.f32 v19, v21  }
0x87: {  	[tilespmem:s14+$0x16410] =	vst v18  }
0x88: {  	v18 =	vld [tilespmem:s13+$0x14410];
	[tilespmem:s14+$0x16400] =	vst v19  }
0x89: {  	v19 =	vld [tilespmem:s18+$0x70]  }
0x8a: {  	v20 =	vld [tilespmem:s18+$0xFFFFFF90]  }
0x8b: {  	v21 =	vld [tilespmem:s18+$0xFFFFFFC0]  }
0x8c: {  	v22 =	vld [tilespmem:s18+$0x20]  }
0x8d: {  	v23 =	vld [tilespmem:s18+$0x30]  }
0x8e: {  	v49 =	vperm.xlane v17, v10;
	v50 =	vperm.xlane v17, v11;
	v26 =	vld [tilespmem:s18+$0x10]  }
0x8f: {  	v35 =	vperm.xlane v17, v5;
	v36 =	vperm.xlane v17, v6;
	v29 =	vld [tilespmem:s18+$0xFFFFFFD0]  }
0x90: {  	v37 =	vperm.xlane v17, v3;
	v54 =	vperm.xlane v17, v1;
	v51 =	vld [tilespmem:s18+$0xFFFFFFB0]  }
0x91: {  	v25 =	vperm.xlane v17, v16;
	v24 =	vperm.xlane v17, v2;
	v52 =	vld [tilespmem:s18+$0x80]  }
0x92: {  	v30 =	vperm.xlane v17, v12;
	v28 =	vperm.xlane v17, v8;
	v53 =	vld [tilespmem:s18+$0xFFFFFFF0]  }
0x93: {  	v27 =	vperm.xlane v17, v4;
	v20 =	vmul.f32 v20, v24;
	v24 =	vld [tilespmem:s18+$0xFFFFFFE0]  }
0x94: {  	v38 =	vperm.xlane v18, v1;
	v23 =	vmul.f32 v23, v30;
	v30 =	vld [tilespmem:s18+$0xFFFFFF80]  }
0x95: {  	v31 =	vld [tilespmem:s18+$0xFFFFFFA0];
	v19 =	vmul.f32 v19, v25;
	v25 =	vperm.xlane v17, v7  }
0x96: {  	v26 =	vmul.f32 v26, v49;
	v21 =	vmul.f32 v21, v35  }
0x97: {  	v55 =	vld [tilespmem:s18+$0x40];
	v29 =	vmul.f32 v29, v36;
	v27 =	vmul.f32 v51, v27  }
0x98: {  	v28 =	vmul.f32 v53, v28;
	v24 =	vmul.f32 v24, v25;
	v25 =	vld [tilespmem:s18+$0x0]  }
0x99: {  	v56 =	vld [tilespmem:s18+$0x50];
	v20 =	vadd.f32 v29, v20;
	v29 =	vmul.f32 v30, v54;
	v30 =	vmul.f32 v52, v38  }
0x9a: {  	v57 =	vld [tilespmem:s18+$0x60];
	v22 =	vmul.f32 v22, v50;
	v31 =	vmul.f32 v31, v37;
	v27 =	vadd.f32 v28, v27  }
0x9b: {  	v20 =	vadd.f32 v26, v20;
	v26 =	vadd.f32 v29, v30;
	v29 =	vperm.xlane v17, v9  }
0x9c: {  	v28 =	vperm.xlane v17, v13;
	v24 =	vadd.f32 v24, v31;
	v30 =	vperm.xlane v17, v14  }
0x9d: {  	v17 =	vperm.xlane v17, v15;
	v21 =	vadd.f32 v21, v26;
	v25 =	vmul.f32 v25, v29  }
0x9e: {  	v23 =	vadd.f32 v23, v27;
	v22 =	vadd.f32 v22, v24;
	v24 =	vmul.f32 v56, v30  }
0x9f: {  	v26 =	vmul.f32 v55, v28;
	v17 =	vmul.f32 v57, v17;
	v21 =	vadd.f32 v25, v21  }
0xa0: {  	v19 =	vadd.f32 v19, v23;
	v20 =	vadd.f32 v24, v20  }
0xa1: {  	v17 =	vadd.f32 v17, v22;
	v21 =	vadd.f32 v26, v21;
	_ =	sdelay $0x1  }
0xa2: {  	s14 =	sshll.u32 s12, $0x1;
	v17 =	vadd.f32 v19, v17;
	v20 =	vadd.f32 v20, v21  }
0xa3: {  	s23 =	sadd.s32 s7, s14  }
0xa4: {  	s18 =	sshll.u32 s23, $0x9;
	v17 =	vadd.f32 v17, v20  }
0xa5: {  	[tilespmem:s13+$0x16410] =	vst v18;
	s18 =	sshra.s32 s18, $0x2  }
0xa6: {  	s19 =	sadd.s32 $0x1A00, s18;
	[tilespmem:s13+$0x16400] =	vst v17;
	s13 =	sadd.s32 $0x2, s14  }
0xa7: {  	[spmem:s2] =	stream.indirect.scatter.add.f32 [tilespmem:s26], [sflag:$0x5], $0x20, s19, s28, $0xb8;
	[tilespmem:$0x1C400] =	vst v63  }
0xa8: {  	s18 =	smov.u32 s16;
	p0 =	slt.s32 s13, s16  }
0xa9: {  	s18 =	smov.u32 @p0 s13  }
0xaa: {  	_ =	swait.ge [sflag:s24], $0x1000;
	s13 =	sadd.s32 s7, s18  }
0xab: {  	[sflag:s24] =	ssyncset.done $0x0;
	s13 =	sshll.u32 s13, $0x9  }
0xac: {  	s22 =	sadd.s32 s4, s18;
	[sflag:s24] =	ssyncadd.s32 $0xFFFFF000;
	s13 =	sshra.s32 s13, $0x2  }
0xad: {  	[tilespmem:s29], [sflag:$0x1] =	stream.indirect.gather [hbm4b:s5+s28], $0x110, s13, s28, $0xb8;
	[tilespmem:$0x1C400] =	vst v63  }
0xae: {  	s13 =	sshll.u32 s22, $0x9  }
0xaf: {  	s13 =	sand.u32 $0x1FFFFE00, s13  }
0xb0: {  	s23 =	simm.s32 $0x0;
	s13 =	sadd.s32 s6, s13  }
0xb1: {  	[tilespmem:s30], [sflag:$0x3] =	stream.linear.gather [hbm4b:s13+s23], $0x1000, $0x38;
	[tilespmem:$0x1C400] =	vst v63  }
0xb2: {  	_ =	swait.ge [sflag:s8], $0x8800  }
0xb3: {  	[sflag:s8] =	ssyncset.done $0x0  }
0xb4: {  	[sflag:s8] =	ssyncadd.s32 $0xFFFF7800  }
0xb5: {  	_ =	swait.ge [sflag:s9], $0x1000  }
0xb6: {  	[sflag:s9] =	ssyncset.done $0x0  }
0xb7: {  	s13 =	simm.s32 $0x15410;
	[sflag:s9] =	ssyncadd.s32 $0xFFFFF000  }
0xb8: {  	s19 =	simm.s32 $0x0;
	v20 =	vld [tilespmem:s13+$0xFFFFFFF0]  }
0xb9: {  	v19 =	vld [tilespmem:s19+$0xBCE0]  }
0xba: {  	v17 =	vld [tilespmem:s13+$0x0]  }
0xbb: {  	v39 =	vld [tilespmem:s19+$0xBCA0]  }
0xbc: {  	v18 =	vld [tilespmem:s19+$0xBCB0]  }
0xbd: {  	v29 =	vld [tilespmem:s19+$0xBC70];
	v40 =	vperm.xlane v20, v11  }
0xbe: {  	v30 =	vld [tilespmem:s19+$0xBC60];
	v27 =	vperm.xlane v20, v15;
	v25 =	vperm.xlane v20, v2  }
0xbf: {  	v31 =	vld [tilespmem:s19+$0xBC30];
	v26 =	vperm.xlane v20, v5;
	v22 =	vperm.xlane v20, v9  }
0xc0: {  	v58 =	vld [tilespmem:s19+$0xBC20];
	v28 =	vperm.xlane v20, v10;
	v23 =	vperm.xlane v20, v13  }
0xc1: {  	v60 =	vld [tilespmem:s19+$0xBC50];
	v24 =	vperm.xlane v20, v16;
	v59 =	vperm.xlane v20, v6  }
0xc2: {  	v62 =	vld [tilespmem:s19+$0xBD00];
	v61 =	vperm.xlane v20, v7;
	v63 =	vperm.xlane v20, v4  }
0xc3: {  	v21 =	vld [tilespmem:s19+$0xBC10];
	v41 =	vperm.xlane v20, v8;
	v42 =	vperm.xlane v17, v1  }
0xc4: {  	v35 =	vld [tilespmem:s19+$0xBC00];
	v43 =	vperm.xlane v20, v3;
	v38 =	vperm.xlane v20, v1  }
0xc5: {  	v34 =	vld [tilespmem:s19+$0xBC90];
	v44 =	vmul.f32 v31, v63;
	v41 =	vmul.f32 v29, v41  }
0xc6: {  	v31 =	vld [tilespmem:s19+$0xBC40];
	v43 =	vmul.f32 v58, v43;
	v45 =	vmul.f32 v30, v61  }
0xc7: {  	v33 =	vld [tilespmem:s19+$0xBC80];
	v32 =	vmul.f32 v60, v59;
	v36 =	vmul.f32 v62, v42  }
0xc8: {  	s18 =	simm.s32 $0x16410;
	s22 =	simm.s32 $0x16410;
	s23 =	simm.s32 $0x440;
	v29 =	vld [tilespmem:s19+$0xBCC0];
	v39 =	vmul.f32 v39, v40;
	v30 =	vadd.f32 v41, v44;
	v37 =	vadd.f32 v45, v43  }
.LBB2_7:
0xc9: {  	p0 =	sne.s32 s23, $0x21BC0;
	v35 =	vmul.f32 v35, v38;
	v38 =	vperm.xlane v20, v14;
	v40 =	vld [tilespmem:s19+$0xBCF0];
	s13 =	sadd.s32 $0x20, s13;
	s22 =	sadd.s32 $0x20, s22  }
0xca: {  	v20 =	vperm.xlane v20, v12;
	v19 =	vmul.f32 v19, v27;
	v37 =	vadd.f32 v39, v37;
	v39 =	vld [tilespmem:s19+$0xBCD0];
	s19 =	smov.u32 s23;
	s23 =	sadd.s32 $0x440, s23  }
0xcb: {  	v21 =	vmul.f32 v21, v25;
	v25 =	vmul.f32 v31, v26;
	v27 =	vadd.f32 v35, v36  }
0xcc: {  	v18 =	vmul.f32 v18, v20;
	v26 =	vmul.f32 v34, v28;
	v19 =	vadd.f32 v19, v37  }
0xcd: {  	v21 =	vadd.f32 v32, v21;
	v20 =	vadd.f32 v25, v27;
	v22 =	vmul.f32 v33, v22  }
0xce: {  	v23 =	vmul.f32 v29, v23;
	v18 =	vadd.f32 v18, v30;
	v24 =	vmul.f32 v40, v24  }
0xcf: {  	v21 =	vadd.f32 v26, v21;
	v20 =	vadd.f32 v22, v20;
	v22 =	vmul.f32 v39, v38  }
0xd0: {  	v18 =	vadd.f32 v24, v18  }
0xd1: {  	v20 =	vadd.f32 v23, v20;
	v21 =	vadd.f32 v22, v21;
	_ =	sdelay $0x1  }
0xd2: {  	v18 =	vadd.f32 v18, v19;
	v20 =	vadd.f32 v21, v20;
	_ =	sdelay $0x1  }
0xd3: {  	s19 =	sshra.s32 s19, $0x2;
	v18 =	vadd.f32 v18, v20  }
0xd4: {  	[tilespmem:s18+$0x0] =	vst v17  }
0xd5: {  	[tilespmem:s18+$0xFFFFFFF0] =	vst v18;
	s18 =	smov.u32 s22  }
0xd6: {  	v19 =	vld [tilespmem:s19+$0xBCE0]  }
0xd7: {  	v20 =	vld [tilespmem:s13+$0xFFFFFFF0]  }
0xd8: {  	v17 =	vld [tilespmem:s13+$0x0]  }
0xd9: {  	v39 =	vld [tilespmem:s19+$0xBCA0]  }
0xda: {  	v18 =	vld [tilespmem:s19+$0xBCB0]  }
0xdb: {  	v29 =	vld [tilespmem:s19+$0xBC70]  }
0xdc: {  	v21 =	vld [tilespmem:s19+$0xBC10];
	v40 =	vperm.xlane v20, v11;
	v27 =	vperm.xlane v20, v15  }
0xdd: {  	v25 =	vperm.xlane v20, v2;
	v26 =	vperm.xlane v20, v5;
	v30 =	vld [tilespmem:s19+$0xBC60]  }
0xde: {  	v22 =	vperm.xlane v20, v9;
	v28 =	vperm.xlane v20, v10;
	v31 =	vld [tilespmem:s19+$0xBC30]  }
0xdf: {  	v23 =	vperm.xlane v20, v13;
	v24 =	vperm.xlane v20, v16;
	v32 =	vld [tilespmem:s19+$0xBC20]  }
0xe0: {  	v33 =	vperm.xlane v20, v6;
	v36 =	vperm.xlane v20, v7;
	v34 =	vld [tilespmem:s19+$0xBC50]  }
0xe1: {  	v38 =	vperm.xlane v20, v4;
	v41 =	vperm.xlane v20, v8;
	v37 =	vld [tilespmem:s19+$0xBD00]  }
.Ltmp2:
0xe2: {  	v43 =	vperm.xlane v20, v3;
	v42 =	vperm.xlane v17, v1;
	v35 =	vld [tilespmem:s19+$0xBC00];
	(pc) =	sbr.rel @p0 .LBB2_7-.Ltmp2, $4  }
0xe3: {  	v41 =	vmul.f32 v29, v41;
	v44 =	vmul.f32 v31, v38;
	v31 =	vld [tilespmem:s19+$0xBC40]  }
0xe4: {  	v45 =	vmul.f32 v30, v36;
	v43 =	vmul.f32 v32, v43;
	v29 =	vld [tilespmem:s19+$0xBCC0]  }
0xe5: {  	v38 =	vperm.xlane v20, v1;
	v32 =	vmul.f32 v34, v33;
	v30 =	vadd.f32 v41, v44;
	v34 =	vld [tilespmem:s19+$0xBC90]  }
0xe6: {  	v39 =	vmul.f32 v39, v40;
	v36 =	vmul.f32 v37, v42;
	v37 =	vadd.f32 v45, v43;
	v33 =	vld [tilespmem:s19+$0xBC80]  }
0xe7: {  	v35 =	vmul.f32 v35, v38;
	v57 =	vperm.xlane v20, v14;
	v40 =	vld [tilespmem:s19+$0xBCF0]  }
0xe8: {  	v58 =	vperm.xlane v20, v12;
	v59 =	vld [tilespmem:s19+$0xBCD0];
	v21 =	vmul.f32 v21, v25  }
0xe9: {  	v19 =	vmul.f32 v19, v27;
	v60 =	vmul.f32 v31, v26;
	v35 =	vadd.f32 v35, v36  }
0xea: {  	v61 =	vadd.f32 v39, v37;
	v18 =	vmul.f32 v18, v58;
	v21 =	vadd.f32 v32, v21  }
0xeb: {  	v28 =	vmul.f32 v34, v28;
	v62 =	vadd.f32 v60, v35;
	v22 =	vmul.f32 v33, v22  }
0xec: {  	v23 =	vmul.f32 v29, v23;
	v18 =	vadd.f32 v18, v30;
	v24 =	vmul.f32 v40, v24  }
0xed: {  	v21 =	vadd.f32 v28, v21;
	v63 =	vmul.f32 v59, v57;
	v20 =	vadd.f32 v22, v62  }
0xee: {  	v19 =	vadd.f32 v19, v61;
	v18 =	vadd.f32 v24, v18  }
0xef: {  	v21 =	vadd.f32 v63, v21;
	v20 =	vadd.f32 v23, v20;
	_ =	sdelay $0x1  }
0xf0: {  	v18 =	vadd.f32 v18, v19;
	v20 =	vadd.f32 v21, v20  }
0xf1: {  	s13 =	sadd.s32 s14, s21  }
0xf2: {  	s13 =	sshll.u32 s13, $0x9;
	v18 =	vadd.f32 v18, v20  }
0xf3: {  	[tilespmem:s18+$0x0] =	vst v17;
	s13 =	sshra.s32 s13, $0x2  }
0xf4: {  	s13 =	sadd.s32 $0x1A00, s13;
	[tilespmem:s18+$0xFFFFFFF0] =	vst v18  }
0xf5: {  	[spmem:s2] =	stream.indirect.scatter.add.f32 [tilespmem:s26], [sflag:$0x5], $0x20, s13, s28, $0xb8;
	[tilespmem:$0x1C400] =	vst v63  }
0xf6: {  	s13 =	sadd.s32 $0x3, s14  }
0xf7: {  	s14 =	smov.u32 s16;
	p0 =	slt.s32 s13, s16  }
0xf8: {  	s14 =	smov.u32 @p0 s13  }
0xf9: {  	_ =	swait.ge [sflag:s24], $0x1000;
	s13 =	sadd.s32 s7, s14  }
0xfa: {  	s12 =	sadd.s32 $0x1, s12;
	[sflag:s24] =	ssyncset.done $0x0;
	s13 =	sshll.u32 s13, $0x9  }
0xfb: {  	p0 =	sne.s32 s12, s20;
	[sflag:s24] =	ssyncadd.s32 $0xFFFFF000;
	s13 =	sshra.s32 s13, $0x2  }
0xfc: {  	[tilespmem:s31], [sflag:$0x2] =	stream.indirect.gather [hbm4b:s5+s28], $0x110, s13, s28, $0xb8;
	[tilespmem:$0x1C400] =	vst v63  }
.Ltmp3:
0xfd: {  	s23 =	sadd.s32 s4, s14;
	(pc) =	sbr.rel @p0 .LBB2_4-.Ltmp3, $4  }
0xfe: {  	s13 =	sshll.u32 s23, $0x9  }
0xff: {  	s13 =	sand.u32 $0x1FFFFE00, s13  }
0x100: {  	s13 =	sadd.s32 s6, s13  }
0x101: {  	[tilespmem:s1], [sflag:$0x4] =	stream.linear.gather [hbm4b:s13+s3], $0x1000, $0x38;
	[tilespmem:$0x1C400] =	vst v63  }
0x102: {  	_ =	swait.ge [sflag:s25], $0x8800  }
0x103: {  	[sflag:s25] =	ssyncset.done $0x0  }
0x104: {  	[sflag:s25] =	ssyncadd.s32 $0xFFFF7800  }
0x105: {  	_ =	swait.ge [sflag:s0], $0x1000  }
0x106: {  	[sflag:s0] =	ssyncset.done $0x0  }
0x107: {  	[sflag:s0] =	ssyncadd.s32 $0xFFFFF000  }
0x108: {  	_ =	swait.ge [sflag:s8], $0x8800  }
0x109: {  	[sflag:s8] =	ssyncset.done $0x0  }
0x10a: {  	[sflag:s8] =	ssyncadd.s32 $0xFFFF7800  }
0x10b: {  	_ =	swait.ge [sflag:s9], $0x1000  }
0x10c: {  	[sflag:s9] =	ssyncset.done $0x0  }
0x10d: {  	s12 =	stileid.u32;
	[sflag:s9] =	ssyncadd.s32 $0xFFFFF000  }
0x10e: {  	s12 =	sshll.u32 s12, $0x6;
	[bflag:$0x0] =	sbarrier.arrive $0xFFFF  }
0x10f: {  	s13 =	sshrl.u32 s10, $0x3;
	s12 =	sor.u32 $0x1C05, s12;
	s14 =	rddreg [dreg:$0xb]  }
0x110: {  	[hbm:s14], [sflag:s12] =	dma.local [spmem:s13], $0xA00  }
0x111: {  	_ =	swait.ge [sflag:s24], $0xA00  }
0x112: {  	s11 =	sadd.s32 $0x1, s11;
	s23 =	rddreg [dreg:$0xc]  }
0x113: {  	p0 =	sne.s32 s11, s23  }
.Ltmp4:
0x114: {  	_ = 	snop;
	(pc) =	sbr.rel @p0 .LBB2_1-.Ltmp4, $3  }
0x115: {  	_ =	sdelay $0x1  }
0x116: {  	[sflag:s24] =	ssyncset.done $0x0  }
0x117: {  	[sflag:s24] =	ssyncadd.s32 $0xFFFFF600  }
0x118: {  	_ =	sfence.sel $0x180000  }
0x119: {  	[bflag:$0x0] =	sbarrier.arrive $0xFFFF  }
0x11a: {  	_ =	strace $0x9000004A  }
0x11b: {  	s0 =	stileid.u32;
	[bflag:$0x2] =	sbarrier.arrive $0xFFFF  }
0x11c: {  	p0 =	sne.s32 s0, $0x0;
	s0 =	rddreg [dreg:$0x2]  }
0x11d: {  	s0 =	sadd.s32 @!p0 $0x100000, s0  }
0x11e: {  	[sflag:s0] =	ssyncadd.tile.s32 @!p0 $0x1;
	_ =	shalt  }
.Lfunc_end2:
_tile_overlayer_lowered:
.L_overlay_start_2:
0x11f: {  	(tag) =	ssettag $0x2  }
0x120: {  	s0 =	rddreg [dreg:$0x0];
	s2 =	stileid.u32  }
0x121: {  	s1 =	rddreg [dreg:$0x1];
	p0 =	sne.s32 s2, $0x0  }
0x122: {  	s3 =	rddreg [dreg:$0x2];
	[bflag:$0x3] =	sbarrier.arrive $0xFFFF;
	s2 =	simm.s32 @!p0 $0x1C05  }
0x123: {  	[timem:s3], [sflag:s2] =	dma.local @!p0 [hbm:s0], s1  }
0x124: {  	s0 =	simm.s32 @!p0 $0x5  }
0x125: {  	_ =	swait.ge @!p0 [sflag:s0], s1  }
0x126: {  	s1 =	ssub.s32 @!p0 $0x0, s1;
	[sflag:s0] =	ssyncset.done @!p0 $0x0  }
0x127: {  	[sflag:s0] =	ssyncadd.s32 @!p0 s1  }
0x128: {  	[bflag:$0x3] =	sbarrier.arrive $0xFFFF  }
0x129: {  	_ =	shalt  }

// kernel: kernel.8.cloned.1.call-start
scs
__scs_entry_jumppad:
0x0: {  	(pc) =	sbr.rel $0x88, $3  }
0x1: {  	(tag) =	ssettag $0x0;
	lr =	simm.s32 $0x1  }
0x2: {  	[smem:$0x3F89] =	sst lr;
	_ =	strace $0xD0000000  }
0x3: {  	_ = 	snop  }
0x4: {  	_ = 	snop  }
0x5: {  	_ = 	snop  }
0x6: {  	_ = 	snop  }
0x7: {  	_ = 	snop  }
__scs_overlays_trampoline_lowered:
0x8: {  	[smem:$0x3F98] =	sst s0  }
0x9: {  	[smem:$0x3F99] =	sst s1  }
0xa: {  	[smem:$0x3F9A] =	sst s2  }
0xb: {  	[smem:$0x3F9B] =	sst s3  }
0xc: {  	[smem:$0x3F9C] =	sst s4  }
0xd: {  	[smem:$0x3F9D] =	sst s5  }
0xe: {  	[smem:$0x3F9E] =	sst s6  }
0xf: {  	[smem:$0x3F9F] =	sst s7  }
0x10: {  	[smem:$0x3FA0] =	sst s8  }
0x11: {  	[smem:$0x3FA1] =	sst s9;
	s0 =	simm.s32 @!p0 $0x0  }
0x12: {  	s1 =	sld [smem:$0x3F87];
	s0 =	simm.s32 @p0 $0x1  }
0x13: {  	[smem:$0x3FA2] =	sst s0;
	s0 =	simm.s32 @!p1 $0x0  }
0x14: {  	s2 =	sld [smem:$0x3F86];
	s0 =	simm.s32 @p1 $0x1  }
0x15: {  	[smem:$0x3FA3] =	sst s0;
	s0 =	simm.s32 @!p2 $0x0  }
0x16: {  	s3 =	sld [smem:$0x3FDB];
	s0 =	simm.s32 @p2 $0x1  }
0x17: {  	s4 =	simm.s32 $0x1BF5;
	[smem:$0x3FA5] =	sst s0  }
0x18: {  	s0 =	sld [smem:$0x3F88];
	_ =	swait.ge [sflag:s4], $0x0  }
0x19: {  	s7 =	sld [smem:$0x3F89]  }
0x1a: {  	s8 =	sadd.s32 $0xFFFFE003, lr  }
0x1b: {  	s9 =	sadd.s32 $0xFFFFFEF7, lr;
	s5 =	simm.s32 $0xFFFFFFFF;
	p2 =	slt.u32 s8, $0xFFFFF086  }
0x1c: {  	p1 =	slt.u32 s9, $0xF7A;
	s5 =	simm.s32 @!p2 $0x0  }
0x1d: {  	s5 =	simm.s32 @p1 $0x1;
	p0 =	seq.s32 s7, s2  }
0x1e: {  	s7 =	smul.u32 @!p0 $0xF7A, s2;
	p2 =	seq.s32 @!p0 s5, $0x0  }
0x1f: {  	s9 =	smul.u32 $0xF7A, s1;
	s8 =	simm.s32 @!p0 $0x1BF5;
	p2 =	por !p2, p0  }
0x20: {  	[sflag:s8] =	ssyncset.s32 @!p0 $0xFFFFF086;
	s6 =	sadd.s32 @!p0 s3, s7;
	s7 =	simm.s32 @!p0 $0x108  }
0x21: {  	s3 =	sadd.s32 s3, s9;
	s6 =	sadd.s32 @!p0 $0x88, s6;
	s7 =	simm.s32 @p2 $0x1082  }
0x22: {  	[simem:s7], [sflag:s8] =	dma.local @!p0 [hbm:s6], $0xF7A  }
0x23: {  	s9 =	sor.u32 $0xD0000000, s2;
	s6 =	simm.s32 $0x108;
	_ =	swait.ge @!p0 [sflag:s8], $0x0  }
0x24: {  	s3 =	sadd.s32 $0x88, s3;
	s6 =	simm.s32 @!p1 $0x1082;
	[sflag:s4] =	ssyncset.s32 $0xFFFFF086  }
0x25: {  	[simem:s6], [sflag:s4] =	dma.local [hbm:s3], $0xF7A  }
0x26: {  	[smem:$0x3F89] =	sst s1;
	(tag) =	ssettag s2;
	_ =	strace s9  }
0x27: {  	s1 =	sld [smem:$0x3F99]  }
0x28: {  	s2 =	sld [smem:$0x3F9A]  }
0x29: {  	s4 =	sld [smem:$0x3F9C]  }
0x2a: {  	p0 =	seq.s32 s5, $0x0;
	s5 =	sld [smem:$0x3F9D]  }
0x2b: {  	s6 =	sld [smem:$0x3F9E]  }
0x2c: {  	s7 =	sld [smem:$0x3F9F]  }
0x2d: {  	s3 =	simm.s32 $0x108;
	s8 =	sld [smem:$0x3FA0]  }
0x2e: {  	s3 =	simm.s32 @!p0 $0x1082;
	s9 =	sld [smem:$0x3FA1]  }
0x2f: {  	lr =	sadd.s32 s0, s3;
	s0 =	sld [smem:$0x3F98]  }
0x30: {  	s3 =	sld [smem:$0x3F9B]  }
0x31: {  	[smem:$0x3FA4] =	sst s10  }
0x32: {  	s10 =	sld [smem:$0x3FA2];
	_ =	sdelay $0x3  }
0x33: {  	p0 =	seq.s32 s10, $0x1;
	s10 =	sld [smem:$0x3FA4];
	_ =	sdelay $0x3  }
0x34: {  	[smem:$0x3FA4] =	sst s10  }
0x35: {  	s10 =	sld [smem:$0x3FA3];
	_ =	sdelay $0x3  }
0x36: {  	p1 =	seq.s32 s10, $0x1;
	s10 =	sld [smem:$0x3FA4];
	_ =	sdelay $0x3  }
0x37: {  	[smem:$0x3FA4] =	sst s10  }
0x38: {  	s10 =	sld [smem:$0x3FA5]  }
0x39: {  	_ = 	snop;
	(pc) =	sbr.ind lr, $3  }
0x3a: {  	_ = 	snop  }
0x3b: {  	_ = 	snop  }
0x3c: {  	p2 =	seq.s32 s10, $0x1;
	s10 =	sld [smem:$0x3FA4]  }
0x3d: {  	_ =	shalt  }
0x3e: {  	_ =	shalt  }
0x3f: {  	_ =	shalt  }
0x40: {  	_ =	shalt  }
0x41: {  	_ =	shalt  }
0x42: {  	_ =	shalt  }
0x43: {  	_ =	shalt  }
0x44: {  	_ =	shalt  }
0x45: {  	_ =	shalt  }
0x46: {  	_ =	shalt  }
0x47: {  	_ =	shalt  }
0x48: {  	_ =	shalt  }
0x49: {  	_ =	shalt  }
0x4a: {  	_ =	shalt  }
0x4b: {  	_ =	shalt  }
0x4c: {  	_ =	shalt  }
0x4d: {  	_ =	shalt  }
0x4e: {  	_ =	shalt  }
0x4f: {  	_ =	shalt  }
0x50: {  	_ =	shalt  }
0x51: {  	_ =	shalt  }
0x52: {  	_ =	shalt  }
0x53: {  	_ =	shalt  }
0x54: {  	_ =	shalt  }
0x55: {  	_ =	shalt  }
0x56: {  	_ =	shalt  }
0x57: {  	_ =	shalt  }
0x58: {  	_ =	shalt  }
0x59: {  	_ =	shalt  }
0x5a: {  	_ =	shalt  }
0x5b: {  	_ =	shalt  }
0x5c: {  	_ =	shalt  }
0x5d: {  	_ =	shalt  }
0x5e: {  	_ =	shalt  }
0x5f: {  	_ =	shalt  }
0x60: {  	_ =	shalt  }
0x61: {  	_ =	shalt  }
0x62: {  	_ =	shalt  }
0x63: {  	_ =	shalt  }
0x64: {  	_ =	shalt  }
0x65: {  	_ =	shalt  }
0x66: {  	_ =	shalt  }
0x67: {  	_ =	shalt  }
0x68: {  	_ =	shalt  }
0x69: {  	_ =	shalt  }
0x6a: {  	_ =	shalt  }
0x6b: {  	_ =	shalt  }
0x6c: {  	_ =	shalt  }
0x6d: {  	_ =	shalt  }
0x6e: {  	_ =	shalt  }
0x6f: {  	_ =	shalt  }
0x70: {  	_ =	shalt  }
0x71: {  	_ =	shalt  }
0x72: {  	_ =	shalt  }
0x73: {  	_ =	shalt  }
0x74: {  	_ =	shalt  }
0x75: {  	_ =	shalt  }
0x76: {  	_ =	shalt  }
0x77: {  	_ =	shalt  }
0x78: {  	_ =	shalt  }
0x79: {  	_ =	shalt  }
0x7a: {  	_ =	shalt  }
0x7b: {  	_ =	shalt  }
0x7c: {  	_ =	shalt  }
0x7d: {  	_ =	shalt  }
0x7e: {  	_ =	shalt  }
0x7f: {  	_ =	shalt  }
0x80: {  	_ =	shalt  }
0x81: {  	_ =	shalt  }
0x82: {  	_ =	shalt  }
0x83: {  	_ =	shalt  }
0x84: {  	_ =	shalt  }
0x85: {  	_ =	shalt  }
0x86: {  	_ =	shalt  }
0x87: {  	_ =	shalt  }
.Lfunc_end0:
.L_simem_size_0:
called_computation_lowered:
.L_overlay_start_0:
0x88: {  	s2 =	sld [smem:$0x3FD9]  }
0x89: {  	s3 =	sld [smem:$0x3FFE];
	_ =	sdelay $0x1  }
0x8a: {  	s1 =	srdreg.scid  }
0x8b: {  	s0 =	sand.u32 $0x1, s1  }
0x8c: {  	s16 =	sshll.u32 s0, $0xA;
	s2 =	sadd.s32 s3, s2  }
0x8d: {  	s2 =	sadd.s32 s2, s16  }
0x8e: {  	[smem:$0x3FB0] =	sst s2  }
0x8f: {  	_ = 	snop  }
0x90: {  	(tm) =	ssettm $0x1  }
0x91: {  	s17 =	sld [smem:$0x3FFB];
	_ =	sdelay $0x3  }
0x92: {  	_ =	strace s17  }
0x93: {  	s2 =	sld [smem:$0x3FFC];
	_ =	sdelay $0x3  }
0x94: {  	_ =	strace s2  }
0x95: {  	s2 =	sld [smem:$0x3FFD];
	_ =	sdelay $0x3  }
0x96: {  	_ =	strace s2  }
0x97: {  	_ =	strace $0x8FFFFFFF  }
0x98: {  	s18 =	sld [smem:$0x3FDB];
	_ =	sdelay $0x1  }
0x99: {  	s19 =	simm.s32 $_scs_section_size  }
0x9a: {  	s4 =	simm.s32 $_size__tile_overlayer_lowered;
	s5 =	simm.s32 $_tile_overlayer_lowered  }
0x9b: {  	s22 =	simm.s32 $0x1BFF;
	s21 =	sshll.u32 s5, $0x1;
	s2 =	sadd.s32 s19, s18  }
0x9c: {  	s6 =	simm.s32 $0x0;
	s20 =	sshll.u32 s4, $0x1;
	s4 =	sadd.s32 s21, s2  }
0x9d: {  	[timem:s6], [sflag:s22] =	dma.local [hbm:s4], s20  }
0x9e: {  	_ =	swait.ge [sflag:s22], s20  }
0x9f: {  	s3 =	ssub.s32 $0x0, s20;
	[sflag:s22] =	ssyncset.done $0x0  }
0xa0: {  	[sflag:s22] =	ssyncadd.s32 s3;
	_ =	sdelay $0x1  }
0xa1: {  	s23 =	simm.s32 $0x1B8B  }
0xa2: {  	_ =	swait.ge [sflag:s23], $0x1  }
0xa3: {  	[sflag:s23] =	ssyncset.done $0x0  }
0xa4: {  	s25 =	simm.s32 $0x1B8E;
	s24 =	sld [smem:$0x3FFE];
	[sflag:s23] =	ssyncadd.s32 $0xFFFFFFFF  }
0xa5: {  	s26 =	simm.s32 $execute0_lowered;
	[smem:$0x3FD2] =	sst s25  }
0xa6: {  	s4 =	sshll.u32 s26, $0x1;
	_ =	strace $0x80000046;
	[dreg:$0x1] =	wrdreg $0xFFFFFFFF  }
0xa7: {  	s28 =	simm.s32 $_size_execute0_lowered;
	s2 =	sadd.s32 s2, s4;
	[dreg:$0x0] =	wrdreg $0x0  }
0xa8: {  	s4 =	sshll.u32 s28, $0x1;
	[dreg:$0x2] =	wrdreg s2  }
0xa9: {  	[dreg:$0x3] =	wrdreg s4  }
0xaa: {  	[dreg:$0x4] =	wrdreg $0xC0  }
0xab: {  	_ =	task [dreg:s6], $0x5FFFF  }
0xac: {  	[dreg:$0x1] =	wrdreg $0xFFFFFFFF  }
0xad: {  	[dreg:$0x0] =	wrdreg $0x60  }
0xae: {  	[dreg:$0x2] =	wrdreg s24  }
0xaf: {  	[dreg:$0x3] =	wrdreg $0x174000  }
0xb0: {  	[dreg:$0x4] =	wrdreg $0x9  }
0xb1: {  	_ =	task.clear_ibuf [dreg:s6], $0x5FFFF;
	_ =	strace $0x90000046  }
0xb2: {  	s29 =	simm.s32 $0x9;
	_ =	strace $0x80000048  }
0xb3: {  	_ =	swait.ge [sflag:s29], $0x1  }
0xb4: {  	[sflag:s29] =	ssyncadd.s32 $0xFFFFFFFF  }
0xb5: {  	_ =	strace $0x90000048  }
0xb6: {  	_ =	sfence  }
0xb7: {  	s30 =	sld [smem:$0x0];
	_ =	sdelay $0x2  }
0xb8: {  	s31 =	sshll.u32 s1, $0xD;
	s1 =	sshrl.u32 s1, $0x2  }
0xb9: {  	s3 =	sand.u32 $0x4000, s31;
	s1 =	sadd.s32 s1, s30  }
0xba: {  	s0 =	sor.u32 s3, s0;
	s1 =	sshll.u32 s1, $0x11  }
0xbb: {  	s0 =	sor.u32 s1, s0  }
0xbc: {  	s0 =	sadd.s32 $0x8F2B, s0  }
0xbd: {  	[sflag:s0] =	ssyncadd.remote.s32 $0x1  }
0xbe: {  	_ =	sfence.sel $0xFFFF  }
0xbf: {  	[dreg:$0x0] =	wrdreg $0xFFFFFFFF;
	(pc) =	sbr.abs _section_cstart, $3  }
0xc0: {  	[dreg:$0x1] =	wrdreg $0xFFFFFFFF  }
0xc1: {  	_ =	task.clear_ibuf [dreg:s6], $0x2FFFF;
	_ =	strace $0x9FFFFFFF  }
0xc2: {  	(tm) =	ssettm $0x7FFFFFFF  }
0xc3: {  	_ =	shalt  }
tec
execute0_lowered:
.L_overlay_start_1:
0x0: {  	(tag) =	ssettag $0x1  }
0x1: {  	s0 =	srdreg.scid;
	s1 =	rddreg [dreg:$0x0]  }
0x2: {  	s12 =	stileid.u32;
	s8 =	simm.s32 $0x34;
	s2 =	rddreg [dreg:$0x1]  }
0x3: {  	s3 =	simm.s32 $0x0;
	s28 =	simm.s32 $0x80;
	s29 =	simm.s32 $0x3400  }
0x4: {  	s30 =	simm.s32 $0x14400;
	s0 =	sand.u32 $0x1, s0;
	s9 =	smul.u32 $0x5000, s12  }
0x5: {  	s31 =	simm.s32 $0xBC00;
	[smem:$0x7FF] =	sst s3;
	s4 =	smul.u32 $0x340, s0  }
0x6: {  	s6 =	sadd.s32 $0xD400, s1;
	p0 =	seq.s32 s0, $0x0;
	s10 =	smul.u32 $0x50000, s0  }
0x7: {  	_ =	strace $0x80000047;
	s0 =	ssub.s32 $0x2, s0;
	s8 =	simm.s32 @!p0 $0x1C  }
0x8: {  	s13 =	sshrl.u32 s0, $0x1;
	s5 =	smul.u32 s12, s8;
	s10 =	sadd.s32 s9, s10  }
0x9: {  	s12 =	smul.u32 $0x14000, s12;
	s0 =	ssub.s32 s0, s13;
	s10 =	sshrl.u32 s10, $0x3  }
0xa: {  	s0 =	smax.u32 s0, $0x1;
	s4 =	sadd.s32 s4, s5;
	s5 =	sadd.s32 $0xAD400, s1  }
0xb: {  	s15 =	sshrl.u32 s12, $0x2;
	[dreg:$0xc] =	wrdreg s0;
	s0 =	simm.s32 $0x3  }
0xc: {  	s7 =	smin.u32 s4, $0x4CC;
	s17 =	sadd.s32 s15, s2;
	s24 =	sshll.u32 s4, $0x9  }
0xd: {  	s11 =	sshll.u32 s7, $0x4;
	s7 =	ssub.s32 s4, s7;
	s19 =	sadd.s32 $0x1000, s17  }
0xe: {  	s20 =	sadd.s32 $0x2000, s17;
	s21 =	sadd.s32 $0x3000, s17;
	s23 =	sadd.s32 $0x4000, s17  }
0xf: {  	s17 =	sadd.s32 s6, s24;
	s24 =	simm.s32 $0x5;
	[dreg:$0x5] =	wrdreg s19  }
0x10: {  	s11 =	sadd.s32 s11, s1;
	s1 =	sadd.s32 s10, s1;
	[dreg:$0x6] =	wrdreg s20  }
0x11: {  	s10 =	sadd.s32 s9, s2;
	[dreg:$0x7] =	wrdreg s21;
	s22 =	sshll.u32 s7, $0x9  }
0x12: {  	[dreg:$0x8] =	wrdreg s23;
	s26 =	sadd.s32 $0x200, s17;
	s20 =	sshrl.u32 s8, $0x1  }
0x13: {  	v0 =	vimm.f32 $0.0e+00;
	v1 =	vimm.s32 $0x0;
	s21 =	sor.u32 $0x1, s7;
	s9 =	simm.s32 $0x4;
	s16 =	sadd.s32 $0x8400, s11  }
0x14: {  	v2 =	vimm.s32 $0x1;
	v3 =	vimm.s32 $0x2;
	v4 =	vimm.s32 $0x3;
	s18 =	sadd.s32 $0x3400, s11;
	s15 =	sshra.s32 s22, $0x2;
	[dreg:$0xa] =	wrdreg s26  }
0x15: {  	v5 =	vimm.s32 $0x4;
	v6 =	vimm.s32 $0x5;
	v7 =	vimm.s32 $0x6;
	s1 =	sadd.s32 $0x100600, s1;
	s26 =	simm.s32 $0x16400;
	[dreg:$0x3] =	wrdreg s16  }
0x16: {  	v8 =	vimm.s32 $0x7;
	v9 =	vimm.s32 $0x8;
	v10 =	vimm.s32 $0x9;
	s11 =	simm.s32 $0x0;
	[dreg:$0x4] =	wrdreg s18;
	s16 =	sadd.s32 $0xFFFFFFFF, s8  }
0x17: {  	v11 =	vimm.s32 $0xA;
	v12 =	vimm.s32 $0xB;
	v13 =	vimm.s32 $0xC;
	s25 =	sadd.s32 $0x80, s15;
	[dreg:$0xb] =	wrdreg s1;
	s1 =	simm.s32 $0x15400  }
0x18: {  	v14 =	vimm.s32 $0xD;
	v15 =	vimm.s32 $0xE;
	v16 =	vimm.s32 $0xF;
	s8 =	simm.s32 $0x2;
	[dreg:$0x9] =	wrdreg s25;
	s25 =	simm.s32 $0x1  }
.LBB2_1:
0x19: {  	s12 =	rddreg [dreg:$0x3]  }
0x1a: {  	[tilespmem:s3], [sflag:$0x5] =	stream.linear.gather [hbm4b:s12+s3], $0x1A00, $0x38;
	[tilespmem:$0x1C400] =	vst v63  }
0x1b: {  	_ =	swait.ge [sflag:s24], $0x1A00  }
0x1c: {  	[sflag:s24] =	ssyncset.done $0x0  }
0x1d: {  	s13 =	simm.s32 $0x1A00;
	s23 =	rddreg [dreg:$0x4];
	[sflag:s24] =	ssyncadd.s32 $0xFFFFE600  }
0x1e: {  	[tilespmem:s13], [sflag:$0x5] =	stream.linear.gather [hbm4b:s23+s3], $0x1A00, $0x38;
	[tilespmem:$0x1C400] =	vst v63  }
0x1f: {  	_ =	swait.ge [sflag:s24], $0x1A00  }
0x20: {  	[sflag:s24] =	ssyncset.done $0x0  }
0x21: {  	s12 =	simm.s32 $0x80;
	s13 =	simm.s32 $0x0;
	[sflag:s24] =	ssyncadd.s32 $0xFFFFE600  }
.LBB2_2:
0x22: {  	p0 =	sne.s32 s12, $0x3F80;
	[tilespmem:s13+$0x16400] =	vst v0;
	s14 =	smov.u32 s12;
	s12 =	sadd.s32 $0x80, s12  }
.Ltmp0:
0x23: {  	[tilespmem:s13+$0x16410] =	vst v0;
	(pc) =	sbr.rel @p0 .LBB2_2-.Ltmp0, $2  }
0x24: {  	_ =	sdelay $0x2  }
0x25: {  	s13 =	sshra.s32 s14, $0x2  }
0x26: {  	[tilespmem:s13+$0x16400] =	vst v0  }
0x27: {  	[tilespmem:s13+$0x16410] =	vst v0  }
0x28: {  	[spmem:s10] =	stream.linear.scatter [tilespmem:s26], [sflag:$0x5], $0x1000, $0x38;
	[tilespmem:$0x1C400] =	vst v63  }
0x29: {  	_ =	swait.ge [sflag:s24], $0x1000  }
0x2a: {  	[sflag:s24] =	ssyncset.done $0x0  }
0x2b: {  	s12 =	rddreg [dreg:$0x5];
	[sflag:s24] =	ssyncadd.s32 $0xFFFFF000  }
0x2c: {  	[spmem:s12] =	stream.linear.scatter [tilespmem:s26], [sflag:$0x5], $0x1000, $0x38;
	[tilespmem:$0x1C400] =	vst v63  }
0x2d: {  	_ =	swait.ge [sflag:s24], $0x1000  }
0x2e: {  	[sflag:s24] =	ssyncset.done $0x0  }
0x2f: {  	s14 =	rddreg [dreg:$0x6];
	[sflag:s24] =	ssyncadd.s32 $0xFFFFF000  }
0x30: {  	[spmem:s14] =	stream.linear.scatter [tilespmem:s26], [sflag:$0x5], $0x1000, $0x38;
	[tilespmem:$0x1C400] =	vst v63  }
0x31: {  	_ =	swait.ge [sflag:s24], $0x1000  }
0x32: {  	[sflag:s24] =	ssyncset.done $0x0  }
0x33: {  	s18 =	rddreg [dreg:$0x7];
	[sflag:s24] =	ssyncadd.s32 $0xFFFFF000  }
0x34: {  	[spmem:s18] =	stream.linear.scatter [tilespmem:s26], [sflag:$0x5], $0x1000, $0x38;
	[tilespmem:$0x1C400] =	vst v63  }
0x35: {  	_ =	swait.ge [sflag:s24], $0x1000  }
0x36: {  	[sflag:s24] =	ssyncset.done $0x0  }
0x37: {  	s19 =	rddreg [dreg:$0x8];
	[sflag:s24] =	ssyncadd.s32 $0xFFFFF000  }
0x38: {  	[spmem:s19] =	stream.linear.scatter [tilespmem:s26], [sflag:$0x5], $0x1000, $0x38;
	[tilespmem:$0x1C400] =	vst v63  }
0x39: {  	_ =	swait.ge [sflag:s24], $0x1000  }
0x3a: {  	[sflag:s24] =	ssyncset.done $0x0  }
0x3b: {  	[sflag:s24] =	ssyncadd.s32 $0xFFFFF000  }
0x3c: {  	[bflag:$0x0] =	sbarrier.arrive $0xFFFF  }
0x3d: {  	[tilespmem:s29], [sflag:$0x1] =	stream.indirect.gather [hbm4b:s5+s28], $0x110, s15, s28, $0xb8;
	[tilespmem:$0x1C400] =	vst v63  }
0x3e: {  	s12 =	simm.s32 $0x0  }
0x3f: {  	[tilespmem:s30], [sflag:$0x3] =	stream.linear.gather [hbm4b:s17+s12], $0x1000, $0x38;
	[tilespmem:$0x1C400] =	vst v63  }
0x40: {  	s22 =	rddreg [dreg:$0x9]  }
0x41: {  	[tilespmem:s31], [sflag:$0x2] =	stream.indirect.gather [hbm4b:s5+s28], $0x110, s22, s28, $0xb8;
	[tilespmem:$0x1C400] =	vst v63  }
0x42: {  	s23 =	rddreg [dreg:$0xa]  }
0x43: {  	[tilespmem:s1], [sflag:$0x4] =	stream.linear.gather [hbm4b:s23+s12], $0x1000, $0x38;
	[tilespmem:$0x1C400] =	vst v63  }
.LBB2_4:
0x44: {  	_ =	swait.ge [sflag:s25], $0x8800  }
0x45: {  	[sflag:s25] =	ssyncset.done $0x0  }
0x46: {  	[sflag:s25] =	ssyncadd.s32 $0xFFFF7800  }
0x47: {  	_ =	swait.ge [sflag:s0], $0x1000  }
0x48: {  	[sflag:s0] =	ssyncset.done $0x0  }
0x49: {  	s14 =	simm.s32 $0x0;
	[sflag:s0] =	ssyncadd.s32 $0xFFFFF000  }
0x4a: {  	s13 =	simm.s32 $0x20;
	v19 =	vld [tilespmem:s14+$0x14400]  }
0x4b: {  	v17 =	vld [tilespmem:s13+$0x14400]  }
0x4c: {  	s18 =	simm.s32 $0x3480;
	v18 =	vld [tilespmem:s14+$0x14410]  }
0x4d: {  	v20 =	vld [tilespmem:s18+$0x70]  }
0x4e: {  	v22 =	vld [tilespmem:s18+$0xFFFFFF90]  }
0x4f: {  	v23 =	vld [tilespmem:s18+$0xFFFFFFC0]  }
0x50: {  	v24 =	vld [tilespmem:s18+$0x20]  }
0x51: {  	v26 =	vld [tilespmem:s18+$0x30];
	v25 =	vperm.xlane v19, v2;
	v27 =	vperm.xlane v19, v16  }
0x52: {  	v28 =	vld [tilespmem:s18+$0x10];
	v29 =	vperm.xlane v19, v4;
	v21 =	vperm.xlane v19, v8  }
0x53: {  	v30 =	vld [tilespmem:s18+$0xFFFFFFD0];
	v33 =	vperm.xlane v19, v10;
	v34 =	vperm.xlane v19, v11  }
0x54: {  	v31 =	vld [tilespmem:s18+$0xFFFFFFE0];
	v36 =	vperm.xlane v19, v5;
	v39 =	vperm.xlane v19, v3  }
0x55: {  	v35 =	vld [tilespmem:s18+$0xFFFFFFB0];
	v25 =	vmul.f32 v22, v25;
	v22 =	vperm.xlane v19, v12  }
0x56: {  	v32 =	vld [tilespmem:s18+$0xFFFFFFA0];
	v61 =	vperm.xlane v19, v1;
	v63 =	vperm.xlane v18, v1  }
0x57: {  	v37 =	vld [tilespmem:s18+$0xFFFFFF80];
	v22 =	vmul.f32 v26, v22;
	v26 =	vperm.xlane v19, v6  }
0x58: {  	v60 =	vld [tilespmem:s18+$0x80];
	v20 =	vmul.f32 v20, v27;
	v27 =	vperm.xlane v19, v7  }
0x59: {  	v38 =	vmul.f32 v28, v33;
	v28 =	vld [tilespmem:s18+$0xFFFFFFF0];
	v30 =	vmul.f32 v30, v26  }
0x5a: {  	v27 =	vmul.f32 v31, v27;
	v31 =	vmul.f32 v35, v29;
	v29 =	vld [tilespmem:s18+$0x0]  }
0x5b: {  	v62 =	vmul.f32 v32, v39;
	v26 =	vmul.f32 v24, v34;
	v24 =	vld [tilespmem:s18+$0x40];
	v30 =	vadd.f32 v30, v25  }
0x5c: {  	v23 =	vmul.f32 v23, v36;
	v32 =	vmul.f32 v37, v61;
	v25 =	vld [tilespmem:s18+$0x60]  }
0x5d: {  	s19 =	simm.s32 $0x100;
	s22 =	simm.s32 $0x3590;
	v34 =	vmul.f32 v60, v63;
	v33 =	vadd.f32 v27, v62;
	v27 =	vadd.f32 v38, v30;
	v30 =	vld [tilespmem:s18+$0x50];
	s18 =	simm.s32 $0x3590  }
.LBB2_5:
0x5e: {  	p0 =	sne.s32 s19, $0x3F80  }
0x5f: {  	s22 =	sadd.s32 $0x110, s22;
	v21 =	vmul.f32 v28, v21;
	s23 =	smov.u32 s19;
	s19 =	sadd.s32 $0x80, s19  }
0x60: {  	v28 =	vadd.f32 v32, v34;
	v32 =	vperm.xlane v19, v9;
	v26 =	vadd.f32 v26, v33  }
0x61: {  	v33 =	vperm.xlane v19, v14;
	v21 =	vadd.f32 v21, v31;
	v31 =	vperm.xlane v19, v13  }
0x62: {  	v23 =	vadd.f32 v23, v28;
	v28 =	vmul.f32 v29, v32;
	v29 =	vperm.xlane v19, v15;
	v19 =	vmovc v17  }
0x63: {  	v17 =	vadd.f32 v22, v21;
	v21 =	vmul.f32 v24, v31;
	v22 =	vmul.f32 v30, v33  }
0x64: {  	v24 =	vperm.xlane v19, v2;
	v23 =	vadd.f32 v28, v23;
	v25 =	vmul.f32 v25, v29  }
0x65: {  	v22 =	vadd.f32 v22, v27;
	v17 =	vadd.f32 v20, v17  }
0x66: {  	v20 =	vadd.f32 v21, v23;
	v21 =	vadd.f32 v25, v26;
	_ =	sdelay $0x1  }
0x67: {  	s23 =	sshra.s32 s23, $0x2;
	v20 =	vadd.f32 v22, v20;
	v21 =	vadd.f32 v17, v21  }
0x68: {  	v17 =	vld [tilespmem:s23+$0x14400]  }
0x69: {  	v20 =	vadd.f32 v21, v20  }
0x6a: {  	[tilespmem:s14+$0x16410] =	vst v18  }
0x6b: {  	v18 =	vld [tilespmem:s13+$0x14410];
	[tilespmem:s14+$0x16400] =	vst v20;
	s14 =	smov.u32 s13;
	s13 =	smov.u32 s23  }
0x6c: {  	v20 =	vld [tilespmem:s18+$0x70]  }
0x6d: {  	v22 =	vld [tilespmem:s18+$0xFFFFFF90]  }
0x6e: {  	v23 =	vld [tilespmem:s18+$0xFFFFFFC0]  }
0x6f: {  	v25 =	vld [tilespmem:s18+$0x20]  }
0x70: {  	v27 =	vperm.xlane v19, v16;
	v26 =	vld [tilespmem:s18+$0x30]  }
0x71: {  	v29 =	vperm.xlane v19, v4;
	v21 =	vperm.xlane v19, v8;
	v28 =	vld [tilespmem:s18+$0x10]  }
0x72: {  	v20 =	vmul.f32 v20, v27;
	v30 =	vmul.f32 v22, v24;
	v24 =	vld [tilespmem:s18+$0xFFFFFFD0]  }
0x73: {  	v27 =	vperm.xlane v19, v7;
	v22 =	vperm.xlane v19, v12;
	v31 =	vld [tilespmem:s18+$0xFFFFFFE0]  }
0x74: {  	v33 =	vperm.xlane v19, v10;
	v34 =	vperm.xlane v19, v11;
	v32 =	vld [tilespmem:s18+$0xFFFFFFA0]  }
0x75: {  	v36 =	vperm.xlane v19, v5;
	v35 =	vld [tilespmem:s18+$0xFFFFFFB0];
	v22 =	vmul.f32 v26, v22  }
0x76: {  	v26 =	vperm.xlane v19, v6;
	v37 =	vld [tilespmem:s18+$0xFFFFFF80];
	v38 =	vmul.f32 v28, v33  }
0x77: {  	v39 =	vperm.xlane v19, v3;
	v23 =	vmul.f32 v23, v36;
	v33 =	vld [tilespmem:s18+$0x80]  }
.Ltmp1:
0x78: {  	v36 =	vmul.f32 v24, v26;
	v26 =	vmul.f32 v25, v34;
	v28 =	vld [tilespmem:s18+$0xFFFFFFF0];
	(pc) =	sbr.rel @p0 .LBB2_5-.Ltmp1, $4  }
0x79: {  	v34 =	vperm.xlane v19, v1;
	v39 =	vmul.f32 v32, v39;
	v24 =	vld [tilespmem:s18+$0x40]  }
0x7a: {  	v40 =	vperm.xlane v18, v1;
	v27 =	vmul.f32 v31, v27;
	v30 =	vadd.f32 v36, v30;
	v25 =	vld [tilespmem:s18+$0x60]  }
0x7b: {  	v31 =	vmul.f32 v35, v29;
	v32 =	vmul.f32 v37, v34;
	v29 =	vld [tilespmem:s18+$0x0]  }
0x7c: {  	v34 =	vmul.f32 v33, v40;
	v33 =	vadd.f32 v27, v39;
	v27 =	vadd.f32 v38, v30;
	v30 =	vld [tilespmem:s18+$0x50];
	s18 =	smov.u32 s22  }
0x7d: {  	v21 =	vmul.f32 v28, v21  }
0x7e: {  	v47 =	vperm.xlane v19, v9;
	v28 =	vadd.f32 v32, v34  }
0x7f: {  	v48 =	vperm.xlane v19, v14;
	v21 =	vadd.f32 v21, v31;
	v31 =	vperm.xlane v19, v13  }
0x80: {  	v19 =	vperm.xlane v19, v15;
	v23 =	vadd.f32 v23, v28;
	v28 =	vmul.f32 v29, v47  }
0x81: {  	v26 =	vadd.f32 v26, v33;
	v21 =	vadd.f32 v22, v21;
	v22 =	vmul.f32 v30, v48  }
0x82: {  	v24 =	vmul.f32 v24, v31;
	v19 =	vmul.f32 v25, v19;
	v23 =	vadd.f32 v28, v23  }
0x83: {  	v22 =	vadd.f32 v22, v27;
	v20 =	vadd.f32 v20, v21  }
0x84: {  	v19 =	vadd.f32 v19, v26;
	v21 =	vadd.f32 v24, v23;
	_ =	sdelay $0x1  }
0x85: {  	v19 =	vadd.f32 v20, v19;
	v21 =	vadd.f32 v22, v21;
	_ =	sdelay $0x1  }
0x86: {  	v19 =	vadd.f32 v19, v21  }
0x87: {  	[tilespmem:s14+$0x16410] =	vst v18  }
0x88: {  	v18 =	vld [tilespmem:s13+$0x14410];
	[tilespmem:s14+$0x16400] =	vst v19  }
0x89: {  	v19 =	vld [tilespmem:s18+$0x70]  }
0x8a: {  	v20 =	vld [tilespmem:s18+$0xFFFFFF90]  }
0x8b: {  	v21 =	vld [tilespmem:s18+$0xFFFFFFC0]  }
0x8c: {  	v22 =	vld [tilespmem:s18+$0x20]  }
0x8d: {  	v23 =	vld [tilespmem:s18+$0x30]  }
0x8e: {  	v49 =	vperm.xlane v17, v10;
	v50 =	vperm.xlane v17, v11;
	v26 =	vld [tilespmem:s18+$0x10]  }
0x8f: {  	v35 =	vperm.xlane v17, v5;
	v36 =	vperm.xlane v17, v6;
	v29 =	vld [tilespmem:s18+$0xFFFFFFD0]  }
0x90: {  	v37 =	vperm.xlane v17, v3;
	v54 =	vperm.xlane v17, v1;
	v51 =	vld [tilespmem:s18+$0xFFFFFFB0]  }
0x91: {  	v25 =	vperm.xlane v17, v16;
	v24 =	vperm.xlane v17, v2;
	v52 =	vld [tilespmem:s18+$0x80]  }
0x92: {  	v30 =	vperm.xlane v17, v12;
	v28 =	vperm.xlane v17, v8;
	v53 =	vld [tilespmem:s18+$0xFFFFFFF0]  }
0x93: {  	v27 =	vperm.xlane v17, v4;
	v20 =	vmul.f32 v20, v24;
	v24 =	vld [tilespmem:s18+$0xFFFFFFE0]  }
0x94: {  	v38 =	vperm.xlane v18, v1;
	v23 =	vmul.f32 v23, v30;
	v30 =	vld [tilespmem:s18+$0xFFFFFF80]  }
0x95: {  	v31 =	vld [tilespmem:s18+$0xFFFFFFA0];
	v19 =	vmul.f32 v19, v25;
	v25 =	vperm.xlane v17, v7  }
0x96: {  	v26 =	vmul.f32 v26, v49;
	v21 =	vmul.f32 v21, v35  }
0x97: {  	v55 =	vld [tilespmem:s18+$0x40];
	v29 =	vmul.f32 v29, v36;
	v27 =	vmul.f32 v51, v27  }
0x98: {  	v28 =	vmul.f32 v53, v28;
	v24 =	vmul.f32 v24, v25;
	v25 =	vld [tilespmem:s18+$0x0]  }
0x99: {  	v56 =	vld [tilespmem:s18+$0x50];
	v20 =	vadd.f32 v29, v20;
	v29 =	vmul.f32 v30, v54;
	v30 =	vmul.f32 v52, v38  }
0x9a: {  	v57 =	vld [tilespmem:s18+$0x60];
	v22 =	vmul.f32 v22, v50;
	v31 =	vmul.f32 v31, v37;
	v27 =	vadd.f32 v28, v27  }
0x9b: {  	v20 =	vadd.f32 v26, v20;
	v26 =	vadd.f32 v29, v30;
	v29 =	vperm.xlane v17, v9  }
0x9c: {  	v28 =	vperm.xlane v17, v13;
	v24 =	vadd.f32 v24, v31;
	v30 =	vperm.xlane v17, v14  }
0x9d: {  	v17 =	vperm.xlane v17, v15;
	v21 =	vadd.f32 v21, v26;
	v25 =	vmul.f32 v25, v29  }
0x9e: {  	v23 =	vadd.f32 v23, v27;
	v22 =	vadd.f32 v22, v24;
	v24 =	vmul.f32 v56, v30  }
0x9f: {  	v26 =	vmul.f32 v55, v28;
	v17 =	vmul.f32 v57, v17;
	v21 =	vadd.f32 v25, v21  }
0xa0: {  	v19 =	vadd.f32 v19, v23;
	v20 =	vadd.f32 v24, v20  }
0xa1: {  	v17 =	vadd.f32 v17, v22;
	v21 =	vadd.f32 v26, v21;
	_ =	sdelay $0x1  }
0xa2: {  	s14 =	sshll.u32 s12, $0x1;
	v17 =	vadd.f32 v19, v17;
	v20 =	vadd.f32 v20, v21  }
0xa3: {  	s23 =	sadd.s32 s7, s14  }
0xa4: {  	s18 =	sshll.u32 s23, $0x9;
	v17 =	vadd.f32 v17, v20  }
0xa5: {  	[tilespmem:s13+$0x16410] =	vst v18;
	s18 =	sshra.s32 s18, $0x2  }
0xa6: {  	s19 =	sadd.s32 $0x1A00, s18;
	[tilespmem:s13+$0x16400] =	vst v17;
	s13 =	sadd.s32 $0x2, s14  }
0xa7: {  	[spmem:s2] =	stream.indirect.scatter.add.f32 [tilespmem:s26], [sflag:$0x5], $0x20, s19, s28, $0xb8;
	[tilespmem:$0x1C400] =	vst v63  }
0xa8: {  	s18 =	smov.u32 s16;
	p0 =	slt.s32 s13, s16  }
0xa9: {  	s18 =	smov.u32 @p0 s13  }
0xaa: {  	_ =	swait.ge [sflag:s24], $0x1000;
	s13 =	sadd.s32 s7, s18  }
0xab: {  	[sflag:s24] =	ssyncset.done $0x0;
	s13 =	sshll.u32 s13, $0x9  }
0xac: {  	s22 =	sadd.s32 s4, s18;
	[sflag:s24] =	ssyncadd.s32 $0xFFFFF000;
	s13 =	sshra.s32 s13, $0x2  }
0xad: {  	[tilespmem:s29], [sflag:$0x1] =	stream.indirect.gather [hbm4b:s5+s28], $0x110, s13, s28, $0xb8;
	[tilespmem:$0x1C400] =	vst v63  }
0xae: {  	s13 =	sshll.u32 s22, $0x9  }
0xaf: {  	s13 =	sand.u32 $0x1FFFFE00, s13  }
0xb0: {  	s23 =	simm.s32 $0x0;
	s13 =	sadd.s32 s6, s13  }
0xb1: {  	[tilespmem:s30], [sflag:$0x3] =	stream.linear.gather [hbm4b:s13+s23], $0x1000, $0x38;
	[tilespmem:$0x1C400] =	vst v63  }
0xb2: {  	_ =	swait.ge [sflag:s8], $0x8800  }
0xb3: {  	[sflag:s8] =	ssyncset.done $0x0  }
0xb4: {  	[sflag:s8] =	ssyncadd.s32 $0xFFFF7800  }
0xb5: {  	_ =	swait.ge [sflag:s9], $0x1000  }
0xb6: {  	[sflag:s9] =	ssyncset.done $0x0  }
0xb7: {  	s13 =	simm.s32 $0x15410;
	[sflag:s9] =	ssyncadd.s32 $0xFFFFF000  }
0xb8: {  	s19 =	simm.s32 $0x0;
	v20 =	vld [tilespmem:s13+$0xFFFFFFF0]  }
0xb9: {  	v19 =	vld [tilespmem:s19+$0xBCE0]  }
0xba: {  	v17 =	vld [tilespmem:s13+$0x0]  }
0xbb: {  	v39 =	vld [tilespmem:s19+$0xBCA0]  }
0xbc: {  	v18 =	vld [tilespmem:s19+$0xBCB0]  }
0xbd: {  	v29 =	vld [tilespmem:s19+$0xBC70];
	v40 =	vperm.xlane v20, v11  }
0xbe: {  	v30 =	vld [tilespmem:s19+$0xBC60];
	v27 =	vperm.xlane v20, v15;
	v25 =	vperm.xlane v20, v2  }
0xbf: {  	v31 =	vld [tilespmem:s19+$0xBC30];
	v26 =	vperm.xlane v20, v5;
	v22 =	vperm.xlane v20, v9  }
0xc0: {  	v58 =	vld [tilespmem:s19+$0xBC20];
	v28 =	vperm.xlane v20, v10;
	v23 =	vperm.xlane v20, v13  }
0xc1: {  	v60 =	vld [tilespmem:s19+$0xBC50];
	v24 =	vperm.xlane v20, v16;
	v59 =	vperm.xlane v20, v6  }
0xc2: {  	v62 =	vld [tilespmem:s19+$0xBD00];
	v61 =	vperm.xlane v20, v7;
	v63 =	vperm.xlane v20, v4  }
0xc3: {  	v21 =	vld [tilespmem:s19+$0xBC10];
	v41 =	vperm.xlane v20, v8;
	v42 =	vperm.xlane v17, v1  }
0xc4: {  	v35 =	vld [tilespmem:s19+$0xBC00];
	v43 =	vperm.xlane v20, v3;
	v38 =	vperm.xlane v20, v1  }
0xc5: {  	v34 =	vld [tilespmem:s19+$0xBC90];
	v44 =	vmul.f32 v31, v63;
	v41 =	vmul.f32 v29, v41  }
0xc6: {  	v31 =	vld [tilespmem:s19+$0xBC40];
	v43 =	vmul.f32 v58, v43;
	v45 =	vmul.f32 v30, v61  }
0xc7: {  	v33 =	vld [tilespmem:s19+$0xBC80];
	v32 =	vmul.f32 v60, v59;
	v36 =	vmul.f32 v62, v42  }
0xc8: {  	s18 =	simm.s32 $0x16410;
	s22 =	simm.s32 $0x16410;
	s23 =	simm.s32 $0x440;
	v29 =	vld [tilespmem:s19+$0xBCC0];
	v39 =	vmul.f32 v39, v40;
	v30 =	vadd.f32 v41, v44;
	v37 =	vadd.f32 v45, v43  }
.LBB2_7:
0xc9: {  	p0 =	sne.s32 s23, $0x21BC0;
	v35 =	vmul.f32 v35, v38;
	v38 =	vperm.xlane v20, v14;
	v40 =	vld [tilespmem:s19+$0xBCF0];
	s13 =	sadd.s32 $0x20, s13;
	s22 =	sadd.s32 $0x20, s22  }
0xca: {  	v20 =	vperm.xlane v20, v12;
	v19 =	vmul.f32 v19, v27;
	v37 =	vadd.f32 v39, v37;
	v39 =	vld [tilespmem:s19+$0xBCD0];
	s19 =	smov.u32 s23;
	s23 =	sadd.s32 $0x440, s23  }
0xcb: {  	v21 =	vmul.f32 v21, v25;
	v25 =	vmul.f32 v31, v26;
	v27 =	vadd.f32 v35, v36  }
0xcc: {  	v18 =	vmul.f32 v18, v20;
	v26 =	vmul.f32 v34, v28;
	v19 =	vadd.f32 v19, v37  }
0xcd: {  	v21 =	vadd.f32 v32, v21;
	v20 =	vadd.f32 v25, v27;
	v22 =	vmul.f32 v33, v22  }
0xce: {  	v23 =	vmul.f32 v29, v23;
	v18 =	vadd.f32 v18, v30;
	v24 =	vmul.f32 v40, v24  }
0xcf: {  	v21 =	vadd.f32 v26, v21;
	v20 =	vadd.f32 v22, v20;
	v22 =	vmul.f32 v39, v38  }
0xd0: {  	v18 =	vadd.f32 v24, v18  }
0xd1: {  	v20 =	vadd.f32 v23, v20;
	v21 =	vadd.f32 v22, v21;
	_ =	sdelay $0x1  }
0xd2: {  	v18 =	vadd.f32 v18, v19;
	v20 =	vadd.f32 v21, v20;
	_ =	sdelay $0x1  }
0xd3: {  	s19 =	sshra.s32 s19, $0x2;
	v18 =	vadd.f32 v18, v20  }
0xd4: {  	[tilespmem:s18+$0x0] =	vst v17  }
0xd5: {  	[tilespmem:s18+$0xFFFFFFF0] =	vst v18;
	s18 =	smov.u32 s22  }
0xd6: {  	v19 =	vld [tilespmem:s19+$0xBCE0]  }
0xd7: {  	v20 =	vld [tilespmem:s13+$0xFFFFFFF0]  }
0xd8: {  	v17 =	vld [tilespmem:s13+$0x0]  }
0xd9: {  	v39 =	vld [tilespmem:s19+$0xBCA0]  }
0xda: {  	v18 =	vld [tilespmem:s19+$0xBCB0]  }
0xdb: {  	v29 =	vld [tilespmem:s19+$0xBC70]  }
0xdc: {  	v21 =	vld [tilespmem:s19+$0xBC10];
	v40 =	vperm.xlane v20, v11;
	v27 =	vperm.xlane v20, v15  }
0xdd: {  	v25 =	vperm.xlane v20, v2;
	v26 =	vperm.xlane v20, v5;
	v30 =	vld [tilespmem:s19+$0xBC60]  }
0xde: {  	v22 =	vperm.xlane v20, v9;
	v28 =	vperm.xlane v20, v10;
	v31 =	vld [tilespmem:s19+$0xBC30]  }
0xdf: {  	v23 =	vperm.xlane v20, v13;
	v24 =	vperm.xlane v20, v16;
	v32 =	vld [tilespmem:s19+$0xBC20]  }
0xe0: {  	v33 =	vperm.xlane v20, v6;
	v36 =	vperm.xlane v20, v7;
	v34 =	vld [tilespmem:s19+$0xBC50]  }
0xe1: {  	v38 =	vperm.xlane v20, v4;
	v41 =	vperm.xlane v20, v8;
	v37 =	vld [tilespmem:s19+$0xBD00]  }
.Ltmp2:
0xe2: {  	v43 =	vperm.xlane v20, v3;
	v42 =	vperm.xlane v17, v1;
	v35 =	vld [tilespmem:s19+$0xBC00];
	(pc) =	sbr.rel @p0 .LBB2_7-.Ltmp2, $4  }
0xe3: {  	v41 =	vmul.f32 v29, v41;
	v44 =	vmul.f32 v31, v38;
	v31 =	vld [tilespmem:s19+$0xBC40]  }
0xe4: {  	v45 =	vmul.f32 v30, v36;
	v43 =	vmul.f32 v32, v43;
	v29 =	vld [tilespmem:s19+$0xBCC0]  }
0xe5: {  	v38 =	vperm.xlane v20, v1;
	v32 =	vmul.f32 v34, v33;
	v30 =	vadd.f32 v41, v44;
	v34 =	vld [tilespmem:s19+$0xBC90]  }
0xe6: {  	v39 =	vmul.f32 v39, v40;
	v36 =	vmul.f32 v37, v42;
	v37 =	vadd.f32 v45, v43;
	v33 =	vld [tilespmem:s19+$0xBC80]  }
0xe7: {  	v35 =	vmul.f32 v35, v38;
	v57 =	vperm.xlane v20, v14;
	v40 =	vld [tilespmem:s19+$0xBCF0]  }
0xe8: {  	v58 =	vperm.xlane v20, v12;
	v59 =	vld [tilespmem:s19+$0xBCD0];
	v21 =	vmul.f32 v21, v25  }
0xe9: {  	v19 =	vmul.f32 v19, v27;
	v60 =	vmul.f32 v31, v26;
	v35 =	vadd.f32 v35, v36  }
0xea: {  	v61 =	vadd.f32 v39, v37;
	v18 =	vmul.f32 v18, v58;
	v21 =	vadd.f32 v32, v21  }
0xeb: {  	v28 =	vmul.f32 v34, v28;
	v62 =	vadd.f32 v60, v35;
	v22 =	vmul.f32 v33, v22  }
0xec: {  	v23 =	vmul.f32 v29, v23;
	v18 =	vadd.f32 v18, v30;
	v24 =	vmul.f32 v40, v24  }
0xed: {  	v21 =	vadd.f32 v28, v21;
	v63 =	vmul.f32 v59, v57;
	v20 =	vadd.f32 v22, v62  }
0xee: {  	v19 =	vadd.f32 v19, v61;
	v18 =	vadd.f32 v24, v18  }
0xef: {  	v21 =	vadd.f32 v63, v21;
	v20 =	vadd.f32 v23, v20;
	_ =	sdelay $0x1  }
0xf0: {  	v18 =	vadd.f32 v18, v19;
	v20 =	vadd.f32 v21, v20  }
0xf1: {  	s13 =	sadd.s32 s14, s21  }
0xf2: {  	s13 =	sshll.u32 s13, $0x9;
	v18 =	vadd.f32 v18, v20  }
0xf3: {  	[tilespmem:s18+$0x0] =	vst v17;
	s13 =	sshra.s32 s13, $0x2  }
0xf4: {  	s13 =	sadd.s32 $0x1A00, s13;
	[tilespmem:s18+$0xFFFFFFF0] =	vst v18  }
0xf5: {  	[spmem:s2] =	stream.indirect.scatter.add.f32 [tilespmem:s26], [sflag:$0x5], $0x20, s13, s28, $0xb8;
	[tilespmem:$0x1C400] =	vst v63  }
0xf6: {  	s13 =	sadd.s32 $0x3, s14  }
0xf7: {  	s14 =	smov.u32 s16;
	p0 =	slt.s32 s13, s16  }
0xf8: {  	s14 =	smov.u32 @p0 s13  }
0xf9: {  	_ =	swait.ge [sflag:s24], $0x1000;
	s13 =	sadd.s32 s7, s14  }
0xfa: {  	s12 =	sadd.s32 $0x1, s12;
	[sflag:s24] =	ssyncset.done $0x0;
	s13 =	sshll.u32 s13, $0x9  }
0xfb: {  	p0 =	sne.s32 s12, s20;
	[sflag:s24] =	ssyncadd.s32 $0xFFFFF000;
	s13 =	sshra.s32 s13, $0x2  }
0xfc: {  	[tilespmem:s31], [sflag:$0x2] =	stream.indirect.gather [hbm4b:s5+s28], $0x110, s13, s28, $0xb8;
	[tilespmem:$0x1C400] =	vst v63  }
.Ltmp3:
0xfd: {  	s23 =	sadd.s32 s4, s14;
	(pc) =	sbr.rel @p0 .LBB2_4-.Ltmp3, $4  }
0xfe: {  	s13 =	sshll.u32 s23, $0x9  }
0xff: {  	s13 =	sand.u32 $0x1FFFFE00, s13  }
0x100: {  	s13 =	sadd.s32 s6, s13  }
0x101: {  	[tilespmem:s1], [sflag:$0x4] =	stream.linear.gather [hbm4b:s13+s3], $0x1000, $0x38;
	[tilespmem:$0x1C400] =	vst v63  }
0x102: {  	_ =	swait.ge [sflag:s25], $0x8800  }
0x103: {  	[sflag:s25] =	ssyncset.done $0x0  }
0x104: {  	[sflag:s25] =	ssyncadd.s32 $0xFFFF7800  }
0x105: {  	_ =	swait.ge [sflag:s0], $0x1000  }
0x106: {  	[sflag:s0] =	ssyncset.done $0x0  }
0x107: {  	[sflag:s0] =	ssyncadd.s32 $0xFFFFF000  }
0x108: {  	_ =	swait.ge [sflag:s8], $0x8800  }
0x109: {  	[sflag:s8] =	ssyncset.done $0x0  }
0x10a: {  	[sflag:s8] =	ssyncadd.s32 $0xFFFF7800  }
0x10b: {  	_ =	swait.ge [sflag:s9], $0x1000  }
0x10c: {  	[sflag:s9] =	ssyncset.done $0x0  }
0x10d: {  	s12 =	stileid.u32;
	[sflag:s9] =	ssyncadd.s32 $0xFFFFF000  }
0x10e: {  	s12 =	sshll.u32 s12, $0x6;
	[bflag:$0x0] =	sbarrier.arrive $0xFFFF  }
0x10f: {  	s13 =	sshrl.u32 s10, $0x3;
	s12 =	sor.u32 $0x1C05, s12;
	s14 =	rddreg [dreg:$0xb]  }
0x110: {  	[hbm:s14], [sflag:s12] =	dma.local [spmem:s13], $0xA00  }
0x111: {  	_ =	swait.ge [sflag:s24], $0xA00  }
0x112: {  	s11 =	sadd.s32 $0x1, s11;
	s23 =	rddreg [dreg:$0xc]  }
0x113: {  	p0 =	sne.s32 s11, s23  }
.Ltmp4:
0x114: {  	_ = 	snop;
	(pc) =	sbr.rel @p0 .LBB2_1-.Ltmp4, $3  }
0x115: {  	_ =	sdelay $0x1  }
0x116: {  	[sflag:s24] =	ssyncset.done $0x0  }
0x117: {  	[sflag:s24] =	ssyncadd.s32 $0xFFFFF600  }
0x118: {  	_ =	sfence.sel $0x180000  }
0x119: {  	[bflag:$0x0] =	sbarrier.arrive $0xFFFF  }
0x11a: {  	_ =	strace $0x90000047  }
0x11b: {  	s0 =	stileid.u32;
	[bflag:$0x2] =	sbarrier.arrive $0xFFFF  }
0x11c: {  	p0 =	sne.s32 s0, $0x0;
	s0 =	rddreg [dreg:$0x2]  }
0x11d: {  	s0 =	sadd.s32 @!p0 $0x100000, s0  }
0x11e: {  	[sflag:s0] =	ssyncadd.tile.s32 @!p0 $0x1;
	_ =	shalt  }
.Lfunc_end2:
_tile_overlayer_lowered:
.L_overlay_start_2:
0x11f: {  	(tag) =	ssettag $0x2  }
0x120: {  	s0 =	rddreg [dreg:$0x0];
	s2 =	stileid.u32  }
0x121: {  	s1 =	rddreg [dreg:$0x1];
	p0 =	sne.s32 s2, $0x0  }
0x122: {  	s3 =	rddreg [dreg:$0x2];
	[bflag:$0x3] =	sbarrier.arrive $0xFFFF;
	s2 =	simm.s32 @!p0 $0x1C05  }
0x123: {  	[timem:s3], [sflag:s2] =	dma.local @!p0 [hbm:s0], s1  }
0x124: {  	s0 =	simm.s32 @!p0 $0x5  }
0x125: {  	_ =	swait.ge @!p0 [sflag:s0], s1  }
0x126: {  	s1 =	ssub.s32 @!p0 $0x0, s1;
	[sflag:s0] =	ssyncset.done @!p0 $0x0  }
0x127: {  	[sflag:s0] =	ssyncadd.s32 @!p0 s1  }
0x128: {  	[bflag:$0x3] =	sbarrier.arrive $0xFFFF  }
0x129: {  	_ =	shalt  }

</sc_bundles>
